<compile_context>
chip_gen: v7x
topology: tpu7x:2x2x1
jax: 0.10.2.dev20260603
libtpu: 0.0.44.dev20260713+nightly
codegen_flags: <defaults>
</compile_context>

<pallas_src>
import functools

import jax
import jax.numpy as jnp
from jax import lax
from jax.experimental import pallas as pl
from jax.experimental.pallas import tpu as pltpu
from jax.experimental.pallas import tpu_sc as plsc

_NC = 2
_NS = 16
_NW = _NC * _NS
_C = 32
_NBUF = 3
_LANES = 16


def _add_chunk(buf, ids_v, tbl_v, u, e):
    kmax = e // _LANES

    def _row(j):
        tb = ids_v[pl.ds(u * _C + j, _LANES)][0] * e

        def _lane(k):
            off = k * _LANES
            buf[j, pl.ds(off, _LANES)] = (
                buf[j, pl.ds(off, _LANES)] + tbl_v[pl.ds(tb + off, _LANES)])

        plsc.parallel_loop(0, kmax, unroll=16)(_lane)

    plsc.parallel_loop(0, _C)(_row)


def _sc_body(x_hbm, ids_hbm, tbl_hbm, out_hbm, ids_v, tbl_v, *bufs_and_sems):
    n_chunks = ids_hbm.shape[1] // _C
    e = x_hbm.shape[1]
    wid = lax.axis_index("s") * _NC + lax.axis_index("c")
    rpw = n_chunks * _C
    base = wid * rpw
    bufs = list(bufs_and_sems[:_NBUF])
    sins = list(bufs_and_sems[_NBUF:2 * _NBUF])
    souts = list(bufs_and_sems[2 * _NBUF:3 * _NBUF])
    s_tbl = bufs_and_sems[3 * _NBUF]
    s_ids = bufs_and_sems[3 * _NBUF + 1]

    tbl_cp = pltpu.async_copy(tbl_hbm, tbl_v, s_tbl)
    ids_cp = pltpu.async_copy(
        ids_hbm.at[wid], ids_v.at[pl.ds(0, ids_hbm.shape[1])], s_ids)

    lead = 2
    in_cp = [None] * n_chunks
    out_cp = [None] * n_chunks
    for t in range(n_chunks + lead):
        if t < n_chunks:
            bi = t % _NBUF
            if t >= _NBUF:
                out_cp[t - _NBUF].wait()
            in_cp[t] = pltpu.async_copy(
                x_hbm.at[pl.ds(base + t * _C, _C)], bufs[bi], sins[bi])
        if t == lead:
            tbl_cp.wait()
            ids_cp.wait()
        if t >= lead:
            u = t - lead
            bu = u % _NBUF
            in_cp[u].wait()
            _add_chunk(bufs[bu], ids_v, tbl_v, u, e)
            out_cp[u] = pltpu.async_copy(
                bufs[bu], out_hbm.at[pl.ds(base + u * _C, _C)], souts[bu])
    for u in range(max(0, n_chunks - _NBUF), n_chunks):
        out_cp[u].wait()


def kernel(input_tensor, token_type_ids, token_type_table):
    b, s, e = input_tensor.shape
    n = b * s
    rpw = n // _NW
    x = input_tensor.reshape(n, e)
    ids = token_type_ids.reshape(_NW, rpw).astype(jnp.int32)
    tbl = token_type_table.reshape(-1)

    mesh = plsc.VectorSubcoreMesh(core_axis_name="c", subcore_axis_name="s")
    sc_k = functools.partial(
        pl.kernel,
        out_type=jax.ShapeDtypeStruct((n, e), jnp.float32),
        mesh=mesh,
        scratch_types=[
            pltpu.VMEM((rpw + _LANES,), jnp.int32),
            pltpu.VMEM((token_type_table.size,), jnp.float32),
        ] + [pltpu.VMEM((_C, e), jnp.float32)] * _NBUF
          + [pltpu.SemaphoreType.DMA] * (2 * _NBUF + 2),
    )(_sc_body)
    out = sc_k(x, ids, tbl)
    return out.reshape(b, s, e)

# --- scband reference (transcript-rebuilt; emitter-appended) ---
"""Pipeline reference for scband-token-type-embedding-13606456394575 (READ-ONLY COPY).

The authoritative reference and input builder live on the scoring server;
editing this copy changes nothing except your own understanding.
"""

import jax, jax.numpy as jnp
import numpy as np

TOKEN_TYPE_VOCAB_SIZE = 16
EMBEDDING_SIZE = 1024

def setup_inputs(seed: int = 0) -> dict:
    key = jax.random.key(seed)
    k1, k2, k3 = jax.random.split(key, 3)
    input_tensor = jax.random.normal(k1, (4, 8192, 1024), dtype=jnp.float32)
    token_type_ids = jax.random.randint(k2, (4, 8192), 0, TOKEN_TYPE_VOCAB_SIZE, dtype=jnp.int64 if jax.config.jax_enable_x64 else jnp.int32)
    token_type_table = jax.random.normal(k3, (TOKEN_TYPE_VOCAB_SIZE, EMBEDDING_SIZE), dtype=jnp.float32) * 0.02
    return {"input_tensor": input_tensor, "token_type_ids": token_type_ids, "token_type_table": token_type_table}

def reference(input_tensor, token_type_ids, token_type_table):
    # Faithful translation of the TF module: flatten ids, one-hot, matmul with table,
    # reshape back to input shape, then residual add.
    b, s, e = input_tensor.shape
    flat_token_type_ids = jnp.reshape(token_type_ids, (-1,))
    one_hot_ids = jax.nn.one_hot(flat_token_type_ids, TOKEN_TYPE_VOCAB_SIZE, dtype=token_type_table.dtype)
    token_type_embedding = jnp.matmul(one_hot_ids, token_type_table)
    token_type_embedding = jnp.reshape(token_type_embedding, (b, s, e))
    return input_tensor + token_type_embedding

if __name__ == "__main__":
    import jax
    _d = setup_inputs()
    print(jax.jit(kernel)(*tuple(_d.values())))

</pallas_src>

<mosaic_0001>
#map = affine_map<(d0, d1) -> (0, 0)>
#map1 = affine_map<(d0, d1) -> (0)>
module attributes {stable_mosaic.version = 14 : i64} {
  func.func @_sc_body(%arg0: i32, %arg1: i32, %arg2: memref<32768x1024xf32, #tpu.memory_space<hbm>>, %arg3: memref<32x1024xi32, #tpu.memory_space<hbm>>, %arg4: memref<16384xf32, #tpu.memory_space<hbm>>, %arg5: memref<32768x1024xf32, #tpu.memory_space<hbm>>, %arg6: memref<1040xi32, #tpu.memory_space<vmem>>, %arg7: memref<16384xf32, #tpu.memory_space<vmem>>, %arg8: memref<32x1024xf32, #tpu.memory_space<vmem>>, %arg9: memref<32x1024xf32, #tpu.memory_space<vmem>>, %arg10: memref<32x1024xf32, #tpu.memory_space<vmem>>, %arg11: memref<!tpu.dma_semaphore, #tpu.memory_space<semaphore_mem>>, %arg12: memref<!tpu.dma_semaphore, #tpu.memory_space<semaphore_mem>>, %arg13: memref<!tpu.dma_semaphore, #tpu.memory_space<semaphore_mem>>, %arg14: memref<!tpu.dma_semaphore, #tpu.memory_space<semaphore_mem>>, %arg15: memref<!tpu.dma_semaphore, #tpu.memory_space<semaphore_mem>>, %arg16: memref<!tpu.dma_semaphore, #tpu.memory_space<semaphore_mem>>, %arg17: memref<!tpu.dma_semaphore, #tpu.memory_space<semaphore_mem>>, %arg18: memref<!tpu.dma_semaphore, #tpu.memory_space<semaphore_mem>>) attributes {dimension_semantics = [#tpu.dimension_semantics<core_parallel>, #tpu.dimension_semantics<subcore_parallel>], iteration_bounds = array<i64: 2, 16>, scalar_prefetch = 0 : i64, scratch_operands = 13 : i64, tpu.core_type = #tpu.core_type<sc_vector_subcore>, window_params = [{transform_indices = #map}, {transform_indices = #map}, {transform_indices = #map1}, {transform_indices = #map}]} {
    %mul3A = arith.constant 2 : i32
    %mul3A_0 = arith.muli %arg1, %mul3A : i32
    %add3A = arith.addi %mul3A_0, %arg0 : i32
    %mul3A_1 = arith.constant 1024 : i32
    %mul3A_2 = arith.muli %add3A, %mul3A_1 : i32
    tpu.enqueue_dma source(%arg4 : memref<16384xf32, #tpu.memory_space<hbm>>) target(%arg7 : memref<16384xf32, #tpu.memory_space<vmem>>) target_semaphore(%arg17 : memref<!tpu.dma_semaphore, #tpu.memory_space<semaphore_mem>>)
    %dma_start3A = arith.constant 0 : i32
    %dma_start3A_3 = tpu.memref_slice %arg6[%dma_start3A] : memref<1040xi32, #tpu.memory_space<vmem>> -> memref<1024xi32, #tpu.memory_space<vmem>>
    %dma_start3A_4 = arith.constant 0 : i32
    %dma_start3A_5 = tpu.memref_slice %arg3[%add3A, %dma_start3A_4] : memref<32x1024xi32, #tpu.memory_space<hbm>> -> memref<1x1024xi32, #tpu.memory_space<hbm>>
    %dma_start3A_6 = tpu.memref_squeeze %dma_start3A_5 : memref<1x1024xi32, #tpu.memory_space<hbm>> -> memref<1024xi32, #tpu.memory_space<hbm>>
    %dma_start3A_7 = arith.constant 0 : i32
    %dma_start3A_8 = tpu.memref_slice %arg6[%dma_start3A_7] : memref<1040xi32, #tpu.memory_space<vmem>> -> memref<1024xi32, #tpu.memory_space<vmem>>
    %dma_start3A_9 = arith.constant 0 : i32
    %dma_start3A_10 = tpu.memref_slice %arg3[%add3A, %dma_start3A_9] : memref<32x1024xi32, #tpu.memory_space<hbm>> -> memref<1x1024xi32, #tpu.memory_space<hbm>>
    %dma_start3A_11 = tpu.memref_squeeze %dma_start3A_10 : memref<1x1024xi32, #tpu.memory_space<hbm>> -> memref<1024xi32, #tpu.memory_space<hbm>>
    tpu.enqueue_dma source(%dma_start3A_11 : memref<1024xi32, #tpu.memory_space<hbm>>) target(%dma_start3A_8 : memref<1024xi32, #tpu.memory_space<vmem>>) target_semaphore(%arg18 : memref<!tpu.dma_semaphore, #tpu.memory_space<semaphore_mem>>)
    %add3A_12 = arith.constant 0 : i32
    %add3A_13 = arith.addi %mul3A_2, %add3A_12 : i32
    %dma_start3A_14 = arith.constant 0 : i32
    %dma_start3A_15 = tpu.memref_slice %arg2[%add3A_13, %dma_start3A_14] : memref<32768x1024xf32, #tpu.memory_space<hbm>> -> memref<32x1024xf32, #tpu.memory_space<hbm>>
    %dma_start3A_16 = arith.constant 0 : i32
    %dma_start3A_17 = tpu.memref_slice %arg2[%add3A_13, %dma_start3A_16] : memref<32768x1024xf32, #tpu.memory_space<hbm>> -> memref<32x1024xf32, #tpu.memory_space<hbm>>
    tpu.enqueue_dma source(%dma_start3A_17 : memref<32x1024xf32, #tpu.memory_space<hbm>>) target(%arg8 : memref<32x1024xf32, #tpu.memory_space<vmem>>) target_semaphore(%arg11 : memref<!tpu.dma_semaphore, #tpu.memory_space<semaphore_mem>>)
    %add3A_18 = arith.constant 32 : i32
    %add3A_19 = arith.addi %mul3A_2, %add3A_18 : i32
    %dma_start3A_20 = arith.constant 0 : i32
    %dma_start3A_21 = tpu.memref_slice %arg2[%add3A_19, %dma_start3A_20] : memref<32768x1024xf32, #tpu.memory_space<hbm>> -> memref<32x1024xf32, #tpu.memory_space<hbm>>
    %dma_start3A_22 = arith.constant 0 : i32
    %dma_start3A_23 = tpu.memref_slice %arg2[%add3A_19, %dma_start3A_22] : memref<32768x1024xf32, #tpu.memory_space<hbm>> -> memref<32x1024xf32, #tpu.memory_space<hbm>>
    tpu.enqueue_dma source(%dma_start3A_23 : memref<32x1024xf32, #tpu.memory_space<hbm>>) target(%arg9 : memref<32x1024xf32, #tpu.memory_space<vmem>>) target_semaphore(%arg12 : memref<!tpu.dma_semaphore, #tpu.memory_space<semaphore_mem>>)
    %add3A_24 = arith.constant 64 : i32
    %add3A_25 = arith.addi %mul3A_2, %add3A_24 : i32
    %dma_start3A_26 = arith.constant 0 : i32
    %dma_start3A_27 = tpu.memref_slice %arg2[%add3A_25, %dma_start3A_26] : memref<32768x1024xf32, #tpu.memory_space<hbm>> -> memref<32x1024xf32, #tpu.memory_space<hbm>>
    %dma_start3A_28 = arith.constant 0 : i32
    %dma_start3A_29 = tpu.memref_slice %arg2[%add3A_25, %dma_start3A_28] : memref<32768x1024xf32, #tpu.memory_space<hbm>> -> memref<32x1024xf32, #tpu.memory_space<hbm>>
    tpu.enqueue_dma source(%dma_start3A_29 : memref<32x1024xf32, #tpu.memory_space<hbm>>) target(%arg10 : memref<32x1024xf32, #tpu.memory_space<vmem>>) target_semaphore(%arg13 : memref<!tpu.dma_semaphore, #tpu.memory_space<semaphore_mem>>)
    tpu.wait_dma2 semaphore(%arg17 : memref<!tpu.dma_semaphore, #tpu.memory_space<semaphore_mem>>) src(%arg4 : memref<16384xf32, #tpu.memory_space<hbm>>) dst(%arg7 : memref<16384xf32, #tpu.memory_space<vmem>>)
    %dma_wait3A = arith.constant 0 : i32
    %dma_wait3A_30 = tpu.memref_slice %arg6[%dma_wait3A] : memref<1040xi32, #tpu.memory_space<vmem>> -> memref<1024xi32, #tpu.memory_space<vmem>>
    %dma_wait3A_31 = arith.constant 0 : i32
    %dma_wait3A_32 = tpu.memref_slice %arg3[%add3A, %dma_wait3A_31] : memref<32x1024xi32, #tpu.memory_space<hbm>> -> memref<1x1024xi32, #tpu.memory_space<hbm>>
    %dma_wait3A_33 = tpu.memref_squeeze %dma_wait3A_32 : memref<1x1024xi32, #tpu.memory_space<hbm>> -> memref<1024xi32, #tpu.memory_space<hbm>>
    %dma_wait3A_34 = arith.constant 0 : i32
    %dma_wait3A_35 = tpu.memref_slice %arg6[%dma_wait3A_34] : memref<1040xi32, #tpu.memory_space<vmem>> -> memref<1024xi32, #tpu.memory_space<vmem>>
    %dma_wait3A_36 = arith.constant 0 : i32
    %dma_wait3A_37 = tpu.memref_slice %arg3[%add3A, %dma_wait3A_36] : memref<32x1024xi32, #tpu.memory_space<hbm>> -> memref<1x1024xi32, #tpu.memory_space<hbm>>
    %dma_wait3A_38 = tpu.memref_squeeze %dma_wait3A_37 : memref<1x1024xi32, #tpu.memory_space<hbm>> -> memref<1024xi32, #tpu.memory_space<hbm>>
    tpu.wait_dma2 semaphore(%arg18 : memref<!tpu.dma_semaphore, #tpu.memory_space<semaphore_mem>>) src(%dma_wait3A_38 : memref<1024xi32, #tpu.memory_space<hbm>>) dst(%dma_wait3A_35 : memref<1024xi32, #tpu.memory_space<vmem>>)
    %dma_wait3A_39 = arith.constant 0 : i32
    %dma_wait3A_40 = tpu.memref_slice %arg2[%add3A_13, %dma_wait3A_39] : memref<32768x1024xf32, #tpu.memory_space<hbm>> -> memref<32x1024xf32, #tpu.memory_space<hbm>>
    %dma_wait3A_41 = arith.constant 0 : i32
    %dma_wait3A_42 = tpu.memref_slice %arg2[%add3A_13, %dma_wait3A_41] : memref<32768x1024xf32, #tpu.memory_space<hbm>> -> memref<32x1024xf32, #tpu.memory_space<hbm>>
    tpu.wait_dma2 semaphore(%arg11 : memref<!tpu.dma_semaphore, #tpu.memory_space<semaphore_mem>>) src(%dma_wait3A_42 : memref<32x1024xf32, #tpu.memory_space<hbm>>) dst(%arg8 : memref<32x1024xf32, #tpu.memory_space<vmem>>)
    %parallel_loop3A = arith.constant 0 : i32
    %parallel_loop3A_43 = arith.constant 32 : i32
    %parallel_loop3A_44 = arith.constant 1 : i32
    scf.for %parallel_loop3A_756 = %parallel_loop3A to %parallel_loop3A_43 step %parallel_loop3A_44  : i32 {
      %parallel_loop3A_757 = arith.constant 0 : i32
      %parallel_loop3A_758 = arith.addi %parallel_loop3A_757, %parallel_loop3A_756 : i32
      %parallel_loop3A_759 = arith.index_cast %parallel_loop3A_758 : i32 to index
      %parallel_loop3A_760 = tpu.vector_load %arg6[%parallel_loop3A_759] {strides = array<i32>} : memref<1040xi32, #tpu.memory_space<vmem>>, vector<16xi32>,
      %parallel_loop3A_761 = vector.shape_cast %parallel_loop3A_760 : vector<16xi32> to vector<16xi32>
      %parallel_loop3A_762 = vector.extract_strided_slice %parallel_loop3A_761 {offsets = [0], sizes = [1], strides = [1]} : vector<16xi32> to vector<1xi32>
      %parallel_loop3A_763 = vector.extract %parallel_loop3A_762[0] : i32 from vector<1xi32>
      %parallel_loop3A_764 = arith.constant 1024 : i32
      %parallel_loop3A_765 = arith.muli %parallel_loop3A_763, %parallel_loop3A_764 : i32
      %parallel_loop3A_766 = arith.constant 0 : i32
      %parallel_loop3A_767 = arith.constant 64 : i32
      %parallel_loop3A_768 = arith.constant 1 : i32
      scf.for %parallel_loop3A_769 = %parallel_loop3A_766 to %parallel_loop3A_767 step %parallel_loop3A_768  : i32 {
        %parallel_loop3A_770 = arith.constant 16 : i32
        %parallel_loop3A_771 = arith.muli %parallel_loop3A_769, %parallel_loop3A_770 : i32
        %parallel_loop3A_772 = arith.index_cast %parallel_loop3A_756 : i32 to index
        %parallel_loop3A_773 = arith.index_cast %parallel_loop3A_771 : i32 to index
        %parallel_loop3A_774 = tpu.vector_load %arg8[%parallel_loop3A_772, %parallel_loop3A_773] {strides = array<i32>} : memref<32x1024xf32, #tpu.memory_space<vmem>>, vector<1x16xf32>,
        %parallel_loop3A_775 = vector.shape_cast %parallel_loop3A_774 : vector<1x16xf32> to vector<16xf32>
        %parallel_loop3A_776 = arith.addi %parallel_loop3A_765, %parallel_loop3A_771 : i32
        %parallel_loop3A_777 = arith.index_cast %parallel_loop3A_776 : i32 to index
        %parallel_loop3A_778 = tpu.vector_load %arg7[%parallel_loop3A_777] {strides = array<i32>} : memref<16384xf32, #tpu.memory_space<vmem>>, vector<16xf32>,
        %parallel_loop3A_779 = vector.shape_cast %parallel_loop3A_778 : vector<16xf32> to vector<16xf32>
        %parallel_loop3A_780 = arith.addf %parallel_loop3A_775, %parallel_loop3A_779 : vector<16xf32>
        %parallel_loop3A_781 = arith.index_cast %parallel_loop3A_756 : i32 to index
        %parallel_loop3A_782 = arith.index_cast %parallel_loop3A_771 : i32 to index
        %parallel_loop3A_783 = tpu.vector_load %arg8[%parallel_loop3A_781, %parallel_loop3A_782] {strides = array<i32>} : memref<32x1024xf32, #tpu.memory_space<vmem>>, vector<1x16xf32>,
        %parallel_loop3A_784 = vector.shape_cast %parallel_loop3A_783 : vector<1x16xf32> to vector<16xf32>
        %parallel_loop3A_785 = vector.shape_cast %parallel_loop3A_780 : vector<16xf32> to vector<1x16xf32>
        tpu.vector_store %arg8[%parallel_loop3A_781, %parallel_loop3A_782], %parallel_loop3A_785 {strides = array<i32>} : memref<32x1024xf32, #tpu.memory_space<vmem>>, vector<1x16xf32>,
      } {sc.loop_unroll_factor = 16 : i64, sc.parallel_access}
    } {sc.loop_unroll_factor = 1 : i64, sc.parallel_access}
    %add3A_45 = arith.constant 0 : i32
    %add3A_46 = arith.addi %mul3A_2, %add3A_45 : i32
    %dma_start3A_47 = arith.constant 0 : i32
    %dma_start3A_48 = tpu.memref_slice %arg5[%add3A_46, %dma_start3A_47] : memref<32768x1024xf32, #tpu.memory_space<hbm>> -> memref<32x1024xf32, #tpu.memory_space<hbm>>
    %dma_start3A_49 = arith.constant 0 : i32
    %dma_start3A_50 = tpu.memref_slice %arg5[%add3A_46, %dma_start3A_49] : memref<32768x1024xf32, #tpu.memory_space<hbm>> -> memref<32x1024xf32, #tpu.memory_space<hbm>>
    tpu.enqueue_dma source(%arg8 : memref<32x1024xf32, #tpu.memory_space<vmem>>) target(%dma_start3A_50 : memref<32x1024xf32, #tpu.memory_space<hbm>>) target_semaphore(%arg14 : memref<!tpu.dma_semaphore, #tpu.memory_space<semaphore_mem>>)
    %dma_wait3A_51 = arith.constant 0 : i32
    %dma_wait3A_52 = tpu.memref_slice %arg5[%add3A_46, %dma_wait3A_51] : memref<32768x1024xf32, #tpu.memory_space<hbm>> -> memref<32x1024xf32, #tpu.memory_space<hbm>>
    %dma_wait3A_53 = arith.constant 0 : i32
    %dma_wait3A_54 = tpu.memref_slice %arg5[%add3A_46, %dma_wait3A_53] : memref<32768x1024xf32, #tpu.memory_space<hbm>> -> memref<32x1024xf32, #tpu.memory_space<hbm>>
    tpu.wait_dma2 semaphore(%arg14 : memref<!tpu.dma_semaphore, #tpu.memory_space<semaphore_mem>>) src(%arg8 : memref<32x1024xf32, #tpu.memory_space<vmem>>) dst(%dma_wait3A_54 : memref<32x1024xf32, #tpu.memory_space<hbm>>)
    %add3A_55 = arith.constant 96 : i32
    %add3A_56 = arith.addi %mul3A_2, %add3A_55 : i32
    %dma_start3A_57 = arith.constant 0 : i32
    %dma_start3A_58 = tpu.memref_slice %arg2[%add3A_56, %dma_start3A_57] : memref<32768x1024xf32, #tpu.memory_space<hbm>> -> memref<32x1024xf32, #tpu.memory_space<hbm>>
    %dma_start3A_59 = arith.constant 0 : i32
    %dma_start3A_60 = tpu.memref_slice %arg2[%add3A_56, %dma_start3A_59] : memref<32768x1024xf32, #tpu.memory_space<hbm>> -> memref<32x1024xf32, #tpu.memory_space<hbm>>
    tpu.enqueue_dma source(%dma_start3A_60 : memref<32x1024xf32, #tpu.memory_space<hbm>>) target(%arg8 : memref<32x1024xf32, #tpu.memory_space<vmem>>) target_semaphore(%arg11 : memref<!tpu.dma_semaphore, #tpu.memory_space<semaphore_mem>>)
    %dma_wait3A_61 = arith.constant 0 : i32
    %dma_wait3A_62 = tpu.memref_slice %arg2[%add3A_19, %dma_wait3A_61] : memref<32768x1024xf32, #tpu.memory_space<hbm>> -> memref<32x1024xf32, #tpu.memory_space<hbm>>
    %dma_wait3A_63 = arith.constant 0 : i32
    %dma_wait3A_64 = tpu.memref_slice %arg2[%add3A_19, %dma_wait3A_63] : memref<32768x1024xf32, #tpu.memory_space<hbm>> -> memref<32x1024xf32, #tpu.memory_space<hbm>>
    tpu.wait_dma2 semaphore(%arg12 : memref<!tpu.dma_semaphore, #tpu.memory_space<semaphore_mem>>) src(%dma_wait3A_64 : memref<32x1024xf32, #tpu.memory_space<hbm>>) dst(%arg9 : memref<32x1024xf32, #tpu.memory_space<vmem>>)
    %parallel_loop3A_65 = arith.constant 0 : i32
    %parallel_loop3A_66 = arith.constant 32 : i32
    %parallel_loop3A_67 = arith.constant 1 : i32
    scf.for %parallel_loop3A_756 = %parallel_loop3A_65 to %parallel_loop3A_66 step %parallel_loop3A_67  : i32 {
      %parallel_loop3A_757 = arith.constant 32 : i32
      %parallel_loop3A_758 = arith.addi %parallel_loop3A_757, %parallel_loop3A_756 : i32
      %parallel_loop3A_759 = arith.index_cast %parallel_loop3A_758 : i32 to index
      %parallel_loop3A_760 = tpu.vector_load %arg6[%parallel_loop3A_759] {strides = array<i32>} : memref<1040xi32, #tpu.memory_space<vmem>>, vector<16xi32>,
      %parallel_loop3A_761 = vector.shape_cast %parallel_loop3A_760 : vector<16xi32> to vector<16xi32>
      %parallel_loop3A_762 = vector.extract_strided_slice %parallel_loop3A_761 {offsets = [0], sizes = [1], strides = [1]} : vector<16xi32> to vector<1xi32>
      %parallel_loop3A_763 = vector.extract %parallel_loop3A_762[0] : i32 from vector<1xi32>
      %parallel_loop3A_764 = arith.constant 1024 : i32
      %parallel_loop3A_765 = arith.muli %parallel_loop3A_763, %parallel_loop3A_764 : i32
      %parallel_loop3A_766 = arith.constant 0 : i32
      %parallel_loop3A_767 = arith.constant 64 : i32
      %parallel_loop3A_768 = arith.constant 1 : i32
      scf.for %parallel_loop3A_769 = %parallel_loop3A_766 to %parallel_loop3A_767 step %parallel_loop3A_768  : i32 {
        %parallel_loop3A_770 = arith.constant 16 : i32
        %parallel_loop3A_771 = arith.muli %parallel_loop3A_769, %parallel_loop3A_770 : i32
        %parallel_loop3A_772 = arith.index_cast %parallel_loop3A_756 : i32 to index
        %parallel_loop3A_773 = arith.index_cast %parallel_loop3A_771 : i32 to index
        %parallel_loop3A_774 = tpu.vector_load %arg9[%parallel_loop3A_772, %parallel_loop3A_773] {strides = array<i32>} : memref<32x1024xf32, #tpu.memory_space<vmem>>, vector<1x16xf32>,
        %parallel_loop3A_775 = vector.shape_cast %parallel_loop3A_774 : vector<1x16xf32> to vector<16xf32>
        %parallel_loop3A_776 = arith.addi %parallel_loop3A_765, %parallel_loop3A_771 : i32
        %parallel_loop3A_777 = arith.index_cast %parallel_loop3A_776 : i32 to index
        %parallel_loop3A_778 = tpu.vector_load %arg7[%parallel_loop3A_777] {strides = array<i32>} : memref<16384xf32, #tpu.memory_space<vmem>>, vector<16xf32>,
        %parallel_loop3A_779 = vector.shape_cast %parallel_loop3A_778 : vector<16xf32> to vector<16xf32>
        %parallel_loop3A_780 = arith.addf %parallel_loop3A_775, %parallel_loop3A_779 : vector<16xf32>
        %parallel_loop3A_781 = arith.index_cast %parallel_loop3A_756 : i32 to index
        %parallel_loop3A_782 = arith.index_cast %parallel_loop3A_771 : i32 to index
        %parallel_loop3A_783 = tpu.vector_load %arg9[%parallel_loop3A_781, %parallel_loop3A_782] {strides = array<i32>} : memref<32x1024xf32, #tpu.memory_space<vmem>>, vector<1x16xf32>,
        %parallel_loop3A_784 = vector.shape_cast %parallel_loop3A_783 : vector<1x16xf32> to vector<16xf32>
        %parallel_loop3A_785 = vector.shape_cast %parallel_loop3A_780 : vector<16xf32> to vector<1x16xf32>
        tpu.vector_store %arg9[%parallel_loop3A_781, %parallel_loop3A_782], %parallel_loop3A_785 {strides = array<i32>} : memref<32x1024xf32, #tpu.memory_space<vmem>>, vector<1x16xf32>,
      } {sc.loop_unroll_factor = 16 : i64, sc.parallel_access}
    } {sc.loop_unroll_factor = 1 : i64, sc.parallel_access}
    %add3A_68 = arith.constant 32 : i32
    %add3A_69 = arith.addi %mul3A_2, %add3A_68 : i32
    %dma_start3A_70 = arith.constant 0 : i32
    %dma_start3A_71 = tpu.memref_slice %arg5[%add3A_69, %dma_start3A_70] : memref<32768x1024xf32, #tpu.memory_space<hbm>> -> memref<32x1024xf32, #tpu.memory_space<hbm>>
    %dma_start3A_72 = arith.constant 0 : i32
    %dma_start3A_73 = tpu.memref_slice %arg5[%add3A_69, %dma_start3A_72] : memref<32768x1024xf32, #tpu.memory_space<hbm>> -> memref<32x1024xf32, #tpu.memory_space<hbm>>
    tpu.enqueue_dma source(%arg9 : memref<32x1024xf32, #tpu.memory_space<vmem>>) target(%dma_start3A_73 : memref<32x1024xf32, #tpu.memory_space<hbm>>) target_semaphore(%arg15 : memref<!tpu.dma_semaphore, #tpu.memory_space<semaphore_mem>>)
    %dma_wait3A_74 = arith.constant 0 : i32
    %dma_wait3A_75 = tpu.memref_slice %arg5[%add3A_69, %dma_wait3A_74] : memref<32768x1024xf32, #tpu.memory_space<hbm>> -> memref<32x1024xf32, #tpu.memory_space<hbm>>
    %dma_wait3A_76 = arith.constant 0 : i32
    %dma_wait3A_77 = tpu.memref_slice %arg5[%add3A_69, %dma_wait3A_76] : memref<32768x1024xf32, #tpu.memory_space<hbm>> -> memref<32x1024xf32, #tpu.memory_space<hbm>>
    tpu.wait_dma2 semaphore(%arg15 : memref<!tpu.dma_semaphore, #tpu.memory_space<semaphore_mem>>) src(%arg9 : memref<32x1024xf32, #tpu.memory_space<vmem>>) dst(%dma_wait3A_77 : memref<32x1024xf32, #tpu.memory_space<hbm>>)
    %add3A_78 = arith.constant 128 : i32
    %add3A_79 = arith.addi %mul3A_2, %add3A_78 : i32
    %dma_start3A_80 = arith.constant 0 : i32
    %dma_start3A_81 = tpu.memref_slice %arg2[%add3A_79, %dma_start3A_80] : memref<32768x1024xf32, #tpu.memory_space<hbm>> -> memref<32x1024xf32, #tpu.memory_space<hbm>>
    %dma_start3A_82 = arith.constant 0 : i32
    %dma_start3A_83 = tpu.memref_slice %arg2[%add3A_79, %dma_start3A_82] : memref<32768x1024xf32, #tpu.memory_space<hbm>> -> memref<32x1024xf32, #tpu.memory_space<hbm>>
    tpu.enqueue_dma source(%dma_start3A_83 : memref<32x1024xf32, #tpu.memory_space<hbm>>) target(%arg9 : memref<32x1024xf32, #tpu.memory_space<vmem>>) target_semaphore(%arg12 : memref<!tpu.dma_semaphore, #tpu.memory_space<semaphore_mem>>)
    %dma_wait3A_84 = arith.constant 0 : i32
    %dma_wait3A_85 = tpu.memref_slice %arg2[%add3A_25, %dma_wait3A_84] : memref<32768x1024xf32, #tpu.memory_space<hbm>> -> memref<32x1024xf32, #tpu.memory_space<hbm>>
    %dma_wait3A_86 = arith.constant 0 : i32
    %dma_wait3A_87 = tpu.memref_slice %arg2[%add3A_25, %dma_wait3A_86] : memref<32768x1024xf32, #tpu.memory_space<hbm>> -> memref<32x1024xf32, #tpu.memory_space<hbm>>
    tpu.wait_dma2 semaphore(%arg13 : memref<!tpu.dma_semaphore, #tpu.memory_space<semaphore_mem>>) src(%dma_wait3A_87 : memref<32x1024xf32, #tpu.memory_space<hbm>>) dst(%arg10 : memref<32x1024xf32, #tpu.memory_space<vmem>>)
    %parallel_loop3A_88 = arith.constant 0 : i32
    %parallel_loop3A_89 = arith.constant 32 : i32
    %parallel_loop3A_90 = arith.constant 1 : i32
    scf.for %parallel_loop3A_756 = %parallel_loop3A_88 to %parallel_loop3A_89 step %parallel_loop3A_90  : i32 {
      %parallel_loop3A_757 = arith.constant 64 : i32
      %parallel_loop3A_758 = arith.addi %parallel_loop3A_757, %parallel_loop3A_756 : i32
      %parallel_loop3A_759 = arith.index_cast %parallel_loop3A_758 : i32 to index
      %parallel_loop3A_760 = tpu.vector_load %arg6[%parallel_loop3A_759] {strides = array<i32>} : memref<1040xi32, #tpu.memory_space<vmem>>, vector<16xi32>,
      %parallel_loop3A_761 = vector.shape_cast %parallel_loop3A_760 : vector<16xi32> to vector<16xi32>
      %parallel_loop3A_762 = vector.extract_strided_slice %parallel_loop3A_761 {offsets = [0], sizes = [1], strides = [1]} : vector<16xi32> to vector<1xi32>
      %parallel_loop3A_763 = vector.extract %parallel_loop3A_762[0] : i32 from vector<1xi32>
      %parallel_loop3A_764 = arith.constant 1024 : i32
      %parallel_loop3A_765 = arith.muli %parallel_loop3A_763, %parallel_loop3A_764 : i32
      %parallel_loop3A_766 = arith.constant 0 : i32
      %parallel_loop3A_767 = arith.constant 64 : i32
      %parallel_loop3A_768 = arith.constant 1 : i32
      scf.for %parallel_loop3A_769 = %parallel_loop3A_766 to %parallel_loop3A_767 step %parallel_loop3A_768  : i32 {
        %parallel_loop3A_770 = arith.constant 16 : i32
        %parallel_loop3A_771 = arith.muli %parallel_loop3A_769, %parallel_loop3A_770 : i32
        %parallel_loop3A_772 = arith.index_cast %parallel_loop3A_756 : i32 to index
        %parallel_loop3A_773 = arith.index_cast %parallel_loop3A_771 : i32 to index
        %parallel_loop3A_774 = tpu.vector_load %arg10[%parallel_loop3A_772, %parallel_loop3A_773] {strides = array<i32>} : memref<32x1024xf32, #tpu.memory_space<vmem>>, vector<1x16xf32>,
        %parallel_loop3A_775 = vector.shape_cast %parallel_loop3A_774 : vector<1x16xf32> to vector<16xf32>
        %parallel_loop3A_776 = arith.addi %parallel_loop3A_765, %parallel_loop3A_771 : i32
        %parallel_loop3A_777 = arith.index_cast %parallel_loop3A_776 : i32 to index
        %parallel_loop3A_778 = tpu.vector_load %arg7[%parallel_loop3A_777] {strides = array<i32>} : memref<16384xf32, #tpu.memory_space<vmem>>, vector<16xf32>,
        %parallel_loop3A_779 = vector.shape_cast %parallel_loop3A_778 : vector<16xf32> to vector<16xf32>
        %parallel_loop3A_780 = arith.addf %parallel_loop3A_775, %parallel_loop3A_779 : vector<16xf32>
        %parallel_loop3A_781 = arith.index_cast %parallel_loop3A_756 : i32 to index
        %parallel_loop3A_782 = arith.index_cast %parallel_loop3A_771 : i32 to index
        %parallel_loop3A_783 = tpu.vector_load %arg10[%parallel_loop3A_781, %parallel_loop3A_782] {strides = array<i32>} : memref<32x1024xf32, #tpu.memory_space<vmem>>, vector<1x16xf32>,
        %parallel_loop3A_784 = vector.shape_cast %parallel_loop3A_783 : vector<1x16xf32> to vector<16xf32>
        %parallel_loop3A_785 = vector.shape_cast %parallel_loop3A_780 : vector<16xf32> to vector<1x16xf32>
        tpu.vector_store %arg10[%parallel_loop3A_781, %parallel_loop3A_782], %parallel_loop3A_785 {strides = array<i32>} : memref<32x1024xf32, #tpu.memory_space<vmem>>, vector<1x16xf32>,
      } {sc.loop_unroll_factor = 16 : i64, sc.parallel_access}
    } {sc.loop_unroll_factor = 1 : i64, sc.parallel_access}
    %add3A_91 = arith.constant 64 : i32
    %add3A_92 = arith.addi %mul3A_2, %add3A_91 : i32
    %dma_start3A_93 = arith.constant 0 : i32
    %dma_start3A_94 = tpu.memref_slice %arg5[%add3A_92, %dma_start3A_93] : memref<32768x1024xf32, #tpu.memory_space<hbm>> -> memref<32x1024xf32, #tpu.memory_space<hbm>>
    %dma_start3A_95 = arith.constant 0 : i32
    %dma_start3A_96 = tpu.memref_slice %arg5[%add3A_92, %dma_start3A_95] : memref<32768x1024xf32, #tpu.memory_space<hbm>> -> memref<32x1024xf32, #tpu.memory_space<hbm>>
    tpu.enqueue_dma source(%arg10 : memref<32x1024xf32, #tpu.memory_space<vmem>>) target(%dma_start3A_96 : memref<32x1024xf32, #tpu.memory_space<hbm>>) target_semaphore(%arg16 : memref<!tpu.dma_semaphore, #tpu.memory_space<semaphore_mem>>)
    %dma_wait3A_97 = arith.constant 0 : i32
    %dma_wait3A_98 = tpu.memref_slice %arg5[%add3A_92, %dma_wait3A_97] : memref<32768x1024xf32, #tpu.memory_space<hbm>> -> memref<32x1024xf32, #tpu.memory_space<hbm>>
    %dma_wait3A_99 = arith.constant 0 : i32
    %dma_wait3A_100 = tpu.memref_slice %arg5[%add3A_92, %dma_wait3A_99] : memref<32768x1024xf32, #tpu.memory_space<hbm>> -> memref<32x1024xf32, #tpu.memory_space<hbm>>
    tpu.wait_dma2 semaphore(%arg16 : memref<!tpu.dma_semaphore, #tpu.memory_space<semaphore_mem>>) src(%arg10 : memref<32x1024xf32, #tpu.memory_space<vmem>>) dst(%dma_wait3A_100 : memref<32x1024xf32, #tpu.memory_space<hbm>>)
    %add3A_101 = arith.constant 160 : i32
    %add3A_102 = arith.addi %mul3A_2, %add3A_101 : i32
    %dma_start3A_103 = arith.constant 0 : i32
    %dma_start3A_104 = tpu.memref_slice %arg2[%add3A_102, %dma_start3A_103] : memref<32768x1024xf32, #tpu.memory_space<hbm>> -> memref<32x1024xf32, #tpu.memory_space<hbm>>
    %dma_start3A_105 = arith.constant 0 : i32
    %dma_start3A_106 = tpu.memref_slice %arg2[%add3A_102, %dma_start3A_105] : memref<32768x1024xf32, #tpu.memory_space<hbm>> -> memref<32x1024xf32, #tpu.memory_space<hbm>>
    tpu.enqueue_dma source(%dma_start3A_106 : memref<32x1024xf32, #tpu.memory_space<hbm>>) target(%arg10 : memref<32x1024xf32, #tpu.memory_space<vmem>>) target_semaphore(%arg13 : memref<!tpu.dma_semaphore, #tpu.memory_space<semaphore_mem>>)
    %dma_wait3A_107 = arith.constant 0 : i32
    %dma_wait3A_108 = tpu.memref_slice %arg2[%add3A_56, %dma_wait3A_107] : memref<32768x1024xf32, #tpu.memory_space<hbm>> -> memref<32x1024xf32, #tpu.memory_space<hbm>>
    %dma_wait3A_109 = arith.constant 0 : i32
    %dma_wait3A_110 = tpu.memref_slice %arg2[%add3A_56, %dma_wait3A_109] : memref<32768x1024xf32, #tpu.memory_space<hbm>> -> memref<32x1024xf32, #tpu.memory_space<hbm>>
    tpu.wait_dma2 semaphore(%arg11 : memref<!tpu.dma_semaphore, #tpu.memory_space<semaphore_mem>>) src(%dma_wait3A_110 : memref<32x1024xf32, #tpu.memory_space<hbm>>) dst(%arg8 : memref<32x1024xf32, #tpu.memory_space<vmem>>)
    %parallel_loop3A_111 = arith.constant 0 : i32
    %parallel_loop3A_112 = arith.constant 32 : i32
    %parallel_loop3A_113 = arith.constant 1 : i32
    scf.for %parallel_loop3A_756 = %parallel_loop3A_111 to %parallel_loop3A_112 step %parallel_loop3A_113  : i32 {
      %parallel_loop3A_757 = arith.constant 96 : i32
      %parallel_loop3A_758 = arith.addi %parallel_loop3A_757, %parallel_loop3A_756 : i32
      %parallel_loop3A_759 = arith.index_cast %parallel_loop3A_758 : i32 to index
      %parallel_loop3A_760 = tpu.vector_load %arg6[%parallel_loop3A_759] {strides = array<i32>} : memref<1040xi32, #tpu.memory_space<vmem>>, vector<16xi32>,
      %parallel_loop3A_761 = vector.shape_cast %parallel_loop3A_760 : vector<16xi32> to vector<16xi32>
      %parallel_loop3A_762 = vector.extract_strided_slice %parallel_loop3A_761 {offsets = [0], sizes = [1], strides = [1]} : vector<16xi32> to vector<1xi32>
      %parallel_loop3A_763 = vector.extract %parallel_loop3A_762[0] : i32 from vector<1xi32>
      %parallel_loop3A_764 = arith.constant 1024 : i32
      %parallel_loop3A_765 = arith.muli %parallel_loop3A_763, %parallel_loop3A_764 : i32
      %parallel_loop3A_766 = arith.constant 0 : i32
      %parallel_loop3A_767 = arith.constant 64 : i32
      %parallel_loop3A_768 = arith.constant 1 : i32
      scf.for %parallel_loop3A_769 = %parallel_loop3A_766 to %parallel_loop3A_767 step %parallel_loop3A_768  : i32 {
        %parallel_loop3A_770 = arith.constant 16 : i32
        %parallel_loop3A_771 = arith.muli %parallel_loop3A_769, %parallel_loop3A_770 : i32
        %parallel_loop3A_772 = arith.index_cast %parallel_loop3A_756 : i32 to index
        %parallel_loop3A_773 = arith.index_cast %parallel_loop3A_771 : i32 to index
        %parallel_loop3A_774 = tpu.vector_load %arg8[%parallel_loop3A_772, %parallel_loop3A_773] {strides = array<i32>} : memref<32x1024xf32, #tpu.memory_space<vmem>>, vector<1x16xf32>,
        %parallel_loop3A_775 = vector.shape_cast %parallel_loop3A_774 : vector<1x16xf32> to vector<16xf32>
        %parallel_loop3A_776 = arith.addi %parallel_loop3A_765, %parallel_loop3A_771 : i32
        %parallel_loop3A_777 = arith.index_cast %parallel_loop3A_776 : i32 to index
        %parallel_loop3A_778 = tpu.vector_load %arg7[%parallel_loop3A_777] {strides = array<i32>} : memref<16384xf32, #tpu.memory_space<vmem>>, vector<16xf32>,
        %parallel_loop3A_779 = vector.shape_cast %parallel_loop3A_778 : vector<16xf32> to vector<16xf32>
        %parallel_loop3A_780 = arith.addf %parallel_loop3A_775, %parallel_loop3A_779 : vector<16xf32>
        %parallel_loop3A_781 = arith.index_cast %parallel_loop3A_756 : i32 to index
        %parallel_loop3A_782 = arith.index_cast %parallel_loop3A_771 : i32 to index
        %parallel_loop3A_783 = tpu.vector_load %arg8[%parallel_loop3A_781, %parallel_loop3A_782] {strides = array<i32>} : memref<32x1024xf32, #tpu.memory_space<vmem>>, vector<1x16xf32>,
        %parallel_loop3A_784 = vector.shape_cast %parallel_loop3A_783 : vector<1x16xf32> to vector<16xf32>
        %parallel_loop3A_785 = vector.shape_cast %parallel_loop3A_780 : vector<16xf32> to vector<1x16xf32>
        tpu.vector_store %arg8[%parallel_loop3A_781, %parallel_loop3A_782], %parallel_loop3A_785 {strides = array<i32>} : memref<32x1024xf32, #tpu.memory_space<vmem>>, vector<1x16xf32>,
      } {sc.loop_unroll_factor = 16 : i64, sc.parallel_access}
    } {sc.loop_unroll_factor = 1 : i64, sc.parallel_access}
    %add3A_114 = arith.constant 96 : i32
    %add3A_115 = arith.addi %mul3A_2, %add3A_114 : i32
    %dma_start3A_116 = arith.constant 0 : i32
    %dma_start3A_117 = tpu.memref_slice %arg5[%add3A_115, %dma_start3A_116] : memref<32768x1024xf32, #tpu.memory_space<hbm>> -> memref<32x1024xf32, #tpu.memory_space<hbm>>
    %dma_start3A_118 = arith.constant 0 : i32
    %dma_start3A_119 = tpu.memref_slice %arg5[%add3A_115, %dma_start3A_118] : memref<32768x1024xf32, #tpu.memory_space<hbm>> -> memref<32x1024xf32, #tpu.memory_space<hbm>>
    tpu.enqueue_dma source(%arg8 : memref<32x1024xf32, #tpu.memory_space<vmem>>) target(%dma_start3A_119 : memref<32x1024xf32, #tpu.memory_space<hbm>>) target_semaphore(%arg14 : memref<!tpu.dma_semaphore, #tpu.memory_space<semaphore_mem>>)
    %dma_wait3A_120 = arith.constant 0 : i32
    %dma_wait3A_121 = tpu.memref_slice %arg5[%add3A_115, %dma_wait3A_120] : memref<32768x1024xf32, #tpu.memory_space<hbm>> -> memref<32x1024xf32, #tpu.memory_space<hbm>>
    %dma_wait3A_122 = arith.constant 0 : i32
    %dma_wait3A_123 = tpu.memref_slice %arg5[%add3A_115, %dma_wait3A_122] : memref<32768x1024xf32, #tpu.memory_space<hbm>> -> memref<32x1024xf32, #tpu.memory_space<hbm>>
    tpu.wait_dma2 semaphore(%arg14 : memref<!tpu.dma_semaphore, #tpu.memory_space<semaphore_mem>>) src(%arg8 : memref<32x1024xf32, #tpu.memory_space<vmem>>) dst(%dma_wait3A_123 : memref<32x1024xf32, #tpu.memory_space<hbm>>)
    %add3A_124 = arith.constant 192 : i32
    %add3A_125 = arith.addi %mul3A_2, %add3A_124 : i32
    %dma_start3A_126 = arith.constant 0 : i32
    %dma_start3A_127 = tpu.memref_slice %arg2[%add3A_125, %dma_start3A_126] : memref<32768x1024xf32, #tpu.memory_space<hbm>> -> memref<32x1024xf32, #tpu.memory_space<hbm>>
    %dma_start3A_128 = arith.constant 0 : i32
    %dma_start3A_129 = tpu.memref_slice %arg2[%add3A_125, %dma_start3A_128] : memref<32768x1024xf32, #tpu.memory_space<hbm>> -> memref<32x1024xf32, #tpu.memory_space<hbm>>
    tpu.enqueue_dma source(%dma_start3A_129 : memref<32x1024xf32, #tpu.memory_space<hbm>>) target(%arg8 : memref<32x1024xf32, #tpu.memory_space<vmem>>) target_semaphore(%arg11 : memref<!tpu.dma_semaphore, #tpu.memory_space<semaphore_mem>>)
    %dma_wait3A_130 = arith.constant 0 : i32
    %dma_wait3A_131 = tpu.memref_slice %arg2[%add3A_79, %dma_wait3A_130] : memref<32768x1024xf32, #tpu.memory_space<hbm>> -> memref<32x1024xf32, #tpu.memory_space<hbm>>
    %dma_wait3A_132 = arith.constant 0 : i32
    %dma_wait3A_133 = tpu.memref_slice %arg2[%add3A_79, %dma_wait3A_132] : memref<32768x1024xf32, #tpu.memory_space<hbm>> -> memref<32x1024xf32, #tpu.memory_space<hbm>>
    tpu.wait_dma2 semaphore(%arg12 : memref<!tpu.dma_semaphore, #tpu.memory_space<semaphore_mem>>) src(%dma_wait3A_133 : memref<32x1024xf32, #tpu.memory_space<hbm>>) dst(%arg9 : memref<32x1024xf32, #tpu.memory_space<vmem>>)
    %parallel_loop3A_134 = arith.constant 0 : i32
    %parallel_loop3A_135 = arith.constant 32 : i32
    %parallel_loop3A_136 = arith.constant 1 : i32
    scf.for %parallel_loop3A_756 = %parallel_loop3A_134 to %parallel_loop3A_135 step %parallel_loop3A_136  : i32 {
      %parallel_loop3A_757 = arith.constant 128 : i32
      %parallel_loop3A_758 = arith.addi %parallel_loop3A_757, %parallel_loop3A_756 : i32
      %parallel_loop3A_759 = arith.index_cast %parallel_loop3A_758 : i32 to index
      %parallel_loop3A_760 = tpu.vector_load %arg6[%parallel_loop3A_759] {strides = array<i32>} : memref<1040xi32, #tpu.memory_space<vmem>>, vector<16xi32>,
      %parallel_loop3A_761 = vector.shape_cast %parallel_loop3A_760 : vector<16xi32> to vector<16xi32>
      %parallel_loop3A_762 = vector.extract_strided_slice %parallel_loop3A_761 {offsets = [0], sizes = [1], strides = [1]} : vector<16xi32> to vector<1xi32>
      %parallel_loop3A_763 = vector.extract %parallel_loop3A_762[0] : i32 from vector<1xi32>
      %parallel_loop3A_764 = arith.constant 1024 : i32
      %parallel_loop3A_765 = arith.muli %parallel_loop3A_763, %parallel_loop3A_764 : i32
      %parallel_loop3A_766 = arith.constant 0 : i32
      %parallel_loop3A_767 = arith.constant 64 : i32
      %parallel_loop3A_768 = arith.constant 1 : i32
      scf.for %parallel_loop3A_769 = %parallel_loop3A_766 to %parallel_loop3A_767 step %parallel_loop3A_768  : i32 {
        %parallel_loop3A_770 = arith.constant 16 : i32
        %parallel_loop3A_771 = arith.muli %parallel_loop3A_769, %parallel_loop3A_770 : i32
        %parallel_loop3A_772 = arith.index_cast %parallel_loop3A_756 : i32 to index
        %parallel_loop3A_773 = arith.index_cast %parallel_loop3A_771 : i32 to index
        %parallel_loop3A_774 = tpu.vector_load %arg9[%parallel_loop3A_772, %parallel_loop3A_773] {strides = array<i32>} : memref<32x1024xf32, #tpu.memory_space<vmem>>, vector<1x16xf32>,
        %parallel_loop3A_775 = vector.shape_cast %parallel_loop3A_774 : vector<1x16xf32> to vector<16xf32>
        %parallel_loop3A_776 = arith.addi %parallel_loop3A_765, %parallel_loop3A_771 : i32
        %parallel_loop3A_777 = arith.index_cast %parallel_loop3A_776 : i32 to index
        %parallel_loop3A_778 = tpu.vector_load %arg7[%parallel_loop3A_777] {strides = array<i32>} : memref<16384xf32, #tpu.memory_space<vmem>>, vector<16xf32>,
        %parallel_loop3A_779 = vector.shape_cast %parallel_loop3A_778 : vector<16xf32> to vector<16xf32>
        %parallel_loop3A_780 = arith.addf %parallel_loop3A_775, %parallel_loop3A_779 : vector<16xf32>
        %parallel_loop3A_781 = arith.index_cast %parallel_loop3A_756 : i32 to index
        %parallel_loop3A_782 = arith.index_cast %parallel_loop3A_771 : i32 to index
        %parallel_loop3A_783 = tpu.vector_load %arg9[%parallel_loop3A_781, %parallel_loop3A_782] {strides = array<i32>} : memref<32x1024xf32, #tpu.memory_space<vmem>>, vector<1x16xf32>,
        %parallel_loop3A_784 = vector.shape_cast %parallel_loop3A_783 : vector<1x16xf32> to vector<16xf32>
        %parallel_loop3A_785 = vector.shape_cast %parallel_loop3A_780 : vector<16xf32> to vector<1x16xf32>
        tpu.vector_store %arg9[%parallel_loop3A_781, %parallel_loop3A_782], %parallel_loop3A_785 {strides = array<i32>} : memref<32x1024xf32, #tpu.memory_space<vmem>>, vector<1x16xf32>,
      } {sc.loop_unroll_factor = 16 : i64, sc.parallel_access}
    } {sc.loop_unroll_factor = 1 : i64, sc.parallel_access}
    %add3A_137 = arith.constant 128 : i32
    %add3A_138 = arith.addi %mul3A_2, %add3A_137 : i32
    %dma_start3A_139 = arith.constant 0 : i32
    %dma_start3A_140 = tpu.memref_slice %arg5[%add3A_138, %dma_start3A_139] : memref<32768x1024xf32, #tpu.memory_space<hbm>> -> memref<32x1024xf32, #tpu.memory_space<hbm>>
    %dma_start3A_141 = arith.constant 0 : i32
    %dma_start3A_142 = tpu.memref_slice %arg5[%add3A_138, %dma_start3A_141] : memref<32768x1024xf32, #tpu.memory_space<hbm>> -> memref<32x1024xf32, #tpu.memory_space<hbm>>
    tpu.enqueue_dma source(%arg9 : memref<32x1024xf32, #tpu.memory_space<vmem>>) target(%dma_start3A_142 : memref<32x1024xf32, #tpu.memory_space<hbm>>) target_semaphore(%arg15 : memref<!tpu.dma_semaphore, #tpu.memory_space<semaphore_mem>>)
    %dma_wait3A_143 = arith.constant 0 : i32
    %dma_wait3A_144 = tpu.memref_slice %arg5[%add3A_138, %dma_wait3A_143] : memref<32768x1024xf32, #tpu.memory_space<hbm>> -> memref<32x1024xf32, #tpu.memory_space<hbm>>
    %dma_wait3A_145 = arith.constant 0 : i32
    %dma_wait3A_146 = tpu.memref_slice %arg5[%add3A_138, %dma_wait3A_145] : memref<32768x1024xf32, #tpu.memory_space<hbm>> -> memref<32x1024xf32, #tpu.memory_space<hbm>>
    tpu.wait_dma2 semaphore(%arg15 : memref<!tpu.dma_semaphore, #tpu.memory_space<semaphore_mem>>) src(%arg9 : memref<32x1024xf32, #tpu.memory_space<vmem>>) dst(%dma_wait3A_146 : memref<32x1024xf32, #tpu.memory_space<hbm>>)
    %add3A_147 = arith.constant 224 : i32
    %add3A_148 = arith.addi %mul3A_2, %add3A_147 : i32
    %dma_start3A_149 = arith.constant 0 : i32
    %dma_start3A_150 = tpu.memref_slice %arg2[%add3A_148, %dma_start3A_149] : memref<32768x1024xf32, #tpu.memory_space<hbm>> -> memref<32x1024xf32, #tpu.memory_space<hbm>>
    %dma_start3A_151 = arith.constant 0 : i32
    %dma_start3A_152 = tpu.memref_slice %arg2[%add3A_148, %dma_start3A_151] : memref<32768x1024xf32, #tpu.memory_space<hbm>> -> memref<32x1024xf32, #tpu.memory_space<hbm>>
    tpu.enqueue_dma source(%dma_start3A_152 : memref<32x1024xf32, #tpu.memory_space<hbm>>) target(%arg9 : memref<32x1024xf32, #tpu.memory_space<vmem>>) target_semaphore(%arg12 : memref<!tpu.dma_semaphore, #tpu.memory_space<semaphore_mem>>)
    %dma_wait3A_153 = arith.constant 0 : i32
    %dma_wait3A_154 = tpu.memref_slice %arg2[%add3A_102, %dma_wait3A_153] : memref<32768x1024xf32, #tpu.memory_space<hbm>> -> memref<32x1024xf32, #tpu.memory_space<hbm>>
    %dma_wait3A_155 = arith.constant 0 : i32
    %dma_wait3A_156 = tpu.memref_slice %arg2[%add3A_102, %dma_wait3A_155] : memref<32768x1024xf32, #tpu.memory_space<hbm>> -> memref<32x1024xf32, #tpu.memory_space<hbm>>
    tpu.wait_dma2 semaphore(%arg13 : memref<!tpu.dma_semaphore, #tpu.memory_space<semaphore_mem>>) src(%dma_wait3A_156 : memref<32x1024xf32, #tpu.memory_space<hbm>>) dst(%arg10 : memref<32x1024xf32, #tpu.memory_space<vmem>>)
    %parallel_loop3A_157 = arith.constant 0 : i32
    %parallel_loop3A_158 = arith.constant 32 : i32
    %parallel_loop3A_159 = arith.constant 1 : i32
    scf.for %parallel_loop3A_756 = %parallel_loop3A_157 to %parallel_loop3A_158 step %parallel_loop3A_159  : i32 {
      %parallel_loop3A_757 = arith.constant 160 : i32
      %parallel_loop3A_758 = arith.addi %parallel_loop3A_757, %parallel_loop3A_756 : i32
      %parallel_loop3A_759 = arith.index_cast %parallel_loop3A_758 : i32 to index
      %parallel_loop3A_760 = tpu.vector_load %arg6[%parallel_loop3A_759] {strides = array<i32>} : memref<1040xi32, #tpu.memory_space<vmem>>, vector<16xi32>,
      %parallel_loop3A_761 = vector.shape_cast %parallel_loop3A_760 : vector<16xi32> to vector<16xi32>
      %parallel_loop3A_762 = vector.extract_strided_slice %parallel_loop3A_761 {offsets = [0], sizes = [1], strides = [1]} : vector<16xi32> to vector<1xi32>
      %parallel_loop3A_763 = vector.extract %parallel_loop3A_762[0] : i32 from vector<1xi32>
      %parallel_loop3A_764 = arith.constant 1024 : i32
      %parallel_loop3A_765 = arith.muli %parallel_loop3A_763, %parallel_loop3A_764 : i32
      %parallel_loop3A_766 = arith.constant 0 : i32
      %parallel_loop3A_767 = arith.constant 64 : i32
      %parallel_loop3A_768 = arith.constant 1 : i32
      scf.for %parallel_loop3A_769 = %parallel_loop3A_766 to %parallel_loop3A_767 step %parallel_loop3A_768  : i32 {
        %parallel_loop3A_770 = arith.constant 16 : i32
        %parallel_loop3A_771 = arith.muli %parallel_loop3A_769, %parallel_loop3A_770 : i32
        %parallel_loop3A_772 = arith.index_cast %parallel_loop3A_756 : i32 to index
        %parallel_loop3A_773 = arith.index_cast %parallel_loop3A_771 : i32 to index
        %parallel_loop3A_774 = tpu.vector_load %arg10[%parallel_loop3A_772, %parallel_loop3A_773] {strides = array<i32>} : memref<32x1024xf32, #tpu.memory_space<vmem>>, vector<1x16xf32>,
        %parallel_loop3A_775 = vector.shape_cast %parallel_loop3A_774 : vector<1x16xf32> to vector<16xf32>
        %parallel_loop3A_776 = arith.addi %parallel_loop3A_765, %parallel_loop3A_771 : i32
        %parallel_loop3A_777 = arith.index_cast %parallel_loop3A_776 : i32 to index
        %parallel_loop3A_778 = tpu.vector_load %arg7[%parallel_loop3A_777] {strides = array<i32>} : memref<16384xf32, #tpu.memory_space<vmem>>, vector<16xf32>,
        %parallel_loop3A_779 = vector.shape_cast %parallel_loop3A_778 : vector<16xf32> to vector<16xf32>
        %parallel_loop3A_780 = arith.addf %parallel_loop3A_775, %parallel_loop3A_779 : vector<16xf32>
        %parallel_loop3A_781 = arith.index_cast %parallel_loop3A_756 : i32 to index
        %parallel_loop3A_782 = arith.index_cast %parallel_loop3A_771 : i32 to index
        %parallel_loop3A_783 = tpu.vector_load %arg10[%parallel_loop3A_781, %parallel_loop3A_782] {strides = array<i32>} : memref<32x1024xf32, #tpu.memory_space<vmem>>, vector<1x16xf32>,
        %parallel_loop3A_784 = vector.shape_cast %parallel_loop3A_783 : vector<1x16xf32> to vector<16xf32>
        %parallel_loop3A_785 = vector.shape_cast %parallel_loop3A_780 : vector<16xf32> to vector<1x16xf32>
        tpu.vector_store %arg10[%parallel_loop3A_781, %parallel_loop3A_782], %parallel_loop3A_785 {strides = array<i32>} : memref<32x1024xf32, #tpu.memory_space<vmem>>, vector<1x16xf32>,
      } {sc.loop_unroll_factor = 16 : i64, sc.parallel_access}
    } {sc.loop_unroll_factor = 1 : i64, sc.parallel_access}
    %add3A_160 = arith.constant 160 : i32
    %add3A_161 = arith.addi %mul3A_2, %add3A_160 : i32
    %dma_start3A_162 = arith.constant 0 : i32
    %dma_start3A_163 = tpu.memref_slice %arg5[%add3A_161, %dma_start3A_162] : memref<32768x1024xf32, #tpu.memory_space<hbm>> -> memref<32x1024xf32, #tpu.memory_space<hbm>>
    %dma_start3A_164 = arith.constant 0 : i32
    %dma_start3A_165 = tpu.memref_slice %arg5[%add3A_161, %dma_start3A_164] : memref<32768x1024xf32, #tpu.memory_space<hbm>> -> memref<32x1024xf32, #tpu.memory_space<hbm>>
    tpu.enqueue_dma source(%arg10 : memref<32x1024xf32, #tpu.memory_space<vmem>>) target(%dma_start3A_165 : memref<32x1024xf32, #tpu.memory_space<hbm>>) target_semaphore(%arg16 : memref<!tpu.dma_semaphore, #tpu.memory_space<semaphore_mem>>)
    %dma_wait3A_166 = arith.constant 0 : i32
    %dma_wait3A_167 = tpu.memref_slice %arg5[%add3A_161, %dma_wait3A_166] : memref<32768x1024xf32, #tpu.memory_space<hbm>> -> memref<32x1024xf32, #tpu.memory_space<hbm>>
    %dma_wait3A_168 = arith.constant 0 : i32
    %dma_wait3A_169 = tpu.memref_slice %arg5[%add3A_161, %dma_wait3A_168] : memref<32768x1024xf32, #tpu.memory_space<hbm>> -> memref<32x1024xf32, #tpu.memory_space<hbm>>
    tpu.wait_dma2 semaphore(%arg16 : memref<!tpu.dma_semaphore, #tpu.memory_space<semaphore_mem>>) src(%arg10 : memref<32x1024xf32, #tpu.memory_space<vmem>>) dst(%dma_wait3A_169 : memref<32x1024xf32, #tpu.memory_space<hbm>>)
    %add3A_170 = arith.constant 256 : i32
    %add3A_171 = arith.addi %mul3A_2, %add3A_170 : i32
    %dma_start3A_172 = arith.constant 0 : i32
    %dma_start3A_173 = tpu.memref_slice %arg2[%add3A_171, %dma_start3A_172] : memref<32768x1024xf32, #tpu.memory_space<hbm>> -> memref<32x1024xf32, #tpu.memory_space<hbm>>
    %dma_start3A_174 = arith.constant 0 : i32
    %dma_start3A_175 = tpu.memref_slice %arg2[%add3A_171, %dma_start3A_174] : memref<32768x1024xf32, #tpu.memory_space<hbm>> -> memref<32x1024xf32, #tpu.memory_space<hbm>>
    tpu.enqueue_dma source(%dma_start3A_175 : memref<32x1024xf32, #tpu.memory_space<hbm>>) target(%arg10 : memref<32x1024xf32, #tpu.memory_space<vmem>>) target_semaphore(%arg13 : memref<!tpu.dma_semaphore, #tpu.memory_space<semaphore_mem>>)
    %dma_wait3A_176 = arith.constant 0 : i32
    %dma_wait3A_177 = tpu.memref_slice %arg2[%add3A_125, %dma_wait3A_176] : memref<32768x1024xf32, #tpu.memory_space<hbm>> -> memref<32x1024xf32, #tpu.memory_space<hbm>>
    %dma_wait3A_178 = arith.constant 0 : i32
    %dma_wait3A_179 = tpu.memref_slice %arg2[%add3A_125, %dma_wait3A_178] : memref<32768x1024xf32, #tpu.memory_space<hbm>> -> memref<32x1024xf32, #tpu.memory_space<hbm>>
    tpu.wait_dma2 semaphore(%arg11 : memref<!tpu.dma_semaphore, #tpu.memory_space<semaphore_mem>>) src(%dma_wait3A_179 : memref<32x1024xf32, #tpu.memory_space<hbm>>) dst(%arg8 : memref<32x1024xf32, #tpu.memory_space<vmem>>)
    %parallel_loop3A_180 = arith.constant 0 : i32
    %parallel_loop3A_181 = arith.constant 32 : i32
    %parallel_loop3A_182 = arith.constant 1 : i32
    scf.for %parallel_loop3A_756 = %parallel_loop3A_180 to %parallel_loop3A_181 step %parallel_loop3A_182  : i32 {
      %parallel_loop3A_757 = arith.constant 192 : i32
      %parallel_loop3A_758 = arith.addi %parallel_loop3A_757, %parallel_loop3A_756 : i32
      %parallel_loop3A_759 = arith.index_cast %parallel_loop3A_758 : i32 to index
      %parallel_loop3A_760 = tpu.vector_load %arg6[%parallel_loop3A_759] {strides = array<i32>} : memref<1040xi32, #tpu.memory_space<vmem>>, vector<16xi32>,
      %parallel_loop3A_761 = vector.shape_cast %parallel_loop3A_760 : vector<16xi32> to vector<16xi32>
      %parallel_loop3A_762 = vector.extract_strided_slice %parallel_loop3A_761 {offsets = [0], sizes = [1], strides = [1]} : vector<16xi32> to vector<1xi32>
      %parallel_loop3A_763 = vector.extract %parallel_loop3A_762[0] : i32 from vector<1xi32>
      %parallel_loop3A_764 = arith.constant 1024 : i32
      %parallel_loop3A_765 = arith.muli %parallel_loop3A_763, %parallel_loop3A_764 : i32
      %parallel_loop3A_766 = arith.constant 0 : i32
      %parallel_loop3A_767 = arith.constant 64 : i32
      %parallel_loop3A_768 = arith.constant 1 : i32
      scf.for %parallel_loop3A_769 = %parallel_loop3A_766 to %parallel_loop3A_767 step %parallel_loop3A_768  : i32 {
        %parallel_loop3A_770 = arith.constant 16 : i32
        %parallel_loop3A_771 = arith.muli %parallel_loop3A_769, %parallel_loop3A_770 : i32
        %parallel_loop3A_772 = arith.index_cast %parallel_loop3A_756 : i32 to index
        %parallel_loop3A_773 = arith.index_cast %parallel_loop3A_771 : i32 to index
        %parallel_loop3A_774 = tpu.vector_load %arg8[%parallel_loop3A_772, %parallel_loop3A_773] {strides = array<i32>} : memref<32x1024xf32, #tpu.memory_space<vmem>>, vector<1x16xf32>,
        %parallel_loop3A_775 = vector.shape_cast %parallel_loop3A_774 : vector<1x16xf32> to vector<16xf32>
        %parallel_loop3A_776 = arith.addi %parallel_loop3A_765, %parallel_loop3A_771 : i32
        %parallel_loop3A_777 = arith.index_cast %parallel_loop3A_776 : i32 to index
        %parallel_loop3A_778 = tpu.vector_load %arg7[%parallel_loop3A_777] {strides = array<i32>} : memref<16384xf32, #tpu.memory_space<vmem>>, vector<16xf32>,
        %parallel_loop3A_779 = vector.shape_cast %parallel_loop3A_778 : vector<16xf32> to vector<16xf32>
        %parallel_loop3A_780 = arith.addf %parallel_loop3A_775, %parallel_loop3A_779 : vector<16xf32>
        %parallel_loop3A_781 = arith.index_cast %parallel_loop3A_756 : i32 to index
        %parallel_loop3A_782 = arith.index_cast %parallel_loop3A_771 : i32 to index
        %parallel_loop3A_783 = tpu.vector_load %arg8[%parallel_loop3A_781, %parallel_loop3A_782] {strides = array<i32>} : memref<32x1024xf32, #tpu.memory_space<vmem>>, vector<1x16xf32>,
        %parallel_loop3A_784 = vector.shape_cast %parallel_loop3A_783 : vector<1x16xf32> to vector<16xf32>
        %parallel_loop3A_785 = vector.shape_cast %parallel_loop3A_780 : vector<16xf32> to vector<1x16xf32>
        tpu.vector_store %arg8[%parallel_loop3A_781, %parallel_loop3A_782], %parallel_loop3A_785 {strides = array<i32>} : memref<32x1024xf32, #tpu.memory_space<vmem>>, vector<1x16xf32>,
      } {sc.loop_unroll_factor = 16 : i64, sc.parallel_access}
    } {sc.loop_unroll_factor = 1 : i64, sc.parallel_access}
    %add3A_183 = arith.constant 192 : i32
    %add3A_184 = arith.addi %mul3A_2, %add3A_183 : i32
    %dma_start3A_185 = arith.constant 0 : i32
    %dma_start3A_186 = tpu.memref_slice %arg5[%add3A_184, %dma_start3A_185] : memref<32768x1024xf32, #tpu.memory_space<hbm>> -> memref<32x1024xf32, #tpu.memory_space<hbm>>
    %dma_start3A_187 = arith.constant 0 : i32
    %dma_start3A_188 = tpu.memref_slice %arg5[%add3A_184, %dma_start3A_187] : memref<32768x1024xf32, #tpu.memory_space<hbm>> -> memref<32x1024xf32, #tpu.memory_space<hbm>>
    tpu.enqueue_dma source(%arg8 : memref<32x1024xf32, #tpu.memory_space<vmem>>) target(%dma_start3A_188 : memref<32x1024xf32, #tpu.memory_space<hbm>>) target_semaphore(%arg14 : memref<!tpu.dma_semaphore, #tpu.memory_space<semaphore_mem>>)
    %dma_wait3A_189 = arith.constant 0 : i32
    %dma_wait3A_190 = tpu.memref_slice %arg5[%add3A_184, %dma_wait3A_189] : memref<32768x1024xf32, #tpu.memory_space<hbm>> -> memref<32x1024xf32, #tpu.memory_space<hbm>>
    %dma_wait3A_191 = arith.constant 0 : i32
    %dma_wait3A_192 = tpu.memref_slice %arg5[%add3A_184, %dma_wait3A_191] : memref<32768x1024xf32, #tpu.memory_space<hbm>> -> memref<32x1024xf32, #tpu.memory_space<hbm>>
    tpu.wait_dma2 semaphore(%arg14 : memref<!tpu.dma_semaphore, #tpu.memory_space<semaphore_mem>>) src(%arg8 : memref<32x1024xf32, #tpu.memory_space<vmem>>) dst(%dma_wait3A_192 : memref<32x1024xf32, #tpu.memory_space<hbm>>)
    %add3A_193 = arith.constant 288 : i32
    %add3A_194 = arith.addi %mul3A_2, %add3A_193 : i32
    %dma_start3A_195 = arith.constant 0 : i32
    %dma_start3A_196 = tpu.memref_slice %arg2[%add3A_194, %dma_start3A_195] : memref<32768x1024xf32, #tpu.memory_space<hbm>> -> memref<32x1024xf32, #tpu.memory_space<hbm>>
    %dma_start3A_197 = arith.constant 0 : i32
    %dma_start3A_198 = tpu.memref_slice %arg2[%add3A_194, %dma_start3A_197] : memref<32768x1024xf32, #tpu.memory_space<hbm>> -> memref<32x1024xf32, #tpu.memory_space<hbm>>
    tpu.enqueue_dma source(%dma_start3A_198 : memref<32x1024xf32, #tpu.memory_space<hbm>>) target(%arg8 : memref<32x1024xf32, #tpu.memory_space<vmem>>) target_semaphore(%arg11 : memref<!tpu.dma_semaphore, #tpu.memory_space<semaphore_mem>>)
    %dma_wait3A_199 = arith.constant 0 : i32
    %dma_wait3A_200 = tpu.memref_slice %arg2[%add3A_148, %dma_wait3A_199] : memref<32768x1024xf32, #tpu.memory_space<hbm>> -> memref<32x1024xf32, #tpu.memory_space<hbm>>
    %dma_wait3A_201 = arith.constant 0 : i32
    %dma_wait3A_202 = tpu.memref_slice %arg2[%add3A_148, %dma_wait3A_201] : memref<32768x1024xf32, #tpu.memory_space<hbm>> -> memref<32x1024xf32, #tpu.memory_space<hbm>>
    tpu.wait_dma2 semaphore(%arg12 : memref<!tpu.dma_semaphore, #tpu.memory_space<semaphore_mem>>) src(%dma_wait3A_202 : memref<32x1024xf32, #tpu.memory_space<hbm>>) dst(%arg9 : memref<32x1024xf32, #tpu.memory_space<vmem>>)
    %parallel_loop3A_203 = arith.constant 0 : i32
    %parallel_loop3A_204 = arith.constant 32 : i32
    %parallel_loop3A_205 = arith.constant 1 : i32
    scf.for %parallel_loop3A_756 = %parallel_loop3A_203 to %parallel_loop3A_204 step %parallel_loop3A_205  : i32 {
      %parallel_loop3A_757 = arith.constant 224 : i32
      %parallel_loop3A_758 = arith.addi %parallel_loop3A_757, %parallel_loop3A_756 : i32
      %parallel_loop3A_759 = arith.index_cast %parallel_loop3A_758 : i32 to index
      %parallel_loop3A_760 = tpu.vector_load %arg6[%parallel_loop3A_759] {strides = array<i32>} : memref<1040xi32, #tpu.memory_space<vmem>>, vector<16xi32>,
      %parallel_loop3A_761 = vector.shape_cast %parallel_loop3A_760 : vector<16xi32> to vector<16xi32>
      %parallel_loop3A_762 = vector.extract_strided_slice %parallel_loop3A_761 {offsets = [0], sizes = [1], strides = [1]} : vector<16xi32> to vector<1xi32>
      %parallel_loop3A_763 = vector.extract %parallel_loop3A_762[0] : i32 from vector<1xi32>
      %parallel_loop3A_764 = arith.constant 1024 : i32
      %parallel_loop3A_765 = arith.muli %parallel_loop3A_763, %parallel_loop3A_764 : i32
      %parallel_loop3A_766 = arith.constant 0 : i32
      %parallel_loop3A_767 = arith.constant 64 : i32
      %parallel_loop3A_768 = arith.constant 1 : i32
      scf.for %parallel_loop3A_769 = %parallel_loop3A_766 to %parallel_loop3A_767 step %parallel_loop3A_768  : i32 {
        %parallel_loop3A_770 = arith.constant 16 : i32
        %parallel_loop3A_771 = arith.muli %parallel_loop3A_769, %parallel_loop3A_770 : i32
        %parallel_loop3A_772 = arith.index_cast %parallel_loop3A_756 : i32 to index
        %parallel_loop3A_773 = arith.index_cast %parallel_loop3A_771 : i32 to index
        %parallel_loop3A_774 = tpu.vector_load %arg9[%parallel_loop3A_772, %parallel_loop3A_773] {strides = array<i32>} : memref<32x1024xf32, #tpu.memory_space<vmem>>, vector<1x16xf32>,
        %parallel_loop3A_775 = vector.shape_cast %parallel_loop3A_774 : vector<1x16xf32> to vector<16xf32>
        %parallel_loop3A_776 = arith.addi %parallel_loop3A_765, %parallel_loop3A_771 : i32
        %parallel_loop3A_777 = arith.index_cast %parallel_loop3A_776 : i32 to index
        %parallel_loop3A_778 = tpu.vector_load %arg7[%parallel_loop3A_777] {strides = array<i32>} : memref<16384xf32, #tpu.memory_space<vmem>>, vector<16xf32>,
        %parallel_loop3A_779 = vector.shape_cast %parallel_loop3A_778 : vector<16xf32> to vector<16xf32>
        %parallel_loop3A_780 = arith.addf %parallel_loop3A_775, %parallel_loop3A_779 : vector<16xf32>
        %parallel_loop3A_781 = arith.index_cast %parallel_loop3A_756 : i32 to index
        %parallel_loop3A_782 = arith.index_cast %parallel_loop3A_771 : i32 to index
        %parallel_loop3A_783 = tpu.vector_load %arg9[%parallel_loop3A_781, %parallel_loop3A_782] {strides = array<i32>} : memref<32x1024xf32, #tpu.memory_space<vmem>>, vector<1x16xf32>,
        %parallel_loop3A_784 = vector.shape_cast %parallel_loop3A_783 : vector<1x16xf32> to vector<16xf32>
        %parallel_loop3A_785 = vector.shape_cast %parallel_loop3A_780 : vector<16xf32> to vector<1x16xf32>
        tpu.vector_store %arg9[%parallel_loop3A_781, %parallel_loop3A_782], %parallel_loop3A_785 {strides = array<i32>} : memref<32x1024xf32, #tpu.memory_space<vmem>>, vector<1x16xf32>,
      } {sc.loop_unroll_factor = 16 : i64, sc.parallel_access}
    } {sc.loop_unroll_factor = 1 : i64, sc.parallel_access}
    %add3A_206 = arith.constant 224 : i32
    %add3A_207 = arith.addi %mul3A_2, %add3A_206 : i32
    %dma_start3A_208 = arith.constant 0 : i32
    %dma_start3A_209 = tpu.memref_slice %arg5[%add3A_207, %dma_start3A_208] : memref<32768x1024xf32, #tpu.memory_space<hbm>> -> memref<32x1024xf32, #tpu.memory_space<hbm>>
    %dma_start3A_210 = arith.constant 0 : i32
    %dma_start3A_211 = tpu.memref_slice %arg5[%add3A_207, %dma_start3A_210] : memref<32768x1024xf32, #tpu.memory_space<hbm>> -> memref<32x1024xf32, #tpu.memory_space<hbm>>
    tpu.enqueue_dma source(%arg9 : memref<32x1024xf32, #tpu.memory_space<vmem>>) target(%dma_start3A_211 : memref<32x1024xf32, #tpu.memory_space<hbm>>) target_semaphore(%arg15 : memref<!tpu.dma_semaphore, #tpu.memory_space<semaphore_mem>>)
    %dma_wait3A_212 = arith.constant 0 : i32
    %dma_wait3A_213 = tpu.memref_slice %arg5[%add3A_207, %dma_wait3A_212] : memref<32768x1024xf32, #tpu.memory_space<hbm>> -> memref<32x1024xf32, #tpu.memory_space<hbm>>
    %dma_wait3A_214 = arith.constant 0 : i32
    %dma_wait3A_215 = tpu.memref_slice %arg5[%add3A_207, %dma_wait3A_214] : memref<32768x1024xf32, #tpu.memory_space<hbm>> -> memref<32x1024xf32, #tpu.memory_space<hbm>>
    tpu.wait_dma2 semaphore(%arg15 : memref<!tpu.dma_semaphore, #tpu.memory_space<semaphore_mem>>) src(%arg9 : memref<32x1024xf32, #tpu.memory_space<vmem>>) dst(%dma_wait3A_215 : memref<32x1024xf32, #tpu.memory_space<hbm>>)
    %add3A_216 = arith.constant 320 : i32
    %add3A_217 = arith.addi %mul3A_2, %add3A_216 : i32
    %dma_start3A_218 = arith.constant 0 : i32
    %dma_start3A_219 = tpu.memref_slice %arg2[%add3A_217, %dma_start3A_218] : memref<32768x1024xf32, #tpu.memory_space<hbm>> -> memref<32x1024xf32, #tpu.memory_space<hbm>>
    %dma_start3A_220 = arith.constant 0 : i32
    %dma_start3A_221 = tpu.memref_slice %arg2[%add3A_217, %dma_start3A_220] : memref<32768x1024xf32, #tpu.memory_space<hbm>> -> memref<32x1024xf32, #tpu.memory_space<hbm>>
    tpu.enqueue_dma source(%dma_start3A_221 : memref<32x1024xf32, #tpu.memory_space<hbm>>) target(%arg9 : memref<32x1024xf32, #tpu.memory_space<vmem>>) target_semaphore(%arg12 : memref<!tpu.dma_semaphore, #tpu.memory_space<semaphore_mem>>)
    %dma_wait3A_222 = arith.constant 0 : i32
    %dma_wait3A_223 = tpu.memref_slice %arg2[%add3A_171, %dma_wait3A_222] : memref<32768x1024xf32, #tpu.memory_space<hbm>> -> memref<32x1024xf32, #tpu.memory_space<hbm>>
    %dma_wait3A_224 = arith.constant 0 : i32
    %dma_wait3A_225 = tpu.memref_slice %arg2[%add3A_171, %dma_wait3A_224] : memref<32768x1024xf32, #tpu.memory_space<hbm>> -> memref<32x1024xf32, #tpu.memory_space<hbm>>
    tpu.wait_dma2 semaphore(%arg13 : memref<!tpu.dma_semaphore, #tpu.memory_space<semaphore_mem>>) src(%dma_wait3A_225 : memref<32x1024xf32, #tpu.memory_space<hbm>>) dst(%arg10 : memref<32x1024xf32, #tpu.memory_space<vmem>>)
    %parallel_loop3A_226 = arith.constant 0 : i32
    %parallel_loop3A_227 = arith.constant 32 : i32
    %parallel_loop3A_228 = arith.constant 1 : i32
    scf.for %parallel_loop3A_756 = %parallel_loop3A_226 to %parallel_loop3A_227 step %parallel_loop3A_228  : i32 {
      %parallel_loop3A_757 = arith.constant 256 : i32
      %parallel_loop3A_758 = arith.addi %parallel_loop3A_757, %parallel_loop3A_756 : i32
      %parallel_loop3A_759 = arith.index_cast %parallel_loop3A_758 : i32 to index
      %parallel_loop3A_760 = tpu.vector_load %arg6[%parallel_loop3A_759] {strides = array<i32>} : memref<1040xi32, #tpu.memory_space<vmem>>, vector<16xi32>,
      %parallel_loop3A_761 = vector.shape_cast %parallel_loop3A_760 : vector<16xi32> to vector<16xi32>
      %parallel_loop3A_762 = vector.extract_strided_slice %parallel_loop3A_761 {offsets = [0], sizes = [1], strides = [1]} : vector<16xi32> to vector<1xi32>
      %parallel_loop3A_763 = vector.extract %parallel_loop3A_762[0] : i32 from vector<1xi32>
      %parallel_loop3A_764 = arith.constant 1024 : i32
      %parallel_loop3A_765 = arith.muli %parallel_loop3A_763, %parallel_loop3A_764 : i32
      %parallel_loop3A_766 = arith.constant 0 : i32
      %parallel_loop3A_767 = arith.constant 64 : i32
      %parallel_loop3A_768 = arith.constant 1 : i32
      scf.for %parallel_loop3A_769 = %parallel_loop3A_766 to %parallel_loop3A_767 step %parallel_loop3A_768  : i32 {
        %parallel_loop3A_770 = arith.constant 16 : i32
        %parallel_loop3A_771 = arith.muli %parallel_loop3A_769, %parallel_loop3A_770 : i32
        %parallel_loop3A_772 = arith.index_cast %parallel_loop3A_756 : i32 to index
        %parallel_loop3A_773 = arith.index_cast %parallel_loop3A_771 : i32 to index
        %parallel_loop3A_774 = tpu.vector_load %arg10[%parallel_loop3A_772, %parallel_loop3A_773] {strides = array<i32>} : memref<32x1024xf32, #tpu.memory_space<vmem>>, vector<1x16xf32>,
        %parallel_loop3A_775 = vector.shape_cast %parallel_loop3A_774 : vector<1x16xf32> to vector<16xf32>
        %parallel_loop3A_776 = arith.addi %parallel_loop3A_765, %parallel_loop3A_771 : i32
        %parallel_loop3A_777 = arith.index_cast %parallel_loop3A_776 : i32 to index
        %parallel_loop3A_778 = tpu.vector_load %arg7[%parallel_loop3A_777] {strides = array<i32>} : memref<16384xf32, #tpu.memory_space<vmem>>, vector<16xf32>,
        %parallel_loop3A_779 = vector.shape_cast %parallel_loop3A_778 : vector<16xf32> to vector<16xf32>
        %parallel_loop3A_780 = arith.addf %parallel_loop3A_775, %parallel_loop3A_779 : vector<16xf32>
        %parallel_loop3A_781 = arith.index_cast %parallel_loop3A_756 : i32 to index
        %parallel_loop3A_782 = arith.index_cast %parallel_loop3A_771 : i32 to index
        %parallel_loop3A_783 = tpu.vector_load %arg10[%parallel_loop3A_781, %parallel_loop3A_782] {strides = array<i32>} : memref<32x1024xf32, #tpu.memory_space<vmem>>, vector<1x16xf32>,
        %parallel_loop3A_784 = vector.shape_cast %parallel_loop3A_783 : vector<1x16xf32> to vector<16xf32>
        %parallel_loop3A_785 = vector.shape_cast %parallel_loop3A_780 : vector<16xf32> to vector<1x16xf32>
        tpu.vector_store %arg10[%parallel_loop3A_781, %parallel_loop3A_782], %parallel_loop3A_785 {strides = array<i32>} : memref<32x1024xf32, #tpu.memory_space<vmem>>, vector<1x16xf32>,
      } {sc.loop_unroll_factor = 16 : i64, sc.parallel_access}
    } {sc.loop_unroll_factor = 1 : i64, sc.parallel_access}
    %add3A_229 = arith.constant 256 : i32
    %add3A_230 = arith.addi %mul3A_2, %add3A_229 : i32
    %dma_start3A_231 = arith.constant 0 : i32
    %dma_start3A_232 = tpu.memref_slice %arg5[%add3A_230, %dma_start3A_231] : memref<32768x1024xf32, #tpu.memory_space<hbm>> -> memref<32x1024xf32, #tpu.memory_space<hbm>>
    %dma_start3A_233 = arith.constant 0 : i32
    %dma_start3A_234 = tpu.memref_slice %arg5[%add3A_230, %dma_start3A_233] : memref<32768x1024xf32, #tpu.memory_space<hbm>> -> memref<32x1024xf32, #tpu.memory_space<hbm>>
    tpu.enqueue_dma source(%arg10 : memref<32x1024xf32, #tpu.memory_space<vmem>>) target(%dma_start3A_234 : memref<32x1024xf32, #tpu.memory_space<hbm>>) target_semaphore(%arg16 : memref<!tpu.dma_semaphore, #tpu.memory_space<semaphore_mem>>)
    %dma_wait3A_235 = arith.constant 0 : i32
    %dma_wait3A_236 = tpu.memref_slice %arg5[%add3A_230, %dma_wait3A_235] : memref<32768x1024xf32, #tpu.memory_space<hbm>> -> memref<32x1024xf32, #tpu.memory_space<hbm>>
    %dma_wait3A_237 = arith.constant 0 : i32
    %dma_wait3A_238 = tpu.memref_slice %arg5[%add3A_230, %dma_wait3A_237] : memref<32768x1024xf32, #tpu.memory_space<hbm>> -> memref<32x1024xf32, #tpu.memory_space<hbm>>
    tpu.wait_dma2 semaphore(%arg16 : memref<!tpu.dma_semaphore, #tpu.memory_space<semaphore_mem>>) src(%arg10 : memref<32x1024xf32, #tpu.memory_space<vmem>>) dst(%dma_wait3A_238 : memref<32x1024xf32, #tpu.memory_space<hbm>>)
    %add3A_239 = arith.constant 352 : i32
    %add3A_240 = arith.addi %mul3A_2, %add3A_239 : i32
    %dma_start3A_241 = arith.constant 0 : i32
    %dma_start3A_242 = tpu.memref_slice %arg2[%add3A_240, %dma_start3A_241] : memref<32768x1024xf32, #tpu.memory_space<hbm>> -> memref<32x1024xf32, #tpu.memory_space<hbm>>
    %dma_start3A_243 = arith.constant 0 : i32
    %dma_start3A_244 = tpu.memref_slice %arg2[%add3A_240, %dma_start3A_243] : memref<32768x1024xf32, #tpu.memory_space<hbm>> -> memref<32x1024xf32, #tpu.memory_space<hbm>>
    tpu.enqueue_dma source(%dma_start3A_244 : memref<32x1024xf32, #tpu.memory_space<hbm>>) target(%arg10 : memref<32x1024xf32, #tpu.memory_space<vmem>>) target_semaphore(%arg13 : memref<!tpu.dma_semaphore, #tpu.memory_space<semaphore_mem>>)
    %dma_wait3A_245 = arith.constant 0 : i32
    %dma_wait3A_246 = tpu.memref_slice %arg2[%add3A_194, %dma_wait3A_245] : memref<32768x1024xf32, #tpu.memory_space<hbm>> -> memref<32x1024xf32, #tpu.memory_space<hbm>>
    %dma_wait3A_247 = arith.constant 0 : i32
    %dma_wait3A_248 = tpu.memref_slice %arg2[%add3A_194, %dma_wait3A_247] : memref<32768x1024xf32, #tpu.memory_space<hbm>> -> memref<32x1024xf32, #tpu.memory_space<hbm>>
    tpu.wait_dma2 semaphore(%arg11 : memref<!tpu.dma_semaphore, #tpu.memory_space<semaphore_mem>>) src(%dma_wait3A_248 : memref<32x1024xf32, #tpu.memory_space<hbm>>) dst(%arg8 : memref<32x1024xf32, #tpu.memory_space<vmem>>)
    %parallel_loop3A_249 = arith.constant 0 : i32
    %parallel_loop3A_250 = arith.constant 32 : i32
    %parallel_loop3A_251 = arith.constant 1 : i32
    scf.for %parallel_loop3A_756 = %parallel_loop3A_249 to %parallel_loop3A_250 step %parallel_loop3A_251  : i32 {
      %parallel_loop3A_757 = arith.constant 288 : i32
      %parallel_loop3A_758 = arith.addi %parallel_loop3A_757, %parallel_loop3A_756 : i32
      %parallel_loop3A_759 = arith.index_cast %parallel_loop3A_758 : i32 to index
      %parallel_loop3A_760 = tpu.vector_load %arg6[%parallel_loop3A_759] {strides = array<i32>} : memref<1040xi32, #tpu.memory_space<vmem>>, vector<16xi32>,
      %parallel_loop3A_761 = vector.shape_cast %parallel_loop3A_760 : vector<16xi32> to vector<16xi32>
      %parallel_loop3A_762 = vector.extract_strided_slice %parallel_loop3A_761 {offsets = [0], sizes = [1], strides = [1]} : vector<16xi32> to vector<1xi32>
      %parallel_loop3A_763 = vector.extract %parallel_loop3A_762[0] : i32 from vector<1xi32>
      %parallel_loop3A_764 = arith.constant 1024 : i32
      %parallel_loop3A_765 = arith.muli %parallel_loop3A_763, %parallel_loop3A_764 : i32
      %parallel_loop3A_766 = arith.constant 0 : i32
      %parallel_loop3A_767 = arith.constant 64 : i32
      %parallel_loop3A_768 = arith.constant 1 : i32
      scf.for %parallel_loop3A_769 = %parallel_loop3A_766 to %parallel_loop3A_767 step %parallel_loop3A_768  : i32 {
        %parallel_loop3A_770 = arith.constant 16 : i32
        %parallel_loop3A_771 = arith.muli %parallel_loop3A_769, %parallel_loop3A_770 : i32
        %parallel_loop3A_772 = arith.index_cast %parallel_loop3A_756 : i32 to index
        %parallel_loop3A_773 = arith.index_cast %parallel_loop3A_771 : i32 to index
        %parallel_loop3A_774 = tpu.vector_load %arg8[%parallel_loop3A_772, %parallel_loop3A_773] {strides = array<i32>} : memref<32x1024xf32, #tpu.memory_space<vmem>>, vector<1x16xf32>,
        %parallel_loop3A_775 = vector.shape_cast %parallel_loop3A_774 : vector<1x16xf32> to vector<16xf32>
        %parallel_loop3A_776 = arith.addi %parallel_loop3A_765, %parallel_loop3A_771 : i32
        %parallel_loop3A_777 = arith.index_cast %parallel_loop3A_776 : i32 to index
        %parallel_loop3A_778 = tpu.vector_load %arg7[%parallel_loop3A_777] {strides = array<i32>} : memref<16384xf32, #tpu.memory_space<vmem>>, vector<16xf32>,
        %parallel_loop3A_779 = vector.shape_cast %parallel_loop3A_778 : vector<16xf32> to vector<16xf32>
        %parallel_loop3A_780 = arith.addf %parallel_loop3A_775, %parallel_loop3A_779 : vector<16xf32>
        %parallel_loop3A_781 = arith.index_cast %parallel_loop3A_756 : i32 to index
        %parallel_loop3A_782 = arith.index_cast %parallel_loop3A_771 : i32 to index
        %parallel_loop3A_783 = tpu.vector_load %arg8[%parallel_loop3A_781, %parallel_loop3A_782] {strides = array<i32>} : memref<32x1024xf32, #tpu.memory_space<vmem>>, vector<1x16xf32>,
        %parallel_loop3A_784 = vector.shape_cast %parallel_loop3A_783 : vector<1x16xf32> to vector<16xf32>
        %parallel_loop3A_785 = vector.shape_cast %parallel_loop3A_780 : vector<16xf32> to vector<1x16xf32>
        tpu.vector_store %arg8[%parallel_loop3A_781, %parallel_loop3A_782], %parallel_loop3A_785 {strides = array<i32>} : memref<32x1024xf32, #tpu.memory_space<vmem>>, vector<1x16xf32>,
      } {sc.loop_unroll_factor = 16 : i64, sc.parallel_access}
    } {sc.loop_unroll_factor = 1 : i64, sc.parallel_access}
    %add3A_252 = arith.constant 288 : i32
    %add3A_253 = arith.addi %mul3A_2, %add3A_252 : i32
    %dma_start3A_254 = arith.constant 0 : i32
    %dma_start3A_255 = tpu.memref_slice %arg5[%add3A_253, %dma_start3A_254] : memref<32768x1024xf32, #tpu.memory_space<hbm>> -> memref<32x1024xf32, #tpu.memory_space<hbm>>
    %dma_start3A_256 = arith.constant 0 : i32
    %dma_start3A_257 = tpu.memref_slice %arg5[%add3A_253, %dma_start3A_256] : memref<32768x1024xf32, #tpu.memory_space<hbm>> -> memref<32x1024xf32, #tpu.memory_space<hbm>>
    tpu.enqueue_dma source(%arg8 : memref<32x1024xf32, #tpu.memory_space<vmem>>) target(%dma_start3A_257 : memref<32x1024xf32, #tpu.memory_space<hbm>>) target_semaphore(%arg14 : memref<!tpu.dma_semaphore, #tpu.memory_space<semaphore_mem>>)
    %dma_wait3A_258 = arith.constant 0 : i32
    %dma_wait3A_259 = tpu.memref_slice %arg5[%add3A_253, %dma_wait3A_258] : memref<32768x1024xf32, #tpu.memory_space<hbm>> -> memref<32x1024xf32, #tpu.memory_space<hbm>>
    %dma_wait3A_260 = arith.constant 0 : i32
    %dma_wait3A_261 = tpu.memref_slice %arg5[%add3A_253, %dma_wait3A_260] : memref<32768x1024xf32, #tpu.memory_space<hbm>> -> memref<32x1024xf32, #tpu.memory_space<hbm>>
    tpu.wait_dma2 semaphore(%arg14 : memref<!tpu.dma_semaphore, #tpu.memory_space<semaphore_mem>>) src(%arg8 : memref<32x1024xf32, #tpu.memory_space<vmem>>) dst(%dma_wait3A_261 : memref<32x1024xf32, #tpu.memory_space<hbm>>)
    %add3A_262 = arith.constant 384 : i32
    %add3A_263 = arith.addi %mul3A_2, %add3A_262 : i32
    %dma_start3A_264 = arith.constant 0 : i32
    %dma_start3A_265 = tpu.memref_slice %arg2[%add3A_263, %dma_start3A_264] : memref<32768x1024xf32, #tpu.memory_space<hbm>> -> memref<32x1024xf32, #tpu.memory_space<hbm>>
    %dma_start3A_266 = arith.constant 0 : i32
    %dma_start3A_267 = tpu.memref_slice %arg2[%add3A_263, %dma_start3A_266] : memref<32768x1024xf32, #tpu.memory_space<hbm>> -> memref<32x1024xf32, #tpu.memory_space<hbm>>
    tpu.enqueue_dma source(%dma_start3A_267 : memref<32x1024xf32, #tpu.memory_space<hbm>>) target(%arg8 : memref<32x1024xf32, #tpu.memory_space<vmem>>) target_semaphore(%arg11 : memref<!tpu.dma_semaphore, #tpu.memory_space<semaphore_mem>>)
    %dma_wait3A_268 = arith.constant 0 : i32
    %dma_wait3A_269 = tpu.memref_slice %arg2[%add3A_217, %dma_wait3A_268] : memref<32768x1024xf32, #tpu.memory_space<hbm>> -> memref<32x1024xf32, #tpu.memory_space<hbm>>
    %dma_wait3A_270 = arith.constant 0 : i32
    %dma_wait3A_271 = tpu.memref_slice %arg2[%add3A_217, %dma_wait3A_270] : memref<32768x1024xf32, #tpu.memory_space<hbm>> -> memref<32x1024xf32, #tpu.memory_space<hbm>>
    tpu.wait_dma2 semaphore(%arg12 : memref<!tpu.dma_semaphore, #tpu.memory_space<semaphore_mem>>) src(%dma_wait3A_271 : memref<32x1024xf32, #tpu.memory_space<hbm>>) dst(%arg9 : memref<32x1024xf32, #tpu.memory_space<vmem>>)
    %parallel_loop3A_272 = arith.constant 0 : i32
    %parallel_loop3A_273 = arith.constant 32 : i32
    %parallel_loop3A_274 = arith.constant 1 : i32
    scf.for %parallel_loop3A_756 = %parallel_loop3A_272 to %parallel_loop3A_273 step %parallel_loop3A_274  : i32 {
      %parallel_loop3A_757 = arith.constant 320 : i32
      %parallel_loop3A_758 = arith.addi %parallel_loop3A_757, %parallel_loop3A_756 : i32
      %parallel_loop3A_759 = arith.index_cast %parallel_loop3A_758 : i32 to index
      %parallel_loop3A_760 = tpu.vector_load %arg6[%parallel_loop3A_759] {strides = array<i32>} : memref<1040xi32, #tpu.memory_space<vmem>>, vector<16xi32>,
      %parallel_loop3A_761 = vector.shape_cast %parallel_loop3A_760 : vector<16xi32> to vector<16xi32>
      %parallel_loop3A_762 = vector.extract_strided_slice %parallel_loop3A_761 {offsets = [0], sizes = [1], strides = [1]} : vector<16xi32> to vector<1xi32>
      %parallel_loop3A_763 = vector.extract %parallel_loop3A_762[0] : i32 from vector<1xi32>
      %parallel_loop3A_764 = arith.constant 1024 : i32
      %parallel_loop3A_765 = arith.muli %parallel_loop3A_763, %parallel_loop3A_764 : i32
      %parallel_loop3A_766 = arith.constant 0 : i32
      %parallel_loop3A_767 = arith.constant 64 : i32
      %parallel_loop3A_768 = arith.constant 1 : i32
      scf.for %parallel_loop3A_769 = %parallel_loop3A_766 to %parallel_loop3A_767 step %parallel_loop3A_768  : i32 {
        %parallel_loop3A_770 = arith.constant 16 : i32
        %parallel_loop3A_771 = arith.muli %parallel_loop3A_769, %parallel_loop3A_770 : i32
        %parallel_loop3A_772 = arith.index_cast %parallel_loop3A_756 : i32 to index
        %parallel_loop3A_773 = arith.index_cast %parallel_loop3A_771 : i32 to index
        %parallel_loop3A_774 = tpu.vector_load %arg9[%parallel_loop3A_772, %parallel_loop3A_773] {strides = array<i32>} : memref<32x1024xf32, #tpu.memory_space<vmem>>, vector<1x16xf32>,
        %parallel_loop3A_775 = vector.shape_cast %parallel_loop3A_774 : vector<1x16xf32> to vector<16xf32>
        %parallel_loop3A_776 = arith.addi %parallel_loop3A_765, %parallel_loop3A_771 : i32
        %parallel_loop3A_777 = arith.index_cast %parallel_loop3A_776 : i32 to index
        %parallel_loop3A_778 = tpu.vector_load %arg7[%parallel_loop3A_777] {strides = array<i32>} : memref<16384xf32, #tpu.memory_space<vmem>>, vector<16xf32>,
        %parallel_loop3A_779 = vector.shape_cast %parallel_loop3A_778 : vector<16xf32> to vector<16xf32>
        %parallel_loop3A_780 = arith.addf %parallel_loop3A_775, %parallel_loop3A_779 : vector<16xf32>
        %parallel_loop3A_781 = arith.index_cast %parallel_loop3A_756 : i32 to index
        %parallel_loop3A_782 = arith.index_cast %parallel_loop3A_771 : i32 to index
        %parallel_loop3A_783 = tpu.vector_load %arg9[%parallel_loop3A_781, %parallel_loop3A_782] {strides = array<i32>} : memref<32x1024xf32, #tpu.memory_space<vmem>>, vector<1x16xf32>,
        %parallel_loop3A_784 = vector.shape_cast %parallel_loop3A_783 : vector<1x16xf32> to vector<16xf32>
        %parallel_loop3A_785 = vector.shape_cast %parallel_loop3A_780 : vector<16xf32> to vector<1x16xf32>
        tpu.vector_store %arg9[%parallel_loop3A_781, %parallel_loop3A_782], %parallel_loop3A_785 {strides = array<i32>} : memref<32x1024xf32, #tpu.memory_space<vmem>>, vector<1x16xf32>,
      } {sc.loop_unroll_factor = 16 : i64, sc.parallel_access}
    } {sc.loop_unroll_factor = 1 : i64, sc.parallel_access}
    %add3A_275 = arith.constant 320 : i32
    %add3A_276 = arith.addi %mul3A_2, %add3A_275 : i32
    %dma_start3A_277 = arith.constant 0 : i32
    %dma_start3A_278 = tpu.memref_slice %arg5[%add3A_276, %dma_start3A_277] : memref<32768x1024xf32, #tpu.memory_space<hbm>> -> memref<32x1024xf32, #tpu.memory_space<hbm>>
    %dma_start3A_279 = arith.constant 0 : i32
    %dma_start3A_280 = tpu.memref_slice %arg5[%add3A_276, %dma_start3A_279] : memref<32768x1024xf32, #tpu.memory_space<hbm>> -> memref<32x1024xf32, #tpu.memory_space<hbm>>
    tpu.enqueue_dma source(%arg9 : memref<32x1024xf32, #tpu.memory_space<vmem>>) target(%dma_start3A_280 : memref<32x1024xf32, #tpu.memory_space<hbm>>) target_semaphore(%arg15 : memref<!tpu.dma_semaphore, #tpu.memory_space<semaphore_mem>>)
    %dma_wait3A_281 = arith.constant 0 : i32
    %dma_wait3A_282 = tpu.memref_slice %arg5[%add3A_276, %dma_wait3A_281] : memref<32768x1024xf32, #tpu.memory_space<hbm>> -> memref<32x1024xf32, #tpu.memory_space<hbm>>
    %dma_wait3A_283 = arith.constant 0 : i32
    %dma_wait3A_284 = tpu.memref_slice %arg5[%add3A_276, %dma_wait3A_283] : memref<32768x1024xf32, #tpu.memory_space<hbm>> -> memref<32x1024xf32, #tpu.memory_space<hbm>>
    tpu.wait_dma2 semaphore(%arg15 : memref<!tpu.dma_semaphore, #tpu.memory_space<semaphore_mem>>) src(%arg9 : memref<32x1024xf32, #tpu.memory_space<vmem>>) dst(%dma_wait3A_284 : memref<32x1024xf32, #tpu.memory_space<hbm>>)
    %add3A_285 = arith.constant 416 : i32
    %add3A_286 = arith.addi %mul3A_2, %add3A_285 : i32
    %dma_start3A_287 = arith.constant 0 : i32
    %dma_start3A_288 = tpu.memref_slice %arg2[%add3A_286, %dma_start3A_287] : memref<32768x1024xf32, #tpu.memory_space<hbm>> -> memref<32x1024xf32, #tpu.memory_space<hbm>>
    %dma_start3A_289 = arith.constant 0 : i32
    %dma_start3A_290 = tpu.memref_slice %arg2[%add3A_286, %dma_start3A_289] : memref<32768x1024xf32, #tpu.memory_space<hbm>> -> memref<32x1024xf32, #tpu.memory_space<hbm>>
    tpu.enqueue_dma source(%dma_start3A_290 : memref<32x1024xf32, #tpu.memory_space<hbm>>) target(%arg9 : memref<32x1024xf32, #tpu.memory_space<vmem>>) target_semaphore(%arg12 : memref<!tpu.dma_semaphore, #tpu.memory_space<semaphore_mem>>)
    %dma_wait3A_291 = arith.constant 0 : i32
    %dma_wait3A_292 = tpu.memref_slice %arg2[%add3A_240, %dma_wait3A_291] : memref<32768x1024xf32, #tpu.memory_space<hbm>> -> memref<32x1024xf32, #tpu.memory_space<hbm>>
    %dma_wait3A_293 = arith.constant 0 : i32
    %dma_wait3A_294 = tpu.memref_slice %arg2[%add3A_240, %dma_wait3A_293] : memref<32768x1024xf32, #tpu.memory_space<hbm>> -> memref<32x1024xf32, #tpu.memory_space<hbm>>
    tpu.wait_dma2 semaphore(%arg13 : memref<!tpu.dma_semaphore, #tpu.memory_space<semaphore_mem>>) src(%dma_wait3A_294 : memref<32x1024xf32, #tpu.memory_space<hbm>>) dst(%arg10 : memref<32x1024xf32, #tpu.memory_space<vmem>>)
    %parallel_loop3A_295 = arith.constant 0 : i32
    %parallel_loop3A_296 = arith.constant 32 : i32
    %parallel_loop3A_297 = arith.constant 1 : i32
    scf.for %parallel_loop3A_756 = %parallel_loop3A_295 to %parallel_loop3A_296 step %parallel_loop3A_297  : i32 {
      %parallel_loop3A_757 = arith.constant 352 : i32
      %parallel_loop3A_758 = arith.addi %parallel_loop3A_757, %parallel_loop3A_756 : i32
      %parallel_loop3A_759 = arith.index_cast %parallel_loop3A_758 : i32 to index
      %parallel_loop3A_760 = tpu.vector_load %arg6[%parallel_loop3A_759] {strides = array<i32>} : memref<1040xi32, #tpu.memory_space<vmem>>, vector<16xi32>,
      %parallel_loop3A_761 = vector.shape_cast %parallel_loop3A_760 : vector<16xi32> to vector<16xi32>
      %parallel_loop3A_762 = vector.extract_strided_slice %parallel_loop3A_761 {offsets = [0], sizes = [1], strides = [1]} : vector<16xi32> to vector<1xi32>
      %parallel_loop3A_763 = vector.extract %parallel_loop3A_762[0] : i32 from vector<1xi32>
      %parallel_loop3A_764 = arith.constant 1024 : i32
      %parallel_loop3A_765 = arith.muli %parallel_loop3A_763, %parallel_loop3A_764 : i32
      %parallel_loop3A_766 = arith.constant 0 : i32
      %parallel_loop3A_767 = arith.constant 64 : i32
      %parallel_loop3A_768 = arith.constant 1 : i32
      scf.for %parallel_loop3A_769 = %parallel_loop3A_766 to %parallel_loop3A_767 step %parallel_loop3A_768  : i32 {
        %parallel_loop3A_770 = arith.constant 16 : i32
        %parallel_loop3A_771 = arith.muli %parallel_loop3A_769, %parallel_loop3A_770 : i32
        %parallel_loop3A_772 = arith.index_cast %parallel_loop3A_756 : i32 to index
        %parallel_loop3A_773 = arith.index_cast %parallel_loop3A_771 : i32 to index
        %parallel_loop3A_774 = tpu.vector_load %arg10[%parallel_loop3A_772, %parallel_loop3A_773] {strides = array<i32>} : memref<32x1024xf32, #tpu.memory_space<vmem>>, vector<1x16xf32>,
        %parallel_loop3A_775 = vector.shape_cast %parallel_loop3A_774 : vector<1x16xf32> to vector<16xf32>
        %parallel_loop3A_776 = arith.addi %parallel_loop3A_765, %parallel_loop3A_771 : i32
        %parallel_loop3A_777 = arith.index_cast %parallel_loop3A_776 : i32 to index
        %parallel_loop3A_778 = tpu.vector_load %arg7[%parallel_loop3A_777] {strides = array<i32>} : memref<16384xf32, #tpu.memory_space<vmem>>, vector<16xf32>,
        %parallel_loop3A_779 = vector.shape_cast %parallel_loop3A_778 : vector<16xf32> to vector<16xf32>
        %parallel_loop3A_780 = arith.addf %parallel_loop3A_775, %parallel_loop3A_779 : vector<16xf32>
        %parallel_loop3A_781 = arith.index_cast %parallel_loop3A_756 : i32 to index
        %parallel_loop3A_782 = arith.index_cast %parallel_loop3A_771 : i32 to index
        %parallel_loop3A_783 = tpu.vector_load %arg10[%parallel_loop3A_781, %parallel_loop3A_782] {strides = array<i32>} : memref<32x1024xf32, #tpu.memory_space<vmem>>, vector<1x16xf32>,
        %parallel_loop3A_784 = vector.shape_cast %parallel_loop3A_783 : vector<1x16xf32> to vector<16xf32>
        %parallel_loop3A_785 = vector.shape_cast %parallel_loop3A_780 : vector<16xf32> to vector<1x16xf32>
        tpu.vector_store %arg10[%parallel_loop3A_781, %parallel_loop3A_782], %parallel_loop3A_785 {strides = array<i32>} : memref<32x1024xf32, #tpu.memory_space<vmem>>, vector<1x16xf32>,
      } {sc.loop_unroll_factor = 16 : i64, sc.parallel_access}
    } {sc.loop_unroll_factor = 1 : i64, sc.parallel_access}
    %add3A_298 = arith.constant 352 : i32
    %add3A_299 = arith.addi %mul3A_2, %add3A_298 : i32
    %dma_start3A_300 = arith.constant 0 : i32
    %dma_start3A_301 = tpu.memref_slice %arg5[%add3A_299, %dma_start3A_300] : memref<32768x1024xf32, #tpu.memory_space<hbm>> -> memref<32x1024xf32, #tpu.memory_space<hbm>>
    %dma_start3A_302 = arith.constant 0 : i32
    %dma_start3A_303 = tpu.memref_slice %arg5[%add3A_299, %dma_start3A_302] : memref<32768x1024xf32, #tpu.memory_space<hbm>> -> memref<32x1024xf32, #tpu.memory_space<hbm>>
    tpu.enqueue_dma source(%arg10 : memref<32x1024xf32, #tpu.memory_space<vmem>>) target(%dma_start3A_303 : memref<32x1024xf32, #tpu.memory_space<hbm>>) target_semaphore(%arg16 : memref<!tpu.dma_semaphore, #tpu.memory_space<semaphore_mem>>)
    %dma_wait3A_304 = arith.constant 0 : i32
    %dma_wait3A_305 = tpu.memref_slice %arg5[%add3A_299, %dma_wait3A_304] : memref<32768x1024xf32, #tpu.memory_space<hbm>> -> memref<32x1024xf32, #tpu.memory_space<hbm>>
    %dma_wait3A_306 = arith.constant 0 : i32
    %dma_wait3A_307 = tpu.memref_slice %arg5[%add3A_299, %dma_wait3A_306] : memref<32768x1024xf32, #tpu.memory_space<hbm>> -> memref<32x1024xf32, #tpu.memory_space<hbm>>
    tpu.wait_dma2 semaphore(%arg16 : memref<!tpu.dma_semaphore, #tpu.memory_space<semaphore_mem>>) src(%arg10 : memref<32x1024xf32, #tpu.memory_space<vmem>>) dst(%dma_wait3A_307 : memref<32x1024xf32, #tpu.memory_space<hbm>>)
    %add3A_308 = arith.constant 448 : i32
    %add3A_309 = arith.addi %mul3A_2, %add3A_308 : i32
    %dma_start3A_310 = arith.constant 0 : i32
    %dma_start3A_311 = tpu.memref_slice %arg2[%add3A_309, %dma_start3A_310] : memref<32768x1024xf32, #tpu.memory_space<hbm>> -> memref<32x1024xf32, #tpu.memory_space<hbm>>
    %dma_start3A_312 = arith.constant 0 : i32
    %dma_start3A_313 = tpu.memref_slice %arg2[%add3A_309, %dma_start3A_312] : memref<32768x1024xf32, #tpu.memory_space<hbm>> -> memref<32x1024xf32, #tpu.memory_space<hbm>>
    tpu.enqueue_dma source(%dma_start3A_313 : memref<32x1024xf32, #tpu.memory_space<hbm>>) target(%arg10 : memref<32x1024xf32, #tpu.memory_space<vmem>>) target_semaphore(%arg13 : memref<!tpu.dma_semaphore, #tpu.memory_space<semaphore_mem>>)
    %dma_wait3A_314 = arith.constant 0 : i32
    %dma_wait3A_315 = tpu.memref_slice %arg2[%add3A_263, %dma_wait3A_314] : memref<32768x1024xf32, #tpu.memory_space<hbm>> -> memref<32x1024xf32, #tpu.memory_space<hbm>>
    %dma_wait3A_316 = arith.constant 0 : i32
    %dma_wait3A_317 = tpu.memref_slice %arg2[%add3A_263, %dma_wait3A_316] : memref<32768x1024xf32, #tpu.memory_space<hbm>> -> memref<32x1024xf32, #tpu.memory_space<hbm>>
    tpu.wait_dma2 semaphore(%arg11 : memref<!tpu.dma_semaphore, #tpu.memory_space<semaphore_mem>>) src(%dma_wait3A_317 : memref<32x1024xf32, #tpu.memory_space<hbm>>) dst(%arg8 : memref<32x1024xf32, #tpu.memory_space<vmem>>)
    %parallel_loop3A_318 = arith.constant 0 : i32
    %parallel_loop3A_319 = arith.constant 32 : i32
    %parallel_loop3A_320 = arith.constant 1 : i32
    scf.for %parallel_loop3A_756 = %parallel_loop3A_318 to %parallel_loop3A_319 step %parallel_loop3A_320  : i32 {
      %parallel_loop3A_757 = arith.constant 384 : i32
      %parallel_loop3A_758 = arith.addi %parallel_loop3A_757, %parallel_loop3A_756 : i32
      %parallel_loop3A_759 = arith.index_cast %parallel_loop3A_758 : i32 to index
      %parallel_loop3A_760 = tpu.vector_load %arg6[%parallel_loop3A_759] {strides = array<i32>} : memref<1040xi32, #tpu.memory_space<vmem>>, vector<16xi32>,
      %parallel_loop3A_761 = vector.shape_cast %parallel_loop3A_760 : vector<16xi32> to vector<16xi32>
      %parallel_loop3A_762 = vector.extract_strided_slice %parallel_loop3A_761 {offsets = [0], sizes = [1], strides = [1]} : vector<16xi32> to vector<1xi32>
      %parallel_loop3A_763 = vector.extract %parallel_loop3A_762[0] : i32 from vector<1xi32>
      %parallel_loop3A_764 = arith.constant 1024 : i32
      %parallel_loop3A_765 = arith.muli %parallel_loop3A_763, %parallel_loop3A_764 : i32
      %parallel_loop3A_766 = arith.constant 0 : i32
      %parallel_loop3A_767 = arith.constant 64 : i32
      %parallel_loop3A_768 = arith.constant 1 : i32
      scf.for %parallel_loop3A_769 = %parallel_loop3A_766 to %parallel_loop3A_767 step %parallel_loop3A_768  : i32 {
        %parallel_loop3A_770 = arith.constant 16 : i32
        %parallel_loop3A_771 = arith.muli %parallel_loop3A_769, %parallel_loop3A_770 : i32
        %parallel_loop3A_772 = arith.index_cast %parallel_loop3A_756 : i32 to index
        %parallel_loop3A_773 = arith.index_cast %parallel_loop3A_771 : i32 to index
        %parallel_loop3A_774 = tpu.vector_load %arg8[%parallel_loop3A_772, %parallel_loop3A_773] {strides = array<i32>} : memref<32x1024xf32, #tpu.memory_space<vmem>>, vector<1x16xf32>,
        %parallel_loop3A_775 = vector.shape_cast %parallel_loop3A_774 : vector<1x16xf32> to vector<16xf32>
        %parallel_loop3A_776 = arith.addi %parallel_loop3A_765, %parallel_loop3A_771 : i32
        %parallel_loop3A_777 = arith.index_cast %parallel_loop3A_776 : i32 to index
        %parallel_loop3A_778 = tpu.vector_load %arg7[%parallel_loop3A_777] {strides = array<i32>} : memref<16384xf32, #tpu.memory_space<vmem>>, vector<16xf32>,
        %parallel_loop3A_779 = vector.shape_cast %parallel_loop3A_778 : vector<16xf32> to vector<16xf32>
        %parallel_loop3A_780 = arith.addf %parallel_loop3A_775, %parallel_loop3A_779 : vector<16xf32>
        %parallel_loop3A_781 = arith.index_cast %parallel_loop3A_756 : i32 to index
        %parallel_loop3A_782 = arith.index_cast %parallel_loop3A_771 : i32 to index
        %parallel_loop3A_783 = tpu.vector_load %arg8[%parallel_loop3A_781, %parallel_loop3A_782] {strides = array<i32>} : memref<32x1024xf32, #tpu.memory_space<vmem>>, vector<1x16xf32>,
        %parallel_loop3A_784 = vector.shape_cast %parallel_loop3A_783 : vector<1x16xf32> to vector<16xf32>
        %parallel_loop3A_785 = vector.shape_cast %parallel_loop3A_780 : vector<16xf32> to vector<1x16xf32>
        tpu.vector_store %arg8[%parallel_loop3A_781, %parallel_loop3A_782], %parallel_loop3A_785 {strides = array<i32>} : memref<32x1024xf32, #tpu.memory_space<vmem>>, vector<1x16xf32>,
      } {sc.loop_unroll_factor = 16 : i64, sc.parallel_access}
    } {sc.loop_unroll_factor = 1 : i64, sc.parallel_access}
    %add3A_321 = arith.constant 384 : i32
    %add3A_322 = arith.addi %mul3A_2, %add3A_321 : i32
    %dma_start3A_323 = arith.constant 0 : i32
    %dma_start3A_324 = tpu.memref_slice %arg5[%add3A_322, %dma_start3A_323] : memref<32768x1024xf32, #tpu.memory_space<hbm>> -> memref<32x1024xf32, #tpu.memory_space<hbm>>
    %dma_start3A_325 = arith.constant 0 : i32
    %dma_start3A_326 = tpu.memref_slice %arg5[%add3A_322, %dma_start3A_325] : memref<32768x1024xf32, #tpu.memory_space<hbm>> -> memref<32x1024xf32, #tpu.memory_space<hbm>>
    tpu.enqueue_dma source(%arg8 : memref<32x1024xf32, #tpu.memory_space<vmem>>) target(%dma_start3A_326 : memref<32x1024xf32, #tpu.memory_space<hbm>>) target_semaphore(%arg14 : memref<!tpu.dma_semaphore, #tpu.memory_space<semaphore_mem>>)
    %dma_wait3A_327 = arith.constant 0 : i32
    %dma_wait3A_328 = tpu.memref_slice %arg5[%add3A_322, %dma_wait3A_327] : memref<32768x1024xf32, #tpu.memory_space<hbm>> -> memref<32x1024xf32, #tpu.memory_space<hbm>>
    %dma_wait3A_329 = arith.constant 0 : i32
    %dma_wait3A_330 = tpu.memref_slice %arg5[%add3A_322, %dma_wait3A_329] : memref<32768x1024xf32, #tpu.memory_space<hbm>> -> memref<32x1024xf32, #tpu.memory_space<hbm>>
    tpu.wait_dma2 semaphore(%arg14 : memref<!tpu.dma_semaphore, #tpu.memory_space<semaphore_mem>>) src(%arg8 : memref<32x1024xf32, #tpu.memory_space<vmem>>) dst(%dma_wait3A_330 : memref<32x1024xf32, #tpu.memory_space<hbm>>)
    %add3A_331 = arith.constant 480 : i32
    %add3A_332 = arith.addi %mul3A_2, %add3A_331 : i32
    %dma_start3A_333 = arith.constant 0 : i32
    %dma_start3A_334 = tpu.memref_slice %arg2[%add3A_332, %dma_start3A_333] : memref<32768x1024xf32, #tpu.memory_space<hbm>> -> memref<32x1024xf32, #tpu.memory_space<hbm>>
    %dma_start3A_335 = arith.constant 0 : i32
    %dma_start3A_336 = tpu.memref_slice %arg2[%add3A_332, %dma_start3A_335] : memref<32768x1024xf32, #tpu.memory_space<hbm>> -> memref<32x1024xf32, #tpu.memory_space<hbm>>
    tpu.enqueue_dma source(%dma_start3A_336 : memref<32x1024xf32, #tpu.memory_space<hbm>>) target(%arg8 : memref<32x1024xf32, #tpu.memory_space<vmem>>) target_semaphore(%arg11 : memref<!tpu.dma_semaphore, #tpu.memory_space<semaphore_mem>>)
    %dma_wait3A_337 = arith.constant 0 : i32
    %dma_wait3A_338 = tpu.memref_slice %arg2[%add3A_286, %dma_wait3A_337] : memref<32768x1024xf32, #tpu.memory_space<hbm>> -> memref<32x1024xf32, #tpu.memory_space<hbm>>
    %dma_wait3A_339 = arith.constant 0 : i32
    %dma_wait3A_340 = tpu.memref_slice %arg2[%add3A_286, %dma_wait3A_339] : memref<32768x1024xf32, #tpu.memory_space<hbm>> -> memref<32x1024xf32, #tpu.memory_space<hbm>>
    tpu.wait_dma2 semaphore(%arg12 : memref<!tpu.dma_semaphore, #tpu.memory_space<semaphore_mem>>) src(%dma_wait3A_340 : memref<32x1024xf32, #tpu.memory_space<hbm>>) dst(%arg9 : memref<32x1024xf32, #tpu.memory_space<vmem>>)
    %parallel_loop3A_341 = arith.constant 0 : i32
    %parallel_loop3A_342 = arith.constant 32 : i32
    %parallel_loop3A_343 = arith.constant 1 : i32
    scf.for %parallel_loop3A_756 = %parallel_loop3A_341 to %parallel_loop3A_342 step %parallel_loop3A_343  : i32 {
      %parallel_loop3A_757 = arith.constant 416 : i32
      %parallel_loop3A_758 = arith.addi %parallel_loop3A_757, %parallel_loop3A_756 : i32
      %parallel_loop3A_759 = arith.index_cast %parallel_loop3A_758 : i32 to index
      %parallel_loop3A_760 = tpu.vector_load %arg6[%parallel_loop3A_759] {strides = array<i32>} : memref<1040xi32, #tpu.memory_space<vmem>>, vector<16xi32>,
      %parallel_loop3A_761 = vector.shape_cast %parallel_loop3A_760 : vector<16xi32> to vector<16xi32>
      %parallel_loop3A_762 = vector.extract_strided_slice %parallel_loop3A_761 {offsets = [0], sizes = [1], strides = [1]} : vector<16xi32> to vector<1xi32>
      %parallel_loop3A_763 = vector.extract %parallel_loop3A_762[0] : i32 from vector<1xi32>
      %parallel_loop3A_764 = arith.constant 1024 : i32
      %parallel_loop3A_765 = arith.muli %parallel_loop3A_763, %parallel_loop3A_764 : i32
      %parallel_loop3A_766 = arith.constant 0 : i32
      %parallel_loop3A_767 = arith.constant 64 : i32
      %parallel_loop3A_768 = arith.constant 1 : i32
      scf.for %parallel_loop3A_769 = %parallel_loop3A_766 to %parallel_loop3A_767 step %parallel_loop3A_768  : i32 {
        %parallel_loop3A_770 = arith.constant 16 : i32
        %parallel_loop3A_771 = arith.muli %parallel_loop3A_769, %parallel_loop3A_770 : i32
        %parallel_loop3A_772 = arith.index_cast %parallel_loop3A_756 : i32 to index
        %parallel_loop3A_773 = arith.index_cast %parallel_loop3A_771 : i32 to index
        %parallel_loop3A_774 = tpu.vector_load %arg9[%parallel_loop3A_772, %parallel_loop3A_773] {strides = array<i32>} : memref<32x1024xf32, #tpu.memory_space<vmem>>, vector<1x16xf32>,
        %parallel_loop3A_775 = vector.shape_cast %parallel_loop3A_774 : vector<1x16xf32> to vector<16xf32>
        %parallel_loop3A_776 = arith.addi %parallel_loop3A_765, %parallel_loop3A_771 : i32
        %parallel_loop3A_777 = arith.index_cast %parallel_loop3A_776 : i32 to index
        %parallel_loop3A_778 = tpu.vector_load %arg7[%parallel_loop3A_777] {strides = array<i32>} : memref<16384xf32, #tpu.memory_space<vmem>>, vector<16xf32>,
        %parallel_loop3A_779 = vector.shape_cast %parallel_loop3A_778 : vector<16xf32> to vector<16xf32>
        %parallel_loop3A_780 = arith.addf %parallel_loop3A_775, %parallel_loop3A_779 : vector<16xf32>
        %parallel_loop3A_781 = arith.index_cast %parallel_loop3A_756 : i32 to index
        %parallel_loop3A_782 = arith.index_cast %parallel_loop3A_771 : i32 to index
        %parallel_loop3A_783 = tpu.vector_load %arg9[%parallel_loop3A_781, %parallel_loop3A_782] {strides = array<i32>} : memref<32x1024xf32, #tpu.memory_space<vmem>>, vector<1x16xf32>,
        %parallel_loop3A_784 = vector.shape_cast %parallel_loop3A_783 : vector<1x16xf32> to vector<16xf32>
        %parallel_loop3A_785 = vector.shape_cast %parallel_loop3A_780 : vector<16xf32> to vector<1x16xf32>
        tpu.vector_store %arg9[%parallel_loop3A_781, %parallel_loop3A_782], %parallel_loop3A_785 {strides = array<i32>} : memref<32x1024xf32, #tpu.memory_space<vmem>>, vector<1x16xf32>,
      } {sc.loop_unroll_factor = 16 : i64, sc.parallel_access}
    } {sc.loop_unroll_factor = 1 : i64, sc.parallel_access}
    %add3A_344 = arith.constant 416 : i32
    %add3A_345 = arith.addi %mul3A_2, %add3A_344 : i32
    %dma_start3A_346 = arith.constant 0 : i32
    %dma_start3A_347 = tpu.memref_slice %arg5[%add3A_345, %dma_start3A_346] : memref<32768x1024xf32, #tpu.memory_space<hbm>> -> memref<32x1024xf32, #tpu.memory_space<hbm>>
    %dma_start3A_348 = arith.constant 0 : i32
    %dma_start3A_349 = tpu.memref_slice %arg5[%add3A_345, %dma_start3A_348] : memref<32768x1024xf32, #tpu.memory_space<hbm>> -> memref<32x1024xf32, #tpu.memory_space<hbm>>
    tpu.enqueue_dma source(%arg9 : memref<32x1024xf32, #tpu.memory_space<vmem>>) target(%dma_start3A_349 : memref<32x1024xf32, #tpu.memory_space<hbm>>) target_semaphore(%arg15 : memref<!tpu.dma_semaphore, #tpu.memory_space<semaphore_mem>>)
    %dma_wait3A_350 = arith.constant 0 : i32
    %dma_wait3A_351 = tpu.memref_slice %arg5[%add3A_345, %dma_wait3A_350] : memref<32768x1024xf32, #tpu.memory_space<hbm>> -> memref<32x1024xf32, #tpu.memory_space<hbm>>
    %dma_wait3A_352 = arith.constant 0 : i32
    %dma_wait3A_353 = tpu.memref_slice %arg5[%add3A_345, %dma_wait3A_352] : memref<32768x1024xf32, #tpu.memory_space<hbm>> -> memref<32x1024xf32, #tpu.memory_space<hbm>>
    tpu.wait_dma2 semaphore(%arg15 : memref<!tpu.dma_semaphore, #tpu.memory_space<semaphore_mem>>) src(%arg9 : memref<32x1024xf32, #tpu.memory_space<vmem>>) dst(%dma_wait3A_353 : memref<32x1024xf32, #tpu.memory_space<hbm>>)
    %add3A_354 = arith.constant 512 : i32
    %add3A_355 = arith.addi %mul3A_2, %add3A_354 : i32
    %dma_start3A_356 = arith.constant 0 : i32
    %dma_start3A_357 = tpu.memref_slice %arg2[%add3A_355, %dma_start3A_356] : memref<32768x1024xf32, #tpu.memory_space<hbm>> -> memref<32x1024xf32, #tpu.memory_space<hbm>>
    %dma_start3A_358 = arith.constant 0 : i32
    %dma_start3A_359 = tpu.memref_slice %arg2[%add3A_355, %dma_start3A_358] : memref<32768x1024xf32, #tpu.memory_space<hbm>> -> memref<32x1024xf32, #tpu.memory_space<hbm>>
    tpu.enqueue_dma source(%dma_start3A_359 : memref<32x1024xf32, #tpu.memory_space<hbm>>) target(%arg9 : memref<32x1024xf32, #tpu.memory_space<vmem>>) target_semaphore(%arg12 : memref<!tpu.dma_semaphore, #tpu.memory_space<semaphore_mem>>)
    %dma_wait3A_360 = arith.constant 0 : i32
    %dma_wait3A_361 = tpu.memref_slice %arg2[%add3A_309, %dma_wait3A_360] : memref<32768x1024xf32, #tpu.memory_space<hbm>> -> memref<32x1024xf32, #tpu.memory_space<hbm>>
    %dma_wait3A_362 = arith.constant 0 : i32
    %dma_wait3A_363 = tpu.memref_slice %arg2[%add3A_309, %dma_wait3A_362] : memref<32768x1024xf32, #tpu.memory_space<hbm>> -> memref<32x1024xf32, #tpu.memory_space<hbm>>
    tpu.wait_dma2 semaphore(%arg13 : memref<!tpu.dma_semaphore, #tpu.memory_space<semaphore_mem>>) src(%dma_wait3A_363 : memref<32x1024xf32, #tpu.memory_space<hbm>>) dst(%arg10 : memref<32x1024xf32, #tpu.memory_space<vmem>>)
    %parallel_loop3A_364 = arith.constant 0 : i32
    %parallel_loop3A_365 = arith.constant 32 : i32
    %parallel_loop3A_366 = arith.constant 1 : i32
    scf.for %parallel_loop3A_756 = %parallel_loop3A_364 to %parallel_loop3A_365 step %parallel_loop3A_366  : i32 {
      %parallel_loop3A_757 = arith.constant 448 : i32
      %parallel_loop3A_758 = arith.addi %parallel_loop3A_757, %parallel_loop3A_756 : i32
      %parallel_loop3A_759 = arith.index_cast %parallel_loop3A_758 : i32 to index
      %parallel_loop3A_760 = tpu.vector_load %arg6[%parallel_loop3A_759] {strides = array<i32>} : memref<1040xi32, #tpu.memory_space<vmem>>, vector<16xi32>,
      %parallel_loop3A_761 = vector.shape_cast %parallel_loop3A_760 : vector<16xi32> to vector<16xi32>
      %parallel_loop3A_762 = vector.extract_strided_slice %parallel_loop3A_761 {offsets = [0], sizes = [1], strides = [1]} : vector<16xi32> to vector<1xi32>
      %parallel_loop3A_763 = vector.extract %parallel_loop3A_762[0] : i32 from vector<1xi32>
      %parallel_loop3A_764 = arith.constant 1024 : i32
      %parallel_loop3A_765 = arith.muli %parallel_loop3A_763, %parallel_loop3A_764 : i32
      %parallel_loop3A_766 = arith.constant 0 : i32
      %parallel_loop3A_767 = arith.constant 64 : i32
      %parallel_loop3A_768 = arith.constant 1 : i32
      scf.for %parallel_loop3A_769 = %parallel_loop3A_766 to %parallel_loop3A_767 step %parallel_loop3A_768  : i32 {
        %parallel_loop3A_770 = arith.constant 16 : i32
        %parallel_loop3A_771 = arith.muli %parallel_loop3A_769, %parallel_loop3A_770 : i32
        %parallel_loop3A_772 = arith.index_cast %parallel_loop3A_756 : i32 to index
        %parallel_loop3A_773 = arith.index_cast %parallel_loop3A_771 : i32 to index
        %parallel_loop3A_774 = tpu.vector_load %arg10[%parallel_loop3A_772, %parallel_loop3A_773] {strides = array<i32>} : memref<32x1024xf32, #tpu.memory_space<vmem>>, vector<1x16xf32>,
        %parallel_loop3A_775 = vector.shape_cast %parallel_loop3A_774 : vector<1x16xf32> to vector<16xf32>
        %parallel_loop3A_776 = arith.addi %parallel_loop3A_765, %parallel_loop3A_771 : i32
        %parallel_loop3A_777 = arith.index_cast %parallel_loop3A_776 : i32 to index
        %parallel_loop3A_778 = tpu.vector_load %arg7[%parallel_loop3A_777] {strides = array<i32>} : memref<16384xf32, #tpu.memory_space<vmem>>, vector<16xf32>,
        %parallel_loop3A_779 = vector.shape_cast %parallel_loop3A_778 : vector<16xf32> to vector<16xf32>
        %parallel_loop3A_780 = arith.addf %parallel_loop3A_775, %parallel_loop3A_779 : vector<16xf32>
        %parallel_loop3A_781 = arith.index_cast %parallel_loop3A_756 : i32 to index
        %parallel_loop3A_782 = arith.index_cast %parallel_loop3A_771 : i32 to index
        %parallel_loop3A_783 = tpu.vector_load %arg10[%parallel_loop3A_781, %parallel_loop3A_782] {strides = array<i32>} : memref<32x1024xf32, #tpu.memory_space<vmem>>, vector<1x16xf32>,
        %parallel_loop3A_784 = vector.shape_cast %parallel_loop3A_783 : vector<1x16xf32> to vector<16xf32>
        %parallel_loop3A_785 = vector.shape_cast %parallel_loop3A_780 : vector<16xf32> to vector<1x16xf32>
        tpu.vector_store %arg10[%parallel_loop3A_781, %parallel_loop3A_782], %parallel_loop3A_785 {strides = array<i32>} : memref<32x1024xf32, #tpu.memory_space<vmem>>, vector<1x16xf32>,
      } {sc.loop_unroll_factor = 16 : i64, sc.parallel_access}
    } {sc.loop_unroll_factor = 1 : i64, sc.parallel_access}
    %add3A_367 = arith.constant 448 : i32
    %add3A_368 = arith.addi %mul3A_2, %add3A_367 : i32
    %dma_start3A_369 = arith.constant 0 : i32
    %dma_start3A_370 = tpu.memref_slice %arg5[%add3A_368, %dma_start3A_369] : memref<32768x1024xf32, #tpu.memory_space<hbm>> -> memref<32x1024xf32, #tpu.memory_space<hbm>>
    %dma_start3A_371 = arith.constant 0 : i32
    %dma_start3A_372 = tpu.memref_slice %arg5[%add3A_368, %dma_start3A_371] : memref<32768x1024xf32, #tpu.memory_space<hbm>> -> memref<32x1024xf32, #tpu.memory_space<hbm>>
    tpu.enqueue_dma source(%arg10 : memref<32x1024xf32, #tpu.memory_space<vmem>>) target(%dma_start3A_372 : memref<32x1024xf32, #tpu.memory_space<hbm>>) target_semaphore(%arg16 : memref<!tpu.dma_semaphore, #tpu.memory_space<semaphore_mem>>)
    %dma_wait3A_373 = arith.constant 0 : i32
    %dma_wait3A_374 = tpu.memref_slice %arg5[%add3A_368, %dma_wait3A_373] : memref<32768x1024xf32, #tpu.memory_space<hbm>> -> memref<32x1024xf32, #tpu.memory_space<hbm>>
    %dma_wait3A_375 = arith.constant 0 : i32
    %dma_wait3A_376 = tpu.memref_slice %arg5[%add3A_368, %dma_wait3A_375] : memref<32768x1024xf32, #tpu.memory_space<hbm>> -> memref<32x1024xf32, #tpu.memory_space<hbm>>
    tpu.wait_dma2 semaphore(%arg16 : memref<!tpu.dma_semaphore, #tpu.memory_space<semaphore_mem>>) src(%arg10 : memref<32x1024xf32, #tpu.memory_space<vmem>>) dst(%dma_wait3A_376 : memref<32x1024xf32, #tpu.memory_space<hbm>>)
    %add3A_377 = arith.constant 544 : i32
    %add3A_378 = arith.addi %mul3A_2, %add3A_377 : i32
    %dma_start3A_379 = arith.constant 0 : i32
    %dma_start3A_380 = tpu.memref_slice %arg2[%add3A_378, %dma_start3A_379] : memref<32768x1024xf32, #tpu.memory_space<hbm>> -> memref<32x1024xf32, #tpu.memory_space<hbm>>
    %dma_start3A_381 = arith.constant 0 : i32
    %dma_start3A_382 = tpu.memref_slice %arg2[%add3A_378, %dma_start3A_381] : memref<32768x1024xf32, #tpu.memory_space<hbm>> -> memref<32x1024xf32, #tpu.memory_space<hbm>>
    tpu.enqueue_dma source(%dma_start3A_382 : memref<32x1024xf32, #tpu.memory_space<hbm>>) target(%arg10 : memref<32x1024xf32, #tpu.memory_space<vmem>>) target_semaphore(%arg13 : memref<!tpu.dma_semaphore, #tpu.memory_space<semaphore_mem>>)
    %dma_wait3A_383 = arith.constant 0 : i32
    %dma_wait3A_384 = tpu.memref_slice %arg2[%add3A_332, %dma_wait3A_383] : memref<32768x1024xf32, #tpu.memory_space<hbm>> -> memref<32x1024xf32, #tpu.memory_space<hbm>>
    %dma_wait3A_385 = arith.constant 0 : i32
    %dma_wait3A_386 = tpu.memref_slice %arg2[%add3A_332, %dma_wait3A_385] : memref<32768x1024xf32, #tpu.memory_space<hbm>> -> memref<32x1024xf32, #tpu.memory_space<hbm>>
    tpu.wait_dma2 semaphore(%arg11 : memref<!tpu.dma_semaphore, #tpu.memory_space<semaphore_mem>>) src(%dma_wait3A_386 : memref<32x1024xf32, #tpu.memory_space<hbm>>) dst(%arg8 : memref<32x1024xf32, #tpu.memory_space<vmem>>)
    %parallel_loop3A_387 = arith.constant 0 : i32
    %parallel_loop3A_388 = arith.constant 32 : i32
    %parallel_loop3A_389 = arith.constant 1 : i32
    scf.for %parallel_loop3A_756 = %parallel_loop3A_387 to %parallel_loop3A_388 step %parallel_loop3A_389  : i32 {
      %parallel_loop3A_757 = arith.constant 480 : i32
      %parallel_loop3A_758 = arith.addi %parallel_loop3A_757, %parallel_loop3A_756 : i32
      %parallel_loop3A_759 = arith.index_cast %parallel_loop3A_758 : i32 to index
      %parallel_loop3A_760 = tpu.vector_load %arg6[%parallel_loop3A_759] {strides = array<i32>} : memref<1040xi32, #tpu.memory_space<vmem>>, vector<16xi32>,
      %parallel_loop3A_761 = vector.shape_cast %parallel_loop3A_760 : vector<16xi32> to vector<16xi32>
      %parallel_loop3A_762 = vector.extract_strided_slice %parallel_loop3A_761 {offsets = [0], sizes = [1], strides = [1]} : vector<16xi32> to vector<1xi32>
      %parallel_loop3A_763 = vector.extract %parallel_loop3A_762[0] : i32 from vector<1xi32>
      %parallel_loop3A_764 = arith.constant 1024 : i32
      %parallel_loop3A_765 = arith.muli %parallel_loop3A_763, %parallel_loop3A_764 : i32
      %parallel_loop3A_766 = arith.constant 0 : i32
      %parallel_loop3A_767 = arith.constant 64 : i32
      %parallel_loop3A_768 = arith.constant 1 : i32
      scf.for %parallel_loop3A_769 = %parallel_loop3A_766 to %parallel_loop3A_767 step %parallel_loop3A_768  : i32 {
        %parallel_loop3A_770 = arith.constant 16 : i32
        %parallel_loop3A_771 = arith.muli %parallel_loop3A_769, %parallel_loop3A_770 : i32
        %parallel_loop3A_772 = arith.index_cast %parallel_loop3A_756 : i32 to index
        %parallel_loop3A_773 = arith.index_cast %parallel_loop3A_771 : i32 to index
        %parallel_loop3A_774 = tpu.vector_load %arg8[%parallel_loop3A_772, %parallel_loop3A_773] {strides = array<i32>} : memref<32x1024xf32, #tpu.memory_space<vmem>>, vector<1x16xf32>,
        %parallel_loop3A_775 = vector.shape_cast %parallel_loop3A_774 : vector<1x16xf32> to vector<16xf32>
        %parallel_loop3A_776 = arith.addi %parallel_loop3A_765, %parallel_loop3A_771 : i32
        %parallel_loop3A_777 = arith.index_cast %parallel_loop3A_776 : i32 to index
        %parallel_loop3A_778 = tpu.vector_load %arg7[%parallel_loop3A_777] {strides = array<i32>} : memref<16384xf32, #tpu.memory_space<vmem>>, vector<16xf32>,
        %parallel_loop3A_779 = vector.shape_cast %parallel_loop3A_778 : vector<16xf32> to vector<16xf32>
        %parallel_loop3A_780 = arith.addf %parallel_loop3A_775, %parallel_loop3A_779 : vector<16xf32>
        %parallel_loop3A_781 = arith.index_cast %parallel_loop3A_756 : i32 to index
        %parallel_loop3A_782 = arith.index_cast %parallel_loop3A_771 : i32 to index
        %parallel_loop3A_783 = tpu.vector_load %arg8[%parallel_loop3A_781, %parallel_loop3A_782] {strides = array<i32>} : memref<32x1024xf32, #tpu.memory_space<vmem>>, vector<1x16xf32>,
        %parallel_loop3A_784 = vector.shape_cast %parallel_loop3A_783 : vector<1x16xf32> to vector<16xf32>
        %parallel_loop3A_785 = vector.shape_cast %parallel_loop3A_780 : vector<16xf32> to vector<1x16xf32>
        tpu.vector_store %arg8[%parallel_loop3A_781, %parallel_loop3A_782], %parallel_loop3A_785 {strides = array<i32>} : memref<32x1024xf32, #tpu.memory_space<vmem>>, vector<1x16xf32>,
      } {sc.loop_unroll_factor = 16 : i64, sc.parallel_access}
    } {sc.loop_unroll_factor = 1 : i64, sc.parallel_access}
    %add3A_390 = arith.constant 480 : i32
    %add3A_391 = arith.addi %mul3A_2, %add3A_390 : i32
    %dma_start3A_392 = arith.constant 0 : i32
    %dma_start3A_393 = tpu.memref_slice %arg5[%add3A_391, %dma_start3A_392] : memref<32768x1024xf32, #tpu.memory_space<hbm>> -> memref<32x1024xf32, #tpu.memory_space<hbm>>
    %dma_start3A_394 = arith.constant 0 : i32
    %dma_start3A_395 = tpu.memref_slice %arg5[%add3A_391, %dma_start3A_394] : memref<32768x1024xf32, #tpu.memory_space<hbm>> -> memref<32x1024xf32, #tpu.memory_space<hbm>>
    tpu.enqueue_dma source(%arg8 : memref<32x1024xf32, #tpu.memory_space<vmem>>) target(%dma_start3A_395 : memref<32x1024xf32, #tpu.memory_space<hbm>>) target_semaphore(%arg14 : memref<!tpu.dma_semaphore, #tpu.memory_space<semaphore_mem>>)
    %dma_wait3A_396 = arith.constant 0 : i32
    %dma_wait3A_397 = tpu.memref_slice %arg5[%add3A_391, %dma_wait3A_396] : memref<32768x1024xf32, #tpu.memory_space<hbm>> -> memref<32x1024xf32, #tpu.memory_space<hbm>>
    %dma_wait3A_398 = arith.constant 0 : i32
    %dma_wait3A_399 = tpu.memref_slice %arg5[%add3A_391, %dma_wait3A_398] : memref<32768x1024xf32, #tpu.memory_space<hbm>> -> memref<32x1024xf32, #tpu.memory_space<hbm>>
    tpu.wait_dma2 semaphore(%arg14 : memref<!tpu.dma_semaphore, #tpu.memory_space<semaphore_mem>>) src(%arg8 : memref<32x1024xf32, #tpu.memory_space<vmem>>) dst(%dma_wait3A_399 : memref<32x1024xf32, #tpu.memory_space<hbm>>)
    %add3A_400 = arith.constant 576 : i32
    %add3A_401 = arith.addi %mul3A_2, %add3A_400 : i32
    %dma_start3A_402 = arith.constant 0 : i32
    %dma_start3A_403 = tpu.memref_slice %arg2[%add3A_401, %dma_start3A_402] : memref<32768x1024xf32, #tpu.memory_space<hbm>> -> memref<32x1024xf32, #tpu.memory_space<hbm>>
    %dma_start3A_404 = arith.constant 0 : i32
    %dma_start3A_405 = tpu.memref_slice %arg2[%add3A_401, %dma_start3A_404] : memref<32768x1024xf32, #tpu.memory_space<hbm>> -> memref<32x1024xf32, #tpu.memory_space<hbm>>
    tpu.enqueue_dma source(%dma_start3A_405 : memref<32x1024xf32, #tpu.memory_space<hbm>>) target(%arg8 : memref<32x1024xf32, #tpu.memory_space<vmem>>) target_semaphore(%arg11 : memref<!tpu.dma_semaphore, #tpu.memory_space<semaphore_mem>>)
    %dma_wait3A_406 = arith.constant 0 : i32
    %dma_wait3A_407 = tpu.memref_slice %arg2[%add3A_355, %dma_wait3A_406] : memref<32768x1024xf32, #tpu.memory_space<hbm>> -> memref<32x1024xf32, #tpu.memory_space<hbm>>
    %dma_wait3A_408 = arith.constant 0 : i32
    %dma_wait3A_409 = tpu.memref_slice %arg2[%add3A_355, %dma_wait3A_408] : memref<32768x1024xf32, #tpu.memory_space<hbm>> -> memref<32x1024xf32, #tpu.memory_space<hbm>>
    tpu.wait_dma2 semaphore(%arg12 : memref<!tpu.dma_semaphore, #tpu.memory_space<semaphore_mem>>) src(%dma_wait3A_409 : memref<32x1024xf32, #tpu.memory_space<hbm>>) dst(%arg9 : memref<32x1024xf32, #tpu.memory_space<vmem>>)
    %parallel_loop3A_410 = arith.constant 0 : i32
    %parallel_loop3A_411 = arith.constant 32 : i32
    %parallel_loop3A_412 = arith.constant 1 : i32
    scf.for %parallel_loop3A_756 = %parallel_loop3A_410 to %parallel_loop3A_411 step %parallel_loop3A_412  : i32 {
      %parallel_loop3A_757 = arith.constant 512 : i32
      %parallel_loop3A_758 = arith.addi %parallel_loop3A_757, %parallel_loop3A_756 : i32
      %parallel_loop3A_759 = arith.index_cast %parallel_loop3A_758 : i32 to index
      %parallel_loop3A_760 = tpu.vector_load %arg6[%parallel_loop3A_759] {strides = array<i32>} : memref<1040xi32, #tpu.memory_space<vmem>>, vector<16xi32>,
      %parallel_loop3A_761 = vector.shape_cast %parallel_loop3A_760 : vector<16xi32> to vector<16xi32>
      %parallel_loop3A_762 = vector.extract_strided_slice %parallel_loop3A_761 {offsets = [0], sizes = [1], strides = [1]} : vector<16xi32> to vector<1xi32>
      %parallel_loop3A_763 = vector.extract %parallel_loop3A_762[0] : i32 from vector<1xi32>
      %parallel_loop3A_764 = arith.constant 1024 : i32
      %parallel_loop3A_765 = arith.muli %parallel_loop3A_763, %parallel_loop3A_764 : i32
      %parallel_loop3A_766 = arith.constant 0 : i32
      %parallel_loop3A_767 = arith.constant 64 : i32
      %parallel_loop3A_768 = arith.constant 1 : i32
      scf.for %parallel_loop3A_769 = %parallel_loop3A_766 to %parallel_loop3A_767 step %parallel_loop3A_768  : i32 {
        %parallel_loop3A_770 = arith.constant 16 : i32
        %parallel_loop3A_771 = arith.muli %parallel_loop3A_769, %parallel_loop3A_770 : i32
        %parallel_loop3A_772 = arith.index_cast %parallel_loop3A_756 : i32 to index
        %parallel_loop3A_773 = arith.index_cast %parallel_loop3A_771 : i32 to index
        %parallel_loop3A_774 = tpu.vector_load %arg9[%parallel_loop3A_772, %parallel_loop3A_773] {strides = array<i32>} : memref<32x1024xf32, #tpu.memory_space<vmem>>, vector<1x16xf32>,
        %parallel_loop3A_775 = vector.shape_cast %parallel_loop3A_774 : vector<1x16xf32> to vector<16xf32>
        %parallel_loop3A_776 = arith.addi %parallel_loop3A_765, %parallel_loop3A_771 : i32
        %parallel_loop3A_777 = arith.index_cast %parallel_loop3A_776 : i32 to index
        %parallel_loop3A_778 = tpu.vector_load %arg7[%parallel_loop3A_777] {strides = array<i32>} : memref<16384xf32, #tpu.memory_space<vmem>>, vector<16xf32>,
        %parallel_loop3A_779 = vector.shape_cast %parallel_loop3A_778 : vector<16xf32> to vector<16xf32>
        %parallel_loop3A_780 = arith.addf %parallel_loop3A_775, %parallel_loop3A_779 : vector<16xf32>
        %parallel_loop3A_781 = arith.index_cast %parallel_loop3A_756 : i32 to index
        %parallel_loop3A_782 = arith.index_cast %parallel_loop3A_771 : i32 to index
        %parallel_loop3A_783 = tpu.vector_load %arg9[%parallel_loop3A_781, %parallel_loop3A_782] {strides = array<i32>} : memref<32x1024xf32, #tpu.memory_space<vmem>>, vector<1x16xf32>,
        %parallel_loop3A_784 = vector.shape_cast %parallel_loop3A_783 : vector<1x16xf32> to vector<16xf32>
        %parallel_loop3A_785 = vector.shape_cast %parallel_loop3A_780 : vector<16xf32> to vector<1x16xf32>
        tpu.vector_store %arg9[%parallel_loop3A_781, %parallel_loop3A_782], %parallel_loop3A_785 {strides = array<i32>} : memref<32x1024xf32, #tpu.memory_space<vmem>>, vector<1x16xf32>,
      } {sc.loop_unroll_factor = 16 : i64, sc.parallel_access}
    } {sc.loop_unroll_factor = 1 : i64, sc.parallel_access}
    %add3A_413 = arith.constant 512 : i32
    %add3A_414 = arith.addi %mul3A_2, %add3A_413 : i32
    %dma_start3A_415 = arith.constant 0 : i32
    %dma_start3A_416 = tpu.memref_slice %arg5[%add3A_414, %dma_start3A_415] : memref<32768x1024xf32, #tpu.memory_space<hbm>> -> memref<32x1024xf32, #tpu.memory_space<hbm>>
    %dma_start3A_417 = arith.constant 0 : i32
    %dma_start3A_418 = tpu.memref_slice %arg5[%add3A_414, %dma_start3A_417] : memref<32768x1024xf32, #tpu.memory_space<hbm>> -> memref<32x1024xf32, #tpu.memory_space<hbm>>
    tpu.enqueue_dma source(%arg9 : memref<32x1024xf32, #tpu.memory_space<vmem>>) target(%dma_start3A_418 : memref<32x1024xf32, #tpu.memory_space<hbm>>) target_semaphore(%arg15 : memref<!tpu.dma_semaphore, #tpu.memory_space<semaphore_mem>>)
    %dma_wait3A_419 = arith.constant 0 : i32
    %dma_wait3A_420 = tpu.memref_slice %arg5[%add3A_414, %dma_wait3A_419] : memref<32768x1024xf32, #tpu.memory_space<hbm>> -> memref<32x1024xf32, #tpu.memory_space<hbm>>
    %dma_wait3A_421 = arith.constant 0 : i32
    %dma_wait3A_422 = tpu.memref_slice %arg5[%add3A_414, %dma_wait3A_421] : memref<32768x1024xf32, #tpu.memory_space<hbm>> -> memref<32x1024xf32, #tpu.memory_space<hbm>>
    tpu.wait_dma2 semaphore(%arg15 : memref<!tpu.dma_semaphore, #tpu.memory_space<semaphore_mem>>) src(%arg9 : memref<32x1024xf32, #tpu.memory_space<vmem>>) dst(%dma_wait3A_422 : memref<32x1024xf32, #tpu.memory_space<hbm>>)
    %add3A_423 = arith.constant 608 : i32
    %add3A_424 = arith.addi %mul3A_2, %add3A_423 : i32
    %dma_start3A_425 = arith.constant 0 : i32
    %dma_start3A_426 = tpu.memref_slice %arg2[%add3A_424, %dma_start3A_425] : memref<32768x1024xf32, #tpu.memory_space<hbm>> -> memref<32x1024xf32, #tpu.memory_space<hbm>>
    %dma_start3A_427 = arith.constant 0 : i32
    %dma_start3A_428 = tpu.memref_slice %arg2[%add3A_424, %dma_start3A_427] : memref<32768x1024xf32, #tpu.memory_space<hbm>> -> memref<32x1024xf32, #tpu.memory_space<hbm>>
    tpu.enqueue_dma source(%dma_start3A_428 : memref<32x1024xf32, #tpu.memory_space<hbm>>) target(%arg9 : memref<32x1024xf32, #tpu.memory_space<vmem>>) target_semaphore(%arg12 : memref<!tpu.dma_semaphore, #tpu.memory_space<semaphore_mem>>)
    %dma_wait3A_429 = arith.constant 0 : i32
    %dma_wait3A_430 = tpu.memref_slice %arg2[%add3A_378, %dma_wait3A_429] : memref<32768x1024xf32, #tpu.memory_space<hbm>> -> memref<32x1024xf32, #tpu.memory_space<hbm>>
    %dma_wait3A_431 = arith.constant 0 : i32
    %dma_wait3A_432 = tpu.memref_slice %arg2[%add3A_378, %dma_wait3A_431] : memref<32768x1024xf32, #tpu.memory_space<hbm>> -> memref<32x1024xf32, #tpu.memory_space<hbm>>
    tpu.wait_dma2 semaphore(%arg13 : memref<!tpu.dma_semaphore, #tpu.memory_space<semaphore_mem>>) src(%dma_wait3A_432 : memref<32x1024xf32, #tpu.memory_space<hbm>>) dst(%arg10 : memref<32x1024xf32, #tpu.memory_space<vmem>>)
    %parallel_loop3A_433 = arith.constant 0 : i32
    %parallel_loop3A_434 = arith.constant 32 : i32
    %parallel_loop3A_435 = arith.constant 1 : i32
    scf.for %parallel_loop3A_756 = %parallel_loop3A_433 to %parallel_loop3A_434 step %parallel_loop3A_435  : i32 {
      %parallel_loop3A_757 = arith.constant 544 : i32
      %parallel_loop3A_758 = arith.addi %parallel_loop3A_757, %parallel_loop3A_756 : i32
      %parallel_loop3A_759 = arith.index_cast %parallel_loop3A_758 : i32 to index
      %parallel_loop3A_760 = tpu.vector_load %arg6[%parallel_loop3A_759] {strides = array<i32>} : memref<1040xi32, #tpu.memory_space<vmem>>, vector<16xi32>,
      %parallel_loop3A_761 = vector.shape_cast %parallel_loop3A_760 : vector<16xi32> to vector<16xi32>
      %parallel_loop3A_762 = vector.extract_strided_slice %parallel_loop3A_761 {offsets = [0], sizes = [1], strides = [1]} : vector<16xi32> to vector<1xi32>
      %parallel_loop3A_763 = vector.extract %parallel_loop3A_762[0] : i32 from vector<1xi32>
      %parallel_loop3A_764 = arith.constant 1024 : i32
      %parallel_loop3A_765 = arith.muli %parallel_loop3A_763, %parallel_loop3A_764 : i32
      %parallel_loop3A_766 = arith.constant 0 : i32
      %parallel_loop3A_767 = arith.constant 64 : i32
      %parallel_loop3A_768 = arith.constant 1 : i32
      scf.for %parallel_loop3A_769 = %parallel_loop3A_766 to %parallel_loop3A_767 step %parallel_loop3A_768  : i32 {
        %parallel_loop3A_770 = arith.constant 16 : i32
        %parallel_loop3A_771 = arith.muli %parallel_loop3A_769, %parallel_loop3A_770 : i32
        %parallel_loop3A_772 = arith.index_cast %parallel_loop3A_756 : i32 to index
        %parallel_loop3A_773 = arith.index_cast %parallel_loop3A_771 : i32 to index
        %parallel_loop3A_774 = tpu.vector_load %arg10[%parallel_loop3A_772, %parallel_loop3A_773] {strides = array<i32>} : memref<32x1024xf32, #tpu.memory_space<vmem>>, vector<1x16xf32>,
        %parallel_loop3A_775 = vector.shape_cast %parallel_loop3A_774 : vector<1x16xf32> to vector<16xf32>
        %parallel_loop3A_776 = arith.addi %parallel_loop3A_765, %parallel_loop3A_771 : i32
        %parallel_loop3A_777 = arith.index_cast %parallel_loop3A_776 : i32 to index
        %parallel_loop3A_778 = tpu.vector_load %arg7[%parallel_loop3A_777] {strides = array<i32>} : memref<16384xf32, #tpu.memory_space<vmem>>, vector<16xf32>,
        %parallel_loop3A_779 = vector.shape_cast %parallel_loop3A_778 : vector<16xf32> to vector<16xf32>
        %parallel_loop3A_780 = arith.addf %parallel_loop3A_775, %parallel_loop3A_779 : vector<16xf32>
        %parallel_loop3A_781 = arith.index_cast %parallel_loop3A_756 : i32 to index
        %parallel_loop3A_782 = arith.index_cast %parallel_loop3A_771 : i32 to index
        %parallel_loop3A_783 = tpu.vector_load %arg10[%parallel_loop3A_781, %parallel_loop3A_782] {strides = array<i32>} : memref<32x1024xf32, #tpu.memory_space<vmem>>, vector<1x16xf32>,
        %parallel_loop3A_784 = vector.shape_cast %parallel_loop3A_783 : vector<1x16xf32> to vector<16xf32>
        %parallel_loop3A_785 = vector.shape_cast %parallel_loop3A_780 : vector<16xf32> to vector<1x16xf32>
        tpu.vector_store %arg10[%parallel_loop3A_781, %parallel_loop3A_782], %parallel_loop3A_785 {strides = array<i32>} : memref<32x1024xf32, #tpu.memory_space<vmem>>, vector<1x16xf32>,
      } {sc.loop_unroll_factor = 16 : i64, sc.parallel_access}
    } {sc.loop_unroll_factor = 1 : i64, sc.parallel_access}
    %add3A_436 = arith.constant 544 : i32
    %add3A_437 = arith.addi %mul3A_2, %add3A_436 : i32
    %dma_start3A_438 = arith.constant 0 : i32
    %dma_start3A_439 = tpu.memref_slice %arg5[%add3A_437, %dma_start3A_438] : memref<32768x1024xf32, #tpu.memory_space<hbm>> -> memref<32x1024xf32, #tpu.memory_space<hbm>>
    %dma_start3A_440 = arith.constant 0 : i32
    %dma_start3A_441 = tpu.memref_slice %arg5[%add3A_437, %dma_start3A_440] : memref<32768x1024xf32, #tpu.memory_space<hbm>> -> memref<32x1024xf32, #tpu.memory_space<hbm>>
    tpu.enqueue_dma source(%arg10 : memref<32x1024xf32, #tpu.memory_space<vmem>>) target(%dma_start3A_441 : memref<32x1024xf32, #tpu.memory_space<hbm>>) target_semaphore(%arg16 : memref<!tpu.dma_semaphore, #tpu.memory_space<semaphore_mem>>)
    %dma_wait3A_442 = arith.constant 0 : i32
    %dma_wait3A_443 = tpu.memref_slice %arg5[%add3A_437, %dma_wait3A_442] : memref<32768x1024xf32, #tpu.memory_space<hbm>> -> memref<32x1024xf32, #tpu.memory_space<hbm>>
    %dma_wait3A_444 = arith.constant 0 : i32
    %dma_wait3A_445 = tpu.memref_slice %arg5[%add3A_437, %dma_wait3A_444] : memref<32768x1024xf32, #tpu.memory_space<hbm>> -> memref<32x1024xf32, #tpu.memory_space<hbm>>
    tpu.wait_dma2 semaphore(%arg16 : memref<!tpu.dma_semaphore, #tpu.memory_space<semaphore_mem>>) src(%arg10 : memref<32x1024xf32, #tpu.memory_space<vmem>>) dst(%dma_wait3A_445 : memref<32x1024xf32, #tpu.memory_space<hbm>>)
    %add3A_446 = arith.constant 640 : i32
    %add3A_447 = arith.addi %mul3A_2, %add3A_446 : i32
    %dma_start3A_448 = arith.constant 0 : i32
    %dma_start3A_449 = tpu.memref_slice %arg2[%add3A_447, %dma_start3A_448] : memref<32768x1024xf32, #tpu.memory_space<hbm>> -> memref<32x1024xf32, #tpu.memory_space<hbm>>
    %dma_start3A_450 = arith.constant 0 : i32
    %dma_start3A_451 = tpu.memref_slice %arg2[%add3A_447, %dma_start3A_450] : memref<32768x1024xf32, #tpu.memory_space<hbm>> -> memref<32x1024xf32, #tpu.memory_space<hbm>>
    tpu.enqueue_dma source(%dma_start3A_451 : memref<32x1024xf32, #tpu.memory_space<hbm>>) target(%arg10 : memref<32x1024xf32, #tpu.memory_space<vmem>>) target_semaphore(%arg13 : memref<!tpu.dma_semaphore, #tpu.memory_space<semaphore_mem>>)
    %dma_wait3A_452 = arith.constant 0 : i32
    %dma_wait3A_453 = tpu.memref_slice %arg2[%add3A_401, %dma_wait3A_452] : memref<32768x1024xf32, #tpu.memory_space<hbm>> -> memref<32x1024xf32, #tpu.memory_space<hbm>>
    %dma_wait3A_454 = arith.constant 0 : i32
    %dma_wait3A_455 = tpu.memref_slice %arg2[%add3A_401, %dma_wait3A_454] : memref<32768x1024xf32, #tpu.memory_space<hbm>> -> memref<32x1024xf32, #tpu.memory_space<hbm>>
    tpu.wait_dma2 semaphore(%arg11 : memref<!tpu.dma_semaphore, #tpu.memory_space<semaphore_mem>>) src(%dma_wait3A_455 : memref<32x1024xf32, #tpu.memory_space<hbm>>) dst(%arg8 : memref<32x1024xf32, #tpu.memory_space<vmem>>)
    %parallel_loop3A_456 = arith.constant 0 : i32
    %parallel_loop3A_457 = arith.constant 32 : i32
    %parallel_loop3A_458 = arith.constant 1 : i32
    scf.for %parallel_loop3A_756 = %parallel_loop3A_456 to %parallel_loop3A_457 step %parallel_loop3A_458  : i32 {
      %parallel_loop3A_757 = arith.constant 576 : i32
      %parallel_loop3A_758 = arith.addi %parallel_loop3A_757, %parallel_loop3A_756 : i32
      %parallel_loop3A_759 = arith.index_cast %parallel_loop3A_758 : i32 to index
      %parallel_loop3A_760 = tpu.vector_load %arg6[%parallel_loop3A_759] {strides = array<i32>} : memref<1040xi32, #tpu.memory_space<vmem>>, vector<16xi32>,
      %parallel_loop3A_761 = vector.shape_cast %parallel_loop3A_760 : vector<16xi32> to vector<16xi32>
      %parallel_loop3A_762 = vector.extract_strided_slice %parallel_loop3A_761 {offsets = [0], sizes = [1], strides = [1]} : vector<16xi32> to vector<1xi32>
      %parallel_loop3A_763 = vector.extract %parallel_loop3A_762[0] : i32 from vector<1xi32>
      %parallel_loop3A_764 = arith.constant 1024 : i32
      %parallel_loop3A_765 = arith.muli %parallel_loop3A_763, %parallel_loop3A_764 : i32
      %parallel_loop3A_766 = arith.constant 0 : i32
      %parallel_loop3A_767 = arith.constant 64 : i32
      %parallel_loop3A_768 = arith.constant 1 : i32
      scf.for %parallel_loop3A_769 = %parallel_loop3A_766 to %parallel_loop3A_767 step %parallel_loop3A_768  : i32 {
        %parallel_loop3A_770 = arith.constant 16 : i32
        %parallel_loop3A_771 = arith.muli %parallel_loop3A_769, %parallel_loop3A_770 : i32
        %parallel_loop3A_772 = arith.index_cast %parallel_loop3A_756 : i32 to index
        %parallel_loop3A_773 = arith.index_cast %parallel_loop3A_771 : i32 to index
        %parallel_loop3A_774 = tpu.vector_load %arg8[%parallel_loop3A_772, %parallel_loop3A_773] {strides = array<i32>} : memref<32x1024xf32, #tpu.memory_space<vmem>>, vector<1x16xf32>,
        %parallel_loop3A_775 = vector.shape_cast %parallel_loop3A_774 : vector<1x16xf32> to vector<16xf32>
        %parallel_loop3A_776 = arith.addi %parallel_loop3A_765, %parallel_loop3A_771 : i32
        %parallel_loop3A_777 = arith.index_cast %parallel_loop3A_776 : i32 to index
        %parallel_loop3A_778 = tpu.vector_load %arg7[%parallel_loop3A_777] {strides = array<i32>} : memref<16384xf32, #tpu.memory_space<vmem>>, vector<16xf32>,
        %parallel_loop3A_779 = vector.shape_cast %parallel_loop3A_778 : vector<16xf32> to vector<16xf32>
        %parallel_loop3A_780 = arith.addf %parallel_loop3A_775, %parallel_loop3A_779 : vector<16xf32>
        %parallel_loop3A_781 = arith.index_cast %parallel_loop3A_756 : i32 to index
        %parallel_loop3A_782 = arith.index_cast %parallel_loop3A_771 : i32 to index
        %parallel_loop3A_783 = tpu.vector_load %arg8[%parallel_loop3A_781, %parallel_loop3A_782] {strides = array<i32>} : memref<32x1024xf32, #tpu.memory_space<vmem>>, vector<1x16xf32>,
        %parallel_loop3A_784 = vector.shape_cast %parallel_loop3A_783 : vector<1x16xf32> to vector<16xf32>
        %parallel_loop3A_785 = vector.shape_cast %parallel_loop3A_780 : vector<16xf32> to vector<1x16xf32>
        tpu.vector_store %arg8[%parallel_loop3A_781, %parallel_loop3A_782], %parallel_loop3A_785 {strides = array<i32>} : memref<32x1024xf32, #tpu.memory_space<vmem>>, vector<1x16xf32>,
      } {sc.loop_unroll_factor = 16 : i64, sc.parallel_access}
    } {sc.loop_unroll_factor = 1 : i64, sc.parallel_access}
    %add3A_459 = arith.constant 576 : i32
    %add3A_460 = arith.addi %mul3A_2, %add3A_459 : i32
    %dma_start3A_461 = arith.constant 0 : i32
    %dma_start3A_462 = tpu.memref_slice %arg5[%add3A_460, %dma_start3A_461] : memref<32768x1024xf32, #tpu.memory_space<hbm>> -> memref<32x1024xf32, #tpu.memory_space<hbm>>
    %dma_start3A_463 = arith.constant 0 : i32
    %dma_start3A_464 = tpu.memref_slice %arg5[%add3A_460, %dma_start3A_463] : memref<32768x1024xf32, #tpu.memory_space<hbm>> -> memref<32x1024xf32, #tpu.memory_space<hbm>>
    tpu.enqueue_dma source(%arg8 : memref<32x1024xf32, #tpu.memory_space<vmem>>) target(%dma_start3A_464 : memref<32x1024xf32, #tpu.memory_space<hbm>>) target_semaphore(%arg14 : memref<!tpu.dma_semaphore, #tpu.memory_space<semaphore_mem>>)
    %dma_wait3A_465 = arith.constant 0 : i32
    %dma_wait3A_466 = tpu.memref_slice %arg5[%add3A_460, %dma_wait3A_465] : memref<32768x1024xf32, #tpu.memory_space<hbm>> -> memref<32x1024xf32, #tpu.memory_space<hbm>>
    %dma_wait3A_467 = arith.constant 0 : i32
    %dma_wait3A_468 = tpu.memref_slice %arg5[%add3A_460, %dma_wait3A_467] : memref<32768x1024xf32, #tpu.memory_space<hbm>> -> memref<32x1024xf32, #tpu.memory_space<hbm>>
    tpu.wait_dma2 semaphore(%arg14 : memref<!tpu.dma_semaphore, #tpu.memory_space<semaphore_mem>>) src(%arg8 : memref<32x1024xf32, #tpu.memory_space<vmem>>) dst(%dma_wait3A_468 : memref<32x1024xf32, #tpu.memory_space<hbm>>)
    %add3A_469 = arith.constant 672 : i32
    %add3A_470 = arith.addi %mul3A_2, %add3A_469 : i32
    %dma_start3A_471 = arith.constant 0 : i32
    %dma_start3A_472 = tpu.memref_slice %arg2[%add3A_470, %dma_start3A_471] : memref<32768x1024xf32, #tpu.memory_space<hbm>> -> memref<32x1024xf32, #tpu.memory_space<hbm>>
    %dma_start3A_473 = arith.constant 0 : i32
    %dma_start3A_474 = tpu.memref_slice %arg2[%add3A_470, %dma_start3A_473] : memref<32768x1024xf32, #tpu.memory_space<hbm>> -> memref<32x1024xf32, #tpu.memory_space<hbm>>
    tpu.enqueue_dma source(%dma_start3A_474 : memref<32x1024xf32, #tpu.memory_space<hbm>>) target(%arg8 : memref<32x1024xf32, #tpu.memory_space<vmem>>) target_semaphore(%arg11 : memref<!tpu.dma_semaphore, #tpu.memory_space<semaphore_mem>>)
    %dma_wait3A_475 = arith.constant 0 : i32
    %dma_wait3A_476 = tpu.memref_slice %arg2[%add3A_424, %dma_wait3A_475] : memref<32768x1024xf32, #tpu.memory_space<hbm>> -> memref<32x1024xf32, #tpu.memory_space<hbm>>
    %dma_wait3A_477 = arith.constant 0 : i32
    %dma_wait3A_478 = tpu.memref_slice %arg2[%add3A_424, %dma_wait3A_477] : memref<32768x1024xf32, #tpu.memory_space<hbm>> -> memref<32x1024xf32, #tpu.memory_space<hbm>>
    tpu.wait_dma2 semaphore(%arg12 : memref<!tpu.dma_semaphore, #tpu.memory_space<semaphore_mem>>) src(%dma_wait3A_478 : memref<32x1024xf32, #tpu.memory_space<hbm>>) dst(%arg9 : memref<32x1024xf32, #tpu.memory_space<vmem>>)
    %parallel_loop3A_479 = arith.constant 0 : i32
    %parallel_loop3A_480 = arith.constant 32 : i32
    %parallel_loop3A_481 = arith.constant 1 : i32
    scf.for %parallel_loop3A_756 = %parallel_loop3A_479 to %parallel_loop3A_480 step %parallel_loop3A_481  : i32 {
      %parallel_loop3A_757 = arith.constant 608 : i32
      %parallel_loop3A_758 = arith.addi %parallel_loop3A_757, %parallel_loop3A_756 : i32
      %parallel_loop3A_759 = arith.index_cast %parallel_loop3A_758 : i32 to index
      %parallel_loop3A_760 = tpu.vector_load %arg6[%parallel_loop3A_759] {strides = array<i32>} : memref<1040xi32, #tpu.memory_space<vmem>>, vector<16xi32>,
      %parallel_loop3A_761 = vector.shape_cast %parallel_loop3A_760 : vector<16xi32> to vector<16xi32>
      %parallel_loop3A_762 = vector.extract_strided_slice %parallel_loop3A_761 {offsets = [0], sizes = [1], strides = [1]} : vector<16xi32> to vector<1xi32>
      %parallel_loop3A_763 = vector.extract %parallel_loop3A_762[0] : i32 from vector<1xi32>
      %parallel_loop3A_764 = arith.constant 1024 : i32
      %parallel_loop3A_765 = arith.muli %parallel_loop3A_763, %parallel_loop3A_764 : i32
      %parallel_loop3A_766 = arith.constant 0 : i32
      %parallel_loop3A_767 = arith.constant 64 : i32
      %parallel_loop3A_768 = arith.constant 1 : i32
      scf.for %parallel_loop3A_769 = %parallel_loop3A_766 to %parallel_loop3A_767 step %parallel_loop3A_768  : i32 {
        %parallel_loop3A_770 = arith.constant 16 : i32
        %parallel_loop3A_771 = arith.muli %parallel_loop3A_769, %parallel_loop3A_770 : i32
        %parallel_loop3A_772 = arith.index_cast %parallel_loop3A_756 : i32 to index
        %parallel_loop3A_773 = arith.index_cast %parallel_loop3A_771 : i32 to index
        %parallel_loop3A_774 = tpu.vector_load %arg9[%parallel_loop3A_772, %parallel_loop3A_773] {strides = array<i32>} : memref<32x1024xf32, #tpu.memory_space<vmem>>, vector<1x16xf32>,
        %parallel_loop3A_775 = vector.shape_cast %parallel_loop3A_774 : vector<1x16xf32> to vector<16xf32>
        %parallel_loop3A_776 = arith.addi %parallel_loop3A_765, %parallel_loop3A_771 : i32
        %parallel_loop3A_777 = arith.index_cast %parallel_loop3A_776 : i32 to index
        %parallel_loop3A_778 = tpu.vector_load %arg7[%parallel_loop3A_777] {strides = array<i32>} : memref<16384xf32, #tpu.memory_space<vmem>>, vector<16xf32>,
        %parallel_loop3A_779 = vector.shape_cast %parallel_loop3A_778 : vector<16xf32> to vector<16xf32>
        %parallel_loop3A_780 = arith.addf %parallel_loop3A_775, %parallel_loop3A_779 : vector<16xf32>
        %parallel_loop3A_781 = arith.index_cast %parallel_loop3A_756 : i32 to index
        %parallel_loop3A_782 = arith.index_cast %parallel_loop3A_771 : i32 to index
        %parallel_loop3A_783 = tpu.vector_load %arg9[%parallel_loop3A_781, %parallel_loop3A_782] {strides = array<i32>} : memref<32x1024xf32, #tpu.memory_space<vmem>>, vector<1x16xf32>,
        %parallel_loop3A_784 = vector.shape_cast %parallel_loop3A_783 : vector<1x16xf32> to vector<16xf32>
        %parallel_loop3A_785 = vector.shape_cast %parallel_loop3A_780 : vector<16xf32> to vector<1x16xf32>
        tpu.vector_store %arg9[%parallel_loop3A_781, %parallel_loop3A_782], %parallel_loop3A_785 {strides = array<i32>} : memref<32x1024xf32, #tpu.memory_space<vmem>>, vector<1x16xf32>,
      } {sc.loop_unroll_factor = 16 : i64, sc.parallel_access}
    } {sc.loop_unroll_factor = 1 : i64, sc.parallel_access}
    %add3A_482 = arith.constant 608 : i32
    %add3A_483 = arith.addi %mul3A_2, %add3A_482 : i32
    %dma_start3A_484 = arith.constant 0 : i32
    %dma_start3A_485 = tpu.memref_slice %arg5[%add3A_483, %dma_start3A_484] : memref<32768x1024xf32, #tpu.memory_space<hbm>> -> memref<32x1024xf32, #tpu.memory_space<hbm>>
    %dma_start3A_486 = arith.constant 0 : i32
    %dma_start3A_487 = tpu.memref_slice %arg5[%add3A_483, %dma_start3A_486] : memref<32768x1024xf32, #tpu.memory_space<hbm>> -> memref<32x1024xf32, #tpu.memory_space<hbm>>
    tpu.enqueue_dma source(%arg9 : memref<32x1024xf32, #tpu.memory_space<vmem>>) target(%dma_start3A_487 : memref<32x1024xf32, #tpu.memory_space<hbm>>) target_semaphore(%arg15 : memref<!tpu.dma_semaphore, #tpu.memory_space<semaphore_mem>>)
    %dma_wait3A_488 = arith.constant 0 : i32
    %dma_wait3A_489 = tpu.memref_slice %arg5[%add3A_483, %dma_wait3A_488] : memref<32768x1024xf32, #tpu.memory_space<hbm>> -> memref<32x1024xf32, #tpu.memory_space<hbm>>
    %dma_wait3A_490 = arith.constant 0 : i32
    %dma_wait3A_491 = tpu.memref_slice %arg5[%add3A_483, %dma_wait3A_490] : memref<32768x1024xf32, #tpu.memory_space<hbm>> -> memref<32x1024xf32, #tpu.memory_space<hbm>>
    tpu.wait_dma2 semaphore(%arg15 : memref<!tpu.dma_semaphore, #tpu.memory_space<semaphore_mem>>) src(%arg9 : memref<32x1024xf32, #tpu.memory_space<vmem>>) dst(%dma_wait3A_491 : memref<32x1024xf32, #tpu.memory_space<hbm>>)
    %add3A_492 = arith.constant 704 : i32
    %add3A_493 = arith.addi %mul3A_2, %add3A_492 : i32
    %dma_start3A_494 = arith.constant 0 : i32
    %dma_start3A_495 = tpu.memref_slice %arg2[%add3A_493, %dma_start3A_494] : memref<32768x1024xf32, #tpu.memory_space<hbm>> -> memref<32x1024xf32, #tpu.memory_space<hbm>>
    %dma_start3A_496 = arith.constant 0 : i32
    %dma_start3A_497 = tpu.memref_slice %arg2[%add3A_493, %dma_start3A_496] : memref<32768x1024xf32, #tpu.memory_space<hbm>> -> memref<32x1024xf32, #tpu.memory_space<hbm>>
    tpu.enqueue_dma source(%dma_start3A_497 : memref<32x1024xf32, #tpu.memory_space<hbm>>) target(%arg9 : memref<32x1024xf32, #tpu.memory_space<vmem>>) target_semaphore(%arg12 : memref<!tpu.dma_semaphore, #tpu.memory_space<semaphore_mem>>)
    %dma_wait3A_498 = arith.constant 0 : i32
    %dma_wait3A_499 = tpu.memref_slice %arg2[%add3A_447, %dma_wait3A_498] : memref<32768x1024xf32, #tpu.memory_space<hbm>> -> memref<32x1024xf32, #tpu.memory_space<hbm>>
    %dma_wait3A_500 = arith.constant 0 : i32
    %dma_wait3A_501 = tpu.memref_slice %arg2[%add3A_447, %dma_wait3A_500] : memref<32768x1024xf32, #tpu.memory_space<hbm>> -> memref<32x1024xf32, #tpu.memory_space<hbm>>
    tpu.wait_dma2 semaphore(%arg13 : memref<!tpu.dma_semaphore, #tpu.memory_space<semaphore_mem>>) src(%dma_wait3A_501 : memref<32x1024xf32, #tpu.memory_space<hbm>>) dst(%arg10 : memref<32x1024xf32, #tpu.memory_space<vmem>>)
    %parallel_loop3A_502 = arith.constant 0 : i32
    %parallel_loop3A_503 = arith.constant 32 : i32
    %parallel_loop3A_504 = arith.constant 1 : i32
    scf.for %parallel_loop3A_756 = %parallel_loop3A_502 to %parallel_loop3A_503 step %parallel_loop3A_504  : i32 {
      %parallel_loop3A_757 = arith.constant 640 : i32
      %parallel_loop3A_758 = arith.addi %parallel_loop3A_757, %parallel_loop3A_756 : i32
      %parallel_loop3A_759 = arith.index_cast %parallel_loop3A_758 : i32 to index
      %parallel_loop3A_760 = tpu.vector_load %arg6[%parallel_loop3A_759] {strides = array<i32>} : memref<1040xi32, #tpu.memory_space<vmem>>, vector<16xi32>,
      %parallel_loop3A_761 = vector.shape_cast %parallel_loop3A_760 : vector<16xi32> to vector<16xi32>
      %parallel_loop3A_762 = vector.extract_strided_slice %parallel_loop3A_761 {offsets = [0], sizes = [1], strides = [1]} : vector<16xi32> to vector<1xi32>
      %parallel_loop3A_763 = vector.extract %parallel_loop3A_762[0] : i32 from vector<1xi32>
      %parallel_loop3A_764 = arith.constant 1024 : i32
      %parallel_loop3A_765 = arith.muli %parallel_loop3A_763, %parallel_loop3A_764 : i32
      %parallel_loop3A_766 = arith.constant 0 : i32
      %parallel_loop3A_767 = arith.constant 64 : i32
      %parallel_loop3A_768 = arith.constant 1 : i32
      scf.for %parallel_loop3A_769 = %parallel_loop3A_766 to %parallel_loop3A_767 step %parallel_loop3A_768  : i32 {
        %parallel_loop3A_770 = arith.constant 16 : i32
        %parallel_loop3A_771 = arith.muli %parallel_loop3A_769, %parallel_loop3A_770 : i32
        %parallel_loop3A_772 = arith.index_cast %parallel_loop3A_756 : i32 to index
        %parallel_loop3A_773 = arith.index_cast %parallel_loop3A_771 : i32 to index
        %parallel_loop3A_774 = tpu.vector_load %arg10[%parallel_loop3A_772, %parallel_loop3A_773] {strides = array<i32>} : memref<32x1024xf32, #tpu.memory_space<vmem>>, vector<1x16xf32>,
        %parallel_loop3A_775 = vector.shape_cast %parallel_loop3A_774 : vector<1x16xf32> to vector<16xf32>
        %parallel_loop3A_776 = arith.addi %parallel_loop3A_765, %parallel_loop3A_771 : i32
        %parallel_loop3A_777 = arith.index_cast %parallel_loop3A_776 : i32 to index
        %parallel_loop3A_778 = tpu.vector_load %arg7[%parallel_loop3A_777] {strides = array<i32>} : memref<16384xf32, #tpu.memory_space<vmem>>, vector<16xf32>,
        %parallel_loop3A_779 = vector.shape_cast %parallel_loop3A_778 : vector<16xf32> to vector<16xf32>
        %parallel_loop3A_780 = arith.addf %parallel_loop3A_775, %parallel_loop3A_779 : vector<16xf32>
        %parallel_loop3A_781 = arith.index_cast %parallel_loop3A_756 : i32 to index
        %parallel_loop3A_782 = arith.index_cast %parallel_loop3A_771 : i32 to index
        %parallel_loop3A_783 = tpu.vector_load %arg10[%parallel_loop3A_781, %parallel_loop3A_782] {strides = array<i32>} : memref<32x1024xf32, #tpu.memory_space<vmem>>, vector<1x16xf32>,
        %parallel_loop3A_784 = vector.shape_cast %parallel_loop3A_783 : vector<1x16xf32> to vector<16xf32>
        %parallel_loop3A_785 = vector.shape_cast %parallel_loop3A_780 : vector<16xf32> to vector<1x16xf32>
        tpu.vector_store %arg10[%parallel_loop3A_781, %parallel_loop3A_782], %parallel_loop3A_785 {strides = array<i32>} : memref<32x1024xf32, #tpu.memory_space<vmem>>, vector<1x16xf32>,
      } {sc.loop_unroll_factor = 16 : i64, sc.parallel_access}
    } {sc.loop_unroll_factor = 1 : i64, sc.parallel_access}
    %add3A_505 = arith.constant 640 : i32
    %add3A_506 = arith.addi %mul3A_2, %add3A_505 : i32
    %dma_start3A_507 = arith.constant 0 : i32
    %dma_start3A_508 = tpu.memref_slice %arg5[%add3A_506, %dma_start3A_507] : memref<32768x1024xf32, #tpu.memory_space<hbm>> -> memref<32x1024xf32, #tpu.memory_space<hbm>>
    %dma_start3A_509 = arith.constant 0 : i32
    %dma_start3A_510 = tpu.memref_slice %arg5[%add3A_506, %dma_start3A_509] : memref<32768x1024xf32, #tpu.memory_space<hbm>> -> memref<32x1024xf32, #tpu.memory_space<hbm>>
    tpu.enqueue_dma source(%arg10 : memref<32x1024xf32, #tpu.memory_space<vmem>>) target(%dma_start3A_510 : memref<32x1024xf32, #tpu.memory_space<hbm>>) target_semaphore(%arg16 : memref<!tpu.dma_semaphore, #tpu.memory_space<semaphore_mem>>)
    %dma_wait3A_511 = arith.constant 0 : i32
    %dma_wait3A_512 = tpu.memref_slice %arg5[%add3A_506, %dma_wait3A_511] : memref<32768x1024xf32, #tpu.memory_space<hbm>> -> memref<32x1024xf32, #tpu.memory_space<hbm>>
    %dma_wait3A_513 = arith.constant 0 : i32
    %dma_wait3A_514 = tpu.memref_slice %arg5[%add3A_506, %dma_wait3A_513] : memref<32768x1024xf32, #tpu.memory_space<hbm>> -> memref<32x1024xf32, #tpu.memory_space<hbm>>
    tpu.wait_dma2 semaphore(%arg16 : memref<!tpu.dma_semaphore, #tpu.memory_space<semaphore_mem>>) src(%arg10 : memref<32x1024xf32, #tpu.memory_space<vmem>>) dst(%dma_wait3A_514 : memref<32x1024xf32, #tpu.memory_space<hbm>>)
    %add3A_515 = arith.constant 736 : i32
    %add3A_516 = arith.addi %mul3A_2, %add3A_515 : i32
    %dma_start3A_517 = arith.constant 0 : i32
    %dma_start3A_518 = tpu.memref_slice %arg2[%add3A_516, %dma_start3A_517] : memref<32768x1024xf32, #tpu.memory_space<hbm>> -> memref<32x1024xf32, #tpu.memory_space<hbm>>
    %dma_start3A_519 = arith.constant 0 : i32
    %dma_start3A_520 = tpu.memref_slice %arg2[%add3A_516, %dma_start3A_519] : memref<32768x1024xf32, #tpu.memory_space<hbm>> -> memref<32x1024xf32, #tpu.memory_space<hbm>>
    tpu.enqueue_dma source(%dma_start3A_520 : memref<32x1024xf32, #tpu.memory_space<hbm>>) target(%arg10 : memref<32x1024xf32, #tpu.memory_space<vmem>>) target_semaphore(%arg13 : memref<!tpu.dma_semaphore, #tpu.memory_space<semaphore_mem>>)
    %dma_wait3A_521 = arith.constant 0 : i32
    %dma_wait3A_522 = tpu.memref_slice %arg2[%add3A_470, %dma_wait3A_521] : memref<32768x1024xf32, #tpu.memory_space<hbm>> -> memref<32x1024xf32, #tpu.memory_space<hbm>>
    %dma_wait3A_523 = arith.constant 0 : i32
    %dma_wait3A_524 = tpu.memref_slice %arg2[%add3A_470, %dma_wait3A_523] : memref<32768x1024xf32, #tpu.memory_space<hbm>> -> memref<32x1024xf32, #tpu.memory_space<hbm>>
    tpu.wait_dma2 semaphore(%arg11 : memref<!tpu.dma_semaphore, #tpu.memory_space<semaphore_mem>>) src(%dma_wait3A_524 : memref<32x1024xf32, #tpu.memory_space<hbm>>) dst(%arg8 : memref<32x1024xf32, #tpu.memory_space<vmem>>)
    %parallel_loop3A_525 = arith.constant 0 : i32
    %parallel_loop3A_526 = arith.constant 32 : i32
    %parallel_loop3A_527 = arith.constant 1 : i32
    scf.for %parallel_loop3A_756 = %parallel_loop3A_525 to %parallel_loop3A_526 step %parallel_loop3A_527  : i32 {
      %parallel_loop3A_757 = arith.constant 672 : i32
      %parallel_loop3A_758 = arith.addi %parallel_loop3A_757, %parallel_loop3A_756 : i32
      %parallel_loop3A_759 = arith.index_cast %parallel_loop3A_758 : i32 to index
      %parallel_loop3A_760 = tpu.vector_load %arg6[%parallel_loop3A_759] {strides = array<i32>} : memref<1040xi32, #tpu.memory_space<vmem>>, vector<16xi32>,
      %parallel_loop3A_761 = vector.shape_cast %parallel_loop3A_760 : vector<16xi32> to vector<16xi32>
      %parallel_loop3A_762 = vector.extract_strided_slice %parallel_loop3A_761 {offsets = [0], sizes = [1], strides = [1]} : vector<16xi32> to vector<1xi32>
      %parallel_loop3A_763 = vector.extract %parallel_loop3A_762[0] : i32 from vector<1xi32>
      %parallel_loop3A_764 = arith.constant 1024 : i32
      %parallel_loop3A_765 = arith.muli %parallel_loop3A_763, %parallel_loop3A_764 : i32
      %parallel_loop3A_766 = arith.constant 0 : i32
      %parallel_loop3A_767 = arith.constant 64 : i32
      %parallel_loop3A_768 = arith.constant 1 : i32
      scf.for %parallel_loop3A_769 = %parallel_loop3A_766 to %parallel_loop3A_767 step %parallel_loop3A_768  : i32 {
        %parallel_loop3A_770 = arith.constant 16 : i32
        %parallel_loop3A_771 = arith.muli %parallel_loop3A_769, %parallel_loop3A_770 : i32
        %parallel_loop3A_772 = arith.index_cast %parallel_loop3A_756 : i32 to index
        %parallel_loop3A_773 = arith.index_cast %parallel_loop3A_771 : i32 to index
        %parallel_loop3A_774 = tpu.vector_load %arg8[%parallel_loop3A_772, %parallel_loop3A_773] {strides = array<i32>} : memref<32x1024xf32, #tpu.memory_space<vmem>>, vector<1x16xf32>,
        %parallel_loop3A_775 = vector.shape_cast %parallel_loop3A_774 : vector<1x16xf32> to vector<16xf32>
        %parallel_loop3A_776 = arith.addi %parallel_loop3A_765, %parallel_loop3A_771 : i32
        %parallel_loop3A_777 = arith.index_cast %parallel_loop3A_776 : i32 to index
        %parallel_loop3A_778 = tpu.vector_load %arg7[%parallel_loop3A_777] {strides = array<i32>} : memref<16384xf32, #tpu.memory_space<vmem>>, vector<16xf32>,
        %parallel_loop3A_779 = vector.shape_cast %parallel_loop3A_778 : vector<16xf32> to vector<16xf32>
        %parallel_loop3A_780 = arith.addf %parallel_loop3A_775, %parallel_loop3A_779 : vector<16xf32>
        %parallel_loop3A_781 = arith.index_cast %parallel_loop3A_756 : i32 to index
        %parallel_loop3A_782 = arith.index_cast %parallel_loop3A_771 : i32 to index
        %parallel_loop3A_783 = tpu.vector_load %arg8[%parallel_loop3A_781, %parallel_loop3A_782] {strides = array<i32>} : memref<32x1024xf32, #tpu.memory_space<vmem>>, vector<1x16xf32>,
        %parallel_loop3A_784 = vector.shape_cast %parallel_loop3A_783 : vector<1x16xf32> to vector<16xf32>
        %parallel_loop3A_785 = vector.shape_cast %parallel_loop3A_780 : vector<16xf32> to vector<1x16xf32>
        tpu.vector_store %arg8[%parallel_loop3A_781, %parallel_loop3A_782], %parallel_loop3A_785 {strides = array<i32>} : memref<32x1024xf32, #tpu.memory_space<vmem>>, vector<1x16xf32>,
      } {sc.loop_unroll_factor = 16 : i64, sc.parallel_access}
    } {sc.loop_unroll_factor = 1 : i64, sc.parallel_access}
    %add3A_528 = arith.constant 672 : i32
    %add3A_529 = arith.addi %mul3A_2, %add3A_528 : i32
    %dma_start3A_530 = arith.constant 0 : i32
    %dma_start3A_531 = tpu.memref_slice %arg5[%add3A_529, %dma_start3A_530] : memref<32768x1024xf32, #tpu.memory_space<hbm>> -> memref<32x1024xf32, #tpu.memory_space<hbm>>
    %dma_start3A_532 = arith.constant 0 : i32
    %dma_start3A_533 = tpu.memref_slice %arg5[%add3A_529, %dma_start3A_532] : memref<32768x1024xf32, #tpu.memory_space<hbm>> -> memref<32x1024xf32, #tpu.memory_space<hbm>>
    tpu.enqueue_dma source(%arg8 : memref<32x1024xf32, #tpu.memory_space<vmem>>) target(%dma_start3A_533 : memref<32x1024xf32, #tpu.memory_space<hbm>>) target_semaphore(%arg14 : memref<!tpu.dma_semaphore, #tpu.memory_space<semaphore_mem>>)
    %dma_wait3A_534 = arith.constant 0 : i32
    %dma_wait3A_535 = tpu.memref_slice %arg5[%add3A_529, %dma_wait3A_534] : memref<32768x1024xf32, #tpu.memory_space<hbm>> -> memref<32x1024xf32, #tpu.memory_space<hbm>>
    %dma_wait3A_536 = arith.constant 0 : i32
    %dma_wait3A_537 = tpu.memref_slice %arg5[%add3A_529, %dma_wait3A_536] : memref<32768x1024xf32, #tpu.memory_space<hbm>> -> memref<32x1024xf32, #tpu.memory_space<hbm>>
    tpu.wait_dma2 semaphore(%arg14 : memref<!tpu.dma_semaphore, #tpu.memory_space<semaphore_mem>>) src(%arg8 : memref<32x1024xf32, #tpu.memory_space<vmem>>) dst(%dma_wait3A_537 : memref<32x1024xf32, #tpu.memory_space<hbm>>)
    %add3A_538 = arith.constant 768 : i32
    %add3A_539 = arith.addi %mul3A_2, %add3A_538 : i32
    %dma_start3A_540 = arith.constant 0 : i32
    %dma_start3A_541 = tpu.memref_slice %arg2[%add3A_539, %dma_start3A_540] : memref<32768x1024xf32, #tpu.memory_space<hbm>> -> memref<32x1024xf32, #tpu.memory_space<hbm>>
    %dma_start3A_542 = arith.constant 0 : i32
    %dma_start3A_543 = tpu.memref_slice %arg2[%add3A_539, %dma_start3A_542] : memref<32768x1024xf32, #tpu.memory_space<hbm>> -> memref<32x1024xf32, #tpu.memory_space<hbm>>
    tpu.enqueue_dma source(%dma_start3A_543 : memref<32x1024xf32, #tpu.memory_space<hbm>>) target(%arg8 : memref<32x1024xf32, #tpu.memory_space<vmem>>) target_semaphore(%arg11 : memref<!tpu.dma_semaphore, #tpu.memory_space<semaphore_mem>>)
    %dma_wait3A_544 = arith.constant 0 : i32
    %dma_wait3A_545 = tpu.memref_slice %arg2[%add3A_493, %dma_wait3A_544] : memref<32768x1024xf32, #tpu.memory_space<hbm>> -> memref<32x1024xf32, #tpu.memory_space<hbm>>
    %dma_wait3A_546 = arith.constant 0 : i32
    %dma_wait3A_547 = tpu.memref_slice %arg2[%add3A_493, %dma_wait3A_546] : memref<32768x1024xf32, #tpu.memory_space<hbm>> -> memref<32x1024xf32, #tpu.memory_space<hbm>>
    tpu.wait_dma2 semaphore(%arg12 : memref<!tpu.dma_semaphore, #tpu.memory_space<semaphore_mem>>) src(%dma_wait3A_547 : memref<32x1024xf32, #tpu.memory_space<hbm>>) dst(%arg9 : memref<32x1024xf32, #tpu.memory_space<vmem>>)
    %parallel_loop3A_548 = arith.constant 0 : i32
    %parallel_loop3A_549 = arith.constant 32 : i32
    %parallel_loop3A_550 = arith.constant 1 : i32
    scf.for %parallel_loop3A_756 = %parallel_loop3A_548 to %parallel_loop3A_549 step %parallel_loop3A_550  : i32 {
      %parallel_loop3A_757 = arith.constant 704 : i32
      %parallel_loop3A_758 = arith.addi %parallel_loop3A_757, %parallel_loop3A_756 : i32
      %parallel_loop3A_759 = arith.index_cast %parallel_loop3A_758 : i32 to index
      %parallel_loop3A_760 = tpu.vector_load %arg6[%parallel_loop3A_759] {strides = array<i32>} : memref<1040xi32, #tpu.memory_space<vmem>>, vector<16xi32>,
      %parallel_loop3A_761 = vector.shape_cast %parallel_loop3A_760 : vector<16xi32> to vector<16xi32>
      %parallel_loop3A_762 = vector.extract_strided_slice %parallel_loop3A_761 {offsets = [0], sizes = [1], strides = [1]} : vector<16xi32> to vector<1xi32>
      %parallel_loop3A_763 = vector.extract %parallel_loop3A_762[0] : i32 from vector<1xi32>
      %parallel_loop3A_764 = arith.constant 1024 : i32
      %parallel_loop3A_765 = arith.muli %parallel_loop3A_763, %parallel_loop3A_764 : i32
      %parallel_loop3A_766 = arith.constant 0 : i32
      %parallel_loop3A_767 = arith.constant 64 : i32
      %parallel_loop3A_768 = arith.constant 1 : i32
      scf.for %parallel_loop3A_769 = %parallel_loop3A_766 to %parallel_loop3A_767 step %parallel_loop3A_768  : i32 {
        %parallel_loop3A_770 = arith.constant 16 : i32
        %parallel_loop3A_771 = arith.muli %parallel_loop3A_769, %parallel_loop3A_770 : i32
        %parallel_loop3A_772 = arith.index_cast %parallel_loop3A_756 : i32 to index
        %parallel_loop3A_773 = arith.index_cast %parallel_loop3A_771 : i32 to index
        %parallel_loop3A_774 = tpu.vector_load %arg9[%parallel_loop3A_772, %parallel_loop3A_773] {strides = array<i32>} : memref<32x1024xf32, #tpu.memory_space<vmem>>, vector<1x16xf32>,
        %parallel_loop3A_775 = vector.shape_cast %parallel_loop3A_774 : vector<1x16xf32> to vector<16xf32>
        %parallel_loop3A_776 = arith.addi %parallel_loop3A_765, %parallel_loop3A_771 : i32
        %parallel_loop3A_777 = arith.index_cast %parallel_loop3A_776 : i32 to index
        %parallel_loop3A_778 = tpu.vector_load %arg7[%parallel_loop3A_777] {strides = array<i32>} : memref<16384xf32, #tpu.memory_space<vmem>>, vector<16xf32>,
        %parallel_loop3A_779 = vector.shape_cast %parallel_loop3A_778 : vector<16xf32> to vector<16xf32>
        %parallel_loop3A_780 = arith.addf %parallel_loop3A_775, %parallel_loop3A_779 : vector<16xf32>
        %parallel_loop3A_781 = arith.index_cast %parallel_loop3A_756 : i32 to index
        %parallel_loop3A_782 = arith.index_cast %parallel_loop3A_771 : i32 to index
        %parallel_loop3A_783 = tpu.vector_load %arg9[%parallel_loop3A_781, %parallel_loop3A_782] {strides = array<i32>} : memref<32x1024xf32, #tpu.memory_space<vmem>>, vector<1x16xf32>,
        %parallel_loop3A_784 = vector.shape_cast %parallel_loop3A_783 : vector<1x16xf32> to vector<16xf32>
        %parallel_loop3A_785 = vector.shape_cast %parallel_loop3A_780 : vector<16xf32> to vector<1x16xf32>
        tpu.vector_store %arg9[%parallel_loop3A_781, %parallel_loop3A_782], %parallel_loop3A_785 {strides = array<i32>} : memref<32x1024xf32, #tpu.memory_space<vmem>>, vector<1x16xf32>,
      } {sc.loop_unroll_factor = 16 : i64, sc.parallel_access}
    } {sc.loop_unroll_factor = 1 : i64, sc.parallel_access}
    %add3A_551 = arith.constant 704 : i32
    %add3A_552 = arith.addi %mul3A_2, %add3A_551 : i32
    %dma_start3A_553 = arith.constant 0 : i32
    %dma_start3A_554 = tpu.memref_slice %arg5[%add3A_552, %dma_start3A_553] : memref<32768x1024xf32, #tpu.memory_space<hbm>> -> memref<32x1024xf32, #tpu.memory_space<hbm>>
    %dma_start3A_555 = arith.constant 0 : i32
    %dma_start3A_556 = tpu.memref_slice %arg5[%add3A_552, %dma_start3A_555] : memref<32768x1024xf32, #tpu.memory_space<hbm>> -> memref<32x1024xf32, #tpu.memory_space<hbm>>
    tpu.enqueue_dma source(%arg9 : memref<32x1024xf32, #tpu.memory_space<vmem>>) target(%dma_start3A_556 : memref<32x1024xf32, #tpu.memory_space<hbm>>) target_semaphore(%arg15 : memref<!tpu.dma_semaphore, #tpu.memory_space<semaphore_mem>>)
    %dma_wait3A_557 = arith.constant 0 : i32
    %dma_wait3A_558 = tpu.memref_slice %arg5[%add3A_552, %dma_wait3A_557] : memref<32768x1024xf32, #tpu.memory_space<hbm>> -> memref<32x1024xf32, #tpu.memory_space<hbm>>
    %dma_wait3A_559 = arith.constant 0 : i32
    %dma_wait3A_560 = tpu.memref_slice %arg5[%add3A_552, %dma_wait3A_559] : memref<32768x1024xf32, #tpu.memory_space<hbm>> -> memref<32x1024xf32, #tpu.memory_space<hbm>>
    tpu.wait_dma2 semaphore(%arg15 : memref<!tpu.dma_semaphore, #tpu.memory_space<semaphore_mem>>) src(%arg9 : memref<32x1024xf32, #tpu.memory_space<vmem>>) dst(%dma_wait3A_560 : memref<32x1024xf32, #tpu.memory_space<hbm>>)
    %add3A_561 = arith.constant 800 : i32
    %add3A_562 = arith.addi %mul3A_2, %add3A_561 : i32
    %dma_start3A_563 = arith.constant 0 : i32
    %dma_start3A_564 = tpu.memref_slice %arg2[%add3A_562, %dma_start3A_563] : memref<32768x1024xf32, #tpu.memory_space<hbm>> -> memref<32x1024xf32, #tpu.memory_space<hbm>>
    %dma_start3A_565 = arith.constant 0 : i32
    %dma_start3A_566 = tpu.memref_slice %arg2[%add3A_562, %dma_start3A_565] : memref<32768x1024xf32, #tpu.memory_space<hbm>> -> memref<32x1024xf32, #tpu.memory_space<hbm>>
    tpu.enqueue_dma source(%dma_start3A_566 : memref<32x1024xf32, #tpu.memory_space<hbm>>) target(%arg9 : memref<32x1024xf32, #tpu.memory_space<vmem>>) target_semaphore(%arg12 : memref<!tpu.dma_semaphore, #tpu.memory_space<semaphore_mem>>)
    %dma_wait3A_567 = arith.constant 0 : i32
    %dma_wait3A_568 = tpu.memref_slice %arg2[%add3A_516, %dma_wait3A_567] : memref<32768x1024xf32, #tpu.memory_space<hbm>> -> memref<32x1024xf32, #tpu.memory_space<hbm>>
    %dma_wait3A_569 = arith.constant 0 : i32
    %dma_wait3A_570 = tpu.memref_slice %arg2[%add3A_516, %dma_wait3A_569] : memref<32768x1024xf32, #tpu.memory_space<hbm>> -> memref<32x1024xf32, #tpu.memory_space<hbm>>
    tpu.wait_dma2 semaphore(%arg13 : memref<!tpu.dma_semaphore, #tpu.memory_space<semaphore_mem>>) src(%dma_wait3A_570 : memref<32x1024xf32, #tpu.memory_space<hbm>>) dst(%arg10 : memref<32x1024xf32, #tpu.memory_space<vmem>>)
    %parallel_loop3A_571 = arith.constant 0 : i32
    %parallel_loop3A_572 = arith.constant 32 : i32
    %parallel_loop3A_573 = arith.constant 1 : i32
    scf.for %parallel_loop3A_756 = %parallel_loop3A_571 to %parallel_loop3A_572 step %parallel_loop3A_573  : i32 {
      %parallel_loop3A_757 = arith.constant 736 : i32
      %parallel_loop3A_758 = arith.addi %parallel_loop3A_757, %parallel_loop3A_756 : i32
      %parallel_loop3A_759 = arith.index_cast %parallel_loop3A_758 : i32 to index
      %parallel_loop3A_760 = tpu.vector_load %arg6[%parallel_loop3A_759] {strides = array<i32>} : memref<1040xi32, #tpu.memory_space<vmem>>, vector<16xi32>,
      %parallel_loop3A_761 = vector.shape_cast %parallel_loop3A_760 : vector<16xi32> to vector<16xi32>
      %parallel_loop3A_762 = vector.extract_strided_slice %parallel_loop3A_761 {offsets = [0], sizes = [1], strides = [1]} : vector<16xi32> to vector<1xi32>
      %parallel_loop3A_763 = vector.extract %parallel_loop3A_762[0] : i32 from vector<1xi32>
      %parallel_loop3A_764 = arith.constant 1024 : i32
      %parallel_loop3A_765 = arith.muli %parallel_loop3A_763, %parallel_loop3A_764 : i32
      %parallel_loop3A_766 = arith.constant 0 : i32
      %parallel_loop3A_767 = arith.constant 64 : i32
      %parallel_loop3A_768 = arith.constant 1 : i32
      scf.for %parallel_loop3A_769 = %parallel_loop3A_766 to %parallel_loop3A_767 step %parallel_loop3A_768  : i32 {
        %parallel_loop3A_770 = arith.constant 16 : i32
        %parallel_loop3A_771 = arith.muli %parallel_loop3A_769, %parallel_loop3A_770 : i32
        %parallel_loop3A_772 = arith.index_cast %parallel_loop3A_756 : i32 to index
        %parallel_loop3A_773 = arith.index_cast %parallel_loop3A_771 : i32 to index
        %parallel_loop3A_774 = tpu.vector_load %arg10[%parallel_loop3A_772, %parallel_loop3A_773] {strides = array<i32>} : memref<32x1024xf32, #tpu.memory_space<vmem>>, vector<1x16xf32>,
        %parallel_loop3A_775 = vector.shape_cast %parallel_loop3A_774 : vector<1x16xf32> to vector<16xf32>
        %parallel_loop3A_776 = arith.addi %parallel_loop3A_765, %parallel_loop3A_771 : i32
        %parallel_loop3A_777 = arith.index_cast %parallel_loop3A_776 : i32 to index
        %parallel_loop3A_778 = tpu.vector_load %arg7[%parallel_loop3A_777] {strides = array<i32>} : memref<16384xf32, #tpu.memory_space<vmem>>, vector<16xf32>,
        %parallel_loop3A_779 = vector.shape_cast %parallel_loop3A_778 : vector<16xf32> to vector<16xf32>
        %parallel_loop3A_780 = arith.addf %parallel_loop3A_775, %parallel_loop3A_779 : vector<16xf32>
        %parallel_loop3A_781 = arith.index_cast %parallel_loop3A_756 : i32 to index
        %parallel_loop3A_782 = arith.index_cast %parallel_loop3A_771 : i32 to index
        %parallel_loop3A_783 = tpu.vector_load %arg10[%parallel_loop3A_781, %parallel_loop3A_782] {strides = array<i32>} : memref<32x1024xf32, #tpu.memory_space<vmem>>, vector<1x16xf32>,
        %parallel_loop3A_784 = vector.shape_cast %parallel_loop3A_783 : vector<1x16xf32> to vector<16xf32>
        %parallel_loop3A_785 = vector.shape_cast %parallel_loop3A_780 : vector<16xf32> to vector<1x16xf32>
        tpu.vector_store %arg10[%parallel_loop3A_781, %parallel_loop3A_782], %parallel_loop3A_785 {strides = array<i32>} : memref<32x1024xf32, #tpu.memory_space<vmem>>, vector<1x16xf32>,
      } {sc.loop_unroll_factor = 16 : i64, sc.parallel_access}
    } {sc.loop_unroll_factor = 1 : i64, sc.parallel_access}
    %add3A_574 = arith.constant 736 : i32
    %add3A_575 = arith.addi %mul3A_2, %add3A_574 : i32
    %dma_start3A_576 = arith.constant 0 : i32
    %dma_start3A_577 = tpu.memref_slice %arg5[%add3A_575, %dma_start3A_576] : memref<32768x1024xf32, #tpu.memory_space<hbm>> -> memref<32x1024xf32, #tpu.memory_space<hbm>>
    %dma_start3A_578 = arith.constant 0 : i32
    %dma_start3A_579 = tpu.memref_slice %arg5[%add3A_575, %dma_start3A_578] : memref<32768x1024xf32, #tpu.memory_space<hbm>> -> memref<32x1024xf32, #tpu.memory_space<hbm>>
    tpu.enqueue_dma source(%arg10 : memref<32x1024xf32, #tpu.memory_space<vmem>>) target(%dma_start3A_579 : memref<32x1024xf32, #tpu.memory_space<hbm>>) target_semaphore(%arg16 : memref<!tpu.dma_semaphore, #tpu.memory_space<semaphore_mem>>)
    %dma_wait3A_580 = arith.constant 0 : i32
    %dma_wait3A_581 = tpu.memref_slice %arg5[%add3A_575, %dma_wait3A_580] : memref<32768x1024xf32, #tpu.memory_space<hbm>> -> memref<32x1024xf32, #tpu.memory_space<hbm>>
    %dma_wait3A_582 = arith.constant 0 : i32
    %dma_wait3A_583 = tpu.memref_slice %arg5[%add3A_575, %dma_wait3A_582] : memref<32768x1024xf32, #tpu.memory_space<hbm>> -> memref<32x1024xf32, #tpu.memory_space<hbm>>
    tpu.wait_dma2 semaphore(%arg16 : memref<!tpu.dma_semaphore, #tpu.memory_space<semaphore_mem>>) src(%arg10 : memref<32x1024xf32, #tpu.memory_space<vmem>>) dst(%dma_wait3A_583 : memref<32x1024xf32, #tpu.memory_space<hbm>>)
    %add3A_584 = arith.constant 832 : i32
    %add3A_585 = arith.addi %mul3A_2, %add3A_584 : i32
    %dma_start3A_586 = arith.constant 0 : i32
    %dma_start3A_587 = tpu.memref_slice %arg2[%add3A_585, %dma_start3A_586] : memref<32768x1024xf32, #tpu.memory_space<hbm>> -> memref<32x1024xf32, #tpu.memory_space<hbm>>
    %dma_start3A_588 = arith.constant 0 : i32
    %dma_start3A_589 = tpu.memref_slice %arg2[%add3A_585, %dma_start3A_588] : memref<32768x1024xf32, #tpu.memory_space<hbm>> -> memref<32x1024xf32, #tpu.memory_space<hbm>>
    tpu.enqueue_dma source(%dma_start3A_589 : memref<32x1024xf32, #tpu.memory_space<hbm>>) target(%arg10 : memref<32x1024xf32, #tpu.memory_space<vmem>>) target_semaphore(%arg13 : memref<!tpu.dma_semaphore, #tpu.memory_space<semaphore_mem>>)
    %dma_wait3A_590 = arith.constant 0 : i32
    %dma_wait3A_591 = tpu.memref_slice %arg2[%add3A_539, %dma_wait3A_590] : memref<32768x1024xf32, #tpu.memory_space<hbm>> -> memref<32x1024xf32, #tpu.memory_space<hbm>>
    %dma_wait3A_592 = arith.constant 0 : i32
    %dma_wait3A_593 = tpu.memref_slice %arg2[%add3A_539, %dma_wait3A_592] : memref<32768x1024xf32, #tpu.memory_space<hbm>> -> memref<32x1024xf32, #tpu.memory_space<hbm>>
    tpu.wait_dma2 semaphore(%arg11 : memref<!tpu.dma_semaphore, #tpu.memory_space<semaphore_mem>>) src(%dma_wait3A_593 : memref<32x1024xf32, #tpu.memory_space<hbm>>) dst(%arg8 : memref<32x1024xf32, #tpu.memory_space<vmem>>)
    %parallel_loop3A_594 = arith.constant 0 : i32
    %parallel_loop3A_595 = arith.constant 32 : i32
    %parallel_loop3A_596 = arith.constant 1 : i32
    scf.for %parallel_loop3A_756 = %parallel_loop3A_594 to %parallel_loop3A_595 step %parallel_loop3A_596  : i32 {
      %parallel_loop3A_757 = arith.constant 768 : i32
      %parallel_loop3A_758 = arith.addi %parallel_loop3A_757, %parallel_loop3A_756 : i32
      %parallel_loop3A_759 = arith.index_cast %parallel_loop3A_758 : i32 to index
      %parallel_loop3A_760 = tpu.vector_load %arg6[%parallel_loop3A_759] {strides = array<i32>} : memref<1040xi32, #tpu.memory_space<vmem>>, vector<16xi32>,
      %parallel_loop3A_761 = vector.shape_cast %parallel_loop3A_760 : vector<16xi32> to vector<16xi32>
      %parallel_loop3A_762 = vector.extract_strided_slice %parallel_loop3A_761 {offsets = [0], sizes = [1], strides = [1]} : vector<16xi32> to vector<1xi32>
      %parallel_loop3A_763 = vector.extract %parallel_loop3A_762[0] : i32 from vector<1xi32>
      %parallel_loop3A_764 = arith.constant 1024 : i32
      %parallel_loop3A_765 = arith.muli %parallel_loop3A_763, %parallel_loop3A_764 : i32
      %parallel_loop3A_766 = arith.constant 0 : i32
      %parallel_loop3A_767 = arith.constant 64 : i32
      %parallel_loop3A_768 = arith.constant 1 : i32
      scf.for %parallel_loop3A_769 = %parallel_loop3A_766 to %parallel_loop3A_767 step %parallel_loop3A_768  : i32 {
        %parallel_loop3A_770 = arith.constant 16 : i32
        %parallel_loop3A_771 = arith.muli %parallel_loop3A_769, %parallel_loop3A_770 : i32
        %parallel_loop3A_772 = arith.index_cast %parallel_loop3A_756 : i32 to index
        %parallel_loop3A_773 = arith.index_cast %parallel_loop3A_771 : i32 to index
        %parallel_loop3A_774 = tpu.vector_load %arg8[%parallel_loop3A_772, %parallel_loop3A_773] {strides = array<i32>} : memref<32x1024xf32, #tpu.memory_space<vmem>>, vector<1x16xf32>,
        %parallel_loop3A_775 = vector.shape_cast %parallel_loop3A_774 : vector<1x16xf32> to vector<16xf32>
        %parallel_loop3A_776 = arith.addi %parallel_loop3A_765, %parallel_loop3A_771 : i32
        %parallel_loop3A_777 = arith.index_cast %parallel_loop3A_776 : i32 to index
        %parallel_loop3A_778 = tpu.vector_load %arg7[%parallel_loop3A_777] {strides = array<i32>} : memref<16384xf32, #tpu.memory_space<vmem>>, vector<16xf32>,
        %parallel_loop3A_779 = vector.shape_cast %parallel_loop3A_778 : vector<16xf32> to vector<16xf32>
        %parallel_loop3A_780 = arith.addf %parallel_loop3A_775, %parallel_loop3A_779 : vector<16xf32>
        %parallel_loop3A_781 = arith.index_cast %parallel_loop3A_756 : i32 to index
        %parallel_loop3A_782 = arith.index_cast %parallel_loop3A_771 : i32 to index
        %parallel_loop3A_783 = tpu.vector_load %arg8[%parallel_loop3A_781, %parallel_loop3A_782] {strides = array<i32>} : memref<32x1024xf32, #tpu.memory_space<vmem>>, vector<1x16xf32>,
        %parallel_loop3A_784 = vector.shape_cast %parallel_loop3A_783 : vector<1x16xf32> to vector<16xf32>
        %parallel_loop3A_785 = vector.shape_cast %parallel_loop3A_780 : vector<16xf32> to vector<1x16xf32>
        tpu.vector_store %arg8[%parallel_loop3A_781, %parallel_loop3A_782], %parallel_loop3A_785 {strides = array<i32>} : memref<32x1024xf32, #tpu.memory_space<vmem>>, vector<1x16xf32>,
      } {sc.loop_unroll_factor = 16 : i64, sc.parallel_access}
    } {sc.loop_unroll_factor = 1 : i64, sc.parallel_access}
    %add3A_597 = arith.constant 768 : i32
    %add3A_598 = arith.addi %mul3A_2, %add3A_597 : i32
    %dma_start3A_599 = arith.constant 0 : i32
    %dma_start3A_600 = tpu.memref_slice %arg5[%add3A_598, %dma_start3A_599] : memref<32768x1024xf32, #tpu.memory_space<hbm>> -> memref<32x1024xf32, #tpu.memory_space<hbm>>
    %dma_start3A_601 = arith.constant 0 : i32
    %dma_start3A_602 = tpu.memref_slice %arg5[%add3A_598, %dma_start3A_601] : memref<32768x1024xf32, #tpu.memory_space<hbm>> -> memref<32x1024xf32, #tpu.memory_space<hbm>>
    tpu.enqueue_dma source(%arg8 : memref<32x1024xf32, #tpu.memory_space<vmem>>) target(%dma_start3A_602 : memref<32x1024xf32, #tpu.memory_space<hbm>>) target_semaphore(%arg14 : memref<!tpu.dma_semaphore, #tpu.memory_space<semaphore_mem>>)
    %dma_wait3A_603 = arith.constant 0 : i32
    %dma_wait3A_604 = tpu.memref_slice %arg5[%add3A_598, %dma_wait3A_603] : memref<32768x1024xf32, #tpu.memory_space<hbm>> -> memref<32x1024xf32, #tpu.memory_space<hbm>>
    %dma_wait3A_605 = arith.constant 0 : i32
    %dma_wait3A_606 = tpu.memref_slice %arg5[%add3A_598, %dma_wait3A_605] : memref<32768x1024xf32, #tpu.memory_space<hbm>> -> memref<32x1024xf32, #tpu.memory_space<hbm>>
    tpu.wait_dma2 semaphore(%arg14 : memref<!tpu.dma_semaphore, #tpu.memory_space<semaphore_mem>>) src(%arg8 : memref<32x1024xf32, #tpu.memory_space<vmem>>) dst(%dma_wait3A_606 : memref<32x1024xf32, #tpu.memory_space<hbm>>)
    %add3A_607 = arith.constant 864 : i32
    %add3A_608 = arith.addi %mul3A_2, %add3A_607 : i32
    %dma_start3A_609 = arith.constant 0 : i32
    %dma_start3A_610 = tpu.memref_slice %arg2[%add3A_608, %dma_start3A_609] : memref<32768x1024xf32, #tpu.memory_space<hbm>> -> memref<32x1024xf32, #tpu.memory_space<hbm>>
    %dma_start3A_611 = arith.constant 0 : i32
    %dma_start3A_612 = tpu.memref_slice %arg2[%add3A_608, %dma_start3A_611] : memref<32768x1024xf32, #tpu.memory_space<hbm>> -> memref<32x1024xf32, #tpu.memory_space<hbm>>
    tpu.enqueue_dma source(%dma_start3A_612 : memref<32x1024xf32, #tpu.memory_space<hbm>>) target(%arg8 : memref<32x1024xf32, #tpu.memory_space<vmem>>) target_semaphore(%arg11 : memref<!tpu.dma_semaphore, #tpu.memory_space<semaphore_mem>>)
    %dma_wait3A_613 = arith.constant 0 : i32
    %dma_wait3A_614 = tpu.memref_slice %arg2[%add3A_562, %dma_wait3A_613] : memref<32768x1024xf32, #tpu.memory_space<hbm>> -> memref<32x1024xf32, #tpu.memory_space<hbm>>
    %dma_wait3A_615 = arith.constant 0 : i32
    %dma_wait3A_616 = tpu.memref_slice %arg2[%add3A_562, %dma_wait3A_615] : memref<32768x1024xf32, #tpu.memory_space<hbm>> -> memref<32x1024xf32, #tpu.memory_space<hbm>>
    tpu.wait_dma2 semaphore(%arg12 : memref<!tpu.dma_semaphore, #tpu.memory_space<semaphore_mem>>) src(%dma_wait3A_616 : memref<32x1024xf32, #tpu.memory_space<hbm>>) dst(%arg9 : memref<32x1024xf32, #tpu.memory_space<vmem>>)
    %parallel_loop3A_617 = arith.constant 0 : i32
    %parallel_loop3A_618 = arith.constant 32 : i32
    %parallel_loop3A_619 = arith.constant 1 : i32
    scf.for %parallel_loop3A_756 = %parallel_loop3A_617 to %parallel_loop3A_618 step %parallel_loop3A_619  : i32 {
      %parallel_loop3A_757 = arith.constant 800 : i32
      %parallel_loop3A_758 = arith.addi %parallel_loop3A_757, %parallel_loop3A_756 : i32
      %parallel_loop3A_759 = arith.index_cast %parallel_loop3A_758 : i32 to index
      %parallel_loop3A_760 = tpu.vector_load %arg6[%parallel_loop3A_759] {strides = array<i32>} : memref<1040xi32, #tpu.memory_space<vmem>>, vector<16xi32>,
      %parallel_loop3A_761 = vector.shape_cast %parallel_loop3A_760 : vector<16xi32> to vector<16xi32>
      %parallel_loop3A_762 = vector.extract_strided_slice %parallel_loop3A_761 {offsets = [0], sizes = [1], strides = [1]} : vector<16xi32> to vector<1xi32>
      %parallel_loop3A_763 = vector.extract %parallel_loop3A_762[0] : i32 from vector<1xi32>
      %parallel_loop3A_764 = arith.constant 1024 : i32
      %parallel_loop3A_765 = arith.muli %parallel_loop3A_763, %parallel_loop3A_764 : i32
      %parallel_loop3A_766 = arith.constant 0 : i32
      %parallel_loop3A_767 = arith.constant 64 : i32
      %parallel_loop3A_768 = arith.constant 1 : i32
      scf.for %parallel_loop3A_769 = %parallel_loop3A_766 to %parallel_loop3A_767 step %parallel_loop3A_768  : i32 {
        %parallel_loop3A_770 = arith.constant 16 : i32
        %parallel_loop3A_771 = arith.muli %parallel_loop3A_769, %parallel_loop3A_770 : i32
        %parallel_loop3A_772 = arith.index_cast %parallel_loop3A_756 : i32 to index
        %parallel_loop3A_773 = arith.index_cast %parallel_loop3A_771 : i32 to index
        %parallel_loop3A_774 = tpu.vector_load %arg9[%parallel_loop3A_772, %parallel_loop3A_773] {strides = array<i32>} : memref<32x1024xf32, #tpu.memory_space<vmem>>, vector<1x16xf32>,
        %parallel_loop3A_775 = vector.shape_cast %parallel_loop3A_774 : vector<1x16xf32> to vector<16xf32>
        %parallel_loop3A_776 = arith.addi %parallel_loop3A_765, %parallel_loop3A_771 : i32
        %parallel_loop3A_777 = arith.index_cast %parallel_loop3A_776 : i32 to index
        %parallel_loop3A_778 = tpu.vector_load %arg7[%parallel_loop3A_777] {strides = array<i32>} : memref<16384xf32, #tpu.memory_space<vmem>>, vector<16xf32>,
        %parallel_loop3A_779 = vector.shape_cast %parallel_loop3A_778 : vector<16xf32> to vector<16xf32>
        %parallel_loop3A_780 = arith.addf %parallel_loop3A_775, %parallel_loop3A_779 : vector<16xf32>
        %parallel_loop3A_781 = arith.index_cast %parallel_loop3A_756 : i32 to index
        %parallel_loop3A_782 = arith.index_cast %parallel_loop3A_771 : i32 to index
        %parallel_loop3A_783 = tpu.vector_load %arg9[%parallel_loop3A_781, %parallel_loop3A_782] {strides = array<i32>} : memref<32x1024xf32, #tpu.memory_space<vmem>>, vector<1x16xf32>,
        %parallel_loop3A_784 = vector.shape_cast %parallel_loop3A_783 : vector<1x16xf32> to vector<16xf32>
        %parallel_loop3A_785 = vector.shape_cast %parallel_loop3A_780 : vector<16xf32> to vector<1x16xf32>
        tpu.vector_store %arg9[%parallel_loop3A_781, %parallel_loop3A_782], %parallel_loop3A_785 {strides = array<i32>} : memref<32x1024xf32, #tpu.memory_space<vmem>>, vector<1x16xf32>,
      } {sc.loop_unroll_factor = 16 : i64, sc.parallel_access}
    } {sc.loop_unroll_factor = 1 : i64, sc.parallel_access}
    %add3A_620 = arith.constant 800 : i32
    %add3A_621 = arith.addi %mul3A_2, %add3A_620 : i32
    %dma_start3A_622 = arith.constant 0 : i32
    %dma_start3A_623 = tpu.memref_slice %arg5[%add3A_621, %dma_start3A_622] : memref<32768x1024xf32, #tpu.memory_space<hbm>> -> memref<32x1024xf32, #tpu.memory_space<hbm>>
    %dma_start3A_624 = arith.constant 0 : i32
    %dma_start3A_625 = tpu.memref_slice %arg5[%add3A_621, %dma_start3A_624] : memref<32768x1024xf32, #tpu.memory_space<hbm>> -> memref<32x1024xf32, #tpu.memory_space<hbm>>
    tpu.enqueue_dma source(%arg9 : memref<32x1024xf32, #tpu.memory_space<vmem>>) target(%dma_start3A_625 : memref<32x1024xf32, #tpu.memory_space<hbm>>) target_semaphore(%arg15 : memref<!tpu.dma_semaphore, #tpu.memory_space<semaphore_mem>>)
    %dma_wait3A_626 = arith.constant 0 : i32
    %dma_wait3A_627 = tpu.memref_slice %arg5[%add3A_621, %dma_wait3A_626] : memref<32768x1024xf32, #tpu.memory_space<hbm>> -> memref<32x1024xf32, #tpu.memory_space<hbm>>
    %dma_wait3A_628 = arith.constant 0 : i32
    %dma_wait3A_629 = tpu.memref_slice %arg5[%add3A_621, %dma_wait3A_628] : memref<32768x1024xf32, #tpu.memory_space<hbm>> -> memref<32x1024xf32, #tpu.memory_space<hbm>>
    tpu.wait_dma2 semaphore(%arg15 : memref<!tpu.dma_semaphore, #tpu.memory_space<semaphore_mem>>) src(%arg9 : memref<32x1024xf32, #tpu.memory_space<vmem>>) dst(%dma_wait3A_629 : memref<32x1024xf32, #tpu.memory_space<hbm>>)
    %add3A_630 = arith.constant 896 : i32
    %add3A_631 = arith.addi %mul3A_2, %add3A_630 : i32
    %dma_start3A_632 = arith.constant 0 : i32
    %dma_start3A_633 = tpu.memref_slice %arg2[%add3A_631, %dma_start3A_632] : memref<32768x1024xf32, #tpu.memory_space<hbm>> -> memref<32x1024xf32, #tpu.memory_space<hbm>>
    %dma_start3A_634 = arith.constant 0 : i32
    %dma_start3A_635 = tpu.memref_slice %arg2[%add3A_631, %dma_start3A_634] : memref<32768x1024xf32, #tpu.memory_space<hbm>> -> memref<32x1024xf32, #tpu.memory_space<hbm>>
    tpu.enqueue_dma source(%dma_start3A_635 : memref<32x1024xf32, #tpu.memory_space<hbm>>) target(%arg9 : memref<32x1024xf32, #tpu.memory_space<vmem>>) target_semaphore(%arg12 : memref<!tpu.dma_semaphore, #tpu.memory_space<semaphore_mem>>)
    %dma_wait3A_636 = arith.constant 0 : i32
    %dma_wait3A_637 = tpu.memref_slice %arg2[%add3A_585, %dma_wait3A_636] : memref<32768x1024xf32, #tpu.memory_space<hbm>> -> memref<32x1024xf32, #tpu.memory_space<hbm>>
    %dma_wait3A_638 = arith.constant 0 : i32
    %dma_wait3A_639 = tpu.memref_slice %arg2[%add3A_585, %dma_wait3A_638] : memref<32768x1024xf32, #tpu.memory_space<hbm>> -> memref<32x1024xf32, #tpu.memory_space<hbm>>
    tpu.wait_dma2 semaphore(%arg13 : memref<!tpu.dma_semaphore, #tpu.memory_space<semaphore_mem>>) src(%dma_wait3A_639 : memref<32x1024xf32, #tpu.memory_space<hbm>>) dst(%arg10 : memref<32x1024xf32, #tpu.memory_space<vmem>>)
    %parallel_loop3A_640 = arith.constant 0 : i32
    %parallel_loop3A_641 = arith.constant 32 : i32
    %parallel_loop3A_642 = arith.constant 1 : i32
    scf.for %parallel_loop3A_756 = %parallel_loop3A_640 to %parallel_loop3A_641 step %parallel_loop3A_642  : i32 {
      %parallel_loop3A_757 = arith.constant 832 : i32
      %parallel_loop3A_758 = arith.addi %parallel_loop3A_757, %parallel_loop3A_756 : i32
      %parallel_loop3A_759 = arith.index_cast %parallel_loop3A_758 : i32 to index
      %parallel_loop3A_760 = tpu.vector_load %arg6[%parallel_loop3A_759] {strides = array<i32>} : memref<1040xi32, #tpu.memory_space<vmem>>, vector<16xi32>,
      %parallel_loop3A_761 = vector.shape_cast %parallel_loop3A_760 : vector<16xi32> to vector<16xi32>
      %parallel_loop3A_762 = vector.extract_strided_slice %parallel_loop3A_761 {offsets = [0], sizes = [1], strides = [1]} : vector<16xi32> to vector<1xi32>
      %parallel_loop3A_763 = vector.extract %parallel_loop3A_762[0] : i32 from vector<1xi32>
      %parallel_loop3A_764 = arith.constant 1024 : i32
      %parallel_loop3A_765 = arith.muli %parallel_loop3A_763, %parallel_loop3A_764 : i32
      %parallel_loop3A_766 = arith.constant 0 : i32
      %parallel_loop3A_767 = arith.constant 64 : i32
      %parallel_loop3A_768 = arith.constant 1 : i32
      scf.for %parallel_loop3A_769 = %parallel_loop3A_766 to %parallel_loop3A_767 step %parallel_loop3A_768  : i32 {
        %parallel_loop3A_770 = arith.constant 16 : i32
        %parallel_loop3A_771 = arith.muli %parallel_loop3A_769, %parallel_loop3A_770 : i32
        %parallel_loop3A_772 = arith.index_cast %parallel_loop3A_756 : i32 to index
        %parallel_loop3A_773 = arith.index_cast %parallel_loop3A_771 : i32 to index
        %parallel_loop3A_774 = tpu.vector_load %arg10[%parallel_loop3A_772, %parallel_loop3A_773] {strides = array<i32>} : memref<32x1024xf32, #tpu.memory_space<vmem>>, vector<1x16xf32>,
        %parallel_loop3A_775 = vector.shape_cast %parallel_loop3A_774 : vector<1x16xf32> to vector<16xf32>
        %parallel_loop3A_776 = arith.addi %parallel_loop3A_765, %parallel_loop3A_771 : i32
        %parallel_loop3A_777 = arith.index_cast %parallel_loop3A_776 : i32 to index
        %parallel_loop3A_778 = tpu.vector_load %arg7[%parallel_loop3A_777] {strides = array<i32>} : memref<16384xf32, #tpu.memory_space<vmem>>, vector<16xf32>,
        %parallel_loop3A_779 = vector.shape_cast %parallel_loop3A_778 : vector<16xf32> to vector<16xf32>
        %parallel_loop3A_780 = arith.addf %parallel_loop3A_775, %parallel_loop3A_779 : vector<16xf32>
        %parallel_loop3A_781 = arith.index_cast %parallel_loop3A_756 : i32 to index
        %parallel_loop3A_782 = arith.index_cast %parallel_loop3A_771 : i32 to index
        %parallel_loop3A_783 = tpu.vector_load %arg10[%parallel_loop3A_781, %parallel_loop3A_782] {strides = array<i32>} : memref<32x1024xf32, #tpu.memory_space<vmem>>, vector<1x16xf32>,
        %parallel_loop3A_784 = vector.shape_cast %parallel_loop3A_783 : vector<1x16xf32> to vector<16xf32>
        %parallel_loop3A_785 = vector.shape_cast %parallel_loop3A_780 : vector<16xf32> to vector<1x16xf32>
        tpu.vector_store %arg10[%parallel_loop3A_781, %parallel_loop3A_782], %parallel_loop3A_785 {strides = array<i32>} : memref<32x1024xf32, #tpu.memory_space<vmem>>, vector<1x16xf32>,
      } {sc.loop_unroll_factor = 16 : i64, sc.parallel_access}
    } {sc.loop_unroll_factor = 1 : i64, sc.parallel_access}
    %add3A_643 = arith.constant 832 : i32
    %add3A_644 = arith.addi %mul3A_2, %add3A_643 : i32
    %dma_start3A_645 = arith.constant 0 : i32
    %dma_start3A_646 = tpu.memref_slice %arg5[%add3A_644, %dma_start3A_645] : memref<32768x1024xf32, #tpu.memory_space<hbm>> -> memref<32x1024xf32, #tpu.memory_space<hbm>>
    %dma_start3A_647 = arith.constant 0 : i32
    %dma_start3A_648 = tpu.memref_slice %arg5[%add3A_644, %dma_start3A_647] : memref<32768x1024xf32, #tpu.memory_space<hbm>> -> memref<32x1024xf32, #tpu.memory_space<hbm>>
    tpu.enqueue_dma source(%arg10 : memref<32x1024xf32, #tpu.memory_space<vmem>>) target(%dma_start3A_648 : memref<32x1024xf32, #tpu.memory_space<hbm>>) target_semaphore(%arg16 : memref<!tpu.dma_semaphore, #tpu.memory_space<semaphore_mem>>)
    %dma_wait3A_649 = arith.constant 0 : i32
    %dma_wait3A_650 = tpu.memref_slice %arg5[%add3A_644, %dma_wait3A_649] : memref<32768x1024xf32, #tpu.memory_space<hbm>> -> memref<32x1024xf32, #tpu.memory_space<hbm>>
    %dma_wait3A_651 = arith.constant 0 : i32
    %dma_wait3A_652 = tpu.memref_slice %arg5[%add3A_644, %dma_wait3A_651] : memref<32768x1024xf32, #tpu.memory_space<hbm>> -> memref<32x1024xf32, #tpu.memory_space<hbm>>
    tpu.wait_dma2 semaphore(%arg16 : memref<!tpu.dma_semaphore, #tpu.memory_space<semaphore_mem>>) src(%arg10 : memref<32x1024xf32, #tpu.memory_space<vmem>>) dst(%dma_wait3A_652 : memref<32x1024xf32, #tpu.memory_space<hbm>>)
    %add3A_653 = arith.constant 928 : i32
    %add3A_654 = arith.addi %mul3A_2, %add3A_653 : i32
    %dma_start3A_655 = arith.constant 0 : i32
    %dma_start3A_656 = tpu.memref_slice %arg2[%add3A_654, %dma_start3A_655] : memref<32768x1024xf32, #tpu.memory_space<hbm>> -> memref<32x1024xf32, #tpu.memory_space<hbm>>
    %dma_start3A_657 = arith.constant 0 : i32
    %dma_start3A_658 = tpu.memref_slice %arg2[%add3A_654, %dma_start3A_657] : memref<32768x1024xf32, #tpu.memory_space<hbm>> -> memref<32x1024xf32, #tpu.memory_space<hbm>>
    tpu.enqueue_dma source(%dma_start3A_658 : memref<32x1024xf32, #tpu.memory_space<hbm>>) target(%arg10 : memref<32x1024xf32, #tpu.memory_space<vmem>>) target_semaphore(%arg13 : memref<!tpu.dma_semaphore, #tpu.memory_space<semaphore_mem>>)
    %dma_wait3A_659 = arith.constant 0 : i32
    %dma_wait3A_660 = tpu.memref_slice %arg2[%add3A_608, %dma_wait3A_659] : memref<32768x1024xf32, #tpu.memory_space<hbm>> -> memref<32x1024xf32, #tpu.memory_space<hbm>>
    %dma_wait3A_661 = arith.constant 0 : i32
    %dma_wait3A_662 = tpu.memref_slice %arg2[%add3A_608, %dma_wait3A_661] : memref<32768x1024xf32, #tpu.memory_space<hbm>> -> memref<32x1024xf32, #tpu.memory_space<hbm>>
    tpu.wait_dma2 semaphore(%arg11 : memref<!tpu.dma_semaphore, #tpu.memory_space<semaphore_mem>>) src(%dma_wait3A_662 : memref<32x1024xf32, #tpu.memory_space<hbm>>) dst(%arg8 : memref<32x1024xf32, #tpu.memory_space<vmem>>)
    %parallel_loop3A_663 = arith.constant 0 : i32
    %parallel_loop3A_664 = arith.constant 32 : i32
    %parallel_loop3A_665 = arith.constant 1 : i32
    scf.for %parallel_loop3A_756 = %parallel_loop3A_663 to %parallel_loop3A_664 step %parallel_loop3A_665  : i32 {
      %parallel_loop3A_757 = arith.constant 864 : i32
      %parallel_loop3A_758 = arith.addi %parallel_loop3A_757, %parallel_loop3A_756 : i32
      %parallel_loop3A_759 = arith.index_cast %parallel_loop3A_758 : i32 to index
      %parallel_loop3A_760 = tpu.vector_load %arg6[%parallel_loop3A_759] {strides = array<i32>} : memref<1040xi32, #tpu.memory_space<vmem>>, vector<16xi32>,
      %parallel_loop3A_761 = vector.shape_cast %parallel_loop3A_760 : vector<16xi32> to vector<16xi32>
      %parallel_loop3A_762 = vector.extract_strided_slice %parallel_loop3A_761 {offsets = [0], sizes = [1], strides = [1]} : vector<16xi32> to vector<1xi32>
      %parallel_loop3A_763 = vector.extract %parallel_loop3A_762[0] : i32 from vector<1xi32>
      %parallel_loop3A_764 = arith.constant 1024 : i32
      %parallel_loop3A_765 = arith.muli %parallel_loop3A_763, %parallel_loop3A_764 : i32
      %parallel_loop3A_766 = arith.constant 0 : i32
      %parallel_loop3A_767 = arith.constant 64 : i32
      %parallel_loop3A_768 = arith.constant 1 : i32
      scf.for %parallel_loop3A_769 = %parallel_loop3A_766 to %parallel_loop3A_767 step %parallel_loop3A_768  : i32 {
        %parallel_loop3A_770 = arith.constant 16 : i32
        %parallel_loop3A_771 = arith.muli %parallel_loop3A_769, %parallel_loop3A_770 : i32
        %parallel_loop3A_772 = arith.index_cast %parallel_loop3A_756 : i32 to index
        %parallel_loop3A_773 = arith.index_cast %parallel_loop3A_771 : i32 to index
        %parallel_loop3A_774 = tpu.vector_load %arg8[%parallel_loop3A_772, %parallel_loop3A_773] {strides = array<i32>} : memref<32x1024xf32, #tpu.memory_space<vmem>>, vector<1x16xf32>,
        %parallel_loop3A_775 = vector.shape_cast %parallel_loop3A_774 : vector<1x16xf32> to vector<16xf32>
        %parallel_loop3A_776 = arith.addi %parallel_loop3A_765, %parallel_loop3A_771 : i32
        %parallel_loop3A_777 = arith.index_cast %parallel_loop3A_776 : i32 to index
        %parallel_loop3A_778 = tpu.vector_load %arg7[%parallel_loop3A_777] {strides = array<i32>} : memref<16384xf32, #tpu.memory_space<vmem>>, vector<16xf32>,
        %parallel_loop3A_779 = vector.shape_cast %parallel_loop3A_778 : vector<16xf32> to vector<16xf32>
        %parallel_loop3A_780 = arith.addf %parallel_loop3A_775, %parallel_loop3A_779 : vector<16xf32>
        %parallel_loop3A_781 = arith.index_cast %parallel_loop3A_756 : i32 to index
        %parallel_loop3A_782 = arith.index_cast %parallel_loop3A_771 : i32 to index
        %parallel_loop3A_783 = tpu.vector_load %arg8[%parallel_loop3A_781, %parallel_loop3A_782] {strides = array<i32>} : memref<32x1024xf32, #tpu.memory_space<vmem>>, vector<1x16xf32>,
        %parallel_loop3A_784 = vector.shape_cast %parallel_loop3A_783 : vector<1x16xf32> to vector<16xf32>
        %parallel_loop3A_785 = vector.shape_cast %parallel_loop3A_780 : vector<16xf32> to vector<1x16xf32>
        tpu.vector_store %arg8[%parallel_loop3A_781, %parallel_loop3A_782], %parallel_loop3A_785 {strides = array<i32>} : memref<32x1024xf32, #tpu.memory_space<vmem>>, vector<1x16xf32>,
      } {sc.loop_unroll_factor = 16 : i64, sc.parallel_access}
    } {sc.loop_unroll_factor = 1 : i64, sc.parallel_access}
    %add3A_666 = arith.constant 864 : i32
    %add3A_667 = arith.addi %mul3A_2, %add3A_666 : i32
    %dma_start3A_668 = arith.constant 0 : i32
    %dma_start3A_669 = tpu.memref_slice %arg5[%add3A_667, %dma_start3A_668] : memref<32768x1024xf32, #tpu.memory_space<hbm>> -> memref<32x1024xf32, #tpu.memory_space<hbm>>
    %dma_start3A_670 = arith.constant 0 : i32
    %dma_start3A_671 = tpu.memref_slice %arg5[%add3A_667, %dma_start3A_670] : memref<32768x1024xf32, #tpu.memory_space<hbm>> -> memref<32x1024xf32, #tpu.memory_space<hbm>>
    tpu.enqueue_dma source(%arg8 : memref<32x1024xf32, #tpu.memory_space<vmem>>) target(%dma_start3A_671 : memref<32x1024xf32, #tpu.memory_space<hbm>>) target_semaphore(%arg14 : memref<!tpu.dma_semaphore, #tpu.memory_space<semaphore_mem>>)
    %dma_wait3A_672 = arith.constant 0 : i32
    %dma_wait3A_673 = tpu.memref_slice %arg5[%add3A_667, %dma_wait3A_672] : memref<32768x1024xf32, #tpu.memory_space<hbm>> -> memref<32x1024xf32, #tpu.memory_space<hbm>>
    %dma_wait3A_674 = arith.constant 0 : i32
    %dma_wait3A_675 = tpu.memref_slice %arg5[%add3A_667, %dma_wait3A_674] : memref<32768x1024xf32, #tpu.memory_space<hbm>> -> memref<32x1024xf32, #tpu.memory_space<hbm>>
    tpu.wait_dma2 semaphore(%arg14 : memref<!tpu.dma_semaphore, #tpu.memory_space<semaphore_mem>>) src(%arg8 : memref<32x1024xf32, #tpu.memory_space<vmem>>) dst(%dma_wait3A_675 : memref<32x1024xf32, #tpu.memory_space<hbm>>)
    %add3A_676 = arith.constant 960 : i32
    %add3A_677 = arith.addi %mul3A_2, %add3A_676 : i32
    %dma_start3A_678 = arith.constant 0 : i32
    %dma_start3A_679 = tpu.memref_slice %arg2[%add3A_677, %dma_start3A_678] : memref<32768x1024xf32, #tpu.memory_space<hbm>> -> memref<32x1024xf32, #tpu.memory_space<hbm>>
    %dma_start3A_680 = arith.constant 0 : i32
    %dma_start3A_681 = tpu.memref_slice %arg2[%add3A_677, %dma_start3A_680] : memref<32768x1024xf32, #tpu.memory_space<hbm>> -> memref<32x1024xf32, #tpu.memory_space<hbm>>
    tpu.enqueue_dma source(%dma_start3A_681 : memref<32x1024xf32, #tpu.memory_space<hbm>>) target(%arg8 : memref<32x1024xf32, #tpu.memory_space<vmem>>) target_semaphore(%arg11 : memref<!tpu.dma_semaphore, #tpu.memory_space<semaphore_mem>>)
    %dma_wait3A_682 = arith.constant 0 : i32
    %dma_wait3A_683 = tpu.memref_slice %arg2[%add3A_631, %dma_wait3A_682] : memref<32768x1024xf32, #tpu.memory_space<hbm>> -> memref<32x1024xf32, #tpu.memory_space<hbm>>
    %dma_wait3A_684 = arith.constant 0 : i32
    %dma_wait3A_685 = tpu.memref_slice %arg2[%add3A_631, %dma_wait3A_684] : memref<32768x1024xf32, #tpu.memory_space<hbm>> -> memref<32x1024xf32, #tpu.memory_space<hbm>>
    tpu.wait_dma2 semaphore(%arg12 : memref<!tpu.dma_semaphore, #tpu.memory_space<semaphore_mem>>) src(%dma_wait3A_685 : memref<32x1024xf32, #tpu.memory_space<hbm>>) dst(%arg9 : memref<32x1024xf32, #tpu.memory_space<vmem>>)
    %parallel_loop3A_686 = arith.constant 0 : i32
    %parallel_loop3A_687 = arith.constant 32 : i32
    %parallel_loop3A_688 = arith.constant 1 : i32
    scf.for %parallel_loop3A_756 = %parallel_loop3A_686 to %parallel_loop3A_687 step %parallel_loop3A_688  : i32 {
      %parallel_loop3A_757 = arith.constant 896 : i32
      %parallel_loop3A_758 = arith.addi %parallel_loop3A_757, %parallel_loop3A_756 : i32
      %parallel_loop3A_759 = arith.index_cast %parallel_loop3A_758 : i32 to index
      %parallel_loop3A_760 = tpu.vector_load %arg6[%parallel_loop3A_759] {strides = array<i32>} : memref<1040xi32, #tpu.memory_space<vmem>>, vector<16xi32>,
      %parallel_loop3A_761 = vector.shape_cast %parallel_loop3A_760 : vector<16xi32> to vector<16xi32>
      %parallel_loop3A_762 = vector.extract_strided_slice %parallel_loop3A_761 {offsets = [0], sizes = [1], strides = [1]} : vector<16xi32> to vector<1xi32>
      %parallel_loop3A_763 = vector.extract %parallel_loop3A_762[0] : i32 from vector<1xi32>
      %parallel_loop3A_764 = arith.constant 1024 : i32
      %parallel_loop3A_765 = arith.muli %parallel_loop3A_763, %parallel_loop3A_764 : i32
      %parallel_loop3A_766 = arith.constant 0 : i32
      %parallel_loop3A_767 = arith.constant 64 : i32
      %parallel_loop3A_768 = arith.constant 1 : i32
      scf.for %parallel_loop3A_769 = %parallel_loop3A_766 to %parallel_loop3A_767 step %parallel_loop3A_768  : i32 {
        %parallel_loop3A_770 = arith.constant 16 : i32
        %parallel_loop3A_771 = arith.muli %parallel_loop3A_769, %parallel_loop3A_770 : i32
        %parallel_loop3A_772 = arith.index_cast %parallel_loop3A_756 : i32 to index
        %parallel_loop3A_773 = arith.index_cast %parallel_loop3A_771 : i32 to index
        %parallel_loop3A_774 = tpu.vector_load %arg9[%parallel_loop3A_772, %parallel_loop3A_773] {strides = array<i32>} : memref<32x1024xf32, #tpu.memory_space<vmem>>, vector<1x16xf32>,
        %parallel_loop3A_775 = vector.shape_cast %parallel_loop3A_774 : vector<1x16xf32> to vector<16xf32>
        %parallel_loop3A_776 = arith.addi %parallel_loop3A_765, %parallel_loop3A_771 : i32
        %parallel_loop3A_777 = arith.index_cast %parallel_loop3A_776 : i32 to index
        %parallel_loop3A_778 = tpu.vector_load %arg7[%parallel_loop3A_777] {strides = array<i32>} : memref<16384xf32, #tpu.memory_space<vmem>>, vector<16xf32>,
        %parallel_loop3A_779 = vector.shape_cast %parallel_loop3A_778 : vector<16xf32> to vector<16xf32>
        %parallel_loop3A_780 = arith.addf %parallel_loop3A_775, %parallel_loop3A_779 : vector<16xf32>
        %parallel_loop3A_781 = arith.index_cast %parallel_loop3A_756 : i32 to index
        %parallel_loop3A_782 = arith.index_cast %parallel_loop3A_771 : i32 to index
        %parallel_loop3A_783 = tpu.vector_load %arg9[%parallel_loop3A_781, %parallel_loop3A_782] {strides = array<i32>} : memref<32x1024xf32, #tpu.memory_space<vmem>>, vector<1x16xf32>,
        %parallel_loop3A_784 = vector.shape_cast %parallel_loop3A_783 : vector<1x16xf32> to vector<16xf32>
        %parallel_loop3A_785 = vector.shape_cast %parallel_loop3A_780 : vector<16xf32> to vector<1x16xf32>
        tpu.vector_store %arg9[%parallel_loop3A_781, %parallel_loop3A_782], %parallel_loop3A_785 {strides = array<i32>} : memref<32x1024xf32, #tpu.memory_space<vmem>>, vector<1x16xf32>,
      } {sc.loop_unroll_factor = 16 : i64, sc.parallel_access}
    } {sc.loop_unroll_factor = 1 : i64, sc.parallel_access}
    %add3A_689 = arith.constant 896 : i32
    %add3A_690 = arith.addi %mul3A_2, %add3A_689 : i32
    %dma_start3A_691 = arith.constant 0 : i32
    %dma_start3A_692 = tpu.memref_slice %arg5[%add3A_690, %dma_start3A_691] : memref<32768x1024xf32, #tpu.memory_space<hbm>> -> memref<32x1024xf32, #tpu.memory_space<hbm>>
    %dma_start3A_693 = arith.constant 0 : i32
    %dma_start3A_694 = tpu.memref_slice %arg5[%add3A_690, %dma_start3A_693] : memref<32768x1024xf32, #tpu.memory_space<hbm>> -> memref<32x1024xf32, #tpu.memory_space<hbm>>
    tpu.enqueue_dma source(%arg9 : memref<32x1024xf32, #tpu.memory_space<vmem>>) target(%dma_start3A_694 : memref<32x1024xf32, #tpu.memory_space<hbm>>) target_semaphore(%arg15 : memref<!tpu.dma_semaphore, #tpu.memory_space<semaphore_mem>>)
    %dma_wait3A_695 = arith.constant 0 : i32
    %dma_wait3A_696 = tpu.memref_slice %arg5[%add3A_690, %dma_wait3A_695] : memref<32768x1024xf32, #tpu.memory_space<hbm>> -> memref<32x1024xf32, #tpu.memory_space<hbm>>
    %dma_wait3A_697 = arith.constant 0 : i32
    %dma_wait3A_698 = tpu.memref_slice %arg5[%add3A_690, %dma_wait3A_697] : memref<32768x1024xf32, #tpu.memory_space<hbm>> -> memref<32x1024xf32, #tpu.memory_space<hbm>>
    tpu.wait_dma2 semaphore(%arg15 : memref<!tpu.dma_semaphore, #tpu.memory_space<semaphore_mem>>) src(%arg9 : memref<32x1024xf32, #tpu.memory_space<vmem>>) dst(%dma_wait3A_698 : memref<32x1024xf32, #tpu.memory_space<hbm>>)
    %add3A_699 = arith.constant 992 : i32
    %add3A_700 = arith.addi %mul3A_2, %add3A_699 : i32
    %dma_start3A_701 = arith.constant 0 : i32
    %dma_start3A_702 = tpu.memref_slice %arg2[%add3A_700, %dma_start3A_701] : memref<32768x1024xf32, #tpu.memory_space<hbm>> -> memref<32x1024xf32, #tpu.memory_space<hbm>>
    %dma_start3A_703 = arith.constant 0 : i32
    %dma_start3A_704 = tpu.memref_slice %arg2[%add3A_700, %dma_start3A_703] : memref<32768x1024xf32, #tpu.memory_space<hbm>> -> memref<32x1024xf32, #tpu.memory_space<hbm>>
    tpu.enqueue_dma source(%dma_start3A_704 : memref<32x1024xf32, #tpu.memory_space<hbm>>) target(%arg9 : memref<32x1024xf32, #tpu.memory_space<vmem>>) target_semaphore(%arg12 : memref<!tpu.dma_semaphore, #tpu.memory_space<semaphore_mem>>)
    %dma_wait3A_705 = arith.constant 0 : i32
    %dma_wait3A_706 = tpu.memref_slice %arg2[%add3A_654, %dma_wait3A_705] : memref<32768x1024xf32, #tpu.memory_space<hbm>> -> memref<32x1024xf32, #tpu.memory_space<hbm>>
    %dma_wait3A_707 = arith.constant 0 : i32
    %dma_wait3A_708 = tpu.memref_slice %arg2[%add3A_654, %dma_wait3A_707] : memref<32768x1024xf32, #tpu.memory_space<hbm>> -> memref<32x1024xf32, #tpu.memory_space<hbm>>
    tpu.wait_dma2 semaphore(%arg13 : memref<!tpu.dma_semaphore, #tpu.memory_space<semaphore_mem>>) src(%dma_wait3A_708 : memref<32x1024xf32, #tpu.memory_space<hbm>>) dst(%arg10 : memref<32x1024xf32, #tpu.memory_space<vmem>>)
    %parallel_loop3A_709 = arith.constant 0 : i32
    %parallel_loop3A_710 = arith.constant 32 : i32
    %parallel_loop3A_711 = arith.constant 1 : i32
    scf.for %parallel_loop3A_756 = %parallel_loop3A_709 to %parallel_loop3A_710 step %parallel_loop3A_711  : i32 {
      %parallel_loop3A_757 = arith.constant 928 : i32
      %parallel_loop3A_758 = arith.addi %parallel_loop3A_757, %parallel_loop3A_756 : i32
      %parallel_loop3A_759 = arith.index_cast %parallel_loop3A_758 : i32 to index
      %parallel_loop3A_760 = tpu.vector_load %arg6[%parallel_loop3A_759] {strides = array<i32>} : memref<1040xi32, #tpu.memory_space<vmem>>, vector<16xi32>,
      %parallel_loop3A_761 = vector.shape_cast %parallel_loop3A_760 : vector<16xi32> to vector<16xi32>
      %parallel_loop3A_762 = vector.extract_strided_slice %parallel_loop3A_761 {offsets = [0], sizes = [1], strides = [1]} : vector<16xi32> to vector<1xi32>
      %parallel_loop3A_763 = vector.extract %parallel_loop3A_762[0] : i32 from vector<1xi32>
      %parallel_loop3A_764 = arith.constant 1024 : i32
      %parallel_loop3A_765 = arith.muli %parallel_loop3A_763, %parallel_loop3A_764 : i32
      %parallel_loop3A_766 = arith.constant 0 : i32
      %parallel_loop3A_767 = arith.constant 64 : i32
      %parallel_loop3A_768 = arith.constant 1 : i32
      scf.for %parallel_loop3A_769 = %parallel_loop3A_766 to %parallel_loop3A_767 step %parallel_loop3A_768  : i32 {
        %parallel_loop3A_770 = arith.constant 16 : i32
        %parallel_loop3A_771 = arith.muli %parallel_loop3A_769, %parallel_loop3A_770 : i32
        %parallel_loop3A_772 = arith.index_cast %parallel_loop3A_756 : i32 to index
        %parallel_loop3A_773 = arith.index_cast %parallel_loop3A_771 : i32 to index
        %parallel_loop3A_774 = tpu.vector_load %arg10[%parallel_loop3A_772, %parallel_loop3A_773] {strides = array<i32>} : memref<32x1024xf32, #tpu.memory_space<vmem>>, vector<1x16xf32>,
        %parallel_loop3A_775 = vector.shape_cast %parallel_loop3A_774 : vector<1x16xf32> to vector<16xf32>
        %parallel_loop3A_776 = arith.addi %parallel_loop3A_765, %parallel_loop3A_771 : i32
        %parallel_loop3A_777 = arith.index_cast %parallel_loop3A_776 : i32 to index
        %parallel_loop3A_778 = tpu.vector_load %arg7[%parallel_loop3A_777] {strides = array<i32>} : memref<16384xf32, #tpu.memory_space<vmem>>, vector<16xf32>,
        %parallel_loop3A_779 = vector.shape_cast %parallel_loop3A_778 : vector<16xf32> to vector<16xf32>
        %parallel_loop3A_780 = arith.addf %parallel_loop3A_775, %parallel_loop3A_779 : vector<16xf32>
        %parallel_loop3A_781 = arith.index_cast %parallel_loop3A_756 : i32 to index
        %parallel_loop3A_782 = arith.index_cast %parallel_loop3A_771 : i32 to index
        %parallel_loop3A_783 = tpu.vector_load %arg10[%parallel_loop3A_781, %parallel_loop3A_782] {strides = array<i32>} : memref<32x1024xf32, #tpu.memory_space<vmem>>, vector<1x16xf32>,
        %parallel_loop3A_784 = vector.shape_cast %parallel_loop3A_783 : vector<1x16xf32> to vector<16xf32>
        %parallel_loop3A_785 = vector.shape_cast %parallel_loop3A_780 : vector<16xf32> to vector<1x16xf32>
        tpu.vector_store %arg10[%parallel_loop3A_781, %parallel_loop3A_782], %parallel_loop3A_785 {strides = array<i32>} : memref<32x1024xf32, #tpu.memory_space<vmem>>, vector<1x16xf32>,
      } {sc.loop_unroll_factor = 16 : i64, sc.parallel_access}
    } {sc.loop_unroll_factor = 1 : i64, sc.parallel_access}
    %add3A_712 = arith.constant 928 : i32
    %add3A_713 = arith.addi %mul3A_2, %add3A_712 : i32
    %dma_start3A_714 = arith.constant 0 : i32
    %dma_start3A_715 = tpu.memref_slice %arg5[%add3A_713, %dma_start3A_714] : memref<32768x1024xf32, #tpu.memory_space<hbm>> -> memref<32x1024xf32, #tpu.memory_space<hbm>>
    %dma_start3A_716 = arith.constant 0 : i32
    %dma_start3A_717 = tpu.memref_slice %arg5[%add3A_713, %dma_start3A_716] : memref<32768x1024xf32, #tpu.memory_space<hbm>> -> memref<32x1024xf32, #tpu.memory_space<hbm>>
    tpu.enqueue_dma source(%arg10 : memref<32x1024xf32, #tpu.memory_space<vmem>>) target(%dma_start3A_717 : memref<32x1024xf32, #tpu.memory_space<hbm>>) target_semaphore(%arg16 : memref<!tpu.dma_semaphore, #tpu.memory_space<semaphore_mem>>)
    %dma_wait3A_718 = arith.constant 0 : i32
    %dma_wait3A_719 = tpu.memref_slice %arg2[%add3A_677, %dma_wait3A_718] : memref<32768x1024xf32, #tpu.memory_space<hbm>> -> memref<32x1024xf32, #tpu.memory_space<hbm>>
    %dma_wait3A_720 = arith.constant 0 : i32
    %dma_wait3A_721 = tpu.memref_slice %arg2[%add3A_677, %dma_wait3A_720] : memref<32768x1024xf32, #tpu.memory_space<hbm>> -> memref<32x1024xf32, #tpu.memory_space<hbm>>
    tpu.wait_dma2 semaphore(%arg11 : memref<!tpu.dma_semaphore, #tpu.memory_space<semaphore_mem>>) src(%dma_wait3A_721 : memref<32x1024xf32, #tpu.memory_space<hbm>>) dst(%arg8 : memref<32x1024xf32, #tpu.memory_space<vmem>>)
    %parallel_loop3A_722 = arith.constant 0 : i32
    %parallel_loop3A_723 = arith.constant 32 : i32
    %parallel_loop3A_724 = arith.constant 1 : i32
    scf.for %parallel_loop3A_756 = %parallel_loop3A_722 to %parallel_loop3A_723 step %parallel_loop3A_724  : i32 {
      %parallel_loop3A_757 = arith.constant 960 : i32
      %parallel_loop3A_758 = arith.addi %parallel_loop3A_757, %parallel_loop3A_756 : i32
      %parallel_loop3A_759 = arith.index_cast %parallel_loop3A_758 : i32 to index
      %parallel_loop3A_760 = tpu.vector_load %arg6[%parallel_loop3A_759] {strides = array<i32>} : memref<1040xi32, #tpu.memory_space<vmem>>, vector<16xi32>,
      %parallel_loop3A_761 = vector.shape_cast %parallel_loop3A_760 : vector<16xi32> to vector<16xi32>
      %parallel_loop3A_762 = vector.extract_strided_slice %parallel_loop3A_761 {offsets = [0], sizes = [1], strides = [1]} : vector<16xi32> to vector<1xi32>
      %parallel_loop3A_763 = vector.extract %parallel_loop3A_762[0] : i32 from vector<1xi32>
      %parallel_loop3A_764 = arith.constant 1024 : i32
      %parallel_loop3A_765 = arith.muli %parallel_loop3A_763, %parallel_loop3A_764 : i32
      %parallel_loop3A_766 = arith.constant 0 : i32
      %parallel_loop3A_767 = arith.constant 64 : i32
      %parallel_loop3A_768 = arith.constant 1 : i32
      scf.for %parallel_loop3A_769 = %parallel_loop3A_766 to %parallel_loop3A_767 step %parallel_loop3A_768  : i32 {
        %parallel_loop3A_770 = arith.constant 16 : i32
        %parallel_loop3A_771 = arith.muli %parallel_loop3A_769, %parallel_loop3A_770 : i32
        %parallel_loop3A_772 = arith.index_cast %parallel_loop3A_756 : i32 to index
        %parallel_loop3A_773 = arith.index_cast %parallel_loop3A_771 : i32 to index
        %parallel_loop3A_774 = tpu.vector_load %arg8[%parallel_loop3A_772, %parallel_loop3A_773] {strides = array<i32>} : memref<32x1024xf32, #tpu.memory_space<vmem>>, vector<1x16xf32>,
        %parallel_loop3A_775 = vector.shape_cast %parallel_loop3A_774 : vector<1x16xf32> to vector<16xf32>
        %parallel_loop3A_776 = arith.addi %parallel_loop3A_765, %parallel_loop3A_771 : i32
        %parallel_loop3A_777 = arith.index_cast %parallel_loop3A_776 : i32 to index
        %parallel_loop3A_778 = tpu.vector_load %arg7[%parallel_loop3A_777] {strides = array<i32>} : memref<16384xf32, #tpu.memory_space<vmem>>, vector<16xf32>,
        %parallel_loop3A_779 = vector.shape_cast %parallel_loop3A_778 : vector<16xf32> to vector<16xf32>
        %parallel_loop3A_780 = arith.addf %parallel_loop3A_775, %parallel_loop3A_779 : vector<16xf32>
        %parallel_loop3A_781 = arith.index_cast %parallel_loop3A_756 : i32 to index
        %parallel_loop3A_782 = arith.index_cast %parallel_loop3A_771 : i32 to index
        %parallel_loop3A_783 = tpu.vector_load %arg8[%parallel_loop3A_781, %parallel_loop3A_782] {strides = array<i32>} : memref<32x1024xf32, #tpu.memory_space<vmem>>, vector<1x16xf32>,
        %parallel_loop3A_784 = vector.shape_cast %parallel_loop3A_783 : vector<1x16xf32> to vector<16xf32>
        %parallel_loop3A_785 = vector.shape_cast %parallel_loop3A_780 : vector<16xf32> to vector<1x16xf32>
        tpu.vector_store %arg8[%parallel_loop3A_781, %parallel_loop3A_782], %parallel_loop3A_785 {strides = array<i32>} : memref<32x1024xf32, #tpu.memory_space<vmem>>, vector<1x16xf32>,
      } {sc.loop_unroll_factor = 16 : i64, sc.parallel_access}
    } {sc.loop_unroll_factor = 1 : i64, sc.parallel_access}
    %add3A_725 = arith.constant 960 : i32
    %add3A_726 = arith.addi %mul3A_2, %add3A_725 : i32
    %dma_start3A_727 = arith.constant 0 : i32
    %dma_start3A_728 = tpu.memref_slice %arg5[%add3A_726, %dma_start3A_727] : memref<32768x1024xf32, #tpu.memory_space<hbm>> -> memref<32x1024xf32, #tpu.memory_space<hbm>>
    %dma_start3A_729 = arith.constant 0 : i32
    %dma_start3A_730 = tpu.memref_slice %arg5[%add3A_726, %dma_start3A_729] : memref<32768x1024xf32, #tpu.memory_space<hbm>> -> memref<32x1024xf32, #tpu.memory_space<hbm>>
    tpu.enqueue_dma source(%arg8 : memref<32x1024xf32, #tpu.memory_space<vmem>>) target(%dma_start3A_730 : memref<32x1024xf32, #tpu.memory_space<hbm>>) target_semaphore(%arg14 : memref<!tpu.dma_semaphore, #tpu.memory_space<semaphore_mem>>)
    %dma_wait3A_731 = arith.constant 0 : i32
    %dma_wait3A_732 = tpu.memref_slice %arg2[%add3A_700, %dma_wait3A_731] : memref<32768x1024xf32, #tpu.memory_space<hbm>> -> memref<32x1024xf32, #tpu.memory_space<hbm>>
    %dma_wait3A_733 = arith.constant 0 : i32
    %dma_wait3A_734 = tpu.memref_slice %arg2[%add3A_700, %dma_wait3A_733] : memref<32768x1024xf32, #tpu.memory_space<hbm>> -> memref<32x1024xf32, #tpu.memory_space<hbm>>
    tpu.wait_dma2 semaphore(%arg12 : memref<!tpu.dma_semaphore, #tpu.memory_space<semaphore_mem>>) src(%dma_wait3A_734 : memref<32x1024xf32, #tpu.memory_space<hbm>>) dst(%arg9 : memref<32x1024xf32, #tpu.memory_space<vmem>>)
    %parallel_loop3A_735 = arith.constant 0 : i32
    %parallel_loop3A_736 = arith.constant 32 : i32
    %parallel_loop3A_737 = arith.constant 1 : i32
    scf.for %parallel_loop3A_756 = %parallel_loop3A_735 to %parallel_loop3A_736 step %parallel_loop3A_737  : i32 {
      %parallel_loop3A_757 = arith.constant 992 : i32
      %parallel_loop3A_758 = arith.addi %parallel_loop3A_757, %parallel_loop3A_756 : i32
      %parallel_loop3A_759 = arith.index_cast %parallel_loop3A_758 : i32 to index
      %parallel_loop3A_760 = tpu.vector_load %arg6[%parallel_loop3A_759] {strides = array<i32>} : memref<1040xi32, #tpu.memory_space<vmem>>, vector<16xi32>,
      %parallel_loop3A_761 = vector.shape_cast %parallel_loop3A_760 : vector<16xi32> to vector<16xi32>
      %parallel_loop3A_762 = vector.extract_strided_slice %parallel_loop3A_761 {offsets = [0], sizes = [1], strides = [1]} : vector<16xi32> to vector<1xi32>
      %parallel_loop3A_763 = vector.extract %parallel_loop3A_762[0] : i32 from vector<1xi32>
      %parallel_loop3A_764 = arith.constant 1024 : i32
      %parallel_loop3A_765 = arith.muli %parallel_loop3A_763, %parallel_loop3A_764 : i32
      %parallel_loop3A_766 = arith.constant 0 : i32
      %parallel_loop3A_767 = arith.constant 64 : i32
      %parallel_loop3A_768 = arith.constant 1 : i32
      scf.for %parallel_loop3A_769 = %parallel_loop3A_766 to %parallel_loop3A_767 step %parallel_loop3A_768  : i32 {
        %parallel_loop3A_770 = arith.constant 16 : i32
        %parallel_loop3A_771 = arith.muli %parallel_loop3A_769, %parallel_loop3A_770 : i32
        %parallel_loop3A_772 = arith.index_cast %parallel_loop3A_756 : i32 to index
        %parallel_loop3A_773 = arith.index_cast %parallel_loop3A_771 : i32 to index
        %parallel_loop3A_774 = tpu.vector_load %arg9[%parallel_loop3A_772, %parallel_loop3A_773] {strides = array<i32>} : memref<32x1024xf32, #tpu.memory_space<vmem>>, vector<1x16xf32>,
        %parallel_loop3A_775 = vector.shape_cast %parallel_loop3A_774 : vector<1x16xf32> to vector<16xf32>
        %parallel_loop3A_776 = arith.addi %parallel_loop3A_765, %parallel_loop3A_771 : i32
        %parallel_loop3A_777 = arith.index_cast %parallel_loop3A_776 : i32 to index
        %parallel_loop3A_778 = tpu.vector_load %arg7[%parallel_loop3A_777] {strides = array<i32>} : memref<16384xf32, #tpu.memory_space<vmem>>, vector<16xf32>,
        %parallel_loop3A_779 = vector.shape_cast %parallel_loop3A_778 : vector<16xf32> to vector<16xf32>
        %parallel_loop3A_780 = arith.addf %parallel_loop3A_775, %parallel_loop3A_779 : vector<16xf32>
        %parallel_loop3A_781 = arith.index_cast %parallel_loop3A_756 : i32 to index
        %parallel_loop3A_782 = arith.index_cast %parallel_loop3A_771 : i32 to index
        %parallel_loop3A_783 = tpu.vector_load %arg9[%parallel_loop3A_781, %parallel_loop3A_782] {strides = array<i32>} : memref<32x1024xf32, #tpu.memory_space<vmem>>, vector<1x16xf32>,
        %parallel_loop3A_784 = vector.shape_cast %parallel_loop3A_783 : vector<1x16xf32> to vector<16xf32>
        %parallel_loop3A_785 = vector.shape_cast %parallel_loop3A_780 : vector<16xf32> to vector<1x16xf32>
        tpu.vector_store %arg9[%parallel_loop3A_781, %parallel_loop3A_782], %parallel_loop3A_785 {strides = array<i32>} : memref<32x1024xf32, #tpu.memory_space<vmem>>, vector<1x16xf32>,
      } {sc.loop_unroll_factor = 16 : i64, sc.parallel_access}
    } {sc.loop_unroll_factor = 1 : i64, sc.parallel_access}
    %add3A_738 = arith.constant 992 : i32
    %add3A_739 = arith.addi %mul3A_2, %add3A_738 : i32
    %dma_start3A_740 = arith.constant 0 : i32
    %dma_start3A_741 = tpu.memref_slice %arg5[%add3A_739, %dma_start3A_740] : memref<32768x1024xf32, #tpu.memory_space<hbm>> -> memref<32x1024xf32, #tpu.memory_space<hbm>>
    %dma_start3A_742 = arith.constant 0 : i32
    %dma_start3A_743 = tpu.memref_slice %arg5[%add3A_739, %dma_start3A_742] : memref<32768x1024xf32, #tpu.memory_space<hbm>> -> memref<32x1024xf32, #tpu.memory_space<hbm>>
    tpu.enqueue_dma source(%arg9 : memref<32x1024xf32, #tpu.memory_space<vmem>>) target(%dma_start3A_743 : memref<32x1024xf32, #tpu.memory_space<hbm>>) target_semaphore(%arg15 : memref<!tpu.dma_semaphore, #tpu.memory_space<semaphore_mem>>)
    %dma_wait3A_744 = arith.constant 0 : i32
    %dma_wait3A_745 = tpu.memref_slice %arg5[%add3A_713, %dma_wait3A_744] : memref<32768x1024xf32, #tpu.memory_space<hbm>> -> memref<32x1024xf32, #tpu.memory_space<hbm>>
    %dma_wait3A_746 = arith.constant 0 : i32
    %dma_wait3A_747 = tpu.memref_slice %arg5[%add3A_713, %dma_wait3A_746] : memref<32768x1024xf32, #tpu.memory_space<hbm>> -> memref<32x1024xf32, #tpu.memory_space<hbm>>
    tpu.wait_dma2 semaphore(%arg16 : memref<!tpu.dma_semaphore, #tpu.memory_space<semaphore_mem>>) src(%arg10 : memref<32x1024xf32, #tpu.memory_space<vmem>>) dst(%dma_wait3A_747 : memref<32x1024xf32, #tpu.memory_space<hbm>>)
    %dma_wait3A_748 = arith.constant 0 : i32
    %dma_wait3A_749 = tpu.memref_slice %arg5[%add3A_726, %dma_wait3A_748] : memref<32768x1024xf32, #tpu.memory_space<hbm>> -> memref<32x1024xf32, #tpu.memory_space<hbm>>
    %dma_wait3A_750 = arith.constant 0 : i32
    %dma_wait3A_751 = tpu.memref_slice %arg5[%add3A_726, %dma_wait3A_750] : memref<32768x1024xf32, #tpu.memory_space<hbm>> -> memref<32x1024xf32, #tpu.memory_space<hbm>>
    tpu.wait_dma2 semaphore(%arg14 : memref<!tpu.dma_semaphore, #tpu.memory_space<semaphore_mem>>) src(%arg8 : memref<32x1024xf32, #tpu.memory_space<vmem>>) dst(%dma_wait3A_751 : memref<32x1024xf32, #tpu.memory_space<hbm>>)
    %dma_wait3A_752 = arith.constant 0 : i32
    %dma_wait3A_753 = tpu.memref_slice %arg5[%add3A_739, %dma_wait3A_752] : memref<32768x1024xf32, #tpu.memory_space<hbm>> -> memref<32x1024xf32, #tpu.memory_space<hbm>>
    %dma_wait3A_754 = arith.constant 0 : i32
    %dma_wait3A_755 = tpu.memref_slice %arg5[%add3A_739, %dma_wait3A_754] : memref<32768x1024xf32, #tpu.memory_space<hbm>> -> memref<32x1024xf32, #tpu.memory_space<hbm>>
    tpu.wait_dma2 semaphore(%arg15 : memref<!tpu.dma_semaphore, #tpu.memory_space<semaphore_mem>>) src(%arg9 : memref<32x1024xf32, #tpu.memory_space<vmem>>) dst(%dma_wait3A_755 : memref<32x1024xf32, #tpu.memory_space<hbm>>)
    return
  }
}

</mosaic_0001>

<sc_bundles>
// kernel: kernel.3.cloned.1.call-start
scs
__scs_entry_jumppad:
0x0: {  	(pc) =	sbr.rel $0x88, $3  }
0x1: {  	(tag) =	ssettag $0x0;
	lr =	simm.s32 $0x1  }
0x2: {  	[smem:$0x3F9E] =	sst lr;
	_ =	strace $0xD0000000  }
0x3: {  	_ = 	snop  }
0x4: {  	_ = 	snop  }
0x5: {  	_ = 	snop  }
0x6: {  	_ = 	snop  }
0x7: {  	_ = 	snop  }
__scs_overlays_trampoline_lowered:
0x8: {  	[smem:$0x3FAD] =	sst s0  }
0x9: {  	[smem:$0x3FAE] =	sst s1  }
0xa: {  	[smem:$0x3FAF] =	sst s2  }
0xb: {  	[smem:$0x3FB0] =	sst s3  }
0xc: {  	[smem:$0x3FB1] =	sst s4  }
0xd: {  	[smem:$0x3FB2] =	sst s5  }
0xe: {  	[smem:$0x3FB3] =	sst s6  }
0xf: {  	[smem:$0x3FB4] =	sst s7  }
0x10: {  	[smem:$0x3FB5] =	sst s8  }
0x11: {  	[smem:$0x3FB6] =	sst s9;
	s0 =	simm.s32 @!p0 $0x0  }
0x12: {  	s1 =	sld [smem:$0x3F9C];
	s0 =	simm.s32 @p0 $0x1  }
0x13: {  	[smem:$0x3FB7] =	sst s0;
	s0 =	simm.s32 @!p1 $0x0  }
0x14: {  	s2 =	sld [smem:$0x3F9B];
	s0 =	simm.s32 @p1 $0x1  }
0x15: {  	[smem:$0x3FB8] =	sst s0;
	s0 =	simm.s32 @!p2 $0x0  }
0x16: {  	s3 =	sld [smem:$0x3FDB];
	s0 =	simm.s32 @p2 $0x1  }
0x17: {  	s4 =	simm.s32 $0x1BF5;
	[smem:$0x3FBA] =	sst s0  }
0x18: {  	s0 =	sld [smem:$0x3F9D];
	_ =	swait.ge [sflag:s4], $0x0  }
0x19: {  	s7 =	sld [smem:$0x3F9E]  }
0x1a: {  	s8 =	sadd.s32 $0xFFFFE003, lr  }
0x1b: {  	s9 =	sadd.s32 $0xFFFFFEF7, lr;
	s5 =	simm.s32 $0xFFFFFFFF;
	p2 =	slt.u32 s8, $0xFFFFF086  }
0x1c: {  	p1 =	slt.u32 s9, $0xF7A;
	s5 =	simm.s32 @!p2 $0x0  }
0x1d: {  	s5 =	simm.s32 @p1 $0x1;
	p0 =	seq.s32 s7, s2  }
0x1e: {  	s7 =	smul.u32 @!p0 $0xF7A, s2;
	p2 =	seq.s32 @!p0 s5, $0x0  }
0x1f: {  	s9 =	smul.u32 $0xF7A, s1;
	s8 =	simm.s32 @!p0 $0x1BF5;
	p2 =	por !p2, p0  }
0x20: {  	[sflag:s8] =	ssyncset.s32 @!p0 $0xFFFFF086;
	s6 =	sadd.s32 @!p0 s3, s7;
	s7 =	simm.s32 @!p0 $0x108  }
0x21: {  	s3 =	sadd.s32 s3, s9;
	s6 =	sadd.s32 @!p0 $0x88, s6;
	s7 =	simm.s32 @p2 $0x1082  }
0x22: {  	[simem:s7], [sflag:s8] =	dma.local @!p0 [hbm:s6], $0xF7A  }
0x23: {  	s9 =	sor.u32 $0xD0000000, s2;
	s6 =	simm.s32 $0x108;
	_ =	swait.ge @!p0 [sflag:s8], $0x0  }
0x24: {  	s3 =	sadd.s32 $0x88, s3;
	s6 =	simm.s32 @!p1 $0x1082;
	[sflag:s4] =	ssyncset.s32 $0xFFFFF086  }
0x25: {  	[simem:s6], [sflag:s4] =	dma.local [hbm:s3], $0xF7A  }
0x26: {  	[smem:$0x3F9E] =	sst s1;
	(tag) =	ssettag s2;
	_ =	strace s9  }
0x27: {  	s1 =	sld [smem:$0x3FAE]  }
0x28: {  	s2 =	sld [smem:$0x3FAF]  }
0x29: {  	s4 =	sld [smem:$0x3FB1]  }
0x2a: {  	p0 =	seq.s32 s5, $0x0;
	s5 =	sld [smem:$0x3FB2]  }
0x2b: {  	s6 =	sld [smem:$0x3FB3]  }
0x2c: {  	s7 =	sld [smem:$0x3FB4]  }
0x2d: {  	s3 =	simm.s32 $0x108;
	s8 =	sld [smem:$0x3FB5]  }
0x2e: {  	s3 =	simm.s32 @!p0 $0x1082;
	s9 =	sld [smem:$0x3FB6]  }
0x2f: {  	lr =	sadd.s32 s0, s3;
	s0 =	sld [smem:$0x3FAD]  }
0x30: {  	s3 =	sld [smem:$0x3FB0]  }
0x31: {  	[smem:$0x3FB9] =	sst s10  }
0x32: {  	s10 =	sld [smem:$0x3FB7];
	_ =	sdelay $0x3  }
0x33: {  	p0 =	seq.s32 s10, $0x1;
	s10 =	sld [smem:$0x3FB9];
	_ =	sdelay $0x3  }
0x34: {  	[smem:$0x3FB9] =	sst s10  }
0x35: {  	s10 =	sld [smem:$0x3FB8];
	_ =	sdelay $0x3  }
0x36: {  	p1 =	seq.s32 s10, $0x1;
	s10 =	sld [smem:$0x3FB9];
	_ =	sdelay $0x3  }
0x37: {  	[smem:$0x3FB9] =	sst s10  }
0x38: {  	s10 =	sld [smem:$0x3FBA]  }
0x39: {  	_ = 	snop;
	(pc) =	sbr.ind lr, $3  }
0x3a: {  	_ = 	snop  }
0x3b: {  	_ = 	snop  }
0x3c: {  	p2 =	seq.s32 s10, $0x1;
	s10 =	sld [smem:$0x3FB9]  }
0x3d: {  	_ =	shalt  }
0x3e: {  	_ =	shalt  }
0x3f: {  	_ =	shalt  }
0x40: {  	_ =	shalt  }
0x41: {  	_ =	shalt  }
0x42: {  	_ =	shalt  }
0x43: {  	_ =	shalt  }
0x44: {  	_ =	shalt  }
0x45: {  	_ =	shalt  }
0x46: {  	_ =	shalt  }
0x47: {  	_ =	shalt  }
0x48: {  	_ =	shalt  }
0x49: {  	_ =	shalt  }
0x4a: {  	_ =	shalt  }
0x4b: {  	_ =	shalt  }
0x4c: {  	_ =	shalt  }
0x4d: {  	_ =	shalt  }
0x4e: {  	_ =	shalt  }
0x4f: {  	_ =	shalt  }
0x50: {  	_ =	shalt  }
0x51: {  	_ =	shalt  }
0x52: {  	_ =	shalt  }
0x53: {  	_ =	shalt  }
0x54: {  	_ =	shalt  }
0x55: {  	_ =	shalt  }
0x56: {  	_ =	shalt  }
0x57: {  	_ =	shalt  }
0x58: {  	_ =	shalt  }
0x59: {  	_ =	shalt  }
0x5a: {  	_ =	shalt  }
0x5b: {  	_ =	shalt  }
0x5c: {  	_ =	shalt  }
0x5d: {  	_ =	shalt  }
0x5e: {  	_ =	shalt  }
0x5f: {  	_ =	shalt  }
0x60: {  	_ =	shalt  }
0x61: {  	_ =	shalt  }
0x62: {  	_ =	shalt  }
0x63: {  	_ =	shalt  }
0x64: {  	_ =	shalt  }
0x65: {  	_ =	shalt  }
0x66: {  	_ =	shalt  }
0x67: {  	_ =	shalt  }
0x68: {  	_ =	shalt  }
0x69: {  	_ =	shalt  }
0x6a: {  	_ =	shalt  }
0x6b: {  	_ =	shalt  }
0x6c: {  	_ =	shalt  }
0x6d: {  	_ =	shalt  }
0x6e: {  	_ =	shalt  }
0x6f: {  	_ =	shalt  }
0x70: {  	_ =	shalt  }
0x71: {  	_ =	shalt  }
0x72: {  	_ =	shalt  }
0x73: {  	_ =	shalt  }
0x74: {  	_ =	shalt  }
0x75: {  	_ =	shalt  }
0x76: {  	_ =	shalt  }
0x77: {  	_ =	shalt  }
0x78: {  	_ =	shalt  }
0x79: {  	_ =	shalt  }
0x7a: {  	_ =	shalt  }
0x7b: {  	_ =	shalt  }
0x7c: {  	_ =	shalt  }
0x7d: {  	_ =	shalt  }
0x7e: {  	_ =	shalt  }
0x7f: {  	_ =	shalt  }
0x80: {  	_ =	shalt  }
0x81: {  	_ =	shalt  }
0x82: {  	_ =	shalt  }
0x83: {  	_ =	shalt  }
0x84: {  	_ =	shalt  }
0x85: {  	_ =	shalt  }
0x86: {  	_ =	shalt  }
0x87: {  	_ =	shalt  }
.Lfunc_end0:
.L_simem_size_0:
called_computation_lowered:
.L_overlay_start_0:
0x88: {  	s2 =	sld [smem:$0x3FD9]  }
0x89: {  	s3 =	sld [smem:$0x3FFE];
	_ =	sdelay $0x1  }
0x8a: {  	s1 =	srdreg.scid  }
0x8b: {  	s0 =	sand.u32 $0x1, s1  }
0x8c: {  	s17 =	sshll.u32 s0, $0xA;
	s2 =	sadd.s32 s3, s2  }
0x8d: {  	s2 =	sadd.s32 s2, s17  }
0x8e: {  	[smem:$0x3FC5] =	sst s2  }
0x8f: {  	_ = 	snop  }
0x90: {  	s2 =	sld [smem:$0x3FC9]  }
0x91: {  	s18 =	sld [smem:$0x3FD0];
	(tm) =	ssettm $0x1  }
0x92: {  	s4 =	sld [smem:$0x3FFB];
	_ =	sdelay $0x3  }
0x93: {  	_ =	strace s4  }
0x94: {  	s4 =	sld [smem:$0x3FFC];
	_ =	sdelay $0x3  }
0x95: {  	_ =	strace s4  }
0x96: {  	s4 =	sld [smem:$0x3FFD];
	_ =	sdelay $0x3  }
0x97: {  	_ =	strace s4  }
0x98: {  	_ =	strace $0x8FFFFFFF  }
0x99: {  	s19 =	sld [smem:$0x3FDB];
	_ =	sdelay $0x1  }
0x9a: {  	s5 =	simm.s32 $_scs_section_size  }
0x9b: {  	s6 =	simm.s32 $_size__tile_overlayer_lowered;
	s7 =	simm.s32 $_tile_overlayer_lowered  }
0x9c: {  	s22 =	simm.s32 $0x1BFF;
	s21 =	sshll.u32 s7, $0x1;
	s4 =	sadd.s32 s5, s19  }
0x9d: {  	s8 =	simm.s32 $0x0;
	s20 =	sshll.u32 s6, $0x1;
	s6 =	sadd.s32 s21, s4  }
0x9e: {  	[timem:s8], [sflag:s22] =	dma.local [hbm:s6], s20  }
0x9f: {  	_ =	swait.ge [sflag:s22], s20  }
0xa0: {  	s5 =	ssub.s32 $0x0, s20;
	[sflag:s22] =	ssyncset.done $0x0  }
0xa1: {  	[sflag:s22] =	ssyncadd.s32 s5;
	_ =	sdelay $0x1  }
0xa2: {  	s23 =	simm.s32 $0x1B8B  }
0xa3: {  	_ =	swait.ge [sflag:s23], $0x1  }
0xa4: {  	[sflag:s23] =	ssyncset.done $0x0  }
0xa5: {  	s25 =	simm.s32 $0x1B8E;
	s24 =	sld [smem:$0x3FFE];
	[sflag:s23] =	ssyncadd.s32 $0xFFFFFFFF  }
0xa6: {  	s26 =	simm.s32 $execute0_lowered;
	[smem:$0x3FD2] =	sst s25  }
0xa7: {  	s6 =	sshll.u32 s26, $0x1;
	_ =	strace $0x80000046;
	[dreg:$0x1] =	wrdreg $0xFFFFFFFF  }
0xa8: {  	s28 =	simm.s32 $_size_execute0_lowered;
	s4 =	sadd.s32 s4, s6;
	[dreg:$0x0] =	wrdreg $0x0  }
0xa9: {  	s6 =	sshll.u32 s28, $0x1;
	[dreg:$0x2] =	wrdreg s4  }
0xaa: {  	[dreg:$0x3] =	wrdreg s6  }
0xab: {  	[dreg:$0x4] =	wrdreg $0xC0  }
0xac: {  	_ =	task [dreg:s8], $0x5FFFF  }
0xad: {  	[dreg:$0x1] =	wrdreg $0xFFFFFFFF  }
0xae: {  	[dreg:$0x0] =	wrdreg $0x60  }
0xaf: {  	[dreg:$0x2] =	wrdreg s2  }
0xb0: {  	[dreg:$0x3] =	wrdreg s24  }
0xb1: {  	[dreg:$0x4] =	wrdreg s18  }
0xb2: {  	[dreg:$0x5] =	wrdreg $0x9  }
0xb3: {  	_ =	task.clear_ibuf [dreg:s8], $0x6FFFF;
	_ =	strace $0x90000046  }
0xb4: {  	s29 =	simm.s32 $0x9;
	_ =	strace $0x80000048  }
0xb5: {  	_ =	swait.ge [sflag:s29], $0x1  }
0xb6: {  	[sflag:s29] =	ssyncadd.s32 $0xFFFFFFFF  }
0xb7: {  	_ =	strace $0x90000048  }
0xb8: {  	_ =	sfence  }
0xb9: {  	s30 =	sld [smem:$0x0];
	_ =	sdelay $0x2  }
0xba: {  	s31 =	sshll.u32 s1, $0xD;
	s1 =	sshrl.u32 s1, $0x2  }
0xbb: {  	s3 =	sand.u32 $0x4000, s31;
	s1 =	sadd.s32 s1, s30  }
0xbc: {  	s0 =	sor.u32 s3, s0;
	s1 =	sshll.u32 s1, $0x11  }
0xbd: {  	s0 =	sor.u32 s1, s0  }
0xbe: {  	s0 =	sadd.s32 $0x8F2B, s0  }
0xbf: {  	[sflag:s0] =	ssyncadd.remote.s32 $0x1  }
0xc0: {  	_ =	sfence.sel $0xFFFF  }
0xc1: {  	[dreg:$0x0] =	wrdreg $0xFFFFFFFF;
	(pc) =	sbr.abs _section_cstart, $3  }
0xc2: {  	[dreg:$0x1] =	wrdreg $0xFFFFFFFF  }
0xc3: {  	_ =	task.clear_ibuf [dreg:s8], $0x2FFFF;
	_ =	strace $0x9FFFFFFF  }
0xc4: {  	(tm) =	ssettm $0x7FFFFFFF  }
0xc5: {  	_ =	shalt  }
tec
execute0_lowered:
.L_overlay_start_1:
0x0: {  	(tag) =	ssettag $0x1  }
0x1: {  	s2 =	rddreg [dreg:$0x0]  }
0x2: {  	s6 =	rddreg [dreg:$0x1]  }
0x3: {  	s5 =	rddreg [dreg:$0x2];
	s4 =	stileid.u32  }
0x4: {  	s1 =	simm.s32 $0x0;
	s0 =	srdreg.scid;
	s3 =	sshll.u32 s4, $0x8  }
0x5: {  	s0 =	sand.u32 $0x1, s0;
	s4 =	sshll.u32 s4, $0x1;
	[smem:$0x7FF] =	sst s1  }
0x6: {  	s3 =	sand.u32 $0xC00, s3;
	s4 =	sor.u32 s0, s4;
	s7 =	ssub.s32 $0x2, s0  }
0x7: {  	s3 =	sadd.s32 s3, s6;
	s22 =	sshll.u32 s4, $0x4;
	s0 =	sshll.u32 s4, $0x11  }
0x8: {  	s8 =	sshrl.u32 s7, $0x1;
	s9 =	sand.u32 $0x70, s22;
	s23 =	sor.u32 $0x1000, s0  }
0x9: {  	s8 =	ssub.s32 s7, s8;
	s25 =	sor.u32 $0x2000, s0;
	s24 =	sadd.s32 s2, s23  }
0xa: {  	s26 =	sor.u32 $0x3000, s0;
	s10 =	sadd.s32 s2, s25;
	[dreg:$0x4] =	wrdreg s24  }
0xb: {  	s11 =	sor.u32 $0x4000, s0;
	s28 =	sadd.s32 s2, s26;
	[dreg:$0x5] =	wrdreg s10  }
0xc: {  	s7 =	sadd.s32 s9, s3;
	s3 =	sadd.s32 s5, s23;
	[dreg:$0x6] =	wrdreg s28  }
0xd: {  	s12 =	sadd.s32 s2, s11;
	[dreg:$0x7] =	wrdreg s3  }
0xe: {  	s13 =	sor.u32 $0x5000, s0;
	s4 =	sadd.s32 s5, s25;
	[dreg:$0x8] =	wrdreg s12  }
0xf: {  	s14 =	sadd.s32 s2, s13;
	[dreg:$0x9] =	wrdreg s4  }
0x10: {  	s15 =	sor.u32 $0x6000, s0;
	s9 =	sadd.s32 s5, s26;
	[dreg:$0xa] =	wrdreg s14  }
0x11: {  	s17 =	sor.u32 $0x7000, s0;
	s16 =	sadd.s32 s2, s15;
	[dreg:$0xb] =	wrdreg s9  }
0x12: {  	s19 =	sor.u32 $0x8000, s0;
	s18 =	sadd.s32 s2, s17;
	[dreg:$0xc] =	wrdreg s16  }
0x13: {  	s21 =	sor.u32 $0x9000, s0;
	s20 =	sadd.s32 s2, s19;
	[dreg:$0xe] =	wrdreg s18  }
0x14: {  	s22 =	sadd.s32 s2, s21;
	[dreg:$0x10] =	wrdreg s20  }
0x15: {  	s23 =	sadd.s32 s5, s17;
	[dreg:$0x12] =	wrdreg s22  }
0x16: {  	s10 =	sadd.s32 s5, s11;
	[dreg:$0x13] =	wrdreg s23  }
0x17: {  	s3 =	sadd.s32 s5, s13;
	[dreg:$0xd] =	wrdreg s10  }
0x18: {  	s6 =	sadd.s32 $0x400, s6;
	s4 =	sadd.s32 s5, s15;
	[dreg:$0xf] =	wrdreg s3  }
0x19: {  	s25 =	sor.u32 $0xA000, s0;
	s24 =	sadd.s32 s5, s19;
	[dreg:$0x11] =	wrdreg s4  }
0x1a: {  	s29 =	sadd.s32 s2, s0;
	s26 =	sadd.s32 s2, s25;
	[dreg:$0x14] =	wrdreg s24  }
0x1b: {  	s28 =	sor.u32 $0xB000, s0;
	s3 =	sadd.s32 s5, s21;
	[dreg:$0x16] =	wrdreg s26  }
0x1c: {  	s12 =	sor.u32 $0xD000, s0;
	s9 =	sadd.s32 s2, s28;
	[dreg:$0x15] =	wrdreg s3  }
0x1d: {  	s14 =	sor.u32 $0xE000, s0;
	s13 =	sadd.s32 s2, s12;
	[dreg:$0x18] =	wrdreg s9  }
0x1e: {  	s16 =	sor.u32 $0xF000, s0;
	s15 =	sadd.s32 s2, s14;
	[dreg:$0x1c] =	wrdreg s13  }
0x1f: {  	s18 =	sor.u32 $0x10000, s0;
	s17 =	sadd.s32 s2, s16;
	[dreg:$0x1e] =	wrdreg s15  }
0x20: {  	s20 =	sor.u32 $0x11000, s0;
	s19 =	sadd.s32 s2, s18;
	[smem:$0x7E2] =	sst s17  }
0x21: {  	s22 =	sor.u32 $0x12000, s0;
	s21 =	sadd.s32 s2, s20;
	[smem:$0x7E4] =	sst s19  }
0x22: {  	s30 =	sadd.s32 s5, s0;
	s23 =	sadd.s32 s2, s22;
	[smem:$0x7E6] =	sst s21  }
0x23: {  	s10 =	sor.u32 $0xC000, s0;
	s3 =	sadd.s32 s5, s25;
	[smem:$0x7E8] =	sst s23  }
0x24: {  	s24 =	sor.u32 $0x13000, s0;
	s11 =	sadd.s32 s2, s10;
	[dreg:$0x17] =	wrdreg s3  }
0x25: {  	s8 =	smax.u32 s8, $0x1;
	s25 =	sadd.s32 s2, s24;
	[dreg:$0x1a] =	wrdreg s11  }
0x26: {  	s26 =	sor.u32 $0x14000, s0;
	s3 =	sadd.s32 s5, s28;
	[smem:$0x7EA] =	sst s25  }
0x27: {  	s7 =	sadd.s32 $0xC00, s7;
	s28 =	sadd.s32 s2, s26;
	[dreg:$0x19] =	wrdreg s3  }
0x28: {  	s9 =	sor.u32 $0x15000, s0;
	s3 =	sadd.s32 s5, s10;
	[smem:$0x7EC] =	sst s28  }
0x29: {  	s13 =	sor.u32 $0x17000, s0;
	s10 =	sadd.s32 s2, s9;
	[dreg:$0x1b] =	wrdreg s3  }
0x2a: {  	s11 =	sor.u32 $0x16000, s0;
	s3 =	sadd.s32 s5, s12;
	[smem:$0x7EE] =	sst s10  }
0x2b: {  	s15 =	sor.u32 $0x18000, s0;
	s12 =	sadd.s32 s2, s11;
	[dreg:$0x1d] =	wrdreg s3  }
0x2c: {  	s17 =	sor.u32 $0x19000, s0;
	s3 =	sadd.s32 s5, s14;
	[smem:$0x7F0] =	sst s12  }
0x2d: {  	s19 =	sor.u32 $0x1A000, s0;
	s14 =	sadd.s32 s2, s13;
	[dreg:$0x1f] =	wrdreg s3  }
0x2e: {  	s21 =	sor.u32 $0x1B000, s0;
	s3 =	sadd.s32 s5, s16;
	[smem:$0x7F2] =	sst s14  }
0x2f: {  	s23 =	sor.u32 $0x1C000, s0;
	s16 =	sadd.s32 s2, s15;
	[smem:$0x7E3] =	sst s3  }
0x30: {  	s25 =	sor.u32 $0x1D000, s0;
	s3 =	sadd.s32 s5, s18;
	[smem:$0x7F4] =	sst s16  }
0x31: {  	s28 =	sor.u32 $0x1F000, s0;
	s18 =	sadd.s32 s2, s17;
	[smem:$0x7E5] =	sst s3  }
0x32: {  	s31 =	sadd.s32 s2, s25;
	s3 =	sadd.s32 s5, s20;
	[smem:$0x7F6] =	sst s18  }
0x33: {  	s10 =	simm.s32 $0xC480;
	s20 =	sadd.s32 s2, s19;
	[smem:$0x7E7] =	sst s3  }
0x34: {  	s12 =	simm.s32 $0x7;
	s3 =	sadd.s32 s5, s22;
	[smem:$0x7F8] =	sst s20  }
0x35: {  	s14 =	simm.s32 $0x1;
	s22 =	sadd.s32 s2, s21;
	[smem:$0x7E9] =	sst s3  }
0x36: {  	s16 =	simm.s32 $0x2;
	s3 =	sadd.s32 s5, s24;
	[smem:$0x7FA] =	sst s22  }
0x37: {  	s18 =	simm.s32 $0x3;
	s24 =	sadd.s32 s2, s23;
	[smem:$0x7EB] =	sst s3  }
0x38: {  	s20 =	simm.s32 $0x0;
	s3 =	sadd.s32 s5, s26;
	[smem:$0x7FC] =	sst s24  }
0x39: {  	s26 =	sor.u32 $0x1E000, s0;
	[smem:$0x7ED] =	sst s3;
	s3 =	sadd.s32 s5, s9  }
0x3a: {  	s0 =	sadd.s32 s2, s26;
	[smem:$0x7EF] =	sst s3;
	s3 =	sadd.s32 s5, s11  }
0x3b: {  	s2 =	sadd.s32 s2, s28;
	[smem:$0x7F1] =	sst s3;
	s3 =	sadd.s32 s5, s13  }
0x3c: {  	s4 =	sadd.s32 s5, s26;
	[smem:$0x7F3] =	sst s3;
	s3 =	sadd.s32 s5, s15  }
0x3d: {  	s9 =	simm.s32 $0x4480;
	[smem:$0x7F5] =	sst s3;
	s3 =	sadd.s32 s5, s17  }
0x3e: {  	s11 =	simm.s32 $0x14480;
	[smem:$0x7F7] =	sst s3;
	s3 =	sadd.s32 s5, s19  }
0x3f: {  	s13 =	simm.s32 $0x8;
	[smem:$0x7F9] =	sst s3;
	s3 =	sadd.s32 s5, s21  }
0x40: {  	s15 =	simm.s32 $0x4;
	[smem:$0x7FB] =	sst s3;
	s3 =	sadd.s32 s5, s23  }
0x41: {  	s17 =	simm.s32 $0x5;
	s19 =	simm.s32 $0x6;
	[smem:$0x7FD] =	sst s3  }
0x42: {  	s3 =	sadd.s32 s5, s25;
	s5 =	sadd.s32 s5, s28;
	_ =	strace $0x80000047  }
.LBB2_1:
0x43: {  	s21 =	simm.s32 $0x480  }
0x44: {  	[tilespmem:s21], [sflag:$0x7] =	stream.linear.gather [hbm4b:s6+s1], $0x4000, $0x38;
	[tilespmem:$0x1C480] =	vst v63  }
0x45: {  	s25 =	simm.s32 $0x80;
	s22 =	simm.s32 $0x400  }
0x46: {  	[tilespmem:s1], [sflag:$0x8] =	stream.strided.gather [hbm4b:s7+s25], $0x400, s22, s25, $0x38;
	[tilespmem:$0x1C480] =	vst v63  }
0x47: {  	_ = 	snop  }
0x48: {  	[tilespmem:s9], [sflag:$0x1] =	stream.linear.gather [hbm4b:s29+s1], $0x8000, $0x38;
	[tilespmem:$0x1C480] =	vst v63  }
0x49: {  	s26 =	rddreg [dreg:$0x4]  }
0x4a: {  	[tilespmem:s10], [sflag:$0x2] =	stream.linear.gather [hbm4b:s26+s1], $0x8000, $0x38;
	[tilespmem:$0x1C480] =	vst v63  }
0x4b: {  	s28 =	rddreg [dreg:$0x5]  }
0x4c: {  	[tilespmem:s11], [sflag:$0x3] =	stream.linear.gather [hbm4b:s28+s1], $0x8000, $0x38;
	[tilespmem:$0x1C480] =	vst v63  }
0x4d: {  	_ =	swait.ge [sflag:s12], $0x4000  }
0x4e: {  	[sflag:s12] =	ssyncset.done $0x0  }
0x4f: {  	[sflag:s12] =	ssyncadd.s32 $0xFFFFC000  }
0x50: {  	_ =	swait.ge [sflag:s13], $0x400  }
0x51: {  	[sflag:s13] =	ssyncset.done $0x0  }
0x52: {  	[sflag:s13] =	ssyncadd.s32 $0xFFFFFC00  }
0x53: {  	_ =	swait.ge [sflag:s14], $0x8000  }
0x54: {  	s23 =	simm.s32 $0x0;
	[sflag:s14] =	ssyncset.done $0x0  }
0x55: {  	s21 =	simm.s32 $0x0;
	s22 =	simm.s32 $0x0;
	[sflag:s14] =	ssyncadd.s32 $0xFFFF8000  }
.LBB2_2:
0x56: {  	v0 =	vld [tilespmem:s23+$0x0];
	_ =	sdelay $0x4  }
0x57: {  	(v2sf) =	vpush v0, $0x0;
	_ =	sdelay $0x3  }
0x58: {  	s24 =	sshll.u32 s22, $0x2;
	s25 =	sand.u32 $0x7, s21  }
0x59: {  	s24 =	sand.u32 $0xFFFF8000, s24;
	s25 =	sshll.u32 s25, $0x9  }
0x5a: {  	s24 =	sor.u32 s25, s24  }
0x5b: {  	s24 =	sshrl.u32 s24, $0x2  }
0x5c: {  	s24 =	sadd.s32 $0x4880, s24  }
0x5d: {  	v1 =	vld [tilespmem:s24+$0x70]  }
0x5e: {  	v3 =	vld [tilespmem:s24+$0xFFFFFC10]  }
0x5f: {  	v5 =	vld [tilespmem:s24+$0xFFFFFC20]  }
0x60: {  	v7 =	vld [tilespmem:s24+$0xFFFFFC30]  }
0x61: {  	v9 =	vld [tilespmem:s24+$0xFFFFFC40]  }
0x62: {  	v11 =	vld [tilespmem:s24+$0xFFFFFC50]  }
0x63: {  	v13 =	vld [tilespmem:s24+$0xFFFFFC60];
	s26 =	spop (v2sf)  }
0x64: {  	v15 =	vld [tilespmem:s24+$0xFFFFFC70];
	s25 =	sshll.u32 s26, $0xC  }
0x65: {  	v17 =	vld [tilespmem:s24+$0x0];
	s25 =	sshra.s32 s25, $0x2  }
0x66: {  	v62 =	vld [tilespmem:s24+$0x40];
	s25 =	sadd.s32 $0x500, s25  }
0x67: {  	v2 =	vld [tilespmem:s25+$0x70]  }
0x68: {  	v4 =	vld [tilespmem:s25+$0xFFFFFF90]  }
0x69: {  	v6 =	vld [tilespmem:s25+$0xFFFFFFA0]  }
0x6a: {  	v8 =	vld [tilespmem:s25+$0xFFFFFFB0]  }
0x6b: {  	v10 =	vld [tilespmem:s25+$0xFFFFFFC0]  }
0x6c: {  	v12 =	vld [tilespmem:s25+$0xFFFFFFD0]  }
0x6d: {  	v14 =	vld [tilespmem:s25+$0xFFFFFFE0]  }
0x6e: {  	v16 =	vld [tilespmem:s25+$0xFFFFFFF0]  }
0x6f: {  	v61 =	vld [tilespmem:s25+$0x30];
	v1 =	vadd.f32 v2, v1  }
0x70: {  	v2 =	vld [tilespmem:s25+$0x0];
	v3 =	vadd.f32 v4, v3  }
0x71: {  	v4 =	vld [tilespmem:s24+$0x10];
	[tilespmem:s24+$0x70] =	vst v1;
	v1 =	vadd.f32 v6, v5  }
0x72: {  	v5 =	vld [tilespmem:s25+$0x10];
	[tilespmem:s24+$0xFFFFFC10] =	vst v3;
	v3 =	vadd.f32 v8, v7  }
0x73: {  	v6 =	vld [tilespmem:s24+$0x20];
	[tilespmem:s24+$0xFFFFFC20] =	vst v1;
	v1 =	vadd.f32 v10, v9  }
0x74: {  	v7 =	vld [tilespmem:s25+$0x20];
	[tilespmem:s24+$0xFFFFFC30] =	vst v3;
	v3 =	vadd.f32 v12, v11  }
0x75: {  	v8 =	vld [tilespmem:s24+$0x30];
	v2 =	vadd.f32 v2, v17;
	[tilespmem:s24+$0xFFFFFC40] =	vst v1  }
0x76: {  	v0 =	vld [tilespmem:s25+$0xFFFFFF80];
	v1 =	vadd.f32 v14, v13;
	[tilespmem:s24+$0xFFFFFC50] =	vst v3  }
0x77: {  	v63 =	vld [tilespmem:s25+$0x40];
	v3 =	vadd.f32 v16, v15;
	[tilespmem:s24+$0x0] =	vst v2  }
0x78: {  	v4 =	vadd.f32 v5, v4;
	[tilespmem:s24+$0xFFFFFC60] =	vst v1;
	v1 =	vld [tilespmem:s24+$0x50]  }
0x79: {  	v5 =	vadd.f32 v7, v6;
	[tilespmem:s24+$0xFFFFFC70] =	vst v3;
	v3 =	vld [tilespmem:s25+$0x50]  }
0x7a: {  	v6 =	vadd.f32 v61, v8;
	v2 =	vld [tilespmem:s24+$0x60];
	[tilespmem:s24+$0x10] =	vst v4  }
0x7b: {  	[tilespmem:s24+$0x20] =	vst v5;
	v5 =	vld [tilespmem:s25+$0x60]  }
0x7c: {  	s28 =	sadd.s32 $0x800, s24;
	s26 =	simm.s32 $0x0;
	v4 =	vld [tilespmem:s24+$0xFFFFFC00];
	[tilespmem:s24+$0x30] =	vst v6;
	v6 =	vadd.f32 v63, v62  }
.LBB2_3:
0x7d: {  	v7 =	vld [tilespmem:s28+$0x70];
	s25 =	sadd.s32 $0x100, s25  }
0x7e: {  	s26 =	sadd.s32 $0x10, s26;
	v8 =	vld [tilespmem:s25+$0x70];
	[tilespmem:s24+$0x40] =	vst v6;
	v1 =	vadd.f32 v3, v1  }
0x7f: {  	p0 =	slt.u32 s26, $0x30;
	v3 =	vld [tilespmem:s25+$0xFFFFFF80]  }
0x80: {  	v6 =	vld [tilespmem:s28+$0xFFFFFC10];
	[tilespmem:s24+$0x50] =	vst v1;
	v1 =	vadd.f32 v5, v2  }
0x81: {  	v2 =	vld [tilespmem:s25+$0xFFFFFF90];
	v9 =	vadd.f32 v0, v4  }
0x82: {  	v4 =	vld [tilespmem:s28+$0xFFFFFC20];
	[tilespmem:s24+$0x60] =	vst v1  }
0x83: {  	v1 =	vld [tilespmem:s25+$0xFFFFFFA0];
	v5 =	vadd.f32 v8, v7;
	[tilespmem:s24+$0xFFFFFC00] =	vst v9;
	s24 =	smov.u32 s28  }
0x84: {  	v7 =	vld [tilespmem:s28+$0xFFFFFC30];
	v0 =	vmov v3  }
0x85: {  	v3 =	vld [tilespmem:s25+$0xFFFFFFB0];
	[tilespmem:s28+$0x70] =	vst v5  }
0x86: {  	v2 =	vadd.f32 v2, v6;
	v5 =	vld [tilespmem:s28+$0xFFFFFC40]  }
0x87: {  	v6 =	vld [tilespmem:s25+$0xFFFFFFC0]  }
0x88: {  	[tilespmem:s28+$0xFFFFFC10] =	vst v2;
	v1 =	vadd.f32 v1, v4;
	v2 =	vld [tilespmem:s28+$0xFFFFFC50]  }
0x89: {  	v4 =	vld [tilespmem:s25+$0xFFFFFFD0]  }
0x8a: {  	[tilespmem:s28+$0xFFFFFC20] =	vst v1;
	v1 =	vadd.f32 v3, v7;
	v3 =	vld [tilespmem:s28+$0xFFFFFC60]  }
0x8b: {  	v7 =	vld [tilespmem:s25+$0xFFFFFFE0]  }
0x8c: {  	[tilespmem:s28+$0xFFFFFC30] =	vst v1;
	v1 =	vadd.f32 v6, v5;
	v5 =	vld [tilespmem:s28+$0xFFFFFC70]  }
0x8d: {  	v6 =	vld [tilespmem:s25+$0xFFFFFFF0]  }
0x8e: {  	[tilespmem:s28+$0xFFFFFC40] =	vst v1;
	v1 =	vadd.f32 v4, v2;
	v2 =	vld [tilespmem:s28+$0x0]  }
0x8f: {  	v4 =	vld [tilespmem:s25+$0x0]  }
0x90: {  	[tilespmem:s28+$0xFFFFFC50] =	vst v1;
	v1 =	vadd.f32 v7, v3;
	v3 =	vld [tilespmem:s28+$0x10]  }
0x91: {  	v7 =	vld [tilespmem:s25+$0x10]  }
0x92: {  	[tilespmem:s28+$0xFFFFFC60] =	vst v1;
	v1 =	vadd.f32 v6, v5;
	v5 =	vld [tilespmem:s28+$0x20]  }
0x93: {  	v6 =	vld [tilespmem:s25+$0x20]  }
0x94: {  	[tilespmem:s28+$0xFFFFFC70] =	vst v1;
	v1 =	vadd.f32 v4, v2;
	v2 =	vld [tilespmem:s28+$0x30]  }
0x95: {  	v4 =	vld [tilespmem:s25+$0x30]  }
0x96: {  	[tilespmem:s28+$0x0] =	vst v1;
	v1 =	vadd.f32 v7, v3;
	v7 =	vld [tilespmem:s28+$0x40]  }
0x97: {  	v8 =	vld [tilespmem:s25+$0x40]  }
.Ltmp0:
0x98: {  	[tilespmem:s28+$0x10] =	vst v1;
	v5 =	vadd.f32 v6, v5;
	v1 =	vld [tilespmem:s28+$0x50];
	(pc) =	sbr.rel @p0 .LBB2_3-.Ltmp0, $4  }
0x99: {  	v3 =	vld [tilespmem:s25+$0x50]  }
0x9a: {  	[tilespmem:s28+$0x20] =	vst v5;
	v6 =	vadd.f32 v4, v2;
	v2 =	vld [tilespmem:s28+$0x60]  }
0x9b: {  	v5 =	vld [tilespmem:s25+$0x60]  }
0x9c: {  	s28 =	sadd.s32 $0x800, s28;
	v4 =	vld [tilespmem:s24+$0xFFFFFC00];
	[tilespmem:s24+$0x30] =	vst v6;
	v6 =	vadd.f32 v8, v7  }
0x9d: {  	s23 =	sadd.s32 $0x1, s23  }
0x9e: {  	p0 =	sne.s32 s23, $0x20  }
.Ltmp1:
0x9f: {  	v1 =	vadd.f32 v3, v1;
	(pc) =	sbr.rel @p0 .LBB2_2-.Ltmp1, $4  }
0xa0: {  	[tilespmem:s24+$0x40] =	vst v6;
	v2 =	vadd.f32 v5, v2  }
0xa1: {  	[tilespmem:s24+$0x50] =	vst v1;
	v0 =	vadd.f32 v0, v4  }
0xa2: {  	[tilespmem:s24+$0x60] =	vst v2  }
0xa3: {  	s22 =	sadd.s32 $0x400, s22;
	s21 =	sadd.s32 $0x1, s21;
	[tilespmem:s24+$0xFFFFFC00] =	vst v0  }
0xa4: {  	s21 =	simm.s32 $0x0  }
0xa5: {  	[hbm4b:s30+s21] =	stream.linear.scatter [tilespmem:s9], [sflag:$0x4], $0x8000, $0x38;
	[tilespmem:$0x1C480] =	vst v63  }
0xa6: {  	_ =	swait.ge [sflag:s15], $0x8000  }
0xa7: {  	[sflag:s15] =	ssyncset.done $0x0  }
0xa8: {  	s22 =	rddreg [dreg:$0x6];
	[sflag:s15] =	ssyncadd.s32 $0xFFFF8000  }
0xa9: {  	[tilespmem:s9], [sflag:$0x1] =	stream.linear.gather [hbm4b:s22+s21], $0x8000, $0x38;
	[tilespmem:$0x1C480] =	vst v63  }
0xaa: {  	_ =	swait.ge [sflag:s16], $0x8000  }
0xab: {  	[sflag:s16] =	ssyncset.done $0x0  }
0xac: {  	s23 =	simm.s32 $0x0;
	s22 =	simm.s32 $0x0;
	[sflag:s16] =	ssyncadd.s32 $0xFFFF8000  }
.LBB2_6:
0xad: {  	v0 =	vld [tilespmem:s23+$0x20];
	_ =	sdelay $0x4  }
0xae: {  	(v2sf) =	vpush v0, $0x0;
	_ =	sdelay $0x3  }
0xaf: {  	s24 =	sshll.u32 s22, $0x2;
	s25 =	sand.u32 $0x7, s21  }
0xb0: {  	s24 =	sand.u32 $0xFFFF8000, s24;
	s25 =	sshll.u32 s25, $0x9  }
0xb1: {  	s24 =	sor.u32 s25, s24  }
0xb2: {  	s24 =	sshrl.u32 s24, $0x2  }
0xb3: {  	s24 =	sadd.s32 $0xC880, s24  }
0xb4: {  	v1 =	vld [tilespmem:s24+$0x70]  }
0xb5: {  	v3 =	vld [tilespmem:s24+$0xFFFFFC10]  }
0xb6: {  	v5 =	vld [tilespmem:s24+$0xFFFFFC20]  }
0xb7: {  	v7 =	vld [tilespmem:s24+$0xFFFFFC30]  }
0xb8: {  	v9 =	vld [tilespmem:s24+$0xFFFFFC40]  }
0xb9: {  	v11 =	vld [tilespmem:s24+$0xFFFFFC50]  }
0xba: {  	v13 =	vld [tilespmem:s24+$0xFFFFFC60];
	s26 =	spop (v2sf)  }
0xbb: {  	v15 =	vld [tilespmem:s24+$0xFFFFFC70];
	s25 =	sshll.u32 s26, $0xC  }
0xbc: {  	v17 =	vld [tilespmem:s24+$0x0];
	s25 =	sshra.s32 s25, $0x2  }
0xbd: {  	v62 =	vld [tilespmem:s24+$0x40];
	s25 =	sadd.s32 $0x500, s25  }
0xbe: {  	v2 =	vld [tilespmem:s25+$0x70]  }
0xbf: {  	v4 =	vld [tilespmem:s25+$0xFFFFFF90]  }
0xc0: {  	v6 =	vld [tilespmem:s25+$0xFFFFFFA0]  }
0xc1: {  	v8 =	vld [tilespmem:s25+$0xFFFFFFB0]  }
0xc2: {  	v10 =	vld [tilespmem:s25+$0xFFFFFFC0]  }
0xc3: {  	v12 =	vld [tilespmem:s25+$0xFFFFFFD0]  }
0xc4: {  	v14 =	vld [tilespmem:s25+$0xFFFFFFE0]  }
0xc5: {  	v16 =	vld [tilespmem:s25+$0xFFFFFFF0]  }
0xc6: {  	v61 =	vld [tilespmem:s25+$0x30];
	v1 =	vadd.f32 v2, v1  }
0xc7: {  	v2 =	vld [tilespmem:s25+$0x0];
	v3 =	vadd.f32 v4, v3  }
0xc8: {  	v4 =	vld [tilespmem:s24+$0x10];
	[tilespmem:s24+$0x70] =	vst v1;
	v1 =	vadd.f32 v6, v5  }
0xc9: {  	v5 =	vld [tilespmem:s25+$0x10];
	[tilespmem:s24+$0xFFFFFC10] =	vst v3;
	v3 =	vadd.f32 v8, v7  }
0xca: {  	v6 =	vld [tilespmem:s24+$0x20];
	[tilespmem:s24+$0xFFFFFC20] =	vst v1;
	v1 =	vadd.f32 v10, v9  }
0xcb: {  	v7 =	vld [tilespmem:s25+$0x20];
	[tilespmem:s24+$0xFFFFFC30] =	vst v3;
	v3 =	vadd.f32 v12, v11  }
0xcc: {  	v8 =	vld [tilespmem:s24+$0x30];
	v2 =	vadd.f32 v2, v17;
	[tilespmem:s24+$0xFFFFFC40] =	vst v1  }
0xcd: {  	v0 =	vld [tilespmem:s25+$0xFFFFFF80];
	v1 =	vadd.f32 v14, v13;
	[tilespmem:s24+$0xFFFFFC50] =	vst v3  }
0xce: {  	v63 =	vld [tilespmem:s25+$0x40];
	v3 =	vadd.f32 v16, v15;
	[tilespmem:s24+$0x0] =	vst v2  }
0xcf: {  	v4 =	vadd.f32 v5, v4;
	[tilespmem:s24+$0xFFFFFC60] =	vst v1;
	v1 =	vld [tilespmem:s24+$0x50]  }
0xd0: {  	v5 =	vadd.f32 v7, v6;
	[tilespmem:s24+$0xFFFFFC70] =	vst v3;
	v3 =	vld [tilespmem:s25+$0x50]  }
0xd1: {  	v6 =	vadd.f32 v61, v8;
	v2 =	vld [tilespmem:s24+$0x60];
	[tilespmem:s24+$0x10] =	vst v4  }
0xd2: {  	[tilespmem:s24+$0x20] =	vst v5;
	v5 =	vld [tilespmem:s25+$0x60]  }
0xd3: {  	s28 =	sadd.s32 $0x800, s24;
	s26 =	simm.s32 $0x0;
	v4 =	vld [tilespmem:s24+$0xFFFFFC00];
	[tilespmem:s24+$0x30] =	vst v6;
	v6 =	vadd.f32 v63, v62  }
.LBB2_7:
0xd4: {  	v7 =	vld [tilespmem:s28+$0x70];
	s25 =	sadd.s32 $0x100, s25  }
0xd5: {  	s26 =	sadd.s32 $0x10, s26;
	v8 =	vld [tilespmem:s25+$0x70];
	[tilespmem:s24+$0x40] =	vst v6;
	v1 =	vadd.f32 v3, v1  }
0xd6: {  	p0 =	slt.u32 s26, $0x30;
	v3 =	vld [tilespmem:s25+$0xFFFFFF80]  }
0xd7: {  	v6 =	vld [tilespmem:s28+$0xFFFFFC10];
	[tilespmem:s24+$0x50] =	vst v1;
	v1 =	vadd.f32 v5, v2  }
0xd8: {  	v2 =	vld [tilespmem:s25+$0xFFFFFF90];
	v9 =	vadd.f32 v0, v4  }
0xd9: {  	v4 =	vld [tilespmem:s28+$0xFFFFFC20];
	[tilespmem:s24+$0x60] =	vst v1  }
0xda: {  	v1 =	vld [tilespmem:s25+$0xFFFFFFA0];
	v5 =	vadd.f32 v8, v7;
	[tilespmem:s24+$0xFFFFFC00] =	vst v9;
	s24 =	smov.u32 s28  }
0xdb: {  	v7 =	vld [tilespmem:s28+$0xFFFFFC30];
	v0 =	vmov v3  }
0xdc: {  	v3 =	vld [tilespmem:s25+$0xFFFFFFB0];
	[tilespmem:s28+$0x70] =	vst v5  }
0xdd: {  	v2 =	vadd.f32 v2, v6;
	v5 =	vld [tilespmem:s28+$0xFFFFFC40]  }
0xde: {  	v6 =	vld [tilespmem:s25+$0xFFFFFFC0]  }
0xdf: {  	[tilespmem:s28+$0xFFFFFC10] =	vst v2;
	v1 =	vadd.f32 v1, v4;
	v2 =	vld [tilespmem:s28+$0xFFFFFC50]  }
0xe0: {  	v4 =	vld [tilespmem:s25+$0xFFFFFFD0]  }
0xe1: {  	[tilespmem:s28+$0xFFFFFC20] =	vst v1;
	v1 =	vadd.f32 v3, v7;
	v3 =	vld [tilespmem:s28+$0xFFFFFC60]  }
0xe2: {  	v7 =	vld [tilespmem:s25+$0xFFFFFFE0]  }
0xe3: {  	[tilespmem:s28+$0xFFFFFC30] =	vst v1;
	v1 =	vadd.f32 v6, v5;
	v5 =	vld [tilespmem:s28+$0xFFFFFC70]  }
0xe4: {  	v6 =	vld [tilespmem:s25+$0xFFFFFFF0]  }
0xe5: {  	[tilespmem:s28+$0xFFFFFC40] =	vst v1;
	v1 =	vadd.f32 v4, v2;
	v2 =	vld [tilespmem:s28+$0x0]  }
0xe6: {  	v4 =	vld [tilespmem:s25+$0x0]  }
0xe7: {  	[tilespmem:s28+$0xFFFFFC50] =	vst v1;
	v1 =	vadd.f32 v7, v3;
	v3 =	vld [tilespmem:s28+$0x10]  }
0xe8: {  	v7 =	vld [tilespmem:s25+$0x10]  }
0xe9: {  	[tilespmem:s28+$0xFFFFFC60] =	vst v1;
	v1 =	vadd.f32 v6, v5;
	v5 =	vld [tilespmem:s28+$0x20]  }
0xea: {  	v6 =	vld [tilespmem:s25+$0x20]  }
0xeb: {  	[tilespmem:s28+$0xFFFFFC70] =	vst v1;
	v1 =	vadd.f32 v4, v2;
	v2 =	vld [tilespmem:s28+$0x30]  }
0xec: {  	v4 =	vld [tilespmem:s25+$0x30]  }
0xed: {  	[tilespmem:s28+$0x0] =	vst v1;
	v1 =	vadd.f32 v7, v3;
	v7 =	vld [tilespmem:s28+$0x40]  }
0xee: {  	v8 =	vld [tilespmem:s25+$0x40]  }
.Ltmp2:
0xef: {  	[tilespmem:s28+$0x10] =	vst v1;
	v5 =	vadd.f32 v6, v5;
	v1 =	vld [tilespmem:s28+$0x50];
	(pc) =	sbr.rel @p0 .LBB2_7-.Ltmp2, $4  }
0xf0: {  	v3 =	vld [tilespmem:s25+$0x50]  }
0xf1: {  	[tilespmem:s28+$0x20] =	vst v5;
	v6 =	vadd.f32 v4, v2;
	v2 =	vld [tilespmem:s28+$0x60]  }
0xf2: {  	v5 =	vld [tilespmem:s25+$0x60]  }
0xf3: {  	s28 =	sadd.s32 $0x800, s28;
	v4 =	vld [tilespmem:s24+$0xFFFFFC00];
	[tilespmem:s24+$0x30] =	vst v6;
	v6 =	vadd.f32 v8, v7  }
0xf4: {  	s23 =	sadd.s32 $0x1, s23  }
0xf5: {  	p0 =	sne.s32 s23, $0x20  }
.Ltmp3:
0xf6: {  	v1 =	vadd.f32 v3, v1;
	(pc) =	sbr.rel @p0 .LBB2_6-.Ltmp3, $4  }
0xf7: {  	[tilespmem:s24+$0x40] =	vst v6;
	v2 =	vadd.f32 v5, v2  }
0xf8: {  	[tilespmem:s24+$0x50] =	vst v1;
	v0 =	vadd.f32 v0, v4  }
0xf9: {  	[tilespmem:s24+$0x60] =	vst v2  }
0xfa: {  	s22 =	sadd.s32 $0x400, s22;
	s21 =	sadd.s32 $0x1, s21;
	[tilespmem:s24+$0xFFFFFC00] =	vst v0  }
0xfb: {  	s21 =	simm.s32 $0x0;
	s22 =	rddreg [dreg:$0x7]  }
0xfc: {  	[hbm4b:s22+s21] =	stream.linear.scatter [tilespmem:s10], [sflag:$0x5], $0x8000, $0x38;
	[tilespmem:$0x1C480] =	vst v63  }
0xfd: {  	_ =	swait.ge [sflag:s17], $0x8000  }
0xfe: {  	[sflag:s17] =	ssyncset.done $0x0  }
0xff: {  	s28 =	rddreg [dreg:$0x8];
	[sflag:s17] =	ssyncadd.s32 $0xFFFF8000  }
0x100: {  	[tilespmem:s10], [sflag:$0x2] =	stream.linear.gather [hbm4b:s28+s21], $0x8000, $0x38;
	[tilespmem:$0x1C480] =	vst v63  }
0x101: {  	_ =	swait.ge [sflag:s18], $0x8000  }
0x102: {  	[sflag:s18] =	ssyncset.done $0x0  }
0x103: {  	s23 =	simm.s32 $0x0;
	s22 =	simm.s32 $0x0;
	[sflag:s18] =	ssyncadd.s32 $0xFFFF8000  }
.LBB2_10:
0x104: {  	v0 =	vld [tilespmem:s23+$0x40];
	_ =	sdelay $0x4  }
0x105: {  	(v2sf) =	vpush v0, $0x0;
	_ =	sdelay $0x3  }
0x106: {  	s24 =	sshll.u32 s22, $0x2;
	s25 =	sand.u32 $0x7, s21  }
0x107: {  	s24 =	sand.u32 $0xFFFF8000, s24;
	s25 =	sshll.u32 s25, $0x9  }
0x108: {  	s24 =	sor.u32 s25, s24  }
0x109: {  	s24 =	sshrl.u32 s24, $0x2  }
0x10a: {  	s24 =	sadd.s32 $0x14880, s24  }
0x10b: {  	v1 =	vld [tilespmem:s24+$0x70]  }
0x10c: {  	v3 =	vld [tilespmem:s24+$0xFFFFFC10]  }
0x10d: {  	v5 =	vld [tilespmem:s24+$0xFFFFFC20]  }
0x10e: {  	v7 =	vld [tilespmem:s24+$0xFFFFFC30]  }
0x10f: {  	v9 =	vld [tilespmem:s24+$0xFFFFFC40]  }
0x110: {  	v11 =	vld [tilespmem:s24+$0xFFFFFC50]  }
0x111: {  	v13 =	vld [tilespmem:s24+$0xFFFFFC60];
	s26 =	spop (v2sf)  }
0x112: {  	v15 =	vld [tilespmem:s24+$0xFFFFFC70];
	s25 =	sshll.u32 s26, $0xC  }
0x113: {  	v17 =	vld [tilespmem:s24+$0x0];
	s25 =	sshra.s32 s25, $0x2  }
0x114: {  	v62 =	vld [tilespmem:s24+$0x40];
	s25 =	sadd.s32 $0x500, s25  }
0x115: {  	v2 =	vld [tilespmem:s25+$0x70]  }
0x116: {  	v4 =	vld [tilespmem:s25+$0xFFFFFF90]  }
0x117: {  	v6 =	vld [tilespmem:s25+$0xFFFFFFA0]  }
0x118: {  	v8 =	vld [tilespmem:s25+$0xFFFFFFB0]  }
0x119: {  	v10 =	vld [tilespmem:s25+$0xFFFFFFC0]  }
0x11a: {  	v12 =	vld [tilespmem:s25+$0xFFFFFFD0]  }
0x11b: {  	v14 =	vld [tilespmem:s25+$0xFFFFFFE0]  }
0x11c: {  	v16 =	vld [tilespmem:s25+$0xFFFFFFF0]  }
0x11d: {  	v61 =	vld [tilespmem:s25+$0x30];
	v1 =	vadd.f32 v2, v1  }
0x11e: {  	v2 =	vld [tilespmem:s25+$0x0];
	v3 =	vadd.f32 v4, v3  }
0x11f: {  	v4 =	vld [tilespmem:s24+$0x10];
	[tilespmem:s24+$0x70] =	vst v1;
	v1 =	vadd.f32 v6, v5  }
0x120: {  	v5 =	vld [tilespmem:s25+$0x10];
	[tilespmem:s24+$0xFFFFFC10] =	vst v3;
	v3 =	vadd.f32 v8, v7  }
0x121: {  	v6 =	vld [tilespmem:s24+$0x20];
	[tilespmem:s24+$0xFFFFFC20] =	vst v1;
	v1 =	vadd.f32 v10, v9  }
0x122: {  	v7 =	vld [tilespmem:s25+$0x20];
	[tilespmem:s24+$0xFFFFFC30] =	vst v3;
	v3 =	vadd.f32 v12, v11  }
0x123: {  	v8 =	vld [tilespmem:s24+$0x30];
	v2 =	vadd.f32 v2, v17;
	[tilespmem:s24+$0xFFFFFC40] =	vst v1  }
0x124: {  	v0 =	vld [tilespmem:s25+$0xFFFFFF80];
	v1 =	vadd.f32 v14, v13;
	[tilespmem:s24+$0xFFFFFC50] =	vst v3  }
0x125: {  	v63 =	vld [tilespmem:s25+$0x40];
	v3 =	vadd.f32 v16, v15;
	[tilespmem:s24+$0x0] =	vst v2  }
0x126: {  	v4 =	vadd.f32 v5, v4;
	[tilespmem:s24+$0xFFFFFC60] =	vst v1;
	v1 =	vld [tilespmem:s24+$0x50]  }
0x127: {  	v5 =	vadd.f32 v7, v6;
	[tilespmem:s24+$0xFFFFFC70] =	vst v3;
	v3 =	vld [tilespmem:s25+$0x50]  }
0x128: {  	v6 =	vadd.f32 v61, v8;
	v2 =	vld [tilespmem:s24+$0x60];
	[tilespmem:s24+$0x10] =	vst v4  }
0x129: {  	[tilespmem:s24+$0x20] =	vst v5;
	v5 =	vld [tilespmem:s25+$0x60]  }
0x12a: {  	s28 =	sadd.s32 $0x800, s24;
	s26 =	simm.s32 $0x0;
	v4 =	vld [tilespmem:s24+$0xFFFFFC00];
	[tilespmem:s24+$0x30] =	vst v6;
	v6 =	vadd.f32 v63, v62  }
.LBB2_11:
0x12b: {  	v7 =	vld [tilespmem:s28+$0x70];
	s25 =	sadd.s32 $0x100, s25  }
0x12c: {  	s26 =	sadd.s32 $0x10, s26;
	v8 =	vld [tilespmem:s25+$0x70];
	[tilespmem:s24+$0x40] =	vst v6;
	v1 =	vadd.f32 v3, v1  }
0x12d: {  	p0 =	slt.u32 s26, $0x30;
	v3 =	vld [tilespmem:s25+$0xFFFFFF80]  }
0x12e: {  	v6 =	vld [tilespmem:s28+$0xFFFFFC10];
	[tilespmem:s24+$0x50] =	vst v1;
	v1 =	vadd.f32 v5, v2  }
0x12f: {  	v2 =	vld [tilespmem:s25+$0xFFFFFF90];
	v9 =	vadd.f32 v0, v4  }
0x130: {  	v4 =	vld [tilespmem:s28+$0xFFFFFC20];
	[tilespmem:s24+$0x60] =	vst v1  }
0x131: {  	v1 =	vld [tilespmem:s25+$0xFFFFFFA0];
	v5 =	vadd.f32 v8, v7;
	[tilespmem:s24+$0xFFFFFC00] =	vst v9;
	s24 =	smov.u32 s28  }
0x132: {  	v7 =	vld [tilespmem:s28+$0xFFFFFC30];
	v0 =	vmov v3  }
0x133: {  	v3 =	vld [tilespmem:s25+$0xFFFFFFB0];
	[tilespmem:s28+$0x70] =	vst v5  }
0x134: {  	v2 =	vadd.f32 v2, v6;
	v5 =	vld [tilespmem:s28+$0xFFFFFC40]  }
0x135: {  	v6 =	vld [tilespmem:s25+$0xFFFFFFC0]  }
0x136: {  	[tilespmem:s28+$0xFFFFFC10] =	vst v2;
	v1 =	vadd.f32 v1, v4;
	v2 =	vld [tilespmem:s28+$0xFFFFFC50]  }
0x137: {  	v4 =	vld [tilespmem:s25+$0xFFFFFFD0]  }
0x138: {  	[tilespmem:s28+$0xFFFFFC20] =	vst v1;
	v1 =	vadd.f32 v3, v7;
	v3 =	vld [tilespmem:s28+$0xFFFFFC60]  }
0x139: {  	v7 =	vld [tilespmem:s25+$0xFFFFFFE0]  }
0x13a: {  	[tilespmem:s28+$0xFFFFFC30] =	vst v1;
	v1 =	vadd.f32 v6, v5;
	v5 =	vld [tilespmem:s28+$0xFFFFFC70]  }
0x13b: {  	v6 =	vld [tilespmem:s25+$0xFFFFFFF0]  }
0x13c: {  	[tilespmem:s28+$0xFFFFFC40] =	vst v1;
	v1 =	vadd.f32 v4, v2;
	v2 =	vld [tilespmem:s28+$0x0]  }
0x13d: {  	v4 =	vld [tilespmem:s25+$0x0]  }
0x13e: {  	[tilespmem:s28+$0xFFFFFC50] =	vst v1;
	v1 =	vadd.f32 v7, v3;
	v3 =	vld [tilespmem:s28+$0x10]  }
0x13f: {  	v7 =	vld [tilespmem:s25+$0x10]  }
0x140: {  	[tilespmem:s28+$0xFFFFFC60] =	vst v1;
	v1 =	vadd.f32 v6, v5;
	v5 =	vld [tilespmem:s28+$0x20]  }
0x141: {  	v6 =	vld [tilespmem:s25+$0x20]  }
0x142: {  	[tilespmem:s28+$0xFFFFFC70] =	vst v1;
	v1 =	vadd.f32 v4, v2;
	v2 =	vld [tilespmem:s28+$0x30]  }
0x143: {  	v4 =	vld [tilespmem:s25+$0x30]  }
0x144: {  	[tilespmem:s28+$0x0] =	vst v1;
	v1 =	vadd.f32 v7, v3;
	v7 =	vld [tilespmem:s28+$0x40]  }
0x145: {  	v8 =	vld [tilespmem:s25+$0x40]  }
.Ltmp4:
0x146: {  	[tilespmem:s28+$0x10] =	vst v1;
	v5 =	vadd.f32 v6, v5;
	v1 =	vld [tilespmem:s28+$0x50];
	(pc) =	sbr.rel @p0 .LBB2_11-.Ltmp4, $4  }
0x147: {  	v3 =	vld [tilespmem:s25+$0x50]  }
0x148: {  	[tilespmem:s28+$0x20] =	vst v5;
	v6 =	vadd.f32 v4, v2;
	v2 =	vld [tilespmem:s28+$0x60]  }
0x149: {  	v5 =	vld [tilespmem:s25+$0x60]  }
0x14a: {  	s28 =	sadd.s32 $0x800, s28;
	v4 =	vld [tilespmem:s24+$0xFFFFFC00];
	[tilespmem:s24+$0x30] =	vst v6;
	v6 =	vadd.f32 v8, v7  }
0x14b: {  	s23 =	sadd.s32 $0x1, s23  }
0x14c: {  	p0 =	sne.s32 s23, $0x20  }
.Ltmp5:
0x14d: {  	v1 =	vadd.f32 v3, v1;
	(pc) =	sbr.rel @p0 .LBB2_10-.Ltmp5, $4  }
0x14e: {  	[tilespmem:s24+$0x40] =	vst v6;
	v2 =	vadd.f32 v5, v2  }
0x14f: {  	[tilespmem:s24+$0x50] =	vst v1;
	v0 =	vadd.f32 v0, v4  }
0x150: {  	[tilespmem:s24+$0x60] =	vst v2  }
0x151: {  	s22 =	sadd.s32 $0x400, s22;
	s21 =	sadd.s32 $0x1, s21;
	[tilespmem:s24+$0xFFFFFC00] =	vst v0  }
0x152: {  	s21 =	simm.s32 $0x0;
	s22 =	rddreg [dreg:$0x9]  }
0x153: {  	[hbm4b:s22+s21] =	stream.linear.scatter [tilespmem:s11], [sflag:$0x6], $0x8000, $0x38;
	[tilespmem:$0x1C480] =	vst v63  }
0x154: {  	_ =	swait.ge [sflag:s19], $0x8000  }
0x155: {  	[sflag:s19] =	ssyncset.done $0x0  }
0x156: {  	s28 =	rddreg [dreg:$0xa];
	[sflag:s19] =	ssyncadd.s32 $0xFFFF8000  }
0x157: {  	[tilespmem:s11], [sflag:$0x3] =	stream.linear.gather [hbm4b:s28+s21], $0x8000, $0x38;
	[tilespmem:$0x1C480] =	vst v63  }
0x158: {  	_ =	swait.ge [sflag:s14], $0x8000  }
0x159: {  	[sflag:s14] =	ssyncset.done $0x0  }
0x15a: {  	s23 =	simm.s32 $0x0;
	s22 =	simm.s32 $0x0;
	[sflag:s14] =	ssyncadd.s32 $0xFFFF8000  }
.LBB2_14:
0x15b: {  	v0 =	vld [tilespmem:s23+$0x60];
	_ =	sdelay $0x4  }
0x15c: {  	(v2sf) =	vpush v0, $0x0;
	_ =	sdelay $0x3  }
0x15d: {  	s24 =	sshll.u32 s22, $0x2;
	s25 =	sand.u32 $0x7, s21  }
0x15e: {  	s24 =	sand.u32 $0xFFFF8000, s24;
	s25 =	sshll.u32 s25, $0x9  }
0x15f: {  	s24 =	sor.u32 s25, s24  }
0x160: {  	s24 =	sshrl.u32 s24, $0x2  }
0x161: {  	s24 =	sadd.s32 $0x4880, s24  }
0x162: {  	v1 =	vld [tilespmem:s24+$0x70]  }
0x163: {  	v3 =	vld [tilespmem:s24+$0xFFFFFC10]  }
0x164: {  	v5 =	vld [tilespmem:s24+$0xFFFFFC20]  }
0x165: {  	v7 =	vld [tilespmem:s24+$0xFFFFFC30]  }
0x166: {  	v9 =	vld [tilespmem:s24+$0xFFFFFC40]  }
0x167: {  	v11 =	vld [tilespmem:s24+$0xFFFFFC50]  }
0x168: {  	v13 =	vld [tilespmem:s24+$0xFFFFFC60];
	s26 =	spop (v2sf)  }
0x169: {  	v15 =	vld [tilespmem:s24+$0xFFFFFC70];
	s25 =	sshll.u32 s26, $0xC  }
0x16a: {  	v17 =	vld [tilespmem:s24+$0x0];
	s25 =	sshra.s32 s25, $0x2  }
0x16b: {  	v62 =	vld [tilespmem:s24+$0x40];
	s25 =	sadd.s32 $0x500, s25  }
0x16c: {  	v2 =	vld [tilespmem:s25+$0x70]  }
0x16d: {  	v4 =	vld [tilespmem:s25+$0xFFFFFF90]  }
0x16e: {  	v6 =	vld [tilespmem:s25+$0xFFFFFFA0]  }
0x16f: {  	v8 =	vld [tilespmem:s25+$0xFFFFFFB0]  }
0x170: {  	v10 =	vld [tilespmem:s25+$0xFFFFFFC0]  }
0x171: {  	v12 =	vld [tilespmem:s25+$0xFFFFFFD0]  }
0x172: {  	v14 =	vld [tilespmem:s25+$0xFFFFFFE0]  }
0x173: {  	v16 =	vld [tilespmem:s25+$0xFFFFFFF0]  }
0x174: {  	v61 =	vld [tilespmem:s25+$0x30];
	v1 =	vadd.f32 v2, v1  }
0x175: {  	v2 =	vld [tilespmem:s25+$0x0];
	v3 =	vadd.f32 v4, v3  }
0x176: {  	v4 =	vld [tilespmem:s24+$0x10];
	[tilespmem:s24+$0x70] =	vst v1;
	v1 =	vadd.f32 v6, v5  }
0x177: {  	v5 =	vld [tilespmem:s25+$0x10];
	[tilespmem:s24+$0xFFFFFC10] =	vst v3;
	v3 =	vadd.f32 v8, v7  }
0x178: {  	v6 =	vld [tilespmem:s24+$0x20];
	[tilespmem:s24+$0xFFFFFC20] =	vst v1;
	v1 =	vadd.f32 v10, v9  }
0x179: {  	v7 =	vld [tilespmem:s25+$0x20];
	[tilespmem:s24+$0xFFFFFC30] =	vst v3;
	v3 =	vadd.f32 v12, v11  }
0x17a: {  	v8 =	vld [tilespmem:s24+$0x30];
	v2 =	vadd.f32 v2, v17;
	[tilespmem:s24+$0xFFFFFC40] =	vst v1  }
0x17b: {  	v0 =	vld [tilespmem:s25+$0xFFFFFF80];
	v1 =	vadd.f32 v14, v13;
	[tilespmem:s24+$0xFFFFFC50] =	vst v3  }
0x17c: {  	v63 =	vld [tilespmem:s25+$0x40];
	v3 =	vadd.f32 v16, v15;
	[tilespmem:s24+$0x0] =	vst v2  }
0x17d: {  	v4 =	vadd.f32 v5, v4;
	[tilespmem:s24+$0xFFFFFC60] =	vst v1;
	v1 =	vld [tilespmem:s24+$0x50]  }
0x17e: {  	v5 =	vadd.f32 v7, v6;
	[tilespmem:s24+$0xFFFFFC70] =	vst v3;
	v3 =	vld [tilespmem:s25+$0x50]  }
0x17f: {  	v6 =	vadd.f32 v61, v8;
	v2 =	vld [tilespmem:s24+$0x60];
	[tilespmem:s24+$0x10] =	vst v4  }
0x180: {  	[tilespmem:s24+$0x20] =	vst v5;
	v5 =	vld [tilespmem:s25+$0x60]  }
0x181: {  	s28 =	sadd.s32 $0x800, s24;
	s26 =	simm.s32 $0x0;
	v4 =	vld [tilespmem:s24+$0xFFFFFC00];
	[tilespmem:s24+$0x30] =	vst v6;
	v6 =	vadd.f32 v63, v62  }
.LBB2_15:
0x182: {  	v7 =	vld [tilespmem:s28+$0x70];
	s25 =	sadd.s32 $0x100, s25  }
0x183: {  	s26 =	sadd.s32 $0x10, s26;
	v8 =	vld [tilespmem:s25+$0x70];
	[tilespmem:s24+$0x40] =	vst v6;
	v1 =	vadd.f32 v3, v1  }
0x184: {  	p0 =	slt.u32 s26, $0x30;
	v3 =	vld [tilespmem:s25+$0xFFFFFF80]  }
0x185: {  	v6 =	vld [tilespmem:s28+$0xFFFFFC10];
	[tilespmem:s24+$0x50] =	vst v1;
	v1 =	vadd.f32 v5, v2  }
0x186: {  	v2 =	vld [tilespmem:s25+$0xFFFFFF90];
	v9 =	vadd.f32 v0, v4  }
0x187: {  	v4 =	vld [tilespmem:s28+$0xFFFFFC20];
	[tilespmem:s24+$0x60] =	vst v1  }
0x188: {  	v1 =	vld [tilespmem:s25+$0xFFFFFFA0];
	v5 =	vadd.f32 v8, v7;
	[tilespmem:s24+$0xFFFFFC00] =	vst v9;
	s24 =	smov.u32 s28  }
0x189: {  	v7 =	vld [tilespmem:s28+$0xFFFFFC30];
	v0 =	vmov v3  }
0x18a: {  	v3 =	vld [tilespmem:s25+$0xFFFFFFB0];
	[tilespmem:s28+$0x70] =	vst v5  }
0x18b: {  	v2 =	vadd.f32 v2, v6;
	v5 =	vld [tilespmem:s28+$0xFFFFFC40]  }
0x18c: {  	v6 =	vld [tilespmem:s25+$0xFFFFFFC0]  }
0x18d: {  	[tilespmem:s28+$0xFFFFFC10] =	vst v2;
	v1 =	vadd.f32 v1, v4;
	v2 =	vld [tilespmem:s28+$0xFFFFFC50]  }
0x18e: {  	v4 =	vld [tilespmem:s25+$0xFFFFFFD0]  }
0x18f: {  	[tilespmem:s28+$0xFFFFFC20] =	vst v1;
	v1 =	vadd.f32 v3, v7;
	v3 =	vld [tilespmem:s28+$0xFFFFFC60]  }
0x190: {  	v7 =	vld [tilespmem:s25+$0xFFFFFFE0]  }
0x191: {  	[tilespmem:s28+$0xFFFFFC30] =	vst v1;
	v1 =	vadd.f32 v6, v5;
	v5 =	vld [tilespmem:s28+$0xFFFFFC70]  }
0x192: {  	v6 =	vld [tilespmem:s25+$0xFFFFFFF0]  }
0x193: {  	[tilespmem:s28+$0xFFFFFC40] =	vst v1;
	v1 =	vadd.f32 v4, v2;
	v2 =	vld [tilespmem:s28+$0x0]  }
0x194: {  	v4 =	vld [tilespmem:s25+$0x0]  }
0x195: {  	[tilespmem:s28+$0xFFFFFC50] =	vst v1;
	v1 =	vadd.f32 v7, v3;
	v3 =	vld [tilespmem:s28+$0x10]  }
0x196: {  	v7 =	vld [tilespmem:s25+$0x10]  }
0x197: {  	[tilespmem:s28+$0xFFFFFC60] =	vst v1;
	v1 =	vadd.f32 v6, v5;
	v5 =	vld [tilespmem:s28+$0x20]  }
0x198: {  	v6 =	vld [tilespmem:s25+$0x20]  }
0x199: {  	[tilespmem:s28+$0xFFFFFC70] =	vst v1;
	v1 =	vadd.f32 v4, v2;
	v2 =	vld [tilespmem:s28+$0x30]  }
0x19a: {  	v4 =	vld [tilespmem:s25+$0x30]  }
0x19b: {  	[tilespmem:s28+$0x0] =	vst v1;
	v1 =	vadd.f32 v7, v3;
	v7 =	vld [tilespmem:s28+$0x40]  }
0x19c: {  	v8 =	vld [tilespmem:s25+$0x40]  }
.Ltmp6:
0x19d: {  	[tilespmem:s28+$0x10] =	vst v1;
	v5 =	vadd.f32 v6, v5;
	v1 =	vld [tilespmem:s28+$0x50];
	(pc) =	sbr.rel @p0 .LBB2_15-.Ltmp6, $4  }
0x19e: {  	v3 =	vld [tilespmem:s25+$0x50]  }
0x19f: {  	[tilespmem:s28+$0x20] =	vst v5;
	v6 =	vadd.f32 v4, v2;
	v2 =	vld [tilespmem:s28+$0x60]  }
0x1a0: {  	v5 =	vld [tilespmem:s25+$0x60]  }
0x1a1: {  	s28 =	sadd.s32 $0x800, s28;
	v4 =	vld [tilespmem:s24+$0xFFFFFC00];
	[tilespmem:s24+$0x30] =	vst v6;
	v6 =	vadd.f32 v8, v7  }
0x1a2: {  	s23 =	sadd.s32 $0x1, s23  }
0x1a3: {  	p0 =	sne.s32 s23, $0x20  }
.Ltmp7:
0x1a4: {  	v1 =	vadd.f32 v3, v1;
	(pc) =	sbr.rel @p0 .LBB2_14-.Ltmp7, $4  }
0x1a5: {  	[tilespmem:s24+$0x40] =	vst v6;
	v2 =	vadd.f32 v5, v2  }
0x1a6: {  	[tilespmem:s24+$0x50] =	vst v1;
	v0 =	vadd.f32 v0, v4  }
0x1a7: {  	[tilespmem:s24+$0x60] =	vst v2  }
0x1a8: {  	s22 =	sadd.s32 $0x400, s22;
	s21 =	sadd.s32 $0x1, s21;
	[tilespmem:s24+$0xFFFFFC00] =	vst v0  }
0x1a9: {  	s21 =	simm.s32 $0x0;
	s22 =	rddreg [dreg:$0xb]  }
0x1aa: {  	[hbm4b:s22+s21] =	stream.linear.scatter [tilespmem:s9], [sflag:$0x4], $0x8000, $0x38;
	[tilespmem:$0x1C480] =	vst v63  }
0x1ab: {  	_ =	swait.ge [sflag:s15], $0x8000  }
0x1ac: {  	[sflag:s15] =	ssyncset.done $0x0  }
0x1ad: {  	s28 =	rddreg [dreg:$0xc];
	[sflag:s15] =	ssyncadd.s32 $0xFFFF8000  }
0x1ae: {  	[tilespmem:s9], [sflag:$0x1] =	stream.linear.gather [hbm4b:s28+s21], $0x8000, $0x38;
	[tilespmem:$0x1C480] =	vst v63  }
0x1af: {  	_ =	swait.ge [sflag:s16], $0x8000  }
0x1b0: {  	[sflag:s16] =	ssyncset.done $0x0  }
0x1b1: {  	s23 =	simm.s32 $0x0;
	s22 =	simm.s32 $0x0;
	[sflag:s16] =	ssyncadd.s32 $0xFFFF8000  }
.LBB2_18:
0x1b2: {  	v0 =	vld [tilespmem:s23+$0x80];
	_ =	sdelay $0x4  }
0x1b3: {  	(v2sf) =	vpush v0, $0x0;
	_ =	sdelay $0x3  }
0x1b4: {  	s24 =	sshll.u32 s22, $0x2;
	s25 =	sand.u32 $0x7, s21  }
0x1b5: {  	s24 =	sand.u32 $0xFFFF8000, s24;
	s25 =	sshll.u32 s25, $0x9  }
0x1b6: {  	s24 =	sor.u32 s25, s24  }
0x1b7: {  	s24 =	sshrl.u32 s24, $0x2  }
0x1b8: {  	s24 =	sadd.s32 $0xC880, s24  }
0x1b9: {  	v1 =	vld [tilespmem:s24+$0x70]  }
0x1ba: {  	v3 =	vld [tilespmem:s24+$0xFFFFFC10]  }
0x1bb: {  	v5 =	vld [tilespmem:s24+$0xFFFFFC20]  }
0x1bc: {  	v7 =	vld [tilespmem:s24+$0xFFFFFC30]  }
0x1bd: {  	v9 =	vld [tilespmem:s24+$0xFFFFFC40]  }
0x1be: {  	v11 =	vld [tilespmem:s24+$0xFFFFFC50]  }
0x1bf: {  	v13 =	vld [tilespmem:s24+$0xFFFFFC60];
	s26 =	spop (v2sf)  }
0x1c0: {  	v15 =	vld [tilespmem:s24+$0xFFFFFC70];
	s25 =	sshll.u32 s26, $0xC  }
0x1c1: {  	v17 =	vld [tilespmem:s24+$0x0];
	s25 =	sshra.s32 s25, $0x2  }
0x1c2: {  	v62 =	vld [tilespmem:s24+$0x40];
	s25 =	sadd.s32 $0x500, s25  }
0x1c3: {  	v2 =	vld [tilespmem:s25+$0x70]  }
0x1c4: {  	v4 =	vld [tilespmem:s25+$0xFFFFFF90]  }
0x1c5: {  	v6 =	vld [tilespmem:s25+$0xFFFFFFA0]  }
0x1c6: {  	v8 =	vld [tilespmem:s25+$0xFFFFFFB0]  }
0x1c7: {  	v10 =	vld [tilespmem:s25+$0xFFFFFFC0]  }
0x1c8: {  	v12 =	vld [tilespmem:s25+$0xFFFFFFD0]  }
0x1c9: {  	v14 =	vld [tilespmem:s25+$0xFFFFFFE0]  }
0x1ca: {  	v16 =	vld [tilespmem:s25+$0xFFFFFFF0]  }
0x1cb: {  	v61 =	vld [tilespmem:s25+$0x30];
	v1 =	vadd.f32 v2, v1  }
0x1cc: {  	v2 =	vld [tilespmem:s25+$0x0];
	v3 =	vadd.f32 v4, v3  }
0x1cd: {  	v4 =	vld [tilespmem:s24+$0x10];
	[tilespmem:s24+$0x70] =	vst v1;
	v1 =	vadd.f32 v6, v5  }
0x1ce: {  	v5 =	vld [tilespmem:s25+$0x10];
	[tilespmem:s24+$0xFFFFFC10] =	vst v3;
	v3 =	vadd.f32 v8, v7  }
0x1cf: {  	v6 =	vld [tilespmem:s24+$0x20];
	[tilespmem:s24+$0xFFFFFC20] =	vst v1;
	v1 =	vadd.f32 v10, v9  }
0x1d0: {  	v7 =	vld [tilespmem:s25+$0x20];
	[tilespmem:s24+$0xFFFFFC30] =	vst v3;
	v3 =	vadd.f32 v12, v11  }
0x1d1: {  	v8 =	vld [tilespmem:s24+$0x30];
	v2 =	vadd.f32 v2, v17;
	[tilespmem:s24+$0xFFFFFC40] =	vst v1  }
0x1d2: {  	v0 =	vld [tilespmem:s25+$0xFFFFFF80];
	v1 =	vadd.f32 v14, v13;
	[tilespmem:s24+$0xFFFFFC50] =	vst v3  }
0x1d3: {  	v63 =	vld [tilespmem:s25+$0x40];
	v3 =	vadd.f32 v16, v15;
	[tilespmem:s24+$0x0] =	vst v2  }
0x1d4: {  	v4 =	vadd.f32 v5, v4;
	[tilespmem:s24+$0xFFFFFC60] =	vst v1;
	v1 =	vld [tilespmem:s24+$0x50]  }
0x1d5: {  	v5 =	vadd.f32 v7, v6;
	[tilespmem:s24+$0xFFFFFC70] =	vst v3;
	v3 =	vld [tilespmem:s25+$0x50]  }
0x1d6: {  	v6 =	vadd.f32 v61, v8;
	v2 =	vld [tilespmem:s24+$0x60];
	[tilespmem:s24+$0x10] =	vst v4  }
0x1d7: {  	[tilespmem:s24+$0x20] =	vst v5;
	v5 =	vld [tilespmem:s25+$0x60]  }
0x1d8: {  	s28 =	sadd.s32 $0x800, s24;
	s26 =	simm.s32 $0x0;
	v4 =	vld [tilespmem:s24+$0xFFFFFC00];
	[tilespmem:s24+$0x30] =	vst v6;
	v6 =	vadd.f32 v63, v62  }
.LBB2_19:
0x1d9: {  	v7 =	vld [tilespmem:s28+$0x70];
	s25 =	sadd.s32 $0x100, s25  }
0x1da: {  	s26 =	sadd.s32 $0x10, s26;
	v8 =	vld [tilespmem:s25+$0x70];
	[tilespmem:s24+$0x40] =	vst v6;
	v1 =	vadd.f32 v3, v1  }
0x1db: {  	p0 =	slt.u32 s26, $0x30;
	v3 =	vld [tilespmem:s25+$0xFFFFFF80]  }
0x1dc: {  	v6 =	vld [tilespmem:s28+$0xFFFFFC10];
	[tilespmem:s24+$0x50] =	vst v1;
	v1 =	vadd.f32 v5, v2  }
0x1dd: {  	v2 =	vld [tilespmem:s25+$0xFFFFFF90];
	v9 =	vadd.f32 v0, v4  }
0x1de: {  	v4 =	vld [tilespmem:s28+$0xFFFFFC20];
	[tilespmem:s24+$0x60] =	vst v1  }
0x1df: {  	v1 =	vld [tilespmem:s25+$0xFFFFFFA0];
	v5 =	vadd.f32 v8, v7;
	[tilespmem:s24+$0xFFFFFC00] =	vst v9;
	s24 =	smov.u32 s28  }
0x1e0: {  	v7 =	vld [tilespmem:s28+$0xFFFFFC30];
	v0 =	vmov v3  }
0x1e1: {  	v3 =	vld [tilespmem:s25+$0xFFFFFFB0];
	[tilespmem:s28+$0x70] =	vst v5  }
0x1e2: {  	v2 =	vadd.f32 v2, v6;
	v5 =	vld [tilespmem:s28+$0xFFFFFC40]  }
0x1e3: {  	v6 =	vld [tilespmem:s25+$0xFFFFFFC0]  }
0x1e4: {  	[tilespmem:s28+$0xFFFFFC10] =	vst v2;
	v1 =	vadd.f32 v1, v4;
	v2 =	vld [tilespmem:s28+$0xFFFFFC50]  }
0x1e5: {  	v4 =	vld [tilespmem:s25+$0xFFFFFFD0]  }
0x1e6: {  	[tilespmem:s28+$0xFFFFFC20] =	vst v1;
	v1 =	vadd.f32 v3, v7;
	v3 =	vld [tilespmem:s28+$0xFFFFFC60]  }
0x1e7: {  	v7 =	vld [tilespmem:s25+$0xFFFFFFE0]  }
0x1e8: {  	[tilespmem:s28+$0xFFFFFC30] =	vst v1;
	v1 =	vadd.f32 v6, v5;
	v5 =	vld [tilespmem:s28+$0xFFFFFC70]  }
0x1e9: {  	v6 =	vld [tilespmem:s25+$0xFFFFFFF0]  }
0x1ea: {  	[tilespmem:s28+$0xFFFFFC40] =	vst v1;
	v1 =	vadd.f32 v4, v2;
	v2 =	vld [tilespmem:s28+$0x0]  }
0x1eb: {  	v4 =	vld [tilespmem:s25+$0x0]  }
0x1ec: {  	[tilespmem:s28+$0xFFFFFC50] =	vst v1;
	v1 =	vadd.f32 v7, v3;
	v3 =	vld [tilespmem:s28+$0x10]  }
0x1ed: {  	v7 =	vld [tilespmem:s25+$0x10]  }
0x1ee: {  	[tilespmem:s28+$0xFFFFFC60] =	vst v1;
	v1 =	vadd.f32 v6, v5;
	v5 =	vld [tilespmem:s28+$0x20]  }
0x1ef: {  	v6 =	vld [tilespmem:s25+$0x20]  }
0x1f0: {  	[tilespmem:s28+$0xFFFFFC70] =	vst v1;
	v1 =	vadd.f32 v4, v2;
	v2 =	vld [tilespmem:s28+$0x30]  }
0x1f1: {  	v4 =	vld [tilespmem:s25+$0x30]  }
0x1f2: {  	[tilespmem:s28+$0x0] =	vst v1;
	v1 =	vadd.f32 v7, v3;
	v7 =	vld [tilespmem:s28+$0x40]  }
0x1f3: {  	v8 =	vld [tilespmem:s25+$0x40]  }
.Ltmp8:
0x1f4: {  	[tilespmem:s28+$0x10] =	vst v1;
	v5 =	vadd.f32 v6, v5;
	v1 =	vld [tilespmem:s28+$0x50];
	(pc) =	sbr.rel @p0 .LBB2_19-.Ltmp8, $4  }
0x1f5: {  	v3 =	vld [tilespmem:s25+$0x50]  }
0x1f6: {  	[tilespmem:s28+$0x20] =	vst v5;
	v6 =	vadd.f32 v4, v2;
	v2 =	vld [tilespmem:s28+$0x60]  }
0x1f7: {  	v5 =	vld [tilespmem:s25+$0x60]  }
0x1f8: {  	s28 =	sadd.s32 $0x800, s28;
	v4 =	vld [tilespmem:s24+$0xFFFFFC00];
	[tilespmem:s24+$0x30] =	vst v6;
	v6 =	vadd.f32 v8, v7  }
0x1f9: {  	s23 =	sadd.s32 $0x1, s23  }
0x1fa: {  	p0 =	sne.s32 s23, $0x20  }
.Ltmp9:
0x1fb: {  	v1 =	vadd.f32 v3, v1;
	(pc) =	sbr.rel @p0 .LBB2_18-.Ltmp9, $4  }
0x1fc: {  	[tilespmem:s24+$0x40] =	vst v6;
	v2 =	vadd.f32 v5, v2  }
0x1fd: {  	[tilespmem:s24+$0x50] =	vst v1;
	v0 =	vadd.f32 v0, v4  }
0x1fe: {  	[tilespmem:s24+$0x60] =	vst v2  }
0x1ff: {  	s22 =	sadd.s32 $0x400, s22;
	s21 =	sadd.s32 $0x1, s21;
	[tilespmem:s24+$0xFFFFFC00] =	vst v0  }
0x200: {  	s21 =	simm.s32 $0x0;
	s22 =	rddreg [dreg:$0xd]  }
0x201: {  	[hbm4b:s22+s21] =	stream.linear.scatter [tilespmem:s10], [sflag:$0x5], $0x8000, $0x38;
	[tilespmem:$0x1C480] =	vst v63  }
0x202: {  	_ =	swait.ge [sflag:s17], $0x8000  }
0x203: {  	[sflag:s17] =	ssyncset.done $0x0  }
0x204: {  	s28 =	rddreg [dreg:$0xe];
	[sflag:s17] =	ssyncadd.s32 $0xFFFF8000  }
0x205: {  	[tilespmem:s10], [sflag:$0x2] =	stream.linear.gather [hbm4b:s28+s21], $0x8000, $0x38;
	[tilespmem:$0x1C480] =	vst v63  }
0x206: {  	_ =	swait.ge [sflag:s18], $0x8000  }
0x207: {  	[sflag:s18] =	ssyncset.done $0x0  }
0x208: {  	s23 =	simm.s32 $0x0;
	s22 =	simm.s32 $0x0;
	[sflag:s18] =	ssyncadd.s32 $0xFFFF8000  }
.LBB2_22:
0x209: {  	v0 =	vld [tilespmem:s23+$0xA0];
	_ =	sdelay $0x4  }
0x20a: {  	(v2sf) =	vpush v0, $0x0;
	_ =	sdelay $0x3  }
0x20b: {  	s24 =	sshll.u32 s22, $0x2;
	s25 =	sand.u32 $0x7, s21  }
0x20c: {  	s24 =	sand.u32 $0xFFFF8000, s24;
	s25 =	sshll.u32 s25, $0x9  }
0x20d: {  	s24 =	sor.u32 s25, s24  }
0x20e: {  	s24 =	sshrl.u32 s24, $0x2  }
0x20f: {  	s24 =	sadd.s32 $0x14880, s24  }
0x210: {  	v1 =	vld [tilespmem:s24+$0x70]  }
0x211: {  	v3 =	vld [tilespmem:s24+$0xFFFFFC10]  }
0x212: {  	v5 =	vld [tilespmem:s24+$0xFFFFFC20]  }
0x213: {  	v7 =	vld [tilespmem:s24+$0xFFFFFC30]  }
0x214: {  	v9 =	vld [tilespmem:s24+$0xFFFFFC40]  }
0x215: {  	v11 =	vld [tilespmem:s24+$0xFFFFFC50]  }
0x216: {  	v13 =	vld [tilespmem:s24+$0xFFFFFC60];
	s26 =	spop (v2sf)  }
0x217: {  	v15 =	vld [tilespmem:s24+$0xFFFFFC70];
	s25 =	sshll.u32 s26, $0xC  }
0x218: {  	v17 =	vld [tilespmem:s24+$0x0];
	s25 =	sshra.s32 s25, $0x2  }
0x219: {  	v62 =	vld [tilespmem:s24+$0x40];
	s25 =	sadd.s32 $0x500, s25  }
0x21a: {  	v2 =	vld [tilespmem:s25+$0x70]  }
0x21b: {  	v4 =	vld [tilespmem:s25+$0xFFFFFF90]  }
0x21c: {  	v6 =	vld [tilespmem:s25+$0xFFFFFFA0]  }
0x21d: {  	v8 =	vld [tilespmem:s25+$0xFFFFFFB0]  }
0x21e: {  	v10 =	vld [tilespmem:s25+$0xFFFFFFC0]  }
0x21f: {  	v12 =	vld [tilespmem:s25+$0xFFFFFFD0]  }
0x220: {  	v14 =	vld [tilespmem:s25+$0xFFFFFFE0]  }
0x221: {  	v16 =	vld [tilespmem:s25+$0xFFFFFFF0]  }
0x222: {  	v61 =	vld [tilespmem:s25+$0x30];
	v1 =	vadd.f32 v2, v1  }
0x223: {  	v2 =	vld [tilespmem:s25+$0x0];
	v3 =	vadd.f32 v4, v3  }
0x224: {  	v4 =	vld [tilespmem:s24+$0x10];
	[tilespmem:s24+$0x70] =	vst v1;
	v1 =	vadd.f32 v6, v5  }
0x225: {  	v5 =	vld [tilespmem:s25+$0x10];
	[tilespmem:s24+$0xFFFFFC10] =	vst v3;
	v3 =	vadd.f32 v8, v7  }
0x226: {  	v6 =	vld [tilespmem:s24+$0x20];
	[tilespmem:s24+$0xFFFFFC20] =	vst v1;
	v1 =	vadd.f32 v10, v9  }
0x227: {  	v7 =	vld [tilespmem:s25+$0x20];
	[tilespmem:s24+$0xFFFFFC30] =	vst v3;
	v3 =	vadd.f32 v12, v11  }
0x228: {  	v8 =	vld [tilespmem:s24+$0x30];
	v2 =	vadd.f32 v2, v17;
	[tilespmem:s24+$0xFFFFFC40] =	vst v1  }
0x229: {  	v0 =	vld [tilespmem:s25+$0xFFFFFF80];
	v1 =	vadd.f32 v14, v13;
	[tilespmem:s24+$0xFFFFFC50] =	vst v3  }
0x22a: {  	v63 =	vld [tilespmem:s25+$0x40];
	v3 =	vadd.f32 v16, v15;
	[tilespmem:s24+$0x0] =	vst v2  }
0x22b: {  	v4 =	vadd.f32 v5, v4;
	[tilespmem:s24+$0xFFFFFC60] =	vst v1;
	v1 =	vld [tilespmem:s24+$0x50]  }
0x22c: {  	v5 =	vadd.f32 v7, v6;
	[tilespmem:s24+$0xFFFFFC70] =	vst v3;
	v3 =	vld [tilespmem:s25+$0x50]  }
0x22d: {  	v6 =	vadd.f32 v61, v8;
	v2 =	vld [tilespmem:s24+$0x60];
	[tilespmem:s24+$0x10] =	vst v4  }
0x22e: {  	[tilespmem:s24+$0x20] =	vst v5;
	v5 =	vld [tilespmem:s25+$0x60]  }
0x22f: {  	s28 =	sadd.s32 $0x800, s24;
	s26 =	simm.s32 $0x0;
	v4 =	vld [tilespmem:s24+$0xFFFFFC00];
	[tilespmem:s24+$0x30] =	vst v6;
	v6 =	vadd.f32 v63, v62  }
.LBB2_23:
0x230: {  	v7 =	vld [tilespmem:s28+$0x70];
	s25 =	sadd.s32 $0x100, s25  }
0x231: {  	s26 =	sadd.s32 $0x10, s26;
	v8 =	vld [tilespmem:s25+$0x70];
	[tilespmem:s24+$0x40] =	vst v6;
	v1 =	vadd.f32 v3, v1  }
0x232: {  	p0 =	slt.u32 s26, $0x30;
	v3 =	vld [tilespmem:s25+$0xFFFFFF80]  }
0x233: {  	v6 =	vld [tilespmem:s28+$0xFFFFFC10];
	[tilespmem:s24+$0x50] =	vst v1;
	v1 =	vadd.f32 v5, v2  }
0x234: {  	v2 =	vld [tilespmem:s25+$0xFFFFFF90];
	v9 =	vadd.f32 v0, v4  }
0x235: {  	v4 =	vld [tilespmem:s28+$0xFFFFFC20];
	[tilespmem:s24+$0x60] =	vst v1  }
0x236: {  	v1 =	vld [tilespmem:s25+$0xFFFFFFA0];
	v5 =	vadd.f32 v8, v7;
	[tilespmem:s24+$0xFFFFFC00] =	vst v9;
	s24 =	smov.u32 s28  }
0x237: {  	v7 =	vld [tilespmem:s28+$0xFFFFFC30];
	v0 =	vmov v3  }
0x238: {  	v3 =	vld [tilespmem:s25+$0xFFFFFFB0];
	[tilespmem:s28+$0x70] =	vst v5  }
0x239: {  	v2 =	vadd.f32 v2, v6;
	v5 =	vld [tilespmem:s28+$0xFFFFFC40]  }
0x23a: {  	v6 =	vld [tilespmem:s25+$0xFFFFFFC0]  }
0x23b: {  	[tilespmem:s28+$0xFFFFFC10] =	vst v2;
	v1 =	vadd.f32 v1, v4;
	v2 =	vld [tilespmem:s28+$0xFFFFFC50]  }
0x23c: {  	v4 =	vld [tilespmem:s25+$0xFFFFFFD0]  }
0x23d: {  	[tilespmem:s28+$0xFFFFFC20] =	vst v1;
	v1 =	vadd.f32 v3, v7;
	v3 =	vld [tilespmem:s28+$0xFFFFFC60]  }
0x23e: {  	v7 =	vld [tilespmem:s25+$0xFFFFFFE0]  }
0x23f: {  	[tilespmem:s28+$0xFFFFFC30] =	vst v1;
	v1 =	vadd.f32 v6, v5;
	v5 =	vld [tilespmem:s28+$0xFFFFFC70]  }
0x240: {  	v6 =	vld [tilespmem:s25+$0xFFFFFFF0]  }
0x241: {  	[tilespmem:s28+$0xFFFFFC40] =	vst v1;
	v1 =	vadd.f32 v4, v2;
	v2 =	vld [tilespmem:s28+$0x0]  }
0x242: {  	v4 =	vld [tilespmem:s25+$0x0]  }
0x243: {  	[tilespmem:s28+$0xFFFFFC50] =	vst v1;
	v1 =	vadd.f32 v7, v3;
	v3 =	vld [tilespmem:s28+$0x10]  }
0x244: {  	v7 =	vld [tilespmem:s25+$0x10]  }
0x245: {  	[tilespmem:s28+$0xFFFFFC60] =	vst v1;
	v1 =	vadd.f32 v6, v5;
	v5 =	vld [tilespmem:s28+$0x20]  }
0x246: {  	v6 =	vld [tilespmem:s25+$0x20]  }
0x247: {  	[tilespmem:s28+$0xFFFFFC70] =	vst v1;
	v1 =	vadd.f32 v4, v2;
	v2 =	vld [tilespmem:s28+$0x30]  }
0x248: {  	v4 =	vld [tilespmem:s25+$0x30]  }
0x249: {  	[tilespmem:s28+$0x0] =	vst v1;
	v1 =	vadd.f32 v7, v3;
	v7 =	vld [tilespmem:s28+$0x40]  }
0x24a: {  	v8 =	vld [tilespmem:s25+$0x40]  }
.Ltmp10:
0x24b: {  	[tilespmem:s28+$0x10] =	vst v1;
	v5 =	vadd.f32 v6, v5;
	v1 =	vld [tilespmem:s28+$0x50];
	(pc) =	sbr.rel @p0 .LBB2_23-.Ltmp10, $4  }
0x24c: {  	v3 =	vld [tilespmem:s25+$0x50]  }
0x24d: {  	[tilespmem:s28+$0x20] =	vst v5;
	v6 =	vadd.f32 v4, v2;
	v2 =	vld [tilespmem:s28+$0x60]  }
0x24e: {  	v5 =	vld [tilespmem:s25+$0x60]  }
0x24f: {  	s28 =	sadd.s32 $0x800, s28;
	v4 =	vld [tilespmem:s24+$0xFFFFFC00];
	[tilespmem:s24+$0x30] =	vst v6;
	v6 =	vadd.f32 v8, v7  }
0x250: {  	s23 =	sadd.s32 $0x1, s23  }
0x251: {  	p0 =	sne.s32 s23, $0x20  }
.Ltmp11:
0x252: {  	v1 =	vadd.f32 v3, v1;
	(pc) =	sbr.rel @p0 .LBB2_22-.Ltmp11, $4  }
0x253: {  	[tilespmem:s24+$0x40] =	vst v6;
	v2 =	vadd.f32 v5, v2  }
0x254: {  	[tilespmem:s24+$0x50] =	vst v1;
	v0 =	vadd.f32 v0, v4  }
0x255: {  	[tilespmem:s24+$0x60] =	vst v2  }
0x256: {  	s22 =	sadd.s32 $0x400, s22;
	s21 =	sadd.s32 $0x1, s21;
	[tilespmem:s24+$0xFFFFFC00] =	vst v0  }
0x257: {  	s21 =	simm.s32 $0x0;
	s22 =	rddreg [dreg:$0xf]  }
0x258: {  	[hbm4b:s22+s21] =	stream.linear.scatter [tilespmem:s11], [sflag:$0x6], $0x8000, $0x38;
	[tilespmem:$0x1C480] =	vst v63  }
0x259: {  	_ =	swait.ge [sflag:s19], $0x8000  }
0x25a: {  	[sflag:s19] =	ssyncset.done $0x0  }
0x25b: {  	s28 =	rddreg [dreg:$0x10];
	[sflag:s19] =	ssyncadd.s32 $0xFFFF8000  }
0x25c: {  	[tilespmem:s11], [sflag:$0x3] =	stream.linear.gather [hbm4b:s28+s21], $0x8000, $0x38;
	[tilespmem:$0x1C480] =	vst v63  }
0x25d: {  	_ =	swait.ge [sflag:s14], $0x8000  }
0x25e: {  	[sflag:s14] =	ssyncset.done $0x0  }
0x25f: {  	s23 =	simm.s32 $0x0;
	s22 =	simm.s32 $0x0;
	[sflag:s14] =	ssyncadd.s32 $0xFFFF8000  }
.LBB2_26:
0x260: {  	v0 =	vld [tilespmem:s23+$0xC0];
	_ =	sdelay $0x4  }
0x261: {  	(v2sf) =	vpush v0, $0x0;
	_ =	sdelay $0x3  }
0x262: {  	s24 =	sshll.u32 s22, $0x2;
	s25 =	sand.u32 $0x7, s21  }
0x263: {  	s24 =	sand.u32 $0xFFFF8000, s24;
	s25 =	sshll.u32 s25, $0x9  }
0x264: {  	s24 =	sor.u32 s25, s24  }
0x265: {  	s24 =	sshrl.u32 s24, $0x2  }
0x266: {  	s24 =	sadd.s32 $0x4880, s24  }
0x267: {  	v1 =	vld [tilespmem:s24+$0x70]  }
0x268: {  	v3 =	vld [tilespmem:s24+$0xFFFFFC10]  }
0x269: {  	v5 =	vld [tilespmem:s24+$0xFFFFFC20]  }
0x26a: {  	v7 =	vld [tilespmem:s24+$0xFFFFFC30]  }
0x26b: {  	v9 =	vld [tilespmem:s24+$0xFFFFFC40]  }
0x26c: {  	v11 =	vld [tilespmem:s24+$0xFFFFFC50]  }
0x26d: {  	v13 =	vld [tilespmem:s24+$0xFFFFFC60];
	s26 =	spop (v2sf)  }
0x26e: {  	v15 =	vld [tilespmem:s24+$0xFFFFFC70];
	s25 =	sshll.u32 s26, $0xC  }
0x26f: {  	v17 =	vld [tilespmem:s24+$0x0];
	s25 =	sshra.s32 s25, $0x2  }
0x270: {  	v62 =	vld [tilespmem:s24+$0x40];
	s25 =	sadd.s32 $0x500, s25  }
0x271: {  	v2 =	vld [tilespmem:s25+$0x70]  }
0x272: {  	v4 =	vld [tilespmem:s25+$0xFFFFFF90]  }
0x273: {  	v6 =	vld [tilespmem:s25+$0xFFFFFFA0]  }
0x274: {  	v8 =	vld [tilespmem:s25+$0xFFFFFFB0]  }
0x275: {  	v10 =	vld [tilespmem:s25+$0xFFFFFFC0]  }
0x276: {  	v12 =	vld [tilespmem:s25+$0xFFFFFFD0]  }
0x277: {  	v14 =	vld [tilespmem:s25+$0xFFFFFFE0]  }
0x278: {  	v16 =	vld [tilespmem:s25+$0xFFFFFFF0]  }
0x279: {  	v61 =	vld [tilespmem:s25+$0x30];
	v1 =	vadd.f32 v2, v1  }
0x27a: {  	v2 =	vld [tilespmem:s25+$0x0];
	v3 =	vadd.f32 v4, v3  }
0x27b: {  	v4 =	vld [tilespmem:s24+$0x10];
	[tilespmem:s24+$0x70] =	vst v1;
	v1 =	vadd.f32 v6, v5  }
0x27c: {  	v5 =	vld [tilespmem:s25+$0x10];
	[tilespmem:s24+$0xFFFFFC10] =	vst v3;
	v3 =	vadd.f32 v8, v7  }
0x27d: {  	v6 =	vld [tilespmem:s24+$0x20];
	[tilespmem:s24+$0xFFFFFC20] =	vst v1;
	v1 =	vadd.f32 v10, v9  }
0x27e: {  	v7 =	vld [tilespmem:s25+$0x20];
	[tilespmem:s24+$0xFFFFFC30] =	vst v3;
	v3 =	vadd.f32 v12, v11  }
0x27f: {  	v8 =	vld [tilespmem:s24+$0x30];
	v2 =	vadd.f32 v2, v17;
	[tilespmem:s24+$0xFFFFFC40] =	vst v1  }
0x280: {  	v0 =	vld [tilespmem:s25+$0xFFFFFF80];
	v1 =	vadd.f32 v14, v13;
	[tilespmem:s24+$0xFFFFFC50] =	vst v3  }
0x281: {  	v63 =	vld [tilespmem:s25+$0x40];
	v3 =	vadd.f32 v16, v15;
	[tilespmem:s24+$0x0] =	vst v2  }
0x282: {  	v4 =	vadd.f32 v5, v4;
	[tilespmem:s24+$0xFFFFFC60] =	vst v1;
	v1 =	vld [tilespmem:s24+$0x50]  }
0x283: {  	v5 =	vadd.f32 v7, v6;
	[tilespmem:s24+$0xFFFFFC70] =	vst v3;
	v3 =	vld [tilespmem:s25+$0x50]  }
0x284: {  	v6 =	vadd.f32 v61, v8;
	v2 =	vld [tilespmem:s24+$0x60];
	[tilespmem:s24+$0x10] =	vst v4  }
0x285: {  	[tilespmem:s24+$0x20] =	vst v5;
	v5 =	vld [tilespmem:s25+$0x60]  }
0x286: {  	s28 =	sadd.s32 $0x800, s24;
	s26 =	simm.s32 $0x0;
	v4 =	vld [tilespmem:s24+$0xFFFFFC00];
	[tilespmem:s24+$0x30] =	vst v6;
	v6 =	vadd.f32 v63, v62  }
.LBB2_27:
0x287: {  	v7 =	vld [tilespmem:s28+$0x70];
	s25 =	sadd.s32 $0x100, s25  }
0x288: {  	s26 =	sadd.s32 $0x10, s26;
	v8 =	vld [tilespmem:s25+$0x70];
	[tilespmem:s24+$0x40] =	vst v6;
	v1 =	vadd.f32 v3, v1  }
0x289: {  	p0 =	slt.u32 s26, $0x30;
	v3 =	vld [tilespmem:s25+$0xFFFFFF80]  }
0x28a: {  	v6 =	vld [tilespmem:s28+$0xFFFFFC10];
	[tilespmem:s24+$0x50] =	vst v1;
	v1 =	vadd.f32 v5, v2  }
0x28b: {  	v2 =	vld [tilespmem:s25+$0xFFFFFF90];
	v9 =	vadd.f32 v0, v4  }
0x28c: {  	v4 =	vld [tilespmem:s28+$0xFFFFFC20];
	[tilespmem:s24+$0x60] =	vst v1  }
0x28d: {  	v1 =	vld [tilespmem:s25+$0xFFFFFFA0];
	v5 =	vadd.f32 v8, v7;
	[tilespmem:s24+$0xFFFFFC00] =	vst v9;
	s24 =	smov.u32 s28  }
0x28e: {  	v7 =	vld [tilespmem:s28+$0xFFFFFC30];
	v0 =	vmov v3  }
0x28f: {  	v3 =	vld [tilespmem:s25+$0xFFFFFFB0];
	[tilespmem:s28+$0x70] =	vst v5  }
0x290: {  	v2 =	vadd.f32 v2, v6;
	v5 =	vld [tilespmem:s28+$0xFFFFFC40]  }
0x291: {  	v6 =	vld [tilespmem:s25+$0xFFFFFFC0]  }
0x292: {  	[tilespmem:s28+$0xFFFFFC10] =	vst v2;
	v1 =	vadd.f32 v1, v4;
	v2 =	vld [tilespmem:s28+$0xFFFFFC50]  }
0x293: {  	v4 =	vld [tilespmem:s25+$0xFFFFFFD0]  }
0x294: {  	[tilespmem:s28+$0xFFFFFC20] =	vst v1;
	v1 =	vadd.f32 v3, v7;
	v3 =	vld [tilespmem:s28+$0xFFFFFC60]  }
0x295: {  	v7 =	vld [tilespmem:s25+$0xFFFFFFE0]  }
0x296: {  	[tilespmem:s28+$0xFFFFFC30] =	vst v1;
	v1 =	vadd.f32 v6, v5;
	v5 =	vld [tilespmem:s28+$0xFFFFFC70]  }
0x297: {  	v6 =	vld [tilespmem:s25+$0xFFFFFFF0]  }
0x298: {  	[tilespmem:s28+$0xFFFFFC40] =	vst v1;
	v1 =	vadd.f32 v4, v2;
	v2 =	vld [tilespmem:s28+$0x0]  }
0x299: {  	v4 =	vld [tilespmem:s25+$0x0]  }
0x29a: {  	[tilespmem:s28+$0xFFFFFC50] =	vst v1;
	v1 =	vadd.f32 v7, v3;
	v3 =	vld [tilespmem:s28+$0x10]  }
0x29b: {  	v7 =	vld [tilespmem:s25+$0x10]  }
0x29c: {  	[tilespmem:s28+$0xFFFFFC60] =	vst v1;
	v1 =	vadd.f32 v6, v5;
	v5 =	vld [tilespmem:s28+$0x20]  }
0x29d: {  	v6 =	vld [tilespmem:s25+$0x20]  }
0x29e: {  	[tilespmem:s28+$0xFFFFFC70] =	vst v1;
	v1 =	vadd.f32 v4, v2;
	v2 =	vld [tilespmem:s28+$0x30]  }
0x29f: {  	v4 =	vld [tilespmem:s25+$0x30]  }
0x2a0: {  	[tilespmem:s28+$0x0] =	vst v1;
	v1 =	vadd.f32 v7, v3;
	v7 =	vld [tilespmem:s28+$0x40]  }
0x2a1: {  	v8 =	vld [tilespmem:s25+$0x40]  }
.Ltmp12:
0x2a2: {  	[tilespmem:s28+$0x10] =	vst v1;
	v5 =	vadd.f32 v6, v5;
	v1 =	vld [tilespmem:s28+$0x50];
	(pc) =	sbr.rel @p0 .LBB2_27-.Ltmp12, $4  }
0x2a3: {  	v3 =	vld [tilespmem:s25+$0x50]  }
0x2a4: {  	[tilespmem:s28+$0x20] =	vst v5;
	v6 =	vadd.f32 v4, v2;
	v2 =	vld [tilespmem:s28+$0x60]  }
0x2a5: {  	v5 =	vld [tilespmem:s25+$0x60]  }
0x2a6: {  	s28 =	sadd.s32 $0x800, s28;
	v4 =	vld [tilespmem:s24+$0xFFFFFC00];
	[tilespmem:s24+$0x30] =	vst v6;
	v6 =	vadd.f32 v8, v7  }
0x2a7: {  	s23 =	sadd.s32 $0x1, s23  }
0x2a8: {  	p0 =	sne.s32 s23, $0x20  }
.Ltmp13:
0x2a9: {  	v1 =	vadd.f32 v3, v1;
	(pc) =	sbr.rel @p0 .LBB2_26-.Ltmp13, $4  }
0x2aa: {  	[tilespmem:s24+$0x40] =	vst v6;
	v2 =	vadd.f32 v5, v2  }
0x2ab: {  	[tilespmem:s24+$0x50] =	vst v1;
	v0 =	vadd.f32 v0, v4  }
0x2ac: {  	[tilespmem:s24+$0x60] =	vst v2  }
0x2ad: {  	s22 =	sadd.s32 $0x400, s22;
	s21 =	sadd.s32 $0x1, s21;
	[tilespmem:s24+$0xFFFFFC00] =	vst v0  }
0x2ae: {  	s21 =	simm.s32 $0x0;
	s22 =	rddreg [dreg:$0x11]  }
0x2af: {  	[hbm4b:s22+s21] =	stream.linear.scatter [tilespmem:s9], [sflag:$0x4], $0x8000, $0x38;
	[tilespmem:$0x1C480] =	vst v63  }
0x2b0: {  	_ =	swait.ge [sflag:s15], $0x8000  }
0x2b1: {  	[sflag:s15] =	ssyncset.done $0x0  }
0x2b2: {  	s28 =	rddreg [dreg:$0x12];
	[sflag:s15] =	ssyncadd.s32 $0xFFFF8000  }
0x2b3: {  	[tilespmem:s9], [sflag:$0x1] =	stream.linear.gather [hbm4b:s28+s21], $0x8000, $0x38;
	[tilespmem:$0x1C480] =	vst v63  }
0x2b4: {  	_ =	swait.ge [sflag:s16], $0x8000  }
0x2b5: {  	[sflag:s16] =	ssyncset.done $0x0  }
0x2b6: {  	s23 =	simm.s32 $0x0;
	s22 =	simm.s32 $0x0;
	[sflag:s16] =	ssyncadd.s32 $0xFFFF8000  }
.LBB2_30:
0x2b7: {  	v0 =	vld [tilespmem:s23+$0xE0];
	_ =	sdelay $0x4  }
0x2b8: {  	(v2sf) =	vpush v0, $0x0;
	_ =	sdelay $0x3  }
0x2b9: {  	s24 =	sshll.u32 s22, $0x2;
	s25 =	sand.u32 $0x7, s21  }
0x2ba: {  	s24 =	sand.u32 $0xFFFF8000, s24;
	s25 =	sshll.u32 s25, $0x9  }
0x2bb: {  	s24 =	sor.u32 s25, s24  }
0x2bc: {  	s24 =	sshrl.u32 s24, $0x2  }
0x2bd: {  	s24 =	sadd.s32 $0xC880, s24  }
0x2be: {  	v1 =	vld [tilespmem:s24+$0x70]  }
0x2bf: {  	v3 =	vld [tilespmem:s24+$0xFFFFFC10]  }
0x2c0: {  	v5 =	vld [tilespmem:s24+$0xFFFFFC20]  }
0x2c1: {  	v7 =	vld [tilespmem:s24+$0xFFFFFC30]  }
0x2c2: {  	v9 =	vld [tilespmem:s24+$0xFFFFFC40]  }
0x2c3: {  	v11 =	vld [tilespmem:s24+$0xFFFFFC50]  }
0x2c4: {  	v13 =	vld [tilespmem:s24+$0xFFFFFC60];
	s26 =	spop (v2sf)  }
0x2c5: {  	v15 =	vld [tilespmem:s24+$0xFFFFFC70];
	s25 =	sshll.u32 s26, $0xC  }
0x2c6: {  	v17 =	vld [tilespmem:s24+$0x0];
	s25 =	sshra.s32 s25, $0x2  }
0x2c7: {  	v62 =	vld [tilespmem:s24+$0x40];
	s25 =	sadd.s32 $0x500, s25  }
0x2c8: {  	v2 =	vld [tilespmem:s25+$0x70]  }
0x2c9: {  	v4 =	vld [tilespmem:s25+$0xFFFFFF90]  }
0x2ca: {  	v6 =	vld [tilespmem:s25+$0xFFFFFFA0]  }
0x2cb: {  	v8 =	vld [tilespmem:s25+$0xFFFFFFB0]  }
0x2cc: {  	v10 =	vld [tilespmem:s25+$0xFFFFFFC0]  }
0x2cd: {  	v12 =	vld [tilespmem:s25+$0xFFFFFFD0]  }
0x2ce: {  	v14 =	vld [tilespmem:s25+$0xFFFFFFE0]  }
0x2cf: {  	v16 =	vld [tilespmem:s25+$0xFFFFFFF0]  }
0x2d0: {  	v61 =	vld [tilespmem:s25+$0x30];
	v1 =	vadd.f32 v2, v1  }
0x2d1: {  	v2 =	vld [tilespmem:s25+$0x0];
	v3 =	vadd.f32 v4, v3  }
0x2d2: {  	v4 =	vld [tilespmem:s24+$0x10];
	[tilespmem:s24+$0x70] =	vst v1;
	v1 =	vadd.f32 v6, v5  }
0x2d3: {  	v5 =	vld [tilespmem:s25+$0x10];
	[tilespmem:s24+$0xFFFFFC10] =	vst v3;
	v3 =	vadd.f32 v8, v7  }
0x2d4: {  	v6 =	vld [tilespmem:s24+$0x20];
	[tilespmem:s24+$0xFFFFFC20] =	vst v1;
	v1 =	vadd.f32 v10, v9  }
0x2d5: {  	v7 =	vld [tilespmem:s25+$0x20];
	[tilespmem:s24+$0xFFFFFC30] =	vst v3;
	v3 =	vadd.f32 v12, v11  }
0x2d6: {  	v8 =	vld [tilespmem:s24+$0x30];
	v2 =	vadd.f32 v2, v17;
	[tilespmem:s24+$0xFFFFFC40] =	vst v1  }
0x2d7: {  	v0 =	vld [tilespmem:s25+$0xFFFFFF80];
	v1 =	vadd.f32 v14, v13;
	[tilespmem:s24+$0xFFFFFC50] =	vst v3  }
0x2d8: {  	v63 =	vld [tilespmem:s25+$0x40];
	v3 =	vadd.f32 v16, v15;
	[tilespmem:s24+$0x0] =	vst v2  }
0x2d9: {  	v4 =	vadd.f32 v5, v4;
	[tilespmem:s24+$0xFFFFFC60] =	vst v1;
	v1 =	vld [tilespmem:s24+$0x50]  }
0x2da: {  	v5 =	vadd.f32 v7, v6;
	[tilespmem:s24+$0xFFFFFC70] =	vst v3;
	v3 =	vld [tilespmem:s25+$0x50]  }
0x2db: {  	v6 =	vadd.f32 v61, v8;
	v2 =	vld [tilespmem:s24+$0x60];
	[tilespmem:s24+$0x10] =	vst v4  }
0x2dc: {  	[tilespmem:s24+$0x20] =	vst v5;
	v5 =	vld [tilespmem:s25+$0x60]  }
0x2dd: {  	s28 =	sadd.s32 $0x800, s24;
	s26 =	simm.s32 $0x0;
	v4 =	vld [tilespmem:s24+$0xFFFFFC00];
	[tilespmem:s24+$0x30] =	vst v6;
	v6 =	vadd.f32 v63, v62  }
.LBB2_31:
0x2de: {  	v7 =	vld [tilespmem:s28+$0x70];
	s25 =	sadd.s32 $0x100, s25  }
0x2df: {  	s26 =	sadd.s32 $0x10, s26;
	v8 =	vld [tilespmem:s25+$0x70];
	[tilespmem:s24+$0x40] =	vst v6;
	v1 =	vadd.f32 v3, v1  }
0x2e0: {  	p0 =	slt.u32 s26, $0x30;
	v3 =	vld [tilespmem:s25+$0xFFFFFF80]  }
0x2e1: {  	v6 =	vld [tilespmem:s28+$0xFFFFFC10];
	[tilespmem:s24+$0x50] =	vst v1;
	v1 =	vadd.f32 v5, v2  }
0x2e2: {  	v2 =	vld [tilespmem:s25+$0xFFFFFF90];
	v9 =	vadd.f32 v0, v4  }
0x2e3: {  	v4 =	vld [tilespmem:s28+$0xFFFFFC20];
	[tilespmem:s24+$0x60] =	vst v1  }
0x2e4: {  	v1 =	vld [tilespmem:s25+$0xFFFFFFA0];
	v5 =	vadd.f32 v8, v7;
	[tilespmem:s24+$0xFFFFFC00] =	vst v9;
	s24 =	smov.u32 s28  }
0x2e5: {  	v7 =	vld [tilespmem:s28+$0xFFFFFC30];
	v0 =	vmov v3  }
0x2e6: {  	v3 =	vld [tilespmem:s25+$0xFFFFFFB0];
	[tilespmem:s28+$0x70] =	vst v5  }
0x2e7: {  	v2 =	vadd.f32 v2, v6;
	v5 =	vld [tilespmem:s28+$0xFFFFFC40]  }
0x2e8: {  	v6 =	vld [tilespmem:s25+$0xFFFFFFC0]  }
0x2e9: {  	[tilespmem:s28+$0xFFFFFC10] =	vst v2;
	v1 =	vadd.f32 v1, v4;
	v2 =	vld [tilespmem:s28+$0xFFFFFC50]  }
0x2ea: {  	v4 =	vld [tilespmem:s25+$0xFFFFFFD0]  }
0x2eb: {  	[tilespmem:s28+$0xFFFFFC20] =	vst v1;
	v1 =	vadd.f32 v3, v7;
	v3 =	vld [tilespmem:s28+$0xFFFFFC60]  }
0x2ec: {  	v7 =	vld [tilespmem:s25+$0xFFFFFFE0]  }
0x2ed: {  	[tilespmem:s28+$0xFFFFFC30] =	vst v1;
	v1 =	vadd.f32 v6, v5;
	v5 =	vld [tilespmem:s28+$0xFFFFFC70]  }
0x2ee: {  	v6 =	vld [tilespmem:s25+$0xFFFFFFF0]  }
0x2ef: {  	[tilespmem:s28+$0xFFFFFC40] =	vst v1;
	v1 =	vadd.f32 v4, v2;
	v2 =	vld [tilespmem:s28+$0x0]  }
0x2f0: {  	v4 =	vld [tilespmem:s25+$0x0]  }
0x2f1: {  	[tilespmem:s28+$0xFFFFFC50] =	vst v1;
	v1 =	vadd.f32 v7, v3;
	v3 =	vld [tilespmem:s28+$0x10]  }
0x2f2: {  	v7 =	vld [tilespmem:s25+$0x10]  }
0x2f3: {  	[tilespmem:s28+$0xFFFFFC60] =	vst v1;
	v1 =	vadd.f32 v6, v5;
	v5 =	vld [tilespmem:s28+$0x20]  }
0x2f4: {  	v6 =	vld [tilespmem:s25+$0x20]  }
0x2f5: {  	[tilespmem:s28+$0xFFFFFC70] =	vst v1;
	v1 =	vadd.f32 v4, v2;
	v2 =	vld [tilespmem:s28+$0x30]  }
0x2f6: {  	v4 =	vld [tilespmem:s25+$0x30]  }
0x2f7: {  	[tilespmem:s28+$0x0] =	vst v1;
	v1 =	vadd.f32 v7, v3;
	v7 =	vld [tilespmem:s28+$0x40]  }
0x2f8: {  	v8 =	vld [tilespmem:s25+$0x40]  }
.Ltmp14:
0x2f9: {  	[tilespmem:s28+$0x10] =	vst v1;
	v5 =	vadd.f32 v6, v5;
	v1 =	vld [tilespmem:s28+$0x50];
	(pc) =	sbr.rel @p0 .LBB2_31-.Ltmp14, $4  }
0x2fa: {  	v3 =	vld [tilespmem:s25+$0x50]  }
0x2fb: {  	[tilespmem:s28+$0x20] =	vst v5;
	v6 =	vadd.f32 v4, v2;
	v2 =	vld [tilespmem:s28+$0x60]  }
0x2fc: {  	v5 =	vld [tilespmem:s25+$0x60]  }
0x2fd: {  	s28 =	sadd.s32 $0x800, s28;
	v4 =	vld [tilespmem:s24+$0xFFFFFC00];
	[tilespmem:s24+$0x30] =	vst v6;
	v6 =	vadd.f32 v8, v7  }
0x2fe: {  	s23 =	sadd.s32 $0x1, s23  }
0x2ff: {  	p0 =	sne.s32 s23, $0x20  }
.Ltmp15:
0x300: {  	v1 =	vadd.f32 v3, v1;
	(pc) =	sbr.rel @p0 .LBB2_30-.Ltmp15, $4  }
0x301: {  	[tilespmem:s24+$0x40] =	vst v6;
	v2 =	vadd.f32 v5, v2  }
0x302: {  	[tilespmem:s24+$0x50] =	vst v1;
	v0 =	vadd.f32 v0, v4  }
0x303: {  	[tilespmem:s24+$0x60] =	vst v2  }
0x304: {  	s22 =	sadd.s32 $0x400, s22;
	s21 =	sadd.s32 $0x1, s21;
	[tilespmem:s24+$0xFFFFFC00] =	vst v0  }
0x305: {  	s21 =	simm.s32 $0x0;
	s22 =	rddreg [dreg:$0x13]  }
0x306: {  	[hbm4b:s22+s21] =	stream.linear.scatter [tilespmem:s10], [sflag:$0x5], $0x8000, $0x38;
	[tilespmem:$0x1C480] =	vst v63  }
0x307: {  	_ =	swait.ge [sflag:s17], $0x8000  }
0x308: {  	[sflag:s17] =	ssyncset.done $0x0  }
0x309: {  	s28 =	rddreg [dreg:$0x16];
	[sflag:s17] =	ssyncadd.s32 $0xFFFF8000  }
0x30a: {  	[tilespmem:s10], [sflag:$0x2] =	stream.linear.gather [hbm4b:s28+s21], $0x8000, $0x38;
	[tilespmem:$0x1C480] =	vst v63  }
0x30b: {  	_ =	swait.ge [sflag:s18], $0x8000  }
0x30c: {  	[sflag:s18] =	ssyncset.done $0x0  }
0x30d: {  	s23 =	simm.s32 $0x0;
	s22 =	simm.s32 $0x0;
	[sflag:s18] =	ssyncadd.s32 $0xFFFF8000  }
.LBB2_34:
0x30e: {  	v0 =	vld [tilespmem:s23+$0x100];
	_ =	sdelay $0x4  }
0x30f: {  	(v2sf) =	vpush v0, $0x0;
	_ =	sdelay $0x3  }
0x310: {  	s24 =	sshll.u32 s22, $0x2;
	s25 =	sand.u32 $0x7, s21  }
0x311: {  	s24 =	sand.u32 $0xFFFF8000, s24;
	s25 =	sshll.u32 s25, $0x9  }
0x312: {  	s24 =	sor.u32 s25, s24  }
0x313: {  	s24 =	sshrl.u32 s24, $0x2  }
0x314: {  	s24 =	sadd.s32 $0x14880, s24  }
0x315: {  	v1 =	vld [tilespmem:s24+$0x70]  }
0x316: {  	v3 =	vld [tilespmem:s24+$0xFFFFFC10]  }
0x317: {  	v5 =	vld [tilespmem:s24+$0xFFFFFC20]  }
0x318: {  	v7 =	vld [tilespmem:s24+$0xFFFFFC30]  }
0x319: {  	v9 =	vld [tilespmem:s24+$0xFFFFFC40]  }
0x31a: {  	v11 =	vld [tilespmem:s24+$0xFFFFFC50]  }
0x31b: {  	v13 =	vld [tilespmem:s24+$0xFFFFFC60];
	s26 =	spop (v2sf)  }
0x31c: {  	v15 =	vld [tilespmem:s24+$0xFFFFFC70];
	s25 =	sshll.u32 s26, $0xC  }
0x31d: {  	v17 =	vld [tilespmem:s24+$0x0];
	s25 =	sshra.s32 s25, $0x2  }
0x31e: {  	v62 =	vld [tilespmem:s24+$0x40];
	s25 =	sadd.s32 $0x500, s25  }
0x31f: {  	v2 =	vld [tilespmem:s25+$0x70]  }
0x320: {  	v4 =	vld [tilespmem:s25+$0xFFFFFF90]  }
0x321: {  	v6 =	vld [tilespmem:s25+$0xFFFFFFA0]  }
0x322: {  	v8 =	vld [tilespmem:s25+$0xFFFFFFB0]  }
0x323: {  	v10 =	vld [tilespmem:s25+$0xFFFFFFC0]  }
0x324: {  	v12 =	vld [tilespmem:s25+$0xFFFFFFD0]  }
0x325: {  	v14 =	vld [tilespmem:s25+$0xFFFFFFE0]  }
0x326: {  	v16 =	vld [tilespmem:s25+$0xFFFFFFF0]  }
0x327: {  	v61 =	vld [tilespmem:s25+$0x30];
	v1 =	vadd.f32 v2, v1  }
0x328: {  	v2 =	vld [tilespmem:s25+$0x0];
	v3 =	vadd.f32 v4, v3  }
0x329: {  	v4 =	vld [tilespmem:s24+$0x10];
	[tilespmem:s24+$0x70] =	vst v1;
	v1 =	vadd.f32 v6, v5  }
0x32a: {  	v5 =	vld [tilespmem:s25+$0x10];
	[tilespmem:s24+$0xFFFFFC10] =	vst v3;
	v3 =	vadd.f32 v8, v7  }
0x32b: {  	v6 =	vld [tilespmem:s24+$0x20];
	[tilespmem:s24+$0xFFFFFC20] =	vst v1;
	v1 =	vadd.f32 v10, v9  }
0x32c: {  	v7 =	vld [tilespmem:s25+$0x20];
	[tilespmem:s24+$0xFFFFFC30] =	vst v3;
	v3 =	vadd.f32 v12, v11  }
0x32d: {  	v8 =	vld [tilespmem:s24+$0x30];
	v2 =	vadd.f32 v2, v17;
	[tilespmem:s24+$0xFFFFFC40] =	vst v1  }
0x32e: {  	v0 =	vld [tilespmem:s25+$0xFFFFFF80];
	v1 =	vadd.f32 v14, v13;
	[tilespmem:s24+$0xFFFFFC50] =	vst v3  }
0x32f: {  	v63 =	vld [tilespmem:s25+$0x40];
	v3 =	vadd.f32 v16, v15;
	[tilespmem:s24+$0x0] =	vst v2  }
0x330: {  	v4 =	vadd.f32 v5, v4;
	[tilespmem:s24+$0xFFFFFC60] =	vst v1;
	v1 =	vld [tilespmem:s24+$0x50]  }
0x331: {  	v5 =	vadd.f32 v7, v6;
	[tilespmem:s24+$0xFFFFFC70] =	vst v3;
	v3 =	vld [tilespmem:s25+$0x50]  }
0x332: {  	v6 =	vadd.f32 v61, v8;
	v2 =	vld [tilespmem:s24+$0x60];
	[tilespmem:s24+$0x10] =	vst v4  }
0x333: {  	[tilespmem:s24+$0x20] =	vst v5;
	v5 =	vld [tilespmem:s25+$0x60]  }
0x334: {  	s28 =	sadd.s32 $0x800, s24;
	s26 =	simm.s32 $0x0;
	v4 =	vld [tilespmem:s24+$0xFFFFFC00];
	[tilespmem:s24+$0x30] =	vst v6;
	v6 =	vadd.f32 v63, v62  }
.LBB2_35:
0x335: {  	v7 =	vld [tilespmem:s28+$0x70];
	s25 =	sadd.s32 $0x100, s25  }
0x336: {  	s26 =	sadd.s32 $0x10, s26;
	v8 =	vld [tilespmem:s25+$0x70];
	[tilespmem:s24+$0x40] =	vst v6;
	v1 =	vadd.f32 v3, v1  }
0x337: {  	p0 =	slt.u32 s26, $0x30;
	v3 =	vld [tilespmem:s25+$0xFFFFFF80]  }
0x338: {  	v6 =	vld [tilespmem:s28+$0xFFFFFC10];
	[tilespmem:s24+$0x50] =	vst v1;
	v1 =	vadd.f32 v5, v2  }
0x339: {  	v2 =	vld [tilespmem:s25+$0xFFFFFF90];
	v9 =	vadd.f32 v0, v4  }
0x33a: {  	v4 =	vld [tilespmem:s28+$0xFFFFFC20];
	[tilespmem:s24+$0x60] =	vst v1  }
0x33b: {  	v1 =	vld [tilespmem:s25+$0xFFFFFFA0];
	v5 =	vadd.f32 v8, v7;
	[tilespmem:s24+$0xFFFFFC00] =	vst v9;
	s24 =	smov.u32 s28  }
0x33c: {  	v7 =	vld [tilespmem:s28+$0xFFFFFC30];
	v0 =	vmov v3  }
0x33d: {  	v3 =	vld [tilespmem:s25+$0xFFFFFFB0];
	[tilespmem:s28+$0x70] =	vst v5  }
0x33e: {  	v2 =	vadd.f32 v2, v6;
	v5 =	vld [tilespmem:s28+$0xFFFFFC40]  }
0x33f: {  	v6 =	vld [tilespmem:s25+$0xFFFFFFC0]  }
0x340: {  	[tilespmem:s28+$0xFFFFFC10] =	vst v2;
	v1 =	vadd.f32 v1, v4;
	v2 =	vld [tilespmem:s28+$0xFFFFFC50]  }
0x341: {  	v4 =	vld [tilespmem:s25+$0xFFFFFFD0]  }
0x342: {  	[tilespmem:s28+$0xFFFFFC20] =	vst v1;
	v1 =	vadd.f32 v3, v7;
	v3 =	vld [tilespmem:s28+$0xFFFFFC60]  }
0x343: {  	v7 =	vld [tilespmem:s25+$0xFFFFFFE0]  }
0x344: {  	[tilespmem:s28+$0xFFFFFC30] =	vst v1;
	v1 =	vadd.f32 v6, v5;
	v5 =	vld [tilespmem:s28+$0xFFFFFC70]  }
0x345: {  	v6 =	vld [tilespmem:s25+$0xFFFFFFF0]  }
0x346: {  	[tilespmem:s28+$0xFFFFFC40] =	vst v1;
	v1 =	vadd.f32 v4, v2;
	v2 =	vld [tilespmem:s28+$0x0]  }
0x347: {  	v4 =	vld [tilespmem:s25+$0x0]  }
0x348: {  	[tilespmem:s28+$0xFFFFFC50] =	vst v1;
	v1 =	vadd.f32 v7, v3;
	v3 =	vld [tilespmem:s28+$0x10]  }
0x349: {  	v7 =	vld [tilespmem:s25+$0x10]  }
0x34a: {  	[tilespmem:s28+$0xFFFFFC60] =	vst v1;
	v1 =	vadd.f32 v6, v5;
	v5 =	vld [tilespmem:s28+$0x20]  }
0x34b: {  	v6 =	vld [tilespmem:s25+$0x20]  }
0x34c: {  	[tilespmem:s28+$0xFFFFFC70] =	vst v1;
	v1 =	vadd.f32 v4, v2;
	v2 =	vld [tilespmem:s28+$0x30]  }
0x34d: {  	v4 =	vld [tilespmem:s25+$0x30]  }
0x34e: {  	[tilespmem:s28+$0x0] =	vst v1;
	v1 =	vadd.f32 v7, v3;
	v7 =	vld [tilespmem:s28+$0x40]  }
0x34f: {  	v8 =	vld [tilespmem:s25+$0x40]  }
.Ltmp16:
0x350: {  	[tilespmem:s28+$0x10] =	vst v1;
	v5 =	vadd.f32 v6, v5;
	v1 =	vld [tilespmem:s28+$0x50];
	(pc) =	sbr.rel @p0 .LBB2_35-.Ltmp16, $4  }
0x351: {  	v3 =	vld [tilespmem:s25+$0x50]  }
0x352: {  	[tilespmem:s28+$0x20] =	vst v5;
	v6 =	vadd.f32 v4, v2;
	v2 =	vld [tilespmem:s28+$0x60]  }
0x353: {  	v5 =	vld [tilespmem:s25+$0x60]  }
0x354: {  	s28 =	sadd.s32 $0x800, s28;
	v4 =	vld [tilespmem:s24+$0xFFFFFC00];
	[tilespmem:s24+$0x30] =	vst v6;
	v6 =	vadd.f32 v8, v7  }
0x355: {  	s23 =	sadd.s32 $0x1, s23  }
0x356: {  	p0 =	sne.s32 s23, $0x20  }
.Ltmp17:
0x357: {  	v1 =	vadd.f32 v3, v1;
	(pc) =	sbr.rel @p0 .LBB2_34-.Ltmp17, $4  }
0x358: {  	[tilespmem:s24+$0x40] =	vst v6;
	v2 =	vadd.f32 v5, v2  }
0x359: {  	[tilespmem:s24+$0x50] =	vst v1;
	v0 =	vadd.f32 v0, v4  }
0x35a: {  	[tilespmem:s24+$0x60] =	vst v2  }
0x35b: {  	s22 =	sadd.s32 $0x400, s22;
	s21 =	sadd.s32 $0x1, s21;
	[tilespmem:s24+$0xFFFFFC00] =	vst v0  }
0x35c: {  	s21 =	simm.s32 $0x0;
	s22 =	rddreg [dreg:$0x14]  }
0x35d: {  	[hbm4b:s22+s21] =	stream.linear.scatter [tilespmem:s11], [sflag:$0x6], $0x8000, $0x38;
	[tilespmem:$0x1C480] =	vst v63  }
0x35e: {  	_ =	swait.ge [sflag:s19], $0x8000  }
0x35f: {  	[sflag:s19] =	ssyncset.done $0x0  }
0x360: {  	s28 =	rddreg [dreg:$0x18];
	[sflag:s19] =	ssyncadd.s32 $0xFFFF8000  }
0x361: {  	[tilespmem:s11], [sflag:$0x3] =	stream.linear.gather [hbm4b:s28+s21], $0x8000, $0x38;
	[tilespmem:$0x1C480] =	vst v63  }
0x362: {  	_ =	swait.ge [sflag:s14], $0x8000  }
0x363: {  	[sflag:s14] =	ssyncset.done $0x0  }
0x364: {  	s23 =	simm.s32 $0x0;
	s22 =	simm.s32 $0x0;
	[sflag:s14] =	ssyncadd.s32 $0xFFFF8000  }
.LBB2_38:
0x365: {  	v0 =	vld [tilespmem:s23+$0x120];
	_ =	sdelay $0x4  }
0x366: {  	(v2sf) =	vpush v0, $0x0;
	_ =	sdelay $0x3  }
0x367: {  	s24 =	sshll.u32 s22, $0x2;
	s25 =	sand.u32 $0x7, s21  }
0x368: {  	s24 =	sand.u32 $0xFFFF8000, s24;
	s25 =	sshll.u32 s25, $0x9  }
0x369: {  	s24 =	sor.u32 s25, s24  }
0x36a: {  	s24 =	sshrl.u32 s24, $0x2  }
0x36b: {  	s24 =	sadd.s32 $0x4880, s24  }
0x36c: {  	v1 =	vld [tilespmem:s24+$0x70]  }
0x36d: {  	v3 =	vld [tilespmem:s24+$0xFFFFFC10]  }
0x36e: {  	v5 =	vld [tilespmem:s24+$0xFFFFFC20]  }
0x36f: {  	v7 =	vld [tilespmem:s24+$0xFFFFFC30]  }
0x370: {  	v9 =	vld [tilespmem:s24+$0xFFFFFC40]  }
0x371: {  	v11 =	vld [tilespmem:s24+$0xFFFFFC50]  }
0x372: {  	v13 =	vld [tilespmem:s24+$0xFFFFFC60];
	s26 =	spop (v2sf)  }
0x373: {  	v15 =	vld [tilespmem:s24+$0xFFFFFC70];
	s25 =	sshll.u32 s26, $0xC  }
0x374: {  	v17 =	vld [tilespmem:s24+$0x0];
	s25 =	sshra.s32 s25, $0x2  }
0x375: {  	v62 =	vld [tilespmem:s24+$0x40];
	s25 =	sadd.s32 $0x500, s25  }
0x376: {  	v2 =	vld [tilespmem:s25+$0x70]  }
0x377: {  	v4 =	vld [tilespmem:s25+$0xFFFFFF90]  }
0x378: {  	v6 =	vld [tilespmem:s25+$0xFFFFFFA0]  }
0x379: {  	v8 =	vld [tilespmem:s25+$0xFFFFFFB0]  }
0x37a: {  	v10 =	vld [tilespmem:s25+$0xFFFFFFC0]  }
0x37b: {  	v12 =	vld [tilespmem:s25+$0xFFFFFFD0]  }
0x37c: {  	v14 =	vld [tilespmem:s25+$0xFFFFFFE0]  }
0x37d: {  	v16 =	vld [tilespmem:s25+$0xFFFFFFF0]  }
0x37e: {  	v61 =	vld [tilespmem:s25+$0x30];
	v1 =	vadd.f32 v2, v1  }
0x37f: {  	v2 =	vld [tilespmem:s25+$0x0];
	v3 =	vadd.f32 v4, v3  }
0x380: {  	v4 =	vld [tilespmem:s24+$0x10];
	[tilespmem:s24+$0x70] =	vst v1;
	v1 =	vadd.f32 v6, v5  }
0x381: {  	v5 =	vld [tilespmem:s25+$0x10];
	[tilespmem:s24+$0xFFFFFC10] =	vst v3;
	v3 =	vadd.f32 v8, v7  }
0x382: {  	v6 =	vld [tilespmem:s24+$0x20];
	[tilespmem:s24+$0xFFFFFC20] =	vst v1;
	v1 =	vadd.f32 v10, v9  }
0x383: {  	v7 =	vld [tilespmem:s25+$0x20];
	[tilespmem:s24+$0xFFFFFC30] =	vst v3;
	v3 =	vadd.f32 v12, v11  }
0x384: {  	v8 =	vld [tilespmem:s24+$0x30];
	v2 =	vadd.f32 v2, v17;
	[tilespmem:s24+$0xFFFFFC40] =	vst v1  }
0x385: {  	v0 =	vld [tilespmem:s25+$0xFFFFFF80];
	v1 =	vadd.f32 v14, v13;
	[tilespmem:s24+$0xFFFFFC50] =	vst v3  }
0x386: {  	v63 =	vld [tilespmem:s25+$0x40];
	v3 =	vadd.f32 v16, v15;
	[tilespmem:s24+$0x0] =	vst v2  }
0x387: {  	v4 =	vadd.f32 v5, v4;
	[tilespmem:s24+$0xFFFFFC60] =	vst v1;
	v1 =	vld [tilespmem:s24+$0x50]  }
0x388: {  	v5 =	vadd.f32 v7, v6;
	[tilespmem:s24+$0xFFFFFC70] =	vst v3;
	v3 =	vld [tilespmem:s25+$0x50]  }
0x389: {  	v6 =	vadd.f32 v61, v8;
	v2 =	vld [tilespmem:s24+$0x60];
	[tilespmem:s24+$0x10] =	vst v4  }
0x38a: {  	[tilespmem:s24+$0x20] =	vst v5;
	v5 =	vld [tilespmem:s25+$0x60]  }
0x38b: {  	s28 =	sadd.s32 $0x800, s24;
	s26 =	simm.s32 $0x0;
	v4 =	vld [tilespmem:s24+$0xFFFFFC00];
	[tilespmem:s24+$0x30] =	vst v6;
	v6 =	vadd.f32 v63, v62  }
.LBB2_39:
0x38c: {  	v7 =	vld [tilespmem:s28+$0x70];
	s25 =	sadd.s32 $0x100, s25  }
0x38d: {  	s26 =	sadd.s32 $0x10, s26;
	v8 =	vld [tilespmem:s25+$0x70];
	[tilespmem:s24+$0x40] =	vst v6;
	v1 =	vadd.f32 v3, v1  }
0x38e: {  	p0 =	slt.u32 s26, $0x30;
	v3 =	vld [tilespmem:s25+$0xFFFFFF80]  }
0x38f: {  	v6 =	vld [tilespmem:s28+$0xFFFFFC10];
	[tilespmem:s24+$0x50] =	vst v1;
	v1 =	vadd.f32 v5, v2  }
0x390: {  	v2 =	vld [tilespmem:s25+$0xFFFFFF90];
	v9 =	vadd.f32 v0, v4  }
0x391: {  	v4 =	vld [tilespmem:s28+$0xFFFFFC20];
	[tilespmem:s24+$0x60] =	vst v1  }
0x392: {  	v1 =	vld [tilespmem:s25+$0xFFFFFFA0];
	v5 =	vadd.f32 v8, v7;
	[tilespmem:s24+$0xFFFFFC00] =	vst v9;
	s24 =	smov.u32 s28  }
0x393: {  	v7 =	vld [tilespmem:s28+$0xFFFFFC30];
	v0 =	vmov v3  }
0x394: {  	v3 =	vld [tilespmem:s25+$0xFFFFFFB0];
	[tilespmem:s28+$0x70] =	vst v5  }
0x395: {  	v2 =	vadd.f32 v2, v6;
	v5 =	vld [tilespmem:s28+$0xFFFFFC40]  }
0x396: {  	v6 =	vld [tilespmem:s25+$0xFFFFFFC0]  }
0x397: {  	[tilespmem:s28+$0xFFFFFC10] =	vst v2;
	v1 =	vadd.f32 v1, v4;
	v2 =	vld [tilespmem:s28+$0xFFFFFC50]  }
0x398: {  	v4 =	vld [tilespmem:s25+$0xFFFFFFD0]  }
0x399: {  	[tilespmem:s28+$0xFFFFFC20] =	vst v1;
	v1 =	vadd.f32 v3, v7;
	v3 =	vld [tilespmem:s28+$0xFFFFFC60]  }
0x39a: {  	v7 =	vld [tilespmem:s25+$0xFFFFFFE0]  }
0x39b: {  	[tilespmem:s28+$0xFFFFFC30] =	vst v1;
	v1 =	vadd.f32 v6, v5;
	v5 =	vld [tilespmem:s28+$0xFFFFFC70]  }
0x39c: {  	v6 =	vld [tilespmem:s25+$0xFFFFFFF0]  }
0x39d: {  	[tilespmem:s28+$0xFFFFFC40] =	vst v1;
	v1 =	vadd.f32 v4, v2;
	v2 =	vld [tilespmem:s28+$0x0]  }
0x39e: {  	v4 =	vld [tilespmem:s25+$0x0]  }
0x39f: {  	[tilespmem:s28+$0xFFFFFC50] =	vst v1;
	v1 =	vadd.f32 v7, v3;
	v3 =	vld [tilespmem:s28+$0x10]  }
0x3a0: {  	v7 =	vld [tilespmem:s25+$0x10]  }
0x3a1: {  	[tilespmem:s28+$0xFFFFFC60] =	vst v1;
	v1 =	vadd.f32 v6, v5;
	v5 =	vld [tilespmem:s28+$0x20]  }
0x3a2: {  	v6 =	vld [tilespmem:s25+$0x20]  }
0x3a3: {  	[tilespmem:s28+$0xFFFFFC70] =	vst v1;
	v1 =	vadd.f32 v4, v2;
	v2 =	vld [tilespmem:s28+$0x30]  }
0x3a4: {  	v4 =	vld [tilespmem:s25+$0x30]  }
0x3a5: {  	[tilespmem:s28+$0x0] =	vst v1;
	v1 =	vadd.f32 v7, v3;
	v7 =	vld [tilespmem:s28+$0x40]  }
0x3a6: {  	v8 =	vld [tilespmem:s25+$0x40]  }
.Ltmp18:
0x3a7: {  	[tilespmem:s28+$0x10] =	vst v1;
	v5 =	vadd.f32 v6, v5;
	v1 =	vld [tilespmem:s28+$0x50];
	(pc) =	sbr.rel @p0 .LBB2_39-.Ltmp18, $4  }
0x3a8: {  	v3 =	vld [tilespmem:s25+$0x50]  }
0x3a9: {  	[tilespmem:s28+$0x20] =	vst v5;
	v6 =	vadd.f32 v4, v2;
	v2 =	vld [tilespmem:s28+$0x60]  }
0x3aa: {  	v5 =	vld [tilespmem:s25+$0x60]  }
0x3ab: {  	s28 =	sadd.s32 $0x800, s28;
	v4 =	vld [tilespmem:s24+$0xFFFFFC00];
	[tilespmem:s24+$0x30] =	vst v6;
	v6 =	vadd.f32 v8, v7  }
0x3ac: {  	s23 =	sadd.s32 $0x1, s23  }
0x3ad: {  	p0 =	sne.s32 s23, $0x20  }
.Ltmp19:
0x3ae: {  	v1 =	vadd.f32 v3, v1;
	(pc) =	sbr.rel @p0 .LBB2_38-.Ltmp19, $4  }
0x3af: {  	[tilespmem:s24+$0x40] =	vst v6;
	v2 =	vadd.f32 v5, v2  }
0x3b0: {  	[tilespmem:s24+$0x50] =	vst v1;
	v0 =	vadd.f32 v0, v4  }
0x3b1: {  	[tilespmem:s24+$0x60] =	vst v2  }
0x3b2: {  	s22 =	sadd.s32 $0x400, s22;
	s21 =	sadd.s32 $0x1, s21;
	[tilespmem:s24+$0xFFFFFC00] =	vst v0  }
0x3b3: {  	s21 =	simm.s32 $0x0;
	s22 =	rddreg [dreg:$0x15]  }
0x3b4: {  	[hbm4b:s22+s21] =	stream.linear.scatter [tilespmem:s9], [sflag:$0x4], $0x8000, $0x38;
	[tilespmem:$0x1C480] =	vst v63  }
0x3b5: {  	_ =	swait.ge [sflag:s15], $0x8000  }
0x3b6: {  	[sflag:s15] =	ssyncset.done $0x0  }
0x3b7: {  	s28 =	rddreg [dreg:$0x1a];
	[sflag:s15] =	ssyncadd.s32 $0xFFFF8000  }
0x3b8: {  	[tilespmem:s9], [sflag:$0x1] =	stream.linear.gather [hbm4b:s28+s21], $0x8000, $0x38;
	[tilespmem:$0x1C480] =	vst v63  }
0x3b9: {  	_ =	swait.ge [sflag:s16], $0x8000  }
0x3ba: {  	[sflag:s16] =	ssyncset.done $0x0  }
0x3bb: {  	s23 =	simm.s32 $0x0;
	s22 =	simm.s32 $0x0;
	[sflag:s16] =	ssyncadd.s32 $0xFFFF8000  }
.LBB2_42:
0x3bc: {  	v0 =	vld [tilespmem:s23+$0x140];
	_ =	sdelay $0x4  }
0x3bd: {  	(v2sf) =	vpush v0, $0x0;
	_ =	sdelay $0x3  }
0x3be: {  	s24 =	sshll.u32 s22, $0x2;
	s25 =	sand.u32 $0x7, s21  }
0x3bf: {  	s24 =	sand.u32 $0xFFFF8000, s24;
	s25 =	sshll.u32 s25, $0x9  }
0x3c0: {  	s24 =	sor.u32 s25, s24  }
0x3c1: {  	s24 =	sshrl.u32 s24, $0x2  }
0x3c2: {  	s24 =	sadd.s32 $0xC880, s24  }
0x3c3: {  	v1 =	vld [tilespmem:s24+$0x70]  }
0x3c4: {  	v3 =	vld [tilespmem:s24+$0xFFFFFC10]  }
0x3c5: {  	v5 =	vld [tilespmem:s24+$0xFFFFFC20]  }
0x3c6: {  	v7 =	vld [tilespmem:s24+$0xFFFFFC30]  }
0x3c7: {  	v9 =	vld [tilespmem:s24+$0xFFFFFC40]  }
0x3c8: {  	v11 =	vld [tilespmem:s24+$0xFFFFFC50]  }
0x3c9: {  	v13 =	vld [tilespmem:s24+$0xFFFFFC60];
	s26 =	spop (v2sf)  }
0x3ca: {  	v15 =	vld [tilespmem:s24+$0xFFFFFC70];
	s25 =	sshll.u32 s26, $0xC  }
0x3cb: {  	v17 =	vld [tilespmem:s24+$0x0];
	s25 =	sshra.s32 s25, $0x2  }
0x3cc: {  	v62 =	vld [tilespmem:s24+$0x40];
	s25 =	sadd.s32 $0x500, s25  }
0x3cd: {  	v2 =	vld [tilespmem:s25+$0x70]  }
0x3ce: {  	v4 =	vld [tilespmem:s25+$0xFFFFFF90]  }
0x3cf: {  	v6 =	vld [tilespmem:s25+$0xFFFFFFA0]  }
0x3d0: {  	v8 =	vld [tilespmem:s25+$0xFFFFFFB0]  }
0x3d1: {  	v10 =	vld [tilespmem:s25+$0xFFFFFFC0]  }
0x3d2: {  	v12 =	vld [tilespmem:s25+$0xFFFFFFD0]  }
0x3d3: {  	v14 =	vld [tilespmem:s25+$0xFFFFFFE0]  }
0x3d4: {  	v16 =	vld [tilespmem:s25+$0xFFFFFFF0]  }
0x3d5: {  	v61 =	vld [tilespmem:s25+$0x30];
	v1 =	vadd.f32 v2, v1  }
0x3d6: {  	v2 =	vld [tilespmem:s25+$0x0];
	v3 =	vadd.f32 v4, v3  }
0x3d7: {  	v4 =	vld [tilespmem:s24+$0x10];
	[tilespmem:s24+$0x70] =	vst v1;
	v1 =	vadd.f32 v6, v5  }
0x3d8: {  	v5 =	vld [tilespmem:s25+$0x10];
	[tilespmem:s24+$0xFFFFFC10] =	vst v3;
	v3 =	vadd.f32 v8, v7  }
0x3d9: {  	v6 =	vld [tilespmem:s24+$0x20];
	[tilespmem:s24+$0xFFFFFC20] =	vst v1;
	v1 =	vadd.f32 v10, v9  }
0x3da: {  	v7 =	vld [tilespmem:s25+$0x20];
	[tilespmem:s24+$0xFFFFFC30] =	vst v3;
	v3 =	vadd.f32 v12, v11  }
0x3db: {  	v8 =	vld [tilespmem:s24+$0x30];
	v2 =	vadd.f32 v2, v17;
	[tilespmem:s24+$0xFFFFFC40] =	vst v1  }
0x3dc: {  	v0 =	vld [tilespmem:s25+$0xFFFFFF80];
	v1 =	vadd.f32 v14, v13;
	[tilespmem:s24+$0xFFFFFC50] =	vst v3  }
0x3dd: {  	v63 =	vld [tilespmem:s25+$0x40];
	v3 =	vadd.f32 v16, v15;
	[tilespmem:s24+$0x0] =	vst v2  }
0x3de: {  	v4 =	vadd.f32 v5, v4;
	[tilespmem:s24+$0xFFFFFC60] =	vst v1;
	v1 =	vld [tilespmem:s24+$0x50]  }
0x3df: {  	v5 =	vadd.f32 v7, v6;
	[tilespmem:s24+$0xFFFFFC70] =	vst v3;
	v3 =	vld [tilespmem:s25+$0x50]  }
0x3e0: {  	v6 =	vadd.f32 v61, v8;
	v2 =	vld [tilespmem:s24+$0x60];
	[tilespmem:s24+$0x10] =	vst v4  }
0x3e1: {  	[tilespmem:s24+$0x20] =	vst v5;
	v5 =	vld [tilespmem:s25+$0x60]  }
0x3e2: {  	s28 =	sadd.s32 $0x800, s24;
	s26 =	simm.s32 $0x0;
	v4 =	vld [tilespmem:s24+$0xFFFFFC00];
	[tilespmem:s24+$0x30] =	vst v6;
	v6 =	vadd.f32 v63, v62  }
.LBB2_43:
0x3e3: {  	v7 =	vld [tilespmem:s28+$0x70];
	s25 =	sadd.s32 $0x100, s25  }
0x3e4: {  	s26 =	sadd.s32 $0x10, s26;
	v8 =	vld [tilespmem:s25+$0x70];
	[tilespmem:s24+$0x40] =	vst v6;
	v1 =	vadd.f32 v3, v1  }
0x3e5: {  	p0 =	slt.u32 s26, $0x30;
	v3 =	vld [tilespmem:s25+$0xFFFFFF80]  }
0x3e6: {  	v6 =	vld [tilespmem:s28+$0xFFFFFC10];
	[tilespmem:s24+$0x50] =	vst v1;
	v1 =	vadd.f32 v5, v2  }
0x3e7: {  	v2 =	vld [tilespmem:s25+$0xFFFFFF90];
	v9 =	vadd.f32 v0, v4  }
0x3e8: {  	v4 =	vld [tilespmem:s28+$0xFFFFFC20];
	[tilespmem:s24+$0x60] =	vst v1  }
0x3e9: {  	v1 =	vld [tilespmem:s25+$0xFFFFFFA0];
	v5 =	vadd.f32 v8, v7;
	[tilespmem:s24+$0xFFFFFC00] =	vst v9;
	s24 =	smov.u32 s28  }
0x3ea: {  	v7 =	vld [tilespmem:s28+$0xFFFFFC30];
	v0 =	vmov v3  }
0x3eb: {  	v3 =	vld [tilespmem:s25+$0xFFFFFFB0];
	[tilespmem:s28+$0x70] =	vst v5  }
0x3ec: {  	v2 =	vadd.f32 v2, v6;
	v5 =	vld [tilespmem:s28+$0xFFFFFC40]  }
0x3ed: {  	v6 =	vld [tilespmem:s25+$0xFFFFFFC0]  }
0x3ee: {  	[tilespmem:s28+$0xFFFFFC10] =	vst v2;
	v1 =	vadd.f32 v1, v4;
	v2 =	vld [tilespmem:s28+$0xFFFFFC50]  }
0x3ef: {  	v4 =	vld [tilespmem:s25+$0xFFFFFFD0]  }
0x3f0: {  	[tilespmem:s28+$0xFFFFFC20] =	vst v1;
	v1 =	vadd.f32 v3, v7;
	v3 =	vld [tilespmem:s28+$0xFFFFFC60]  }
0x3f1: {  	v7 =	vld [tilespmem:s25+$0xFFFFFFE0]  }
0x3f2: {  	[tilespmem:s28+$0xFFFFFC30] =	vst v1;
	v1 =	vadd.f32 v6, v5;
	v5 =	vld [tilespmem:s28+$0xFFFFFC70]  }
0x3f3: {  	v6 =	vld [tilespmem:s25+$0xFFFFFFF0]  }
0x3f4: {  	[tilespmem:s28+$0xFFFFFC40] =	vst v1;
	v1 =	vadd.f32 v4, v2;
	v2 =	vld [tilespmem:s28+$0x0]  }
0x3f5: {  	v4 =	vld [tilespmem:s25+$0x0]  }
0x3f6: {  	[tilespmem:s28+$0xFFFFFC50] =	vst v1;
	v1 =	vadd.f32 v7, v3;
	v3 =	vld [tilespmem:s28+$0x10]  }
0x3f7: {  	v7 =	vld [tilespmem:s25+$0x10]  }
0x3f8: {  	[tilespmem:s28+$0xFFFFFC60] =	vst v1;
	v1 =	vadd.f32 v6, v5;
	v5 =	vld [tilespmem:s28+$0x20]  }
0x3f9: {  	v6 =	vld [tilespmem:s25+$0x20]  }
0x3fa: {  	[tilespmem:s28+$0xFFFFFC70] =	vst v1;
	v1 =	vadd.f32 v4, v2;
	v2 =	vld [tilespmem:s28+$0x30]  }
0x3fb: {  	v4 =	vld [tilespmem:s25+$0x30]  }
0x3fc: {  	[tilespmem:s28+$0x0] =	vst v1;
	v1 =	vadd.f32 v7, v3;
	v7 =	vld [tilespmem:s28+$0x40]  }
0x3fd: {  	v8 =	vld [tilespmem:s25+$0x40]  }
.Ltmp20:
0x3fe: {  	[tilespmem:s28+$0x10] =	vst v1;
	v5 =	vadd.f32 v6, v5;
	v1 =	vld [tilespmem:s28+$0x50];
	(pc) =	sbr.rel @p0 .LBB2_43-.Ltmp20, $4  }
0x3ff: {  	v3 =	vld [tilespmem:s25+$0x50]  }
0x400: {  	[tilespmem:s28+$0x20] =	vst v5;
	v6 =	vadd.f32 v4, v2;
	v2 =	vld [tilespmem:s28+$0x60]  }
0x401: {  	v5 =	vld [tilespmem:s25+$0x60]  }
0x402: {  	s28 =	sadd.s32 $0x800, s28;
	v4 =	vld [tilespmem:s24+$0xFFFFFC00];
	[tilespmem:s24+$0x30] =	vst v6;
	v6 =	vadd.f32 v8, v7  }
0x403: {  	s23 =	sadd.s32 $0x1, s23  }
0x404: {  	p0 =	sne.s32 s23, $0x20  }
.Ltmp21:
0x405: {  	v1 =	vadd.f32 v3, v1;
	(pc) =	sbr.rel @p0 .LBB2_42-.Ltmp21, $4  }
0x406: {  	[tilespmem:s24+$0x40] =	vst v6;
	v2 =	vadd.f32 v5, v2  }
0x407: {  	[tilespmem:s24+$0x50] =	vst v1;
	v0 =	vadd.f32 v0, v4  }
0x408: {  	[tilespmem:s24+$0x60] =	vst v2  }
0x409: {  	s22 =	sadd.s32 $0x400, s22;
	s21 =	sadd.s32 $0x1, s21;
	[tilespmem:s24+$0xFFFFFC00] =	vst v0  }
0x40a: {  	s21 =	simm.s32 $0x0;
	s22 =	rddreg [dreg:$0x17]  }
0x40b: {  	[hbm4b:s22+s21] =	stream.linear.scatter [tilespmem:s10], [sflag:$0x5], $0x8000, $0x38;
	[tilespmem:$0x1C480] =	vst v63  }
0x40c: {  	_ =	swait.ge [sflag:s17], $0x8000  }
0x40d: {  	[sflag:s17] =	ssyncset.done $0x0  }
0x40e: {  	s28 =	rddreg [dreg:$0x1c];
	[sflag:s17] =	ssyncadd.s32 $0xFFFF8000  }
0x40f: {  	[tilespmem:s10], [sflag:$0x2] =	stream.linear.gather [hbm4b:s28+s21], $0x8000, $0x38;
	[tilespmem:$0x1C480] =	vst v63  }
0x410: {  	_ =	swait.ge [sflag:s18], $0x8000  }
0x411: {  	[sflag:s18] =	ssyncset.done $0x0  }
0x412: {  	s23 =	simm.s32 $0x0;
	s22 =	simm.s32 $0x0;
	[sflag:s18] =	ssyncadd.s32 $0xFFFF8000  }
.LBB2_46:
0x413: {  	v0 =	vld [tilespmem:s23+$0x160];
	_ =	sdelay $0x4  }
0x414: {  	(v2sf) =	vpush v0, $0x0;
	_ =	sdelay $0x3  }
0x415: {  	s24 =	sshll.u32 s22, $0x2;
	s25 =	sand.u32 $0x7, s21  }
0x416: {  	s24 =	sand.u32 $0xFFFF8000, s24;
	s25 =	sshll.u32 s25, $0x9  }
0x417: {  	s24 =	sor.u32 s25, s24  }
0x418: {  	s24 =	sshrl.u32 s24, $0x2  }
0x419: {  	s24 =	sadd.s32 $0x14880, s24  }
0x41a: {  	v1 =	vld [tilespmem:s24+$0x70]  }
0x41b: {  	v3 =	vld [tilespmem:s24+$0xFFFFFC10]  }
0x41c: {  	v5 =	vld [tilespmem:s24+$0xFFFFFC20]  }
0x41d: {  	v7 =	vld [tilespmem:s24+$0xFFFFFC30]  }
0x41e: {  	v9 =	vld [tilespmem:s24+$0xFFFFFC40]  }
0x41f: {  	v11 =	vld [tilespmem:s24+$0xFFFFFC50]  }
0x420: {  	v13 =	vld [tilespmem:s24+$0xFFFFFC60];
	s26 =	spop (v2sf)  }
0x421: {  	v15 =	vld [tilespmem:s24+$0xFFFFFC70];
	s25 =	sshll.u32 s26, $0xC  }
0x422: {  	v17 =	vld [tilespmem:s24+$0x0];
	s25 =	sshra.s32 s25, $0x2  }
0x423: {  	v62 =	vld [tilespmem:s24+$0x40];
	s25 =	sadd.s32 $0x500, s25  }
0x424: {  	v2 =	vld [tilespmem:s25+$0x70]  }
0x425: {  	v4 =	vld [tilespmem:s25+$0xFFFFFF90]  }
0x426: {  	v6 =	vld [tilespmem:s25+$0xFFFFFFA0]  }
0x427: {  	v8 =	vld [tilespmem:s25+$0xFFFFFFB0]  }
0x428: {  	v10 =	vld [tilespmem:s25+$0xFFFFFFC0]  }
0x429: {  	v12 =	vld [tilespmem:s25+$0xFFFFFFD0]  }
0x42a: {  	v14 =	vld [tilespmem:s25+$0xFFFFFFE0]  }
0x42b: {  	v16 =	vld [tilespmem:s25+$0xFFFFFFF0]  }
0x42c: {  	v61 =	vld [tilespmem:s25+$0x30];
	v1 =	vadd.f32 v2, v1  }
0x42d: {  	v2 =	vld [tilespmem:s25+$0x0];
	v3 =	vadd.f32 v4, v3  }
0x42e: {  	v4 =	vld [tilespmem:s24+$0x10];
	[tilespmem:s24+$0x70] =	vst v1;
	v1 =	vadd.f32 v6, v5  }
0x42f: {  	v5 =	vld [tilespmem:s25+$0x10];
	[tilespmem:s24+$0xFFFFFC10] =	vst v3;
	v3 =	vadd.f32 v8, v7  }
0x430: {  	v6 =	vld [tilespmem:s24+$0x20];
	[tilespmem:s24+$0xFFFFFC20] =	vst v1;
	v1 =	vadd.f32 v10, v9  }
0x431: {  	v7 =	vld [tilespmem:s25+$0x20];
	[tilespmem:s24+$0xFFFFFC30] =	vst v3;
	v3 =	vadd.f32 v12, v11  }
0x432: {  	v8 =	vld [tilespmem:s24+$0x30];
	v2 =	vadd.f32 v2, v17;
	[tilespmem:s24+$0xFFFFFC40] =	vst v1  }
0x433: {  	v0 =	vld [tilespmem:s25+$0xFFFFFF80];
	v1 =	vadd.f32 v14, v13;
	[tilespmem:s24+$0xFFFFFC50] =	vst v3  }
0x434: {  	v63 =	vld [tilespmem:s25+$0x40];
	v3 =	vadd.f32 v16, v15;
	[tilespmem:s24+$0x0] =	vst v2  }
0x435: {  	v4 =	vadd.f32 v5, v4;
	[tilespmem:s24+$0xFFFFFC60] =	vst v1;
	v1 =	vld [tilespmem:s24+$0x50]  }
0x436: {  	v5 =	vadd.f32 v7, v6;
	[tilespmem:s24+$0xFFFFFC70] =	vst v3;
	v3 =	vld [tilespmem:s25+$0x50]  }
0x437: {  	v6 =	vadd.f32 v61, v8;
	v2 =	vld [tilespmem:s24+$0x60];
	[tilespmem:s24+$0x10] =	vst v4  }
0x438: {  	[tilespmem:s24+$0x20] =	vst v5;
	v5 =	vld [tilespmem:s25+$0x60]  }
0x439: {  	s28 =	sadd.s32 $0x800, s24;
	s26 =	simm.s32 $0x0;
	v4 =	vld [tilespmem:s24+$0xFFFFFC00];
	[tilespmem:s24+$0x30] =	vst v6;
	v6 =	vadd.f32 v63, v62  }
.LBB2_47:
0x43a: {  	v7 =	vld [tilespmem:s28+$0x70];
	s25 =	sadd.s32 $0x100, s25  }
0x43b: {  	s26 =	sadd.s32 $0x10, s26;
	v8 =	vld [tilespmem:s25+$0x70];
	[tilespmem:s24+$0x40] =	vst v6;
	v1 =	vadd.f32 v3, v1  }
0x43c: {  	p0 =	slt.u32 s26, $0x30;
	v3 =	vld [tilespmem:s25+$0xFFFFFF80]  }
0x43d: {  	v6 =	vld [tilespmem:s28+$0xFFFFFC10];
	[tilespmem:s24+$0x50] =	vst v1;
	v1 =	vadd.f32 v5, v2  }
0x43e: {  	v2 =	vld [tilespmem:s25+$0xFFFFFF90];
	v9 =	vadd.f32 v0, v4  }
0x43f: {  	v4 =	vld [tilespmem:s28+$0xFFFFFC20];
	[tilespmem:s24+$0x60] =	vst v1  }
0x440: {  	v1 =	vld [tilespmem:s25+$0xFFFFFFA0];
	v5 =	vadd.f32 v8, v7;
	[tilespmem:s24+$0xFFFFFC00] =	vst v9;
	s24 =	smov.u32 s28  }
0x441: {  	v7 =	vld [tilespmem:s28+$0xFFFFFC30];
	v0 =	vmov v3  }
0x442: {  	v3 =	vld [tilespmem:s25+$0xFFFFFFB0];
	[tilespmem:s28+$0x70] =	vst v5  }
0x443: {  	v2 =	vadd.f32 v2, v6;
	v5 =	vld [tilespmem:s28+$0xFFFFFC40]  }
0x444: {  	v6 =	vld [tilespmem:s25+$0xFFFFFFC0]  }
0x445: {  	[tilespmem:s28+$0xFFFFFC10] =	vst v2;
	v1 =	vadd.f32 v1, v4;
	v2 =	vld [tilespmem:s28+$0xFFFFFC50]  }
0x446: {  	v4 =	vld [tilespmem:s25+$0xFFFFFFD0]  }
0x447: {  	[tilespmem:s28+$0xFFFFFC20] =	vst v1;
	v1 =	vadd.f32 v3, v7;
	v3 =	vld [tilespmem:s28+$0xFFFFFC60]  }
0x448: {  	v7 =	vld [tilespmem:s25+$0xFFFFFFE0]  }
0x449: {  	[tilespmem:s28+$0xFFFFFC30] =	vst v1;
	v1 =	vadd.f32 v6, v5;
	v5 =	vld [tilespmem:s28+$0xFFFFFC70]  }
0x44a: {  	v6 =	vld [tilespmem:s25+$0xFFFFFFF0]  }
0x44b: {  	[tilespmem:s28+$0xFFFFFC40] =	vst v1;
	v1 =	vadd.f32 v4, v2;
	v2 =	vld [tilespmem:s28+$0x0]  }
0x44c: {  	v4 =	vld [tilespmem:s25+$0x0]  }
0x44d: {  	[tilespmem:s28+$0xFFFFFC50] =	vst v1;
	v1 =	vadd.f32 v7, v3;
	v3 =	vld [tilespmem:s28+$0x10]  }
0x44e: {  	v7 =	vld [tilespmem:s25+$0x10]  }
0x44f: {  	[tilespmem:s28+$0xFFFFFC60] =	vst v1;
	v1 =	vadd.f32 v6, v5;
	v5 =	vld [tilespmem:s28+$0x20]  }
0x450: {  	v6 =	vld [tilespmem:s25+$0x20]  }
0x451: {  	[tilespmem:s28+$0xFFFFFC70] =	vst v1;
	v1 =	vadd.f32 v4, v2;
	v2 =	vld [tilespmem:s28+$0x30]  }
0x452: {  	v4 =	vld [tilespmem:s25+$0x30]  }
0x453: {  	[tilespmem:s28+$0x0] =	vst v1;
	v1 =	vadd.f32 v7, v3;
	v7 =	vld [tilespmem:s28+$0x40]  }
0x454: {  	v8 =	vld [tilespmem:s25+$0x40]  }
.Ltmp22:
0x455: {  	[tilespmem:s28+$0x10] =	vst v1;
	v5 =	vadd.f32 v6, v5;
	v1 =	vld [tilespmem:s28+$0x50];
	(pc) =	sbr.rel @p0 .LBB2_47-.Ltmp22, $4  }
0x456: {  	v3 =	vld [tilespmem:s25+$0x50]  }
0x457: {  	[tilespmem:s28+$0x20] =	vst v5;
	v6 =	vadd.f32 v4, v2;
	v2 =	vld [tilespmem:s28+$0x60]  }
0x458: {  	v5 =	vld [tilespmem:s25+$0x60]  }
0x459: {  	s28 =	sadd.s32 $0x800, s28;
	v4 =	vld [tilespmem:s24+$0xFFFFFC00];
	[tilespmem:s24+$0x30] =	vst v6;
	v6 =	vadd.f32 v8, v7  }
0x45a: {  	s23 =	sadd.s32 $0x1, s23  }
0x45b: {  	p0 =	sne.s32 s23, $0x20  }
.Ltmp23:
0x45c: {  	v1 =	vadd.f32 v3, v1;
	(pc) =	sbr.rel @p0 .LBB2_46-.Ltmp23, $4  }
0x45d: {  	[tilespmem:s24+$0x40] =	vst v6;
	v2 =	vadd.f32 v5, v2  }
0x45e: {  	[tilespmem:s24+$0x50] =	vst v1;
	v0 =	vadd.f32 v0, v4  }
0x45f: {  	[tilespmem:s24+$0x60] =	vst v2  }
0x460: {  	s22 =	sadd.s32 $0x400, s22;
	s21 =	sadd.s32 $0x1, s21;
	[tilespmem:s24+$0xFFFFFC00] =	vst v0  }
0x461: {  	s21 =	simm.s32 $0x0;
	s22 =	rddreg [dreg:$0x19]  }
0x462: {  	[hbm4b:s22+s21] =	stream.linear.scatter [tilespmem:s11], [sflag:$0x6], $0x8000, $0x38;
	[tilespmem:$0x1C480] =	vst v63  }
0x463: {  	_ =	swait.ge [sflag:s19], $0x8000  }
0x464: {  	[sflag:s19] =	ssyncset.done $0x0  }
0x465: {  	s28 =	rddreg [dreg:$0x1e];
	[sflag:s19] =	ssyncadd.s32 $0xFFFF8000  }
0x466: {  	[tilespmem:s11], [sflag:$0x3] =	stream.linear.gather [hbm4b:s28+s21], $0x8000, $0x38;
	[tilespmem:$0x1C480] =	vst v63  }
0x467: {  	_ =	swait.ge [sflag:s14], $0x8000  }
0x468: {  	[sflag:s14] =	ssyncset.done $0x0  }
0x469: {  	s23 =	simm.s32 $0x0;
	s22 =	simm.s32 $0x0;
	[sflag:s14] =	ssyncadd.s32 $0xFFFF8000  }
.LBB2_50:
0x46a: {  	v0 =	vld [tilespmem:s23+$0x180];
	_ =	sdelay $0x4  }
0x46b: {  	(v2sf) =	vpush v0, $0x0;
	_ =	sdelay $0x3  }
0x46c: {  	s24 =	sshll.u32 s22, $0x2;
	s25 =	sand.u32 $0x7, s21  }
0x46d: {  	s24 =	sand.u32 $0xFFFF8000, s24;
	s25 =	sshll.u32 s25, $0x9  }
0x46e: {  	s24 =	sor.u32 s25, s24  }
0x46f: {  	s24 =	sshrl.u32 s24, $0x2  }
0x470: {  	s24 =	sadd.s32 $0x4880, s24  }
0x471: {  	v1 =	vld [tilespmem:s24+$0x70]  }
0x472: {  	v3 =	vld [tilespmem:s24+$0xFFFFFC10]  }
0x473: {  	v5 =	vld [tilespmem:s24+$0xFFFFFC20]  }
0x474: {  	v7 =	vld [tilespmem:s24+$0xFFFFFC30]  }
0x475: {  	v9 =	vld [tilespmem:s24+$0xFFFFFC40]  }
0x476: {  	v11 =	vld [tilespmem:s24+$0xFFFFFC50]  }
0x477: {  	v13 =	vld [tilespmem:s24+$0xFFFFFC60];
	s26 =	spop (v2sf)  }
0x478: {  	v15 =	vld [tilespmem:s24+$0xFFFFFC70];
	s25 =	sshll.u32 s26, $0xC  }
0x479: {  	v17 =	vld [tilespmem:s24+$0x0];
	s25 =	sshra.s32 s25, $0x2  }
0x47a: {  	v62 =	vld [tilespmem:s24+$0x40];
	s25 =	sadd.s32 $0x500, s25  }
0x47b: {  	v2 =	vld [tilespmem:s25+$0x70]  }
0x47c: {  	v4 =	vld [tilespmem:s25+$0xFFFFFF90]  }
0x47d: {  	v6 =	vld [tilespmem:s25+$0xFFFFFFA0]  }
0x47e: {  	v8 =	vld [tilespmem:s25+$0xFFFFFFB0]  }
0x47f: {  	v10 =	vld [tilespmem:s25+$0xFFFFFFC0]  }
0x480: {  	v12 =	vld [tilespmem:s25+$0xFFFFFFD0]  }
0x481: {  	v14 =	vld [tilespmem:s25+$0xFFFFFFE0]  }
0x482: {  	v16 =	vld [tilespmem:s25+$0xFFFFFFF0]  }
0x483: {  	v61 =	vld [tilespmem:s25+$0x30];
	v1 =	vadd.f32 v2, v1  }
0x484: {  	v2 =	vld [tilespmem:s25+$0x0];
	v3 =	vadd.f32 v4, v3  }
0x485: {  	v4 =	vld [tilespmem:s24+$0x10];
	[tilespmem:s24+$0x70] =	vst v1;
	v1 =	vadd.f32 v6, v5  }
0x486: {  	v5 =	vld [tilespmem:s25+$0x10];
	[tilespmem:s24+$0xFFFFFC10] =	vst v3;
	v3 =	vadd.f32 v8, v7  }
0x487: {  	v6 =	vld [tilespmem:s24+$0x20];
	[tilespmem:s24+$0xFFFFFC20] =	vst v1;
	v1 =	vadd.f32 v10, v9  }
0x488: {  	v7 =	vld [tilespmem:s25+$0x20];
	[tilespmem:s24+$0xFFFFFC30] =	vst v3;
	v3 =	vadd.f32 v12, v11  }
0x489: {  	v8 =	vld [tilespmem:s24+$0x30];
	v2 =	vadd.f32 v2, v17;
	[tilespmem:s24+$0xFFFFFC40] =	vst v1  }
0x48a: {  	v0 =	vld [tilespmem:s25+$0xFFFFFF80];
	v1 =	vadd.f32 v14, v13;
	[tilespmem:s24+$0xFFFFFC50] =	vst v3  }
0x48b: {  	v63 =	vld [tilespmem:s25+$0x40];
	v3 =	vadd.f32 v16, v15;
	[tilespmem:s24+$0x0] =	vst v2  }
0x48c: {  	v4 =	vadd.f32 v5, v4;
	[tilespmem:s24+$0xFFFFFC60] =	vst v1;
	v1 =	vld [tilespmem:s24+$0x50]  }
0x48d: {  	v5 =	vadd.f32 v7, v6;
	[tilespmem:s24+$0xFFFFFC70] =	vst v3;
	v3 =	vld [tilespmem:s25+$0x50]  }
0x48e: {  	v6 =	vadd.f32 v61, v8;
	v2 =	vld [tilespmem:s24+$0x60];
	[tilespmem:s24+$0x10] =	vst v4  }
0x48f: {  	[tilespmem:s24+$0x20] =	vst v5;
	v5 =	vld [tilespmem:s25+$0x60]  }
0x490: {  	s28 =	sadd.s32 $0x800, s24;
	s26 =	simm.s32 $0x0;
	v4 =	vld [tilespmem:s24+$0xFFFFFC00];
	[tilespmem:s24+$0x30] =	vst v6;
	v6 =	vadd.f32 v63, v62  }
.LBB2_51:
0x491: {  	v7 =	vld [tilespmem:s28+$0x70];
	s25 =	sadd.s32 $0x100, s25  }
0x492: {  	s26 =	sadd.s32 $0x10, s26;
	v8 =	vld [tilespmem:s25+$0x70];
	[tilespmem:s24+$0x40] =	vst v6;
	v1 =	vadd.f32 v3, v1  }
0x493: {  	p0 =	slt.u32 s26, $0x30;
	v3 =	vld [tilespmem:s25+$0xFFFFFF80]  }
0x494: {  	v6 =	vld [tilespmem:s28+$0xFFFFFC10];
	[tilespmem:s24+$0x50] =	vst v1;
	v1 =	vadd.f32 v5, v2  }
0x495: {  	v2 =	vld [tilespmem:s25+$0xFFFFFF90];
	v9 =	vadd.f32 v0, v4  }
0x496: {  	v4 =	vld [tilespmem:s28+$0xFFFFFC20];
	[tilespmem:s24+$0x60] =	vst v1  }
0x497: {  	v1 =	vld [tilespmem:s25+$0xFFFFFFA0];
	v5 =	vadd.f32 v8, v7;
	[tilespmem:s24+$0xFFFFFC00] =	vst v9;
	s24 =	smov.u32 s28  }
0x498: {  	v7 =	vld [tilespmem:s28+$0xFFFFFC30];
	v0 =	vmov v3  }
0x499: {  	v3 =	vld [tilespmem:s25+$0xFFFFFFB0];
	[tilespmem:s28+$0x70] =	vst v5  }
0x49a: {  	v2 =	vadd.f32 v2, v6;
	v5 =	vld [tilespmem:s28+$0xFFFFFC40]  }
0x49b: {  	v6 =	vld [tilespmem:s25+$0xFFFFFFC0]  }
0x49c: {  	[tilespmem:s28+$0xFFFFFC10] =	vst v2;
	v1 =	vadd.f32 v1, v4;
	v2 =	vld [tilespmem:s28+$0xFFFFFC50]  }
0x49d: {  	v4 =	vld [tilespmem:s25+$0xFFFFFFD0]  }
0x49e: {  	[tilespmem:s28+$0xFFFFFC20] =	vst v1;
	v1 =	vadd.f32 v3, v7;
	v3 =	vld [tilespmem:s28+$0xFFFFFC60]  }
0x49f: {  	v7 =	vld [tilespmem:s25+$0xFFFFFFE0]  }
0x4a0: {  	[tilespmem:s28+$0xFFFFFC30] =	vst v1;
	v1 =	vadd.f32 v6, v5;
	v5 =	vld [tilespmem:s28+$0xFFFFFC70]  }
0x4a1: {  	v6 =	vld [tilespmem:s25+$0xFFFFFFF0]  }
0x4a2: {  	[tilespmem:s28+$0xFFFFFC40] =	vst v1;
	v1 =	vadd.f32 v4, v2;
	v2 =	vld [tilespmem:s28+$0x0]  }
0x4a3: {  	v4 =	vld [tilespmem:s25+$0x0]  }
0x4a4: {  	[tilespmem:s28+$0xFFFFFC50] =	vst v1;
	v1 =	vadd.f32 v7, v3;
	v3 =	vld [tilespmem:s28+$0x10]  }
0x4a5: {  	v7 =	vld [tilespmem:s25+$0x10]  }
0x4a6: {  	[tilespmem:s28+$0xFFFFFC60] =	vst v1;
	v1 =	vadd.f32 v6, v5;
	v5 =	vld [tilespmem:s28+$0x20]  }
0x4a7: {  	v6 =	vld [tilespmem:s25+$0x20]  }
0x4a8: {  	[tilespmem:s28+$0xFFFFFC70] =	vst v1;
	v1 =	vadd.f32 v4, v2;
	v2 =	vld [tilespmem:s28+$0x30]  }
0x4a9: {  	v4 =	vld [tilespmem:s25+$0x30]  }
0x4aa: {  	[tilespmem:s28+$0x0] =	vst v1;
	v1 =	vadd.f32 v7, v3;
	v7 =	vld [tilespmem:s28+$0x40]  }
0x4ab: {  	v8 =	vld [tilespmem:s25+$0x40]  }
.Ltmp24:
0x4ac: {  	[tilespmem:s28+$0x10] =	vst v1;
	v5 =	vadd.f32 v6, v5;
	v1 =	vld [tilespmem:s28+$0x50];
	(pc) =	sbr.rel @p0 .LBB2_51-.Ltmp24, $4  }
0x4ad: {  	v3 =	vld [tilespmem:s25+$0x50]  }
0x4ae: {  	[tilespmem:s28+$0x20] =	vst v5;
	v6 =	vadd.f32 v4, v2;
	v2 =	vld [tilespmem:s28+$0x60]  }
0x4af: {  	v5 =	vld [tilespmem:s25+$0x60]  }
0x4b0: {  	s28 =	sadd.s32 $0x800, s28;
	v4 =	vld [tilespmem:s24+$0xFFFFFC00];
	[tilespmem:s24+$0x30] =	vst v6;
	v6 =	vadd.f32 v8, v7  }
0x4b1: {  	s23 =	sadd.s32 $0x1, s23  }
0x4b2: {  	p0 =	sne.s32 s23, $0x20  }
.Ltmp25:
0x4b3: {  	v1 =	vadd.f32 v3, v1;
	(pc) =	sbr.rel @p0 .LBB2_50-.Ltmp25, $4  }
0x4b4: {  	[tilespmem:s24+$0x40] =	vst v6;
	v2 =	vadd.f32 v5, v2  }
0x4b5: {  	[tilespmem:s24+$0x50] =	vst v1;
	v0 =	vadd.f32 v0, v4  }
0x4b6: {  	[tilespmem:s24+$0x60] =	vst v2  }
0x4b7: {  	s22 =	sadd.s32 $0x400, s22;
	s21 =	sadd.s32 $0x1, s21;
	[tilespmem:s24+$0xFFFFFC00] =	vst v0  }
0x4b8: {  	s21 =	simm.s32 $0x0;
	s22 =	rddreg [dreg:$0x1b]  }
0x4b9: {  	[hbm4b:s22+s21] =	stream.linear.scatter [tilespmem:s9], [sflag:$0x4], $0x8000, $0x38;
	[tilespmem:$0x1C480] =	vst v63  }
0x4ba: {  	_ =	swait.ge [sflag:s15], $0x8000  }
0x4bb: {  	s28 =	sld [smem:$0x7E2]  }
0x4bc: {  	[sflag:s15] =	ssyncset.done $0x0  }
0x4bd: {  	[sflag:s15] =	ssyncadd.s32 $0xFFFF8000  }
0x4be: {  	[tilespmem:s9], [sflag:$0x1] =	stream.linear.gather [hbm4b:s28+s21], $0x8000, $0x38;
	[tilespmem:$0x1C480] =	vst v63  }
0x4bf: {  	_ =	swait.ge [sflag:s16], $0x8000  }
0x4c0: {  	[sflag:s16] =	ssyncset.done $0x0  }
0x4c1: {  	s23 =	simm.s32 $0x0;
	s22 =	simm.s32 $0x0;
	[sflag:s16] =	ssyncadd.s32 $0xFFFF8000  }
.LBB2_54:
0x4c2: {  	v0 =	vld [tilespmem:s23+$0x1A0];
	_ =	sdelay $0x4  }
0x4c3: {  	(v2sf) =	vpush v0, $0x0;
	_ =	sdelay $0x3  }
0x4c4: {  	s24 =	sshll.u32 s22, $0x2;
	s25 =	sand.u32 $0x7, s21  }
0x4c5: {  	s24 =	sand.u32 $0xFFFF8000, s24;
	s25 =	sshll.u32 s25, $0x9  }
0x4c6: {  	s24 =	sor.u32 s25, s24  }
0x4c7: {  	s24 =	sshrl.u32 s24, $0x2  }
0x4c8: {  	s24 =	sadd.s32 $0xC880, s24  }
0x4c9: {  	v1 =	vld [tilespmem:s24+$0x70]  }
0x4ca: {  	v3 =	vld [tilespmem:s24+$0xFFFFFC10]  }
0x4cb: {  	v5 =	vld [tilespmem:s24+$0xFFFFFC20]  }
0x4cc: {  	v7 =	vld [tilespmem:s24+$0xFFFFFC30]  }
0x4cd: {  	v9 =	vld [tilespmem:s24+$0xFFFFFC40]  }
0x4ce: {  	v11 =	vld [tilespmem:s24+$0xFFFFFC50]  }
0x4cf: {  	v13 =	vld [tilespmem:s24+$0xFFFFFC60];
	s26 =	spop (v2sf)  }
0x4d0: {  	v15 =	vld [tilespmem:s24+$0xFFFFFC70];
	s25 =	sshll.u32 s26, $0xC  }
0x4d1: {  	v17 =	vld [tilespmem:s24+$0x0];
	s25 =	sshra.s32 s25, $0x2  }
0x4d2: {  	v62 =	vld [tilespmem:s24+$0x40];
	s25 =	sadd.s32 $0x500, s25  }
0x4d3: {  	v2 =	vld [tilespmem:s25+$0x70]  }
0x4d4: {  	v4 =	vld [tilespmem:s25+$0xFFFFFF90]  }
0x4d5: {  	v6 =	vld [tilespmem:s25+$0xFFFFFFA0]  }
0x4d6: {  	v8 =	vld [tilespmem:s25+$0xFFFFFFB0]  }
0x4d7: {  	v10 =	vld [tilespmem:s25+$0xFFFFFFC0]  }
0x4d8: {  	v12 =	vld [tilespmem:s25+$0xFFFFFFD0]  }
0x4d9: {  	v14 =	vld [tilespmem:s25+$0xFFFFFFE0]  }
0x4da: {  	v16 =	vld [tilespmem:s25+$0xFFFFFFF0]  }
0x4db: {  	v61 =	vld [tilespmem:s25+$0x30];
	v1 =	vadd.f32 v2, v1  }
0x4dc: {  	v2 =	vld [tilespmem:s25+$0x0];
	v3 =	vadd.f32 v4, v3  }
0x4dd: {  	v4 =	vld [tilespmem:s24+$0x10];
	[tilespmem:s24+$0x70] =	vst v1;
	v1 =	vadd.f32 v6, v5  }
0x4de: {  	v5 =	vld [tilespmem:s25+$0x10];
	[tilespmem:s24+$0xFFFFFC10] =	vst v3;
	v3 =	vadd.f32 v8, v7  }
0x4df: {  	v6 =	vld [tilespmem:s24+$0x20];
	[tilespmem:s24+$0xFFFFFC20] =	vst v1;
	v1 =	vadd.f32 v10, v9  }
0x4e0: {  	v7 =	vld [tilespmem:s25+$0x20];
	[tilespmem:s24+$0xFFFFFC30] =	vst v3;
	v3 =	vadd.f32 v12, v11  }
0x4e1: {  	v8 =	vld [tilespmem:s24+$0x30];
	v2 =	vadd.f32 v2, v17;
	[tilespmem:s24+$0xFFFFFC40] =	vst v1  }
0x4e2: {  	v0 =	vld [tilespmem:s25+$0xFFFFFF80];
	v1 =	vadd.f32 v14, v13;
	[tilespmem:s24+$0xFFFFFC50] =	vst v3  }
0x4e3: {  	v63 =	vld [tilespmem:s25+$0x40];
	v3 =	vadd.f32 v16, v15;
	[tilespmem:s24+$0x0] =	vst v2  }
0x4e4: {  	v4 =	vadd.f32 v5, v4;
	[tilespmem:s24+$0xFFFFFC60] =	vst v1;
	v1 =	vld [tilespmem:s24+$0x50]  }
0x4e5: {  	v5 =	vadd.f32 v7, v6;
	[tilespmem:s24+$0xFFFFFC70] =	vst v3;
	v3 =	vld [tilespmem:s25+$0x50]  }
0x4e6: {  	v6 =	vadd.f32 v61, v8;
	v2 =	vld [tilespmem:s24+$0x60];
	[tilespmem:s24+$0x10] =	vst v4  }
0x4e7: {  	[tilespmem:s24+$0x20] =	vst v5;
	v5 =	vld [tilespmem:s25+$0x60]  }
0x4e8: {  	s28 =	sadd.s32 $0x800, s24;
	s26 =	simm.s32 $0x0;
	v4 =	vld [tilespmem:s24+$0xFFFFFC00];
	[tilespmem:s24+$0x30] =	vst v6;
	v6 =	vadd.f32 v63, v62  }
.LBB2_55:
0x4e9: {  	v7 =	vld [tilespmem:s28+$0x70];
	s25 =	sadd.s32 $0x100, s25  }
0x4ea: {  	s26 =	sadd.s32 $0x10, s26;
	v8 =	vld [tilespmem:s25+$0x70];
	[tilespmem:s24+$0x40] =	vst v6;
	v1 =	vadd.f32 v3, v1  }
0x4eb: {  	p0 =	slt.u32 s26, $0x30;
	v3 =	vld [tilespmem:s25+$0xFFFFFF80]  }
0x4ec: {  	v6 =	vld [tilespmem:s28+$0xFFFFFC10];
	[tilespmem:s24+$0x50] =	vst v1;
	v1 =	vadd.f32 v5, v2  }
0x4ed: {  	v2 =	vld [tilespmem:s25+$0xFFFFFF90];
	v9 =	vadd.f32 v0, v4  }
0x4ee: {  	v4 =	vld [tilespmem:s28+$0xFFFFFC20];
	[tilespmem:s24+$0x60] =	vst v1  }
0x4ef: {  	v1 =	vld [tilespmem:s25+$0xFFFFFFA0];
	v5 =	vadd.f32 v8, v7;
	[tilespmem:s24+$0xFFFFFC00] =	vst v9;
	s24 =	smov.u32 s28  }
0x4f0: {  	v7 =	vld [tilespmem:s28+$0xFFFFFC30];
	v0 =	vmov v3  }
0x4f1: {  	v3 =	vld [tilespmem:s25+$0xFFFFFFB0];
	[tilespmem:s28+$0x70] =	vst v5  }
0x4f2: {  	v2 =	vadd.f32 v2, v6;
	v5 =	vld [tilespmem:s28+$0xFFFFFC40]  }
0x4f3: {  	v6 =	vld [tilespmem:s25+$0xFFFFFFC0]  }
0x4f4: {  	[tilespmem:s28+$0xFFFFFC10] =	vst v2;
	v1 =	vadd.f32 v1, v4;
	v2 =	vld [tilespmem:s28+$0xFFFFFC50]  }
0x4f5: {  	v4 =	vld [tilespmem:s25+$0xFFFFFFD0]  }
0x4f6: {  	[tilespmem:s28+$0xFFFFFC20] =	vst v1;
	v1 =	vadd.f32 v3, v7;
	v3 =	vld [tilespmem:s28+$0xFFFFFC60]  }
0x4f7: {  	v7 =	vld [tilespmem:s25+$0xFFFFFFE0]  }
0x4f8: {  	[tilespmem:s28+$0xFFFFFC30] =	vst v1;
	v1 =	vadd.f32 v6, v5;
	v5 =	vld [tilespmem:s28+$0xFFFFFC70]  }
0x4f9: {  	v6 =	vld [tilespmem:s25+$0xFFFFFFF0]  }
0x4fa: {  	[tilespmem:s28+$0xFFFFFC40] =	vst v1;
	v1 =	vadd.f32 v4, v2;
	v2 =	vld [tilespmem:s28+$0x0]  }
0x4fb: {  	v4 =	vld [tilespmem:s25+$0x0]  }
0x4fc: {  	[tilespmem:s28+$0xFFFFFC50] =	vst v1;
	v1 =	vadd.f32 v7, v3;
	v3 =	vld [tilespmem:s28+$0x10]  }
0x4fd: {  	v7 =	vld [tilespmem:s25+$0x10]  }
0x4fe: {  	[tilespmem:s28+$0xFFFFFC60] =	vst v1;
	v1 =	vadd.f32 v6, v5;
	v5 =	vld [tilespmem:s28+$0x20]  }
0x4ff: {  	v6 =	vld [tilespmem:s25+$0x20]  }
0x500: {  	[tilespmem:s28+$0xFFFFFC70] =	vst v1;
	v1 =	vadd.f32 v4, v2;
	v2 =	vld [tilespmem:s28+$0x30]  }
0x501: {  	v4 =	vld [tilespmem:s25+$0x30]  }
0x502: {  	[tilespmem:s28+$0x0] =	vst v1;
	v1 =	vadd.f32 v7, v3;
	v7 =	vld [tilespmem:s28+$0x40]  }
0x503: {  	v8 =	vld [tilespmem:s25+$0x40]  }
.Ltmp26:
0x504: {  	[tilespmem:s28+$0x10] =	vst v1;
	v5 =	vadd.f32 v6, v5;
	v1 =	vld [tilespmem:s28+$0x50];
	(pc) =	sbr.rel @p0 .LBB2_55-.Ltmp26, $4  }
0x505: {  	v3 =	vld [tilespmem:s25+$0x50]  }
0x506: {  	[tilespmem:s28+$0x20] =	vst v5;
	v6 =	vadd.f32 v4, v2;
	v2 =	vld [tilespmem:s28+$0x60]  }
0x507: {  	v5 =	vld [tilespmem:s25+$0x60]  }
0x508: {  	s28 =	sadd.s32 $0x800, s28;
	v4 =	vld [tilespmem:s24+$0xFFFFFC00];
	[tilespmem:s24+$0x30] =	vst v6;
	v6 =	vadd.f32 v8, v7  }
0x509: {  	s23 =	sadd.s32 $0x1, s23  }
0x50a: {  	p0 =	sne.s32 s23, $0x20  }
.Ltmp27:
0x50b: {  	v1 =	vadd.f32 v3, v1;
	(pc) =	sbr.rel @p0 .LBB2_54-.Ltmp27, $4  }
0x50c: {  	[tilespmem:s24+$0x40] =	vst v6;
	v2 =	vadd.f32 v5, v2  }
0x50d: {  	[tilespmem:s24+$0x50] =	vst v1;
	v0 =	vadd.f32 v0, v4  }
0x50e: {  	[tilespmem:s24+$0x60] =	vst v2  }
0x50f: {  	s22 =	sadd.s32 $0x400, s22;
	s21 =	sadd.s32 $0x1, s21;
	[tilespmem:s24+$0xFFFFFC00] =	vst v0  }
0x510: {  	s21 =	simm.s32 $0x0;
	s22 =	rddreg [dreg:$0x1d]  }
0x511: {  	[hbm4b:s22+s21] =	stream.linear.scatter [tilespmem:s10], [sflag:$0x5], $0x8000, $0x38;
	[tilespmem:$0x1C480] =	vst v63  }
0x512: {  	_ =	swait.ge [sflag:s17], $0x8000  }
0x513: {  	s28 =	sld [smem:$0x7E4]  }
0x514: {  	[sflag:s17] =	ssyncset.done $0x0  }
0x515: {  	[sflag:s17] =	ssyncadd.s32 $0xFFFF8000  }
0x516: {  	[tilespmem:s10], [sflag:$0x2] =	stream.linear.gather [hbm4b:s28+s21], $0x8000, $0x38;
	[tilespmem:$0x1C480] =	vst v63  }
0x517: {  	_ =	swait.ge [sflag:s18], $0x8000  }
0x518: {  	[sflag:s18] =	ssyncset.done $0x0  }
0x519: {  	s23 =	simm.s32 $0x0;
	s22 =	simm.s32 $0x0;
	[sflag:s18] =	ssyncadd.s32 $0xFFFF8000  }
.LBB2_58:
0x51a: {  	v0 =	vld [tilespmem:s23+$0x1C0];
	_ =	sdelay $0x4  }
0x51b: {  	(v2sf) =	vpush v0, $0x0;
	_ =	sdelay $0x3  }
0x51c: {  	s24 =	sshll.u32 s22, $0x2;
	s25 =	sand.u32 $0x7, s21  }
0x51d: {  	s24 =	sand.u32 $0xFFFF8000, s24;
	s25 =	sshll.u32 s25, $0x9  }
0x51e: {  	s24 =	sor.u32 s25, s24  }
0x51f: {  	s24 =	sshrl.u32 s24, $0x2  }
0x520: {  	s24 =	sadd.s32 $0x14880, s24  }
0x521: {  	v1 =	vld [tilespmem:s24+$0x70]  }
0x522: {  	v3 =	vld [tilespmem:s24+$0xFFFFFC10]  }
0x523: {  	v5 =	vld [tilespmem:s24+$0xFFFFFC20]  }
0x524: {  	v7 =	vld [tilespmem:s24+$0xFFFFFC30]  }
0x525: {  	v9 =	vld [tilespmem:s24+$0xFFFFFC40]  }
0x526: {  	v11 =	vld [tilespmem:s24+$0xFFFFFC50]  }
0x527: {  	v13 =	vld [tilespmem:s24+$0xFFFFFC60];
	s26 =	spop (v2sf)  }
0x528: {  	v15 =	vld [tilespmem:s24+$0xFFFFFC70];
	s25 =	sshll.u32 s26, $0xC  }
0x529: {  	v17 =	vld [tilespmem:s24+$0x0];
	s25 =	sshra.s32 s25, $0x2  }
0x52a: {  	v62 =	vld [tilespmem:s24+$0x40];
	s25 =	sadd.s32 $0x500, s25  }
0x52b: {  	v2 =	vld [tilespmem:s25+$0x70]  }
0x52c: {  	v4 =	vld [tilespmem:s25+$0xFFFFFF90]  }
0x52d: {  	v6 =	vld [tilespmem:s25+$0xFFFFFFA0]  }
0x52e: {  	v8 =	vld [tilespmem:s25+$0xFFFFFFB0]  }
0x52f: {  	v10 =	vld [tilespmem:s25+$0xFFFFFFC0]  }
0x530: {  	v12 =	vld [tilespmem:s25+$0xFFFFFFD0]  }
0x531: {  	v14 =	vld [tilespmem:s25+$0xFFFFFFE0]  }
0x532: {  	v16 =	vld [tilespmem:s25+$0xFFFFFFF0]  }
0x533: {  	v61 =	vld [tilespmem:s25+$0x30];
	v1 =	vadd.f32 v2, v1  }
0x534: {  	v2 =	vld [tilespmem:s25+$0x0];
	v3 =	vadd.f32 v4, v3  }
0x535: {  	v4 =	vld [tilespmem:s24+$0x10];
	[tilespmem:s24+$0x70] =	vst v1;
	v1 =	vadd.f32 v6, v5  }
0x536: {  	v5 =	vld [tilespmem:s25+$0x10];
	[tilespmem:s24+$0xFFFFFC10] =	vst v3;
	v3 =	vadd.f32 v8, v7  }
0x537: {  	v6 =	vld [tilespmem:s24+$0x20];
	[tilespmem:s24+$0xFFFFFC20] =	vst v1;
	v1 =	vadd.f32 v10, v9  }
0x538: {  	v7 =	vld [tilespmem:s25+$0x20];
	[tilespmem:s24+$0xFFFFFC30] =	vst v3;
	v3 =	vadd.f32 v12, v11  }
0x539: {  	v8 =	vld [tilespmem:s24+$0x30];
	v2 =	vadd.f32 v2, v17;
	[tilespmem:s24+$0xFFFFFC40] =	vst v1  }
0x53a: {  	v0 =	vld [tilespmem:s25+$0xFFFFFF80];
	v1 =	vadd.f32 v14, v13;
	[tilespmem:s24+$0xFFFFFC50] =	vst v3  }
0x53b: {  	v63 =	vld [tilespmem:s25+$0x40];
	v3 =	vadd.f32 v16, v15;
	[tilespmem:s24+$0x0] =	vst v2  }
0x53c: {  	v4 =	vadd.f32 v5, v4;
	[tilespmem:s24+$0xFFFFFC60] =	vst v1;
	v1 =	vld [tilespmem:s24+$0x50]  }
0x53d: {  	v5 =	vadd.f32 v7, v6;
	[tilespmem:s24+$0xFFFFFC70] =	vst v3;
	v3 =	vld [tilespmem:s25+$0x50]  }
0x53e: {  	v6 =	vadd.f32 v61, v8;
	v2 =	vld [tilespmem:s24+$0x60];
	[tilespmem:s24+$0x10] =	vst v4  }
0x53f: {  	[tilespmem:s24+$0x20] =	vst v5;
	v5 =	vld [tilespmem:s25+$0x60]  }
0x540: {  	s28 =	sadd.s32 $0x800, s24;
	s26 =	simm.s32 $0x0;
	v4 =	vld [tilespmem:s24+$0xFFFFFC00];
	[tilespmem:s24+$0x30] =	vst v6;
	v6 =	vadd.f32 v63, v62  }
.LBB2_59:
0x541: {  	v7 =	vld [tilespmem:s28+$0x70];
	s25 =	sadd.s32 $0x100, s25  }
0x542: {  	s26 =	sadd.s32 $0x10, s26;
	v8 =	vld [tilespmem:s25+$0x70];
	[tilespmem:s24+$0x40] =	vst v6;
	v1 =	vadd.f32 v3, v1  }
0x543: {  	p0 =	slt.u32 s26, $0x30;
	v3 =	vld [tilespmem:s25+$0xFFFFFF80]  }
0x544: {  	v6 =	vld [tilespmem:s28+$0xFFFFFC10];
	[tilespmem:s24+$0x50] =	vst v1;
	v1 =	vadd.f32 v5, v2  }
0x545: {  	v2 =	vld [tilespmem:s25+$0xFFFFFF90];
	v9 =	vadd.f32 v0, v4  }
0x546: {  	v4 =	vld [tilespmem:s28+$0xFFFFFC20];
	[tilespmem:s24+$0x60] =	vst v1  }
0x547: {  	v1 =	vld [tilespmem:s25+$0xFFFFFFA0];
	v5 =	vadd.f32 v8, v7;
	[tilespmem:s24+$0xFFFFFC00] =	vst v9;
	s24 =	smov.u32 s28  }
0x548: {  	v7 =	vld [tilespmem:s28+$0xFFFFFC30];
	v0 =	vmov v3  }
0x549: {  	v3 =	vld [tilespmem:s25+$0xFFFFFFB0];
	[tilespmem:s28+$0x70] =	vst v5  }
0x54a: {  	v2 =	vadd.f32 v2, v6;
	v5 =	vld [tilespmem:s28+$0xFFFFFC40]  }
0x54b: {  	v6 =	vld [tilespmem:s25+$0xFFFFFFC0]  }
0x54c: {  	[tilespmem:s28+$0xFFFFFC10] =	vst v2;
	v1 =	vadd.f32 v1, v4;
	v2 =	vld [tilespmem:s28+$0xFFFFFC50]  }
0x54d: {  	v4 =	vld [tilespmem:s25+$0xFFFFFFD0]  }
0x54e: {  	[tilespmem:s28+$0xFFFFFC20] =	vst v1;
	v1 =	vadd.f32 v3, v7;
	v3 =	vld [tilespmem:s28+$0xFFFFFC60]  }
0x54f: {  	v7 =	vld [tilespmem:s25+$0xFFFFFFE0]  }
0x550: {  	[tilespmem:s28+$0xFFFFFC30] =	vst v1;
	v1 =	vadd.f32 v6, v5;
	v5 =	vld [tilespmem:s28+$0xFFFFFC70]  }
0x551: {  	v6 =	vld [tilespmem:s25+$0xFFFFFFF0]  }
0x552: {  	[tilespmem:s28+$0xFFFFFC40] =	vst v1;
	v1 =	vadd.f32 v4, v2;
	v2 =	vld [tilespmem:s28+$0x0]  }
0x553: {  	v4 =	vld [tilespmem:s25+$0x0]  }
0x554: {  	[tilespmem:s28+$0xFFFFFC50] =	vst v1;
	v1 =	vadd.f32 v7, v3;
	v3 =	vld [tilespmem:s28+$0x10]  }
0x555: {  	v7 =	vld [tilespmem:s25+$0x10]  }
0x556: {  	[tilespmem:s28+$0xFFFFFC60] =	vst v1;
	v1 =	vadd.f32 v6, v5;
	v5 =	vld [tilespmem:s28+$0x20]  }
0x557: {  	v6 =	vld [tilespmem:s25+$0x20]  }
0x558: {  	[tilespmem:s28+$0xFFFFFC70] =	vst v1;
	v1 =	vadd.f32 v4, v2;
	v2 =	vld [tilespmem:s28+$0x30]  }
0x559: {  	v4 =	vld [tilespmem:s25+$0x30]  }
0x55a: {  	[tilespmem:s28+$0x0] =	vst v1;
	v1 =	vadd.f32 v7, v3;
	v7 =	vld [tilespmem:s28+$0x40]  }
0x55b: {  	v8 =	vld [tilespmem:s25+$0x40]  }
.Ltmp28:
0x55c: {  	[tilespmem:s28+$0x10] =	vst v1;
	v5 =	vadd.f32 v6, v5;
	v1 =	vld [tilespmem:s28+$0x50];
	(pc) =	sbr.rel @p0 .LBB2_59-.Ltmp28, $4  }
0x55d: {  	v3 =	vld [tilespmem:s25+$0x50]  }
0x55e: {  	[tilespmem:s28+$0x20] =	vst v5;
	v6 =	vadd.f32 v4, v2;
	v2 =	vld [tilespmem:s28+$0x60]  }
0x55f: {  	v5 =	vld [tilespmem:s25+$0x60]  }
0x560: {  	s28 =	sadd.s32 $0x800, s28;
	v4 =	vld [tilespmem:s24+$0xFFFFFC00];
	[tilespmem:s24+$0x30] =	vst v6;
	v6 =	vadd.f32 v8, v7  }
0x561: {  	s23 =	sadd.s32 $0x1, s23  }
0x562: {  	p0 =	sne.s32 s23, $0x20  }
.Ltmp29:
0x563: {  	v1 =	vadd.f32 v3, v1;
	(pc) =	sbr.rel @p0 .LBB2_58-.Ltmp29, $4  }
0x564: {  	[tilespmem:s24+$0x40] =	vst v6;
	v2 =	vadd.f32 v5, v2  }
0x565: {  	[tilespmem:s24+$0x50] =	vst v1;
	v0 =	vadd.f32 v0, v4  }
0x566: {  	[tilespmem:s24+$0x60] =	vst v2  }
0x567: {  	s22 =	sadd.s32 $0x400, s22;
	s21 =	sadd.s32 $0x1, s21;
	[tilespmem:s24+$0xFFFFFC00] =	vst v0  }
0x568: {  	s21 =	simm.s32 $0x0;
	s22 =	rddreg [dreg:$0x1f]  }
0x569: {  	[hbm4b:s22+s21] =	stream.linear.scatter [tilespmem:s11], [sflag:$0x6], $0x8000, $0x38;
	[tilespmem:$0x1C480] =	vst v63  }
0x56a: {  	_ =	swait.ge [sflag:s19], $0x8000  }
0x56b: {  	s28 =	sld [smem:$0x7E6]  }
0x56c: {  	[sflag:s19] =	ssyncset.done $0x0  }
0x56d: {  	[sflag:s19] =	ssyncadd.s32 $0xFFFF8000  }
0x56e: {  	[tilespmem:s11], [sflag:$0x3] =	stream.linear.gather [hbm4b:s28+s21], $0x8000, $0x38;
	[tilespmem:$0x1C480] =	vst v63  }
0x56f: {  	_ =	swait.ge [sflag:s14], $0x8000  }
0x570: {  	[sflag:s14] =	ssyncset.done $0x0  }
0x571: {  	s23 =	simm.s32 $0x0;
	s22 =	simm.s32 $0x0;
	[sflag:s14] =	ssyncadd.s32 $0xFFFF8000  }
.LBB2_62:
0x572: {  	v0 =	vld [tilespmem:s23+$0x1E0];
	_ =	sdelay $0x4  }
0x573: {  	(v2sf) =	vpush v0, $0x0;
	_ =	sdelay $0x3  }
0x574: {  	s24 =	sshll.u32 s22, $0x2;
	s25 =	sand.u32 $0x7, s21  }
0x575: {  	s24 =	sand.u32 $0xFFFF8000, s24;
	s25 =	sshll.u32 s25, $0x9  }
0x576: {  	s24 =	sor.u32 s25, s24  }
0x577: {  	s24 =	sshrl.u32 s24, $0x2  }
0x578: {  	s24 =	sadd.s32 $0x4880, s24  }
0x579: {  	v1 =	vld [tilespmem:s24+$0x70]  }
0x57a: {  	v3 =	vld [tilespmem:s24+$0xFFFFFC10]  }
0x57b: {  	v5 =	vld [tilespmem:s24+$0xFFFFFC20]  }
0x57c: {  	v7 =	vld [tilespmem:s24+$0xFFFFFC30]  }
0x57d: {  	v9 =	vld [tilespmem:s24+$0xFFFFFC40]  }
0x57e: {  	v11 =	vld [tilespmem:s24+$0xFFFFFC50]  }
0x57f: {  	v13 =	vld [tilespmem:s24+$0xFFFFFC60];
	s26 =	spop (v2sf)  }
0x580: {  	v15 =	vld [tilespmem:s24+$0xFFFFFC70];
	s25 =	sshll.u32 s26, $0xC  }
0x581: {  	v17 =	vld [tilespmem:s24+$0x0];
	s25 =	sshra.s32 s25, $0x2  }
0x582: {  	v62 =	vld [tilespmem:s24+$0x40];
	s25 =	sadd.s32 $0x500, s25  }
0x583: {  	v2 =	vld [tilespmem:s25+$0x70]  }
0x584: {  	v4 =	vld [tilespmem:s25+$0xFFFFFF90]  }
0x585: {  	v6 =	vld [tilespmem:s25+$0xFFFFFFA0]  }
0x586: {  	v8 =	vld [tilespmem:s25+$0xFFFFFFB0]  }
0x587: {  	v10 =	vld [tilespmem:s25+$0xFFFFFFC0]  }
0x588: {  	v12 =	vld [tilespmem:s25+$0xFFFFFFD0]  }
0x589: {  	v14 =	vld [tilespmem:s25+$0xFFFFFFE0]  }
0x58a: {  	v16 =	vld [tilespmem:s25+$0xFFFFFFF0]  }
0x58b: {  	v61 =	vld [tilespmem:s25+$0x30];
	v1 =	vadd.f32 v2, v1  }
0x58c: {  	v2 =	vld [tilespmem:s25+$0x0];
	v3 =	vadd.f32 v4, v3  }
0x58d: {  	v4 =	vld [tilespmem:s24+$0x10];
	[tilespmem:s24+$0x70] =	vst v1;
	v1 =	vadd.f32 v6, v5  }
0x58e: {  	v5 =	vld [tilespmem:s25+$0x10];
	[tilespmem:s24+$0xFFFFFC10] =	vst v3;
	v3 =	vadd.f32 v8, v7  }
0x58f: {  	v6 =	vld [tilespmem:s24+$0x20];
	[tilespmem:s24+$0xFFFFFC20] =	vst v1;
	v1 =	vadd.f32 v10, v9  }
0x590: {  	v7 =	vld [tilespmem:s25+$0x20];
	[tilespmem:s24+$0xFFFFFC30] =	vst v3;
	v3 =	vadd.f32 v12, v11  }
0x591: {  	v8 =	vld [tilespmem:s24+$0x30];
	v2 =	vadd.f32 v2, v17;
	[tilespmem:s24+$0xFFFFFC40] =	vst v1  }
0x592: {  	v0 =	vld [tilespmem:s25+$0xFFFFFF80];
	v1 =	vadd.f32 v14, v13;
	[tilespmem:s24+$0xFFFFFC50] =	vst v3  }
0x593: {  	v63 =	vld [tilespmem:s25+$0x40];
	v3 =	vadd.f32 v16, v15;
	[tilespmem:s24+$0x0] =	vst v2  }
0x594: {  	v4 =	vadd.f32 v5, v4;
	[tilespmem:s24+$0xFFFFFC60] =	vst v1;
	v1 =	vld [tilespmem:s24+$0x50]  }
0x595: {  	v5 =	vadd.f32 v7, v6;
	[tilespmem:s24+$0xFFFFFC70] =	vst v3;
	v3 =	vld [tilespmem:s25+$0x50]  }
0x596: {  	v6 =	vadd.f32 v61, v8;
	v2 =	vld [tilespmem:s24+$0x60];
	[tilespmem:s24+$0x10] =	vst v4  }
0x597: {  	[tilespmem:s24+$0x20] =	vst v5;
	v5 =	vld [tilespmem:s25+$0x60]  }
0x598: {  	s28 =	sadd.s32 $0x800, s24;
	s26 =	simm.s32 $0x0;
	v4 =	vld [tilespmem:s24+$0xFFFFFC00];
	[tilespmem:s24+$0x30] =	vst v6;
	v6 =	vadd.f32 v63, v62  }
.LBB2_63:
0x599: {  	v7 =	vld [tilespmem:s28+$0x70];
	s25 =	sadd.s32 $0x100, s25  }
0x59a: {  	s26 =	sadd.s32 $0x10, s26;
	v8 =	vld [tilespmem:s25+$0x70];
	[tilespmem:s24+$0x40] =	vst v6;
	v1 =	vadd.f32 v3, v1  }
0x59b: {  	p0 =	slt.u32 s26, $0x30;
	v3 =	vld [tilespmem:s25+$0xFFFFFF80]  }
0x59c: {  	v6 =	vld [tilespmem:s28+$0xFFFFFC10];
	[tilespmem:s24+$0x50] =	vst v1;
	v1 =	vadd.f32 v5, v2  }
0x59d: {  	v2 =	vld [tilespmem:s25+$0xFFFFFF90];
	v9 =	vadd.f32 v0, v4  }
0x59e: {  	v4 =	vld [tilespmem:s28+$0xFFFFFC20];
	[tilespmem:s24+$0x60] =	vst v1  }
0x59f: {  	v1 =	vld [tilespmem:s25+$0xFFFFFFA0];
	v5 =	vadd.f32 v8, v7;
	[tilespmem:s24+$0xFFFFFC00] =	vst v9;
	s24 =	smov.u32 s28  }
0x5a0: {  	v7 =	vld [tilespmem:s28+$0xFFFFFC30];
	v0 =	vmov v3  }
0x5a1: {  	v3 =	vld [tilespmem:s25+$0xFFFFFFB0];
	[tilespmem:s28+$0x70] =	vst v5  }
0x5a2: {  	v2 =	vadd.f32 v2, v6;
	v5 =	vld [tilespmem:s28+$0xFFFFFC40]  }
0x5a3: {  	v6 =	vld [tilespmem:s25+$0xFFFFFFC0]  }
0x5a4: {  	[tilespmem:s28+$0xFFFFFC10] =	vst v2;
	v1 =	vadd.f32 v1, v4;
	v2 =	vld [tilespmem:s28+$0xFFFFFC50]  }
0x5a5: {  	v4 =	vld [tilespmem:s25+$0xFFFFFFD0]  }
0x5a6: {  	[tilespmem:s28+$0xFFFFFC20] =	vst v1;
	v1 =	vadd.f32 v3, v7;
	v3 =	vld [tilespmem:s28+$0xFFFFFC60]  }
0x5a7: {  	v7 =	vld [tilespmem:s25+$0xFFFFFFE0]  }
0x5a8: {  	[tilespmem:s28+$0xFFFFFC30] =	vst v1;
	v1 =	vadd.f32 v6, v5;
	v5 =	vld [tilespmem:s28+$0xFFFFFC70]  }
0x5a9: {  	v6 =	vld [tilespmem:s25+$0xFFFFFFF0]  }
0x5aa: {  	[tilespmem:s28+$0xFFFFFC40] =	vst v1;
	v1 =	vadd.f32 v4, v2;
	v2 =	vld [tilespmem:s28+$0x0]  }
0x5ab: {  	v4 =	vld [tilespmem:s25+$0x0]  }
0x5ac: {  	[tilespmem:s28+$0xFFFFFC50] =	vst v1;
	v1 =	vadd.f32 v7, v3;
	v3 =	vld [tilespmem:s28+$0x10]  }
0x5ad: {  	v7 =	vld [tilespmem:s25+$0x10]  }
0x5ae: {  	[tilespmem:s28+$0xFFFFFC60] =	vst v1;
	v1 =	vadd.f32 v6, v5;
	v5 =	vld [tilespmem:s28+$0x20]  }
0x5af: {  	v6 =	vld [tilespmem:s25+$0x20]  }
0x5b0: {  	[tilespmem:s28+$0xFFFFFC70] =	vst v1;
	v1 =	vadd.f32 v4, v2;
	v2 =	vld [tilespmem:s28+$0x30]  }
0x5b1: {  	v4 =	vld [tilespmem:s25+$0x30]  }
0x5b2: {  	[tilespmem:s28+$0x0] =	vst v1;
	v1 =	vadd.f32 v7, v3;
	v7 =	vld [tilespmem:s28+$0x40]  }
0x5b3: {  	v8 =	vld [tilespmem:s25+$0x40]  }
.Ltmp30:
0x5b4: {  	[tilespmem:s28+$0x10] =	vst v1;
	v5 =	vadd.f32 v6, v5;
	v1 =	vld [tilespmem:s28+$0x50];
	(pc) =	sbr.rel @p0 .LBB2_63-.Ltmp30, $4  }
0x5b5: {  	v3 =	vld [tilespmem:s25+$0x50]  }
0x5b6: {  	[tilespmem:s28+$0x20] =	vst v5;
	v6 =	vadd.f32 v4, v2;
	v2 =	vld [tilespmem:s28+$0x60]  }
0x5b7: {  	v5 =	vld [tilespmem:s25+$0x60]  }
0x5b8: {  	s28 =	sadd.s32 $0x800, s28;
	v4 =	vld [tilespmem:s24+$0xFFFFFC00];
	[tilespmem:s24+$0x30] =	vst v6;
	v6 =	vadd.f32 v8, v7  }
0x5b9: {  	s23 =	sadd.s32 $0x1, s23  }
0x5ba: {  	p0 =	sne.s32 s23, $0x20  }
.Ltmp31:
0x5bb: {  	v1 =	vadd.f32 v3, v1;
	(pc) =	sbr.rel @p0 .LBB2_62-.Ltmp31, $4  }
0x5bc: {  	[tilespmem:s24+$0x40] =	vst v6;
	v2 =	vadd.f32 v5, v2  }
0x5bd: {  	[tilespmem:s24+$0x50] =	vst v1;
	v0 =	vadd.f32 v0, v4  }
0x5be: {  	[tilespmem:s24+$0x60] =	vst v2  }
0x5bf: {  	s22 =	sadd.s32 $0x400, s22;
	s21 =	sadd.s32 $0x1, s21;
	[tilespmem:s24+$0xFFFFFC00] =	vst v0  }
0x5c0: {  	s22 =	sld [smem:$0x7E3];
	_ =	sdelay $0x1  }
0x5c1: {  	s21 =	simm.s32 $0x0  }
0x5c2: {  	[hbm4b:s22+s21] =	stream.linear.scatter [tilespmem:s9], [sflag:$0x4], $0x8000, $0x38;
	[tilespmem:$0x1C480] =	vst v63  }
0x5c3: {  	_ =	swait.ge [sflag:s15], $0x8000  }
0x5c4: {  	s28 =	sld [smem:$0x7E8]  }
0x5c5: {  	[sflag:s15] =	ssyncset.done $0x0  }
0x5c6: {  	[sflag:s15] =	ssyncadd.s32 $0xFFFF8000  }
0x5c7: {  	[tilespmem:s9], [sflag:$0x1] =	stream.linear.gather [hbm4b:s28+s21], $0x8000, $0x38;
	[tilespmem:$0x1C480] =	vst v63  }
0x5c8: {  	_ =	swait.ge [sflag:s16], $0x8000  }
0x5c9: {  	[sflag:s16] =	ssyncset.done $0x0  }
0x5ca: {  	s23 =	simm.s32 $0x0;
	s22 =	simm.s32 $0x0;
	[sflag:s16] =	ssyncadd.s32 $0xFFFF8000  }
.LBB2_66:
0x5cb: {  	v0 =	vld [tilespmem:s23+$0x200];
	_ =	sdelay $0x4  }
0x5cc: {  	(v2sf) =	vpush v0, $0x0;
	_ =	sdelay $0x3  }
0x5cd: {  	s24 =	sshll.u32 s22, $0x2;
	s25 =	sand.u32 $0x7, s21  }
0x5ce: {  	s24 =	sand.u32 $0xFFFF8000, s24;
	s25 =	sshll.u32 s25, $0x9  }
0x5cf: {  	s24 =	sor.u32 s25, s24  }
0x5d0: {  	s24 =	sshrl.u32 s24, $0x2  }
0x5d1: {  	s24 =	sadd.s32 $0xC880, s24  }
0x5d2: {  	v1 =	vld [tilespmem:s24+$0x70]  }
0x5d3: {  	v3 =	vld [tilespmem:s24+$0xFFFFFC10]  }
0x5d4: {  	v5 =	vld [tilespmem:s24+$0xFFFFFC20]  }
0x5d5: {  	v7 =	vld [tilespmem:s24+$0xFFFFFC30]  }
0x5d6: {  	v9 =	vld [tilespmem:s24+$0xFFFFFC40]  }
0x5d7: {  	v11 =	vld [tilespmem:s24+$0xFFFFFC50]  }
0x5d8: {  	v13 =	vld [tilespmem:s24+$0xFFFFFC60];
	s26 =	spop (v2sf)  }
0x5d9: {  	v15 =	vld [tilespmem:s24+$0xFFFFFC70];
	s25 =	sshll.u32 s26, $0xC  }
0x5da: {  	v17 =	vld [tilespmem:s24+$0x0];
	s25 =	sshra.s32 s25, $0x2  }
0x5db: {  	v62 =	vld [tilespmem:s24+$0x40];
	s25 =	sadd.s32 $0x500, s25  }
0x5dc: {  	v2 =	vld [tilespmem:s25+$0x70]  }
0x5dd: {  	v4 =	vld [tilespmem:s25+$0xFFFFFF90]  }
0x5de: {  	v6 =	vld [tilespmem:s25+$0xFFFFFFA0]  }
0x5df: {  	v8 =	vld [tilespmem:s25+$0xFFFFFFB0]  }
0x5e0: {  	v10 =	vld [tilespmem:s25+$0xFFFFFFC0]  }
0x5e1: {  	v12 =	vld [tilespmem:s25+$0xFFFFFFD0]  }
0x5e2: {  	v14 =	vld [tilespmem:s25+$0xFFFFFFE0]  }
0x5e3: {  	v16 =	vld [tilespmem:s25+$0xFFFFFFF0]  }
0x5e4: {  	v61 =	vld [tilespmem:s25+$0x30];
	v1 =	vadd.f32 v2, v1  }
0x5e5: {  	v2 =	vld [tilespmem:s25+$0x0];
	v3 =	vadd.f32 v4, v3  }
0x5e6: {  	v4 =	vld [tilespmem:s24+$0x10];
	[tilespmem:s24+$0x70] =	vst v1;
	v1 =	vadd.f32 v6, v5  }
0x5e7: {  	v5 =	vld [tilespmem:s25+$0x10];
	[tilespmem:s24+$0xFFFFFC10] =	vst v3;
	v3 =	vadd.f32 v8, v7  }
0x5e8: {  	v6 =	vld [tilespmem:s24+$0x20];
	[tilespmem:s24+$0xFFFFFC20] =	vst v1;
	v1 =	vadd.f32 v10, v9  }
0x5e9: {  	v7 =	vld [tilespmem:s25+$0x20];
	[tilespmem:s24+$0xFFFFFC30] =	vst v3;
	v3 =	vadd.f32 v12, v11  }
0x5ea: {  	v8 =	vld [tilespmem:s24+$0x30];
	v2 =	vadd.f32 v2, v17;
	[tilespmem:s24+$0xFFFFFC40] =	vst v1  }
0x5eb: {  	v0 =	vld [tilespmem:s25+$0xFFFFFF80];
	v1 =	vadd.f32 v14, v13;
	[tilespmem:s24+$0xFFFFFC50] =	vst v3  }
0x5ec: {  	v63 =	vld [tilespmem:s25+$0x40];
	v3 =	vadd.f32 v16, v15;
	[tilespmem:s24+$0x0] =	vst v2  }
0x5ed: {  	v4 =	vadd.f32 v5, v4;
	[tilespmem:s24+$0xFFFFFC60] =	vst v1;
	v1 =	vld [tilespmem:s24+$0x50]  }
0x5ee: {  	v5 =	vadd.f32 v7, v6;
	[tilespmem:s24+$0xFFFFFC70] =	vst v3;
	v3 =	vld [tilespmem:s25+$0x50]  }
0x5ef: {  	v6 =	vadd.f32 v61, v8;
	v2 =	vld [tilespmem:s24+$0x60];
	[tilespmem:s24+$0x10] =	vst v4  }
0x5f0: {  	[tilespmem:s24+$0x20] =	vst v5;
	v5 =	vld [tilespmem:s25+$0x60]  }
0x5f1: {  	s28 =	sadd.s32 $0x800, s24;
	s26 =	simm.s32 $0x0;
	v4 =	vld [tilespmem:s24+$0xFFFFFC00];
	[tilespmem:s24+$0x30] =	vst v6;
	v6 =	vadd.f32 v63, v62  }
.LBB2_67:
0x5f2: {  	v7 =	vld [tilespmem:s28+$0x70];
	s25 =	sadd.s32 $0x100, s25  }
0x5f3: {  	s26 =	sadd.s32 $0x10, s26;
	v8 =	vld [tilespmem:s25+$0x70];
	[tilespmem:s24+$0x40] =	vst v6;
	v1 =	vadd.f32 v3, v1  }
0x5f4: {  	p0 =	slt.u32 s26, $0x30;
	v3 =	vld [tilespmem:s25+$0xFFFFFF80]  }
0x5f5: {  	v6 =	vld [tilespmem:s28+$0xFFFFFC10];
	[tilespmem:s24+$0x50] =	vst v1;
	v1 =	vadd.f32 v5, v2  }
0x5f6: {  	v2 =	vld [tilespmem:s25+$0xFFFFFF90];
	v9 =	vadd.f32 v0, v4  }
0x5f7: {  	v4 =	vld [tilespmem:s28+$0xFFFFFC20];
	[tilespmem:s24+$0x60] =	vst v1  }
0x5f8: {  	v1 =	vld [tilespmem:s25+$0xFFFFFFA0];
	v5 =	vadd.f32 v8, v7;
	[tilespmem:s24+$0xFFFFFC00] =	vst v9;
	s24 =	smov.u32 s28  }
0x5f9: {  	v7 =	vld [tilespmem:s28+$0xFFFFFC30];
	v0 =	vmov v3  }
0x5fa: {  	v3 =	vld [tilespmem:s25+$0xFFFFFFB0];
	[tilespmem:s28+$0x70] =	vst v5  }
0x5fb: {  	v2 =	vadd.f32 v2, v6;
	v5 =	vld [tilespmem:s28+$0xFFFFFC40]  }
0x5fc: {  	v6 =	vld [tilespmem:s25+$0xFFFFFFC0]  }
0x5fd: {  	[tilespmem:s28+$0xFFFFFC10] =	vst v2;
	v1 =	vadd.f32 v1, v4;
	v2 =	vld [tilespmem:s28+$0xFFFFFC50]  }
0x5fe: {  	v4 =	vld [tilespmem:s25+$0xFFFFFFD0]  }
0x5ff: {  	[tilespmem:s28+$0xFFFFFC20] =	vst v1;
	v1 =	vadd.f32 v3, v7;
	v3 =	vld [tilespmem:s28+$0xFFFFFC60]  }
0x600: {  	v7 =	vld [tilespmem:s25+$0xFFFFFFE0]  }
0x601: {  	[tilespmem:s28+$0xFFFFFC30] =	vst v1;
	v1 =	vadd.f32 v6, v5;
	v5 =	vld [tilespmem:s28+$0xFFFFFC70]  }
0x602: {  	v6 =	vld [tilespmem:s25+$0xFFFFFFF0]  }
0x603: {  	[tilespmem:s28+$0xFFFFFC40] =	vst v1;
	v1 =	vadd.f32 v4, v2;
	v2 =	vld [tilespmem:s28+$0x0]  }
0x604: {  	v4 =	vld [tilespmem:s25+$0x0]  }
0x605: {  	[tilespmem:s28+$0xFFFFFC50] =	vst v1;
	v1 =	vadd.f32 v7, v3;
	v3 =	vld [tilespmem:s28+$0x10]  }
0x606: {  	v7 =	vld [tilespmem:s25+$0x10]  }
0x607: {  	[tilespmem:s28+$0xFFFFFC60] =	vst v1;
	v1 =	vadd.f32 v6, v5;
	v5 =	vld [tilespmem:s28+$0x20]  }
0x608: {  	v6 =	vld [tilespmem:s25+$0x20]  }
0x609: {  	[tilespmem:s28+$0xFFFFFC70] =	vst v1;
	v1 =	vadd.f32 v4, v2;
	v2 =	vld [tilespmem:s28+$0x30]  }
0x60a: {  	v4 =	vld [tilespmem:s25+$0x30]  }
0x60b: {  	[tilespmem:s28+$0x0] =	vst v1;
	v1 =	vadd.f32 v7, v3;
	v7 =	vld [tilespmem:s28+$0x40]  }
0x60c: {  	v8 =	vld [tilespmem:s25+$0x40]  }
.Ltmp32:
0x60d: {  	[tilespmem:s28+$0x10] =	vst v1;
	v5 =	vadd.f32 v6, v5;
	v1 =	vld [tilespmem:s28+$0x50];
	(pc) =	sbr.rel @p0 .LBB2_67-.Ltmp32, $4  }
0x60e: {  	v3 =	vld [tilespmem:s25+$0x50]  }
0x60f: {  	[tilespmem:s28+$0x20] =	vst v5;
	v6 =	vadd.f32 v4, v2;
	v2 =	vld [tilespmem:s28+$0x60]  }
0x610: {  	v5 =	vld [tilespmem:s25+$0x60]  }
0x611: {  	s28 =	sadd.s32 $0x800, s28;
	v4 =	vld [tilespmem:s24+$0xFFFFFC00];
	[tilespmem:s24+$0x30] =	vst v6;
	v6 =	vadd.f32 v8, v7  }
0x612: {  	s23 =	sadd.s32 $0x1, s23  }
0x613: {  	p0 =	sne.s32 s23, $0x20  }
.Ltmp33:
0x614: {  	v1 =	vadd.f32 v3, v1;
	(pc) =	sbr.rel @p0 .LBB2_66-.Ltmp33, $4  }
0x615: {  	[tilespmem:s24+$0x40] =	vst v6;
	v2 =	vadd.f32 v5, v2  }
0x616: {  	[tilespmem:s24+$0x50] =	vst v1;
	v0 =	vadd.f32 v0, v4  }
0x617: {  	[tilespmem:s24+$0x60] =	vst v2  }
0x618: {  	s22 =	sadd.s32 $0x400, s22;
	s21 =	sadd.s32 $0x1, s21;
	[tilespmem:s24+$0xFFFFFC00] =	vst v0  }
0x619: {  	s22 =	sld [smem:$0x7E5];
	_ =	sdelay $0x1  }
0x61a: {  	s21 =	simm.s32 $0x0  }
0x61b: {  	[hbm4b:s22+s21] =	stream.linear.scatter [tilespmem:s10], [sflag:$0x5], $0x8000, $0x38;
	[tilespmem:$0x1C480] =	vst v63  }
0x61c: {  	_ =	swait.ge [sflag:s17], $0x8000  }
0x61d: {  	s28 =	sld [smem:$0x7EA]  }
0x61e: {  	[sflag:s17] =	ssyncset.done $0x0  }
0x61f: {  	[sflag:s17] =	ssyncadd.s32 $0xFFFF8000  }
0x620: {  	[tilespmem:s10], [sflag:$0x2] =	stream.linear.gather [hbm4b:s28+s21], $0x8000, $0x38;
	[tilespmem:$0x1C480] =	vst v63  }
0x621: {  	_ =	swait.ge [sflag:s18], $0x8000  }
0x622: {  	[sflag:s18] =	ssyncset.done $0x0  }
0x623: {  	s23 =	simm.s32 $0x0;
	s22 =	simm.s32 $0x0;
	[sflag:s18] =	ssyncadd.s32 $0xFFFF8000  }
.LBB2_70:
0x624: {  	v0 =	vld [tilespmem:s23+$0x220];
	_ =	sdelay $0x4  }
0x625: {  	(v2sf) =	vpush v0, $0x0;
	_ =	sdelay $0x3  }
0x626: {  	s24 =	sshll.u32 s22, $0x2;
	s25 =	sand.u32 $0x7, s21  }
0x627: {  	s24 =	sand.u32 $0xFFFF8000, s24;
	s25 =	sshll.u32 s25, $0x9  }
0x628: {  	s24 =	sor.u32 s25, s24  }
0x629: {  	s24 =	sshrl.u32 s24, $0x2  }
0x62a: {  	s24 =	sadd.s32 $0x14880, s24  }
0x62b: {  	v1 =	vld [tilespmem:s24+$0x70]  }
0x62c: {  	v3 =	vld [tilespmem:s24+$0xFFFFFC10]  }
0x62d: {  	v5 =	vld [tilespmem:s24+$0xFFFFFC20]  }
0x62e: {  	v7 =	vld [tilespmem:s24+$0xFFFFFC30]  }
0x62f: {  	v9 =	vld [tilespmem:s24+$0xFFFFFC40]  }
0x630: {  	v11 =	vld [tilespmem:s24+$0xFFFFFC50]  }
0x631: {  	v13 =	vld [tilespmem:s24+$0xFFFFFC60];
	s26 =	spop (v2sf)  }
0x632: {  	v15 =	vld [tilespmem:s24+$0xFFFFFC70];
	s25 =	sshll.u32 s26, $0xC  }
0x633: {  	v17 =	vld [tilespmem:s24+$0x0];
	s25 =	sshra.s32 s25, $0x2  }
0x634: {  	v62 =	vld [tilespmem:s24+$0x40];
	s25 =	sadd.s32 $0x500, s25  }
0x635: {  	v2 =	vld [tilespmem:s25+$0x70]  }
0x636: {  	v4 =	vld [tilespmem:s25+$0xFFFFFF90]  }
0x637: {  	v6 =	vld [tilespmem:s25+$0xFFFFFFA0]  }
0x638: {  	v8 =	vld [tilespmem:s25+$0xFFFFFFB0]  }
0x639: {  	v10 =	vld [tilespmem:s25+$0xFFFFFFC0]  }
0x63a: {  	v12 =	vld [tilespmem:s25+$0xFFFFFFD0]  }
0x63b: {  	v14 =	vld [tilespmem:s25+$0xFFFFFFE0]  }
0x63c: {  	v16 =	vld [tilespmem:s25+$0xFFFFFFF0]  }
0x63d: {  	v61 =	vld [tilespmem:s25+$0x30];
	v1 =	vadd.f32 v2, v1  }
0x63e: {  	v2 =	vld [tilespmem:s25+$0x0];
	v3 =	vadd.f32 v4, v3  }
0x63f: {  	v4 =	vld [tilespmem:s24+$0x10];
	[tilespmem:s24+$0x70] =	vst v1;
	v1 =	vadd.f32 v6, v5  }
0x640: {  	v5 =	vld [tilespmem:s25+$0x10];
	[tilespmem:s24+$0xFFFFFC10] =	vst v3;
	v3 =	vadd.f32 v8, v7  }
0x641: {  	v6 =	vld [tilespmem:s24+$0x20];
	[tilespmem:s24+$0xFFFFFC20] =	vst v1;
	v1 =	vadd.f32 v10, v9  }
0x642: {  	v7 =	vld [tilespmem:s25+$0x20];
	[tilespmem:s24+$0xFFFFFC30] =	vst v3;
	v3 =	vadd.f32 v12, v11  }
0x643: {  	v8 =	vld [tilespmem:s24+$0x30];
	v2 =	vadd.f32 v2, v17;
	[tilespmem:s24+$0xFFFFFC40] =	vst v1  }
0x644: {  	v0 =	vld [tilespmem:s25+$0xFFFFFF80];
	v1 =	vadd.f32 v14, v13;
	[tilespmem:s24+$0xFFFFFC50] =	vst v3  }
0x645: {  	v63 =	vld [tilespmem:s25+$0x40];
	v3 =	vadd.f32 v16, v15;
	[tilespmem:s24+$0x0] =	vst v2  }
0x646: {  	v4 =	vadd.f32 v5, v4;
	[tilespmem:s24+$0xFFFFFC60] =	vst v1;
	v1 =	vld [tilespmem:s24+$0x50]  }
0x647: {  	v5 =	vadd.f32 v7, v6;
	[tilespmem:s24+$0xFFFFFC70] =	vst v3;
	v3 =	vld [tilespmem:s25+$0x50]  }
0x648: {  	v6 =	vadd.f32 v61, v8;
	v2 =	vld [tilespmem:s24+$0x60];
	[tilespmem:s24+$0x10] =	vst v4  }
0x649: {  	[tilespmem:s24+$0x20] =	vst v5;
	v5 =	vld [tilespmem:s25+$0x60]  }
0x64a: {  	s28 =	sadd.s32 $0x800, s24;
	s26 =	simm.s32 $0x0;
	v4 =	vld [tilespmem:s24+$0xFFFFFC00];
	[tilespmem:s24+$0x30] =	vst v6;
	v6 =	vadd.f32 v63, v62  }
.LBB2_71:
0x64b: {  	v7 =	vld [tilespmem:s28+$0x70];
	s25 =	sadd.s32 $0x100, s25  }
0x64c: {  	s26 =	sadd.s32 $0x10, s26;
	v8 =	vld [tilespmem:s25+$0x70];
	[tilespmem:s24+$0x40] =	vst v6;
	v1 =	vadd.f32 v3, v1  }
0x64d: {  	p0 =	slt.u32 s26, $0x30;
	v3 =	vld [tilespmem:s25+$0xFFFFFF80]  }
0x64e: {  	v6 =	vld [tilespmem:s28+$0xFFFFFC10];
	[tilespmem:s24+$0x50] =	vst v1;
	v1 =	vadd.f32 v5, v2  }
0x64f: {  	v2 =	vld [tilespmem:s25+$0xFFFFFF90];
	v9 =	vadd.f32 v0, v4  }
0x650: {  	v4 =	vld [tilespmem:s28+$0xFFFFFC20];
	[tilespmem:s24+$0x60] =	vst v1  }
0x651: {  	v1 =	vld [tilespmem:s25+$0xFFFFFFA0];
	v5 =	vadd.f32 v8, v7;
	[tilespmem:s24+$0xFFFFFC00] =	vst v9;
	s24 =	smov.u32 s28  }
0x652: {  	v7 =	vld [tilespmem:s28+$0xFFFFFC30];
	v0 =	vmov v3  }
0x653: {  	v3 =	vld [tilespmem:s25+$0xFFFFFFB0];
	[tilespmem:s28+$0x70] =	vst v5  }
0x654: {  	v2 =	vadd.f32 v2, v6;
	v5 =	vld [tilespmem:s28+$0xFFFFFC40]  }
0x655: {  	v6 =	vld [tilespmem:s25+$0xFFFFFFC0]  }
0x656: {  	[tilespmem:s28+$0xFFFFFC10] =	vst v2;
	v1 =	vadd.f32 v1, v4;
	v2 =	vld [tilespmem:s28+$0xFFFFFC50]  }
0x657: {  	v4 =	vld [tilespmem:s25+$0xFFFFFFD0]  }
0x658: {  	[tilespmem:s28+$0xFFFFFC20] =	vst v1;
	v1 =	vadd.f32 v3, v7;
	v3 =	vld [tilespmem:s28+$0xFFFFFC60]  }
0x659: {  	v7 =	vld [tilespmem:s25+$0xFFFFFFE0]  }
0x65a: {  	[tilespmem:s28+$0xFFFFFC30] =	vst v1;
	v1 =	vadd.f32 v6, v5;
	v5 =	vld [tilespmem:s28+$0xFFFFFC70]  }
0x65b: {  	v6 =	vld [tilespmem:s25+$0xFFFFFFF0]  }
0x65c: {  	[tilespmem:s28+$0xFFFFFC40] =	vst v1;
	v1 =	vadd.f32 v4, v2;
	v2 =	vld [tilespmem:s28+$0x0]  }
0x65d: {  	v4 =	vld [tilespmem:s25+$0x0]  }
0x65e: {  	[tilespmem:s28+$0xFFFFFC50] =	vst v1;
	v1 =	vadd.f32 v7, v3;
	v3 =	vld [tilespmem:s28+$0x10]  }
0x65f: {  	v7 =	vld [tilespmem:s25+$0x10]  }
0x660: {  	[tilespmem:s28+$0xFFFFFC60] =	vst v1;
	v1 =	vadd.f32 v6, v5;
	v5 =	vld [tilespmem:s28+$0x20]  }
0x661: {  	v6 =	vld [tilespmem:s25+$0x20]  }
0x662: {  	[tilespmem:s28+$0xFFFFFC70] =	vst v1;
	v1 =	vadd.f32 v4, v2;
	v2 =	vld [tilespmem:s28+$0x30]  }
0x663: {  	v4 =	vld [tilespmem:s25+$0x30]  }
0x664: {  	[tilespmem:s28+$0x0] =	vst v1;
	v1 =	vadd.f32 v7, v3;
	v7 =	vld [tilespmem:s28+$0x40]  }
0x665: {  	v8 =	vld [tilespmem:s25+$0x40]  }
.Ltmp34:
0x666: {  	[tilespmem:s28+$0x10] =	vst v1;
	v5 =	vadd.f32 v6, v5;
	v1 =	vld [tilespmem:s28+$0x50];
	(pc) =	sbr.rel @p0 .LBB2_71-.Ltmp34, $4  }
0x667: {  	v3 =	vld [tilespmem:s25+$0x50]  }
0x668: {  	[tilespmem:s28+$0x20] =	vst v5;
	v6 =	vadd.f32 v4, v2;
	v2 =	vld [tilespmem:s28+$0x60]  }
0x669: {  	v5 =	vld [tilespmem:s25+$0x60]  }
0x66a: {  	s28 =	sadd.s32 $0x800, s28;
	v4 =	vld [tilespmem:s24+$0xFFFFFC00];
	[tilespmem:s24+$0x30] =	vst v6;
	v6 =	vadd.f32 v8, v7  }
0x66b: {  	s23 =	sadd.s32 $0x1, s23  }
0x66c: {  	p0 =	sne.s32 s23, $0x20  }
.Ltmp35:
0x66d: {  	v1 =	vadd.f32 v3, v1;
	(pc) =	sbr.rel @p0 .LBB2_70-.Ltmp35, $4  }
0x66e: {  	[tilespmem:s24+$0x40] =	vst v6;
	v2 =	vadd.f32 v5, v2  }
0x66f: {  	[tilespmem:s24+$0x50] =	vst v1;
	v0 =	vadd.f32 v0, v4  }
0x670: {  	[tilespmem:s24+$0x60] =	vst v2  }
0x671: {  	s22 =	sadd.s32 $0x400, s22;
	s21 =	sadd.s32 $0x1, s21;
	[tilespmem:s24+$0xFFFFFC00] =	vst v0  }
0x672: {  	s22 =	sld [smem:$0x7E7];
	_ =	sdelay $0x1  }
0x673: {  	s21 =	simm.s32 $0x0  }
0x674: {  	[hbm4b:s22+s21] =	stream.linear.scatter [tilespmem:s11], [sflag:$0x6], $0x8000, $0x38;
	[tilespmem:$0x1C480] =	vst v63  }
0x675: {  	_ =	swait.ge [sflag:s19], $0x8000  }
0x676: {  	s28 =	sld [smem:$0x7EC]  }
0x677: {  	[sflag:s19] =	ssyncset.done $0x0  }
0x678: {  	[sflag:s19] =	ssyncadd.s32 $0xFFFF8000  }
0x679: {  	[tilespmem:s11], [sflag:$0x3] =	stream.linear.gather [hbm4b:s28+s21], $0x8000, $0x38;
	[tilespmem:$0x1C480] =	vst v63  }
0x67a: {  	_ =	swait.ge [sflag:s14], $0x8000  }
0x67b: {  	[sflag:s14] =	ssyncset.done $0x0  }
0x67c: {  	s23 =	simm.s32 $0x0;
	s22 =	simm.s32 $0x0;
	[sflag:s14] =	ssyncadd.s32 $0xFFFF8000  }
.LBB2_74:
0x67d: {  	v0 =	vld [tilespmem:s23+$0x240];
	_ =	sdelay $0x4  }
0x67e: {  	(v2sf) =	vpush v0, $0x0;
	_ =	sdelay $0x3  }
0x67f: {  	s24 =	sshll.u32 s22, $0x2;
	s25 =	sand.u32 $0x7, s21  }
0x680: {  	s24 =	sand.u32 $0xFFFF8000, s24;
	s25 =	sshll.u32 s25, $0x9  }
0x681: {  	s24 =	sor.u32 s25, s24  }
0x682: {  	s24 =	sshrl.u32 s24, $0x2  }
0x683: {  	s24 =	sadd.s32 $0x4880, s24  }
0x684: {  	v1 =	vld [tilespmem:s24+$0x70]  }
0x685: {  	v3 =	vld [tilespmem:s24+$0xFFFFFC10]  }
0x686: {  	v5 =	vld [tilespmem:s24+$0xFFFFFC20]  }
0x687: {  	v7 =	vld [tilespmem:s24+$0xFFFFFC30]  }
0x688: {  	v9 =	vld [tilespmem:s24+$0xFFFFFC40]  }
0x689: {  	v11 =	vld [tilespmem:s24+$0xFFFFFC50]  }
0x68a: {  	v13 =	vld [tilespmem:s24+$0xFFFFFC60];
	s26 =	spop (v2sf)  }
0x68b: {  	v15 =	vld [tilespmem:s24+$0xFFFFFC70];
	s25 =	sshll.u32 s26, $0xC  }
0x68c: {  	v17 =	vld [tilespmem:s24+$0x0];
	s25 =	sshra.s32 s25, $0x2  }
0x68d: {  	v62 =	vld [tilespmem:s24+$0x40];
	s25 =	sadd.s32 $0x500, s25  }
0x68e: {  	v2 =	vld [tilespmem:s25+$0x70]  }
0x68f: {  	v4 =	vld [tilespmem:s25+$0xFFFFFF90]  }
0x690: {  	v6 =	vld [tilespmem:s25+$0xFFFFFFA0]  }
0x691: {  	v8 =	vld [tilespmem:s25+$0xFFFFFFB0]  }
0x692: {  	v10 =	vld [tilespmem:s25+$0xFFFFFFC0]  }
0x693: {  	v12 =	vld [tilespmem:s25+$0xFFFFFFD0]  }
0x694: {  	v14 =	vld [tilespmem:s25+$0xFFFFFFE0]  }
0x695: {  	v16 =	vld [tilespmem:s25+$0xFFFFFFF0]  }
0x696: {  	v61 =	vld [tilespmem:s25+$0x30];
	v1 =	vadd.f32 v2, v1  }
0x697: {  	v2 =	vld [tilespmem:s25+$0x0];
	v3 =	vadd.f32 v4, v3  }
0x698: {  	v4 =	vld [tilespmem:s24+$0x10];
	[tilespmem:s24+$0x70] =	vst v1;
	v1 =	vadd.f32 v6, v5  }
0x699: {  	v5 =	vld [tilespmem:s25+$0x10];
	[tilespmem:s24+$0xFFFFFC10] =	vst v3;
	v3 =	vadd.f32 v8, v7  }
0x69a: {  	v6 =	vld [tilespmem:s24+$0x20];
	[tilespmem:s24+$0xFFFFFC20] =	vst v1;
	v1 =	vadd.f32 v10, v9  }
0x69b: {  	v7 =	vld [tilespmem:s25+$0x20];
	[tilespmem:s24+$0xFFFFFC30] =	vst v3;
	v3 =	vadd.f32 v12, v11  }
0x69c: {  	v8 =	vld [tilespmem:s24+$0x30];
	v2 =	vadd.f32 v2, v17;
	[tilespmem:s24+$0xFFFFFC40] =	vst v1  }
0x69d: {  	v0 =	vld [tilespmem:s25+$0xFFFFFF80];
	v1 =	vadd.f32 v14, v13;
	[tilespmem:s24+$0xFFFFFC50] =	vst v3  }
0x69e: {  	v63 =	vld [tilespmem:s25+$0x40];
	v3 =	vadd.f32 v16, v15;
	[tilespmem:s24+$0x0] =	vst v2  }
0x69f: {  	v4 =	vadd.f32 v5, v4;
	[tilespmem:s24+$0xFFFFFC60] =	vst v1;
	v1 =	vld [tilespmem:s24+$0x50]  }
0x6a0: {  	v5 =	vadd.f32 v7, v6;
	[tilespmem:s24+$0xFFFFFC70] =	vst v3;
	v3 =	vld [tilespmem:s25+$0x50]  }
0x6a1: {  	v6 =	vadd.f32 v61, v8;
	v2 =	vld [tilespmem:s24+$0x60];
	[tilespmem:s24+$0x10] =	vst v4  }
0x6a2: {  	[tilespmem:s24+$0x20] =	vst v5;
	v5 =	vld [tilespmem:s25+$0x60]  }
0x6a3: {  	s28 =	sadd.s32 $0x800, s24;
	s26 =	simm.s32 $0x0;
	v4 =	vld [tilespmem:s24+$0xFFFFFC00];
	[tilespmem:s24+$0x30] =	vst v6;
	v6 =	vadd.f32 v63, v62  }
.LBB2_75:
0x6a4: {  	v7 =	vld [tilespmem:s28+$0x70];
	s25 =	sadd.s32 $0x100, s25  }
0x6a5: {  	s26 =	sadd.s32 $0x10, s26;
	v8 =	vld [tilespmem:s25+$0x70];
	[tilespmem:s24+$0x40] =	vst v6;
	v1 =	vadd.f32 v3, v1  }
0x6a6: {  	p0 =	slt.u32 s26, $0x30;
	v3 =	vld [tilespmem:s25+$0xFFFFFF80]  }
0x6a7: {  	v6 =	vld [tilespmem:s28+$0xFFFFFC10];
	[tilespmem:s24+$0x50] =	vst v1;
	v1 =	vadd.f32 v5, v2  }
0x6a8: {  	v2 =	vld [tilespmem:s25+$0xFFFFFF90];
	v9 =	vadd.f32 v0, v4  }
0x6a9: {  	v4 =	vld [tilespmem:s28+$0xFFFFFC20];
	[tilespmem:s24+$0x60] =	vst v1  }
0x6aa: {  	v1 =	vld [tilespmem:s25+$0xFFFFFFA0];
	v5 =	vadd.f32 v8, v7;
	[tilespmem:s24+$0xFFFFFC00] =	vst v9;
	s24 =	smov.u32 s28  }
0x6ab: {  	v7 =	vld [tilespmem:s28+$0xFFFFFC30];
	v0 =	vmov v3  }
0x6ac: {  	v3 =	vld [tilespmem:s25+$0xFFFFFFB0];
	[tilespmem:s28+$0x70] =	vst v5  }
0x6ad: {  	v2 =	vadd.f32 v2, v6;
	v5 =	vld [tilespmem:s28+$0xFFFFFC40]  }
0x6ae: {  	v6 =	vld [tilespmem:s25+$0xFFFFFFC0]  }
0x6af: {  	[tilespmem:s28+$0xFFFFFC10] =	vst v2;
	v1 =	vadd.f32 v1, v4;
	v2 =	vld [tilespmem:s28+$0xFFFFFC50]  }
0x6b0: {  	v4 =	vld [tilespmem:s25+$0xFFFFFFD0]  }
0x6b1: {  	[tilespmem:s28+$0xFFFFFC20] =	vst v1;
	v1 =	vadd.f32 v3, v7;
	v3 =	vld [tilespmem:s28+$0xFFFFFC60]  }
0x6b2: {  	v7 =	vld [tilespmem:s25+$0xFFFFFFE0]  }
0x6b3: {  	[tilespmem:s28+$0xFFFFFC30] =	vst v1;
	v1 =	vadd.f32 v6, v5;
	v5 =	vld [tilespmem:s28+$0xFFFFFC70]  }
0x6b4: {  	v6 =	vld [tilespmem:s25+$0xFFFFFFF0]  }
0x6b5: {  	[tilespmem:s28+$0xFFFFFC40] =	vst v1;
	v1 =	vadd.f32 v4, v2;
	v2 =	vld [tilespmem:s28+$0x0]  }
0x6b6: {  	v4 =	vld [tilespmem:s25+$0x0]  }
0x6b7: {  	[tilespmem:s28+$0xFFFFFC50] =	vst v1;
	v1 =	vadd.f32 v7, v3;
	v3 =	vld [tilespmem:s28+$0x10]  }
0x6b8: {  	v7 =	vld [tilespmem:s25+$0x10]  }
0x6b9: {  	[tilespmem:s28+$0xFFFFFC60] =	vst v1;
	v1 =	vadd.f32 v6, v5;
	v5 =	vld [tilespmem:s28+$0x20]  }
0x6ba: {  	v6 =	vld [tilespmem:s25+$0x20]  }
0x6bb: {  	[tilespmem:s28+$0xFFFFFC70] =	vst v1;
	v1 =	vadd.f32 v4, v2;
	v2 =	vld [tilespmem:s28+$0x30]  }
0x6bc: {  	v4 =	vld [tilespmem:s25+$0x30]  }
0x6bd: {  	[tilespmem:s28+$0x0] =	vst v1;
	v1 =	vadd.f32 v7, v3;
	v7 =	vld [tilespmem:s28+$0x40]  }
0x6be: {  	v8 =	vld [tilespmem:s25+$0x40]  }
.Ltmp36:
0x6bf: {  	[tilespmem:s28+$0x10] =	vst v1;
	v5 =	vadd.f32 v6, v5;
	v1 =	vld [tilespmem:s28+$0x50];
	(pc) =	sbr.rel @p0 .LBB2_75-.Ltmp36, $4  }
0x6c0: {  	v3 =	vld [tilespmem:s25+$0x50]  }
0x6c1: {  	[tilespmem:s28+$0x20] =	vst v5;
	v6 =	vadd.f32 v4, v2;
	v2 =	vld [tilespmem:s28+$0x60]  }
0x6c2: {  	v5 =	vld [tilespmem:s25+$0x60]  }
0x6c3: {  	s28 =	sadd.s32 $0x800, s28;
	v4 =	vld [tilespmem:s24+$0xFFFFFC00];
	[tilespmem:s24+$0x30] =	vst v6;
	v6 =	vadd.f32 v8, v7  }
0x6c4: {  	s23 =	sadd.s32 $0x1, s23  }
0x6c5: {  	p0 =	sne.s32 s23, $0x20  }
.Ltmp37:
0x6c6: {  	v1 =	vadd.f32 v3, v1;
	(pc) =	sbr.rel @p0 .LBB2_74-.Ltmp37, $4  }
0x6c7: {  	[tilespmem:s24+$0x40] =	vst v6;
	v2 =	vadd.f32 v5, v2  }
0x6c8: {  	[tilespmem:s24+$0x50] =	vst v1;
	v0 =	vadd.f32 v0, v4  }
0x6c9: {  	[tilespmem:s24+$0x60] =	vst v2  }
0x6ca: {  	s22 =	sadd.s32 $0x400, s22;
	s21 =	sadd.s32 $0x1, s21;
	[tilespmem:s24+$0xFFFFFC00] =	vst v0  }
0x6cb: {  	s22 =	sld [smem:$0x7E9];
	_ =	sdelay $0x1  }
0x6cc: {  	s21 =	simm.s32 $0x0  }
0x6cd: {  	[hbm4b:s22+s21] =	stream.linear.scatter [tilespmem:s9], [sflag:$0x4], $0x8000, $0x38;
	[tilespmem:$0x1C480] =	vst v63  }
0x6ce: {  	_ =	swait.ge [sflag:s15], $0x8000  }
0x6cf: {  	s28 =	sld [smem:$0x7EE]  }
0x6d0: {  	[sflag:s15] =	ssyncset.done $0x0  }
0x6d1: {  	[sflag:s15] =	ssyncadd.s32 $0xFFFF8000  }
0x6d2: {  	[tilespmem:s9], [sflag:$0x1] =	stream.linear.gather [hbm4b:s28+s21], $0x8000, $0x38;
	[tilespmem:$0x1C480] =	vst v63  }
0x6d3: {  	_ =	swait.ge [sflag:s16], $0x8000  }
0x6d4: {  	[sflag:s16] =	ssyncset.done $0x0  }
0x6d5: {  	s23 =	simm.s32 $0x0;
	s22 =	simm.s32 $0x0;
	[sflag:s16] =	ssyncadd.s32 $0xFFFF8000  }
.LBB2_78:
0x6d6: {  	v0 =	vld [tilespmem:s23+$0x260];
	_ =	sdelay $0x4  }
0x6d7: {  	(v2sf) =	vpush v0, $0x0;
	_ =	sdelay $0x3  }
0x6d8: {  	s24 =	sshll.u32 s22, $0x2;
	s25 =	sand.u32 $0x7, s21  }
0x6d9: {  	s24 =	sand.u32 $0xFFFF8000, s24;
	s25 =	sshll.u32 s25, $0x9  }
0x6da: {  	s24 =	sor.u32 s25, s24  }
0x6db: {  	s24 =	sshrl.u32 s24, $0x2  }
0x6dc: {  	s24 =	sadd.s32 $0xC880, s24  }
0x6dd: {  	v1 =	vld [tilespmem:s24+$0x70]  }
0x6de: {  	v3 =	vld [tilespmem:s24+$0xFFFFFC10]  }
0x6df: {  	v5 =	vld [tilespmem:s24+$0xFFFFFC20]  }
0x6e0: {  	v7 =	vld [tilespmem:s24+$0xFFFFFC30]  }
0x6e1: {  	v9 =	vld [tilespmem:s24+$0xFFFFFC40]  }
0x6e2: {  	v11 =	vld [tilespmem:s24+$0xFFFFFC50]  }
0x6e3: {  	v13 =	vld [tilespmem:s24+$0xFFFFFC60];
	s26 =	spop (v2sf)  }
0x6e4: {  	v15 =	vld [tilespmem:s24+$0xFFFFFC70];
	s25 =	sshll.u32 s26, $0xC  }
0x6e5: {  	v17 =	vld [tilespmem:s24+$0x0];
	s25 =	sshra.s32 s25, $0x2  }
0x6e6: {  	v62 =	vld [tilespmem:s24+$0x40];
	s25 =	sadd.s32 $0x500, s25  }
0x6e7: {  	v2 =	vld [tilespmem:s25+$0x70]  }
0x6e8: {  	v4 =	vld [tilespmem:s25+$0xFFFFFF90]  }
0x6e9: {  	v6 =	vld [tilespmem:s25+$0xFFFFFFA0]  }
0x6ea: {  	v8 =	vld [tilespmem:s25+$0xFFFFFFB0]  }
0x6eb: {  	v10 =	vld [tilespmem:s25+$0xFFFFFFC0]  }
0x6ec: {  	v12 =	vld [tilespmem:s25+$0xFFFFFFD0]  }
0x6ed: {  	v14 =	vld [tilespmem:s25+$0xFFFFFFE0]  }
0x6ee: {  	v16 =	vld [tilespmem:s25+$0xFFFFFFF0]  }
0x6ef: {  	v61 =	vld [tilespmem:s25+$0x30];
	v1 =	vadd.f32 v2, v1  }
0x6f0: {  	v2 =	vld [tilespmem:s25+$0x0];
	v3 =	vadd.f32 v4, v3  }
0x6f1: {  	v4 =	vld [tilespmem:s24+$0x10];
	[tilespmem:s24+$0x70] =	vst v1;
	v1 =	vadd.f32 v6, v5  }
0x6f2: {  	v5 =	vld [tilespmem:s25+$0x10];
	[tilespmem:s24+$0xFFFFFC10] =	vst v3;
	v3 =	vadd.f32 v8, v7  }
0x6f3: {  	v6 =	vld [tilespmem:s24+$0x20];
	[tilespmem:s24+$0xFFFFFC20] =	vst v1;
	v1 =	vadd.f32 v10, v9  }
0x6f4: {  	v7 =	vld [tilespmem:s25+$0x20];
	[tilespmem:s24+$0xFFFFFC30] =	vst v3;
	v3 =	vadd.f32 v12, v11  }
0x6f5: {  	v8 =	vld [tilespmem:s24+$0x30];
	v2 =	vadd.f32 v2, v17;
	[tilespmem:s24+$0xFFFFFC40] =	vst v1  }
0x6f6: {  	v0 =	vld [tilespmem:s25+$0xFFFFFF80];
	v1 =	vadd.f32 v14, v13;
	[tilespmem:s24+$0xFFFFFC50] =	vst v3  }
0x6f7: {  	v63 =	vld [tilespmem:s25+$0x40];
	v3 =	vadd.f32 v16, v15;
	[tilespmem:s24+$0x0] =	vst v2  }
0x6f8: {  	v4 =	vadd.f32 v5, v4;
	[tilespmem:s24+$0xFFFFFC60] =	vst v1;
	v1 =	vld [tilespmem:s24+$0x50]  }
0x6f9: {  	v5 =	vadd.f32 v7, v6;
	[tilespmem:s24+$0xFFFFFC70] =	vst v3;
	v3 =	vld [tilespmem:s25+$0x50]  }
0x6fa: {  	v6 =	vadd.f32 v61, v8;
	v2 =	vld [tilespmem:s24+$0x60];
	[tilespmem:s24+$0x10] =	vst v4  }
0x6fb: {  	[tilespmem:s24+$0x20] =	vst v5;
	v5 =	vld [tilespmem:s25+$0x60]  }
0x6fc: {  	s28 =	sadd.s32 $0x800, s24;
	s26 =	simm.s32 $0x0;
	v4 =	vld [tilespmem:s24+$0xFFFFFC00];
	[tilespmem:s24+$0x30] =	vst v6;
	v6 =	vadd.f32 v63, v62  }
.LBB2_79:
0x6fd: {  	v7 =	vld [tilespmem:s28+$0x70];
	s25 =	sadd.s32 $0x100, s25  }
0x6fe: {  	s26 =	sadd.s32 $0x10, s26;
	v8 =	vld [tilespmem:s25+$0x70];
	[tilespmem:s24+$0x40] =	vst v6;
	v1 =	vadd.f32 v3, v1  }
0x6ff: {  	p0 =	slt.u32 s26, $0x30;
	v3 =	vld [tilespmem:s25+$0xFFFFFF80]  }
0x700: {  	v6 =	vld [tilespmem:s28+$0xFFFFFC10];
	[tilespmem:s24+$0x50] =	vst v1;
	v1 =	vadd.f32 v5, v2  }
0x701: {  	v2 =	vld [tilespmem:s25+$0xFFFFFF90];
	v9 =	vadd.f32 v0, v4  }
0x702: {  	v4 =	vld [tilespmem:s28+$0xFFFFFC20];
	[tilespmem:s24+$0x60] =	vst v1  }
0x703: {  	v1 =	vld [tilespmem:s25+$0xFFFFFFA0];
	v5 =	vadd.f32 v8, v7;
	[tilespmem:s24+$0xFFFFFC00] =	vst v9;
	s24 =	smov.u32 s28  }
0x704: {  	v7 =	vld [tilespmem:s28+$0xFFFFFC30];
	v0 =	vmov v3  }
0x705: {  	v3 =	vld [tilespmem:s25+$0xFFFFFFB0];
	[tilespmem:s28+$0x70] =	vst v5  }
0x706: {  	v2 =	vadd.f32 v2, v6;
	v5 =	vld [tilespmem:s28+$0xFFFFFC40]  }
0x707: {  	v6 =	vld [tilespmem:s25+$0xFFFFFFC0]  }
0x708: {  	[tilespmem:s28+$0xFFFFFC10] =	vst v2;
	v1 =	vadd.f32 v1, v4;
	v2 =	vld [tilespmem:s28+$0xFFFFFC50]  }
0x709: {  	v4 =	vld [tilespmem:s25+$0xFFFFFFD0]  }
0x70a: {  	[tilespmem:s28+$0xFFFFFC20] =	vst v1;
	v1 =	vadd.f32 v3, v7;
	v3 =	vld [tilespmem:s28+$0xFFFFFC60]  }
0x70b: {  	v7 =	vld [tilespmem:s25+$0xFFFFFFE0]  }
0x70c: {  	[tilespmem:s28+$0xFFFFFC30] =	vst v1;
	v1 =	vadd.f32 v6, v5;
	v5 =	vld [tilespmem:s28+$0xFFFFFC70]  }
0x70d: {  	v6 =	vld [tilespmem:s25+$0xFFFFFFF0]  }
0x70e: {  	[tilespmem:s28+$0xFFFFFC40] =	vst v1;
	v1 =	vadd.f32 v4, v2;
	v2 =	vld [tilespmem:s28+$0x0]  }
0x70f: {  	v4 =	vld [tilespmem:s25+$0x0]  }
0x710: {  	[tilespmem:s28+$0xFFFFFC50] =	vst v1;
	v1 =	vadd.f32 v7, v3;
	v3 =	vld [tilespmem:s28+$0x10]  }
0x711: {  	v7 =	vld [tilespmem:s25+$0x10]  }
0x712: {  	[tilespmem:s28+$0xFFFFFC60] =	vst v1;
	v1 =	vadd.f32 v6, v5;
	v5 =	vld [tilespmem:s28+$0x20]  }
0x713: {  	v6 =	vld [tilespmem:s25+$0x20]  }
0x714: {  	[tilespmem:s28+$0xFFFFFC70] =	vst v1;
	v1 =	vadd.f32 v4, v2;
	v2 =	vld [tilespmem:s28+$0x30]  }
0x715: {  	v4 =	vld [tilespmem:s25+$0x30]  }
0x716: {  	[tilespmem:s28+$0x0] =	vst v1;
	v1 =	vadd.f32 v7, v3;
	v7 =	vld [tilespmem:s28+$0x40]  }
0x717: {  	v8 =	vld [tilespmem:s25+$0x40]  }
.Ltmp38:
0x718: {  	[tilespmem:s28+$0x10] =	vst v1;
	v5 =	vadd.f32 v6, v5;
	v1 =	vld [tilespmem:s28+$0x50];
	(pc) =	sbr.rel @p0 .LBB2_79-.Ltmp38, $4  }
0x719: {  	v3 =	vld [tilespmem:s25+$0x50]  }
0x71a: {  	[tilespmem:s28+$0x20] =	vst v5;
	v6 =	vadd.f32 v4, v2;
	v2 =	vld [tilespmem:s28+$0x60]  }
0x71b: {  	v5 =	vld [tilespmem:s25+$0x60]  }
0x71c: {  	s28 =	sadd.s32 $0x800, s28;
	v4 =	vld [tilespmem:s24+$0xFFFFFC00];
	[tilespmem:s24+$0x30] =	vst v6;
	v6 =	vadd.f32 v8, v7  }
0x71d: {  	s23 =	sadd.s32 $0x1, s23  }
0x71e: {  	p0 =	sne.s32 s23, $0x20  }
.Ltmp39:
0x71f: {  	v1 =	vadd.f32 v3, v1;
	(pc) =	sbr.rel @p0 .LBB2_78-.Ltmp39, $4  }
0x720: {  	[tilespmem:s24+$0x40] =	vst v6;
	v2 =	vadd.f32 v5, v2  }
0x721: {  	[tilespmem:s24+$0x50] =	vst v1;
	v0 =	vadd.f32 v0, v4  }
0x722: {  	[tilespmem:s24+$0x60] =	vst v2  }
0x723: {  	s22 =	sadd.s32 $0x400, s22;
	s21 =	sadd.s32 $0x1, s21;
	[tilespmem:s24+$0xFFFFFC00] =	vst v0  }
0x724: {  	s22 =	sld [smem:$0x7EB];
	_ =	sdelay $0x1  }
0x725: {  	s21 =	simm.s32 $0x0  }
0x726: {  	[hbm4b:s22+s21] =	stream.linear.scatter [tilespmem:s10], [sflag:$0x5], $0x8000, $0x38;
	[tilespmem:$0x1C480] =	vst v63  }
0x727: {  	_ =	swait.ge [sflag:s17], $0x8000  }
0x728: {  	s28 =	sld [smem:$0x7F0]  }
0x729: {  	[sflag:s17] =	ssyncset.done $0x0  }
0x72a: {  	[sflag:s17] =	ssyncadd.s32 $0xFFFF8000  }
0x72b: {  	[tilespmem:s10], [sflag:$0x2] =	stream.linear.gather [hbm4b:s28+s21], $0x8000, $0x38;
	[tilespmem:$0x1C480] =	vst v63  }
0x72c: {  	_ =	swait.ge [sflag:s18], $0x8000  }
0x72d: {  	[sflag:s18] =	ssyncset.done $0x0  }
0x72e: {  	s23 =	simm.s32 $0x0;
	s22 =	simm.s32 $0x0;
	[sflag:s18] =	ssyncadd.s32 $0xFFFF8000  }
.LBB2_82:
0x72f: {  	v0 =	vld [tilespmem:s23+$0x280];
	_ =	sdelay $0x4  }
0x730: {  	(v2sf) =	vpush v0, $0x0;
	_ =	sdelay $0x3  }
0x731: {  	s24 =	sshll.u32 s22, $0x2;
	s25 =	sand.u32 $0x7, s21  }
0x732: {  	s24 =	sand.u32 $0xFFFF8000, s24;
	s25 =	sshll.u32 s25, $0x9  }
0x733: {  	s24 =	sor.u32 s25, s24  }
0x734: {  	s24 =	sshrl.u32 s24, $0x2  }
0x735: {  	s24 =	sadd.s32 $0x14880, s24  }
0x736: {  	v1 =	vld [tilespmem:s24+$0x70]  }
0x737: {  	v3 =	vld [tilespmem:s24+$0xFFFFFC10]  }
0x738: {  	v5 =	vld [tilespmem:s24+$0xFFFFFC20]  }
0x739: {  	v7 =	vld [tilespmem:s24+$0xFFFFFC30]  }
0x73a: {  	v9 =	vld [tilespmem:s24+$0xFFFFFC40]  }
0x73b: {  	v11 =	vld [tilespmem:s24+$0xFFFFFC50]  }
0x73c: {  	v13 =	vld [tilespmem:s24+$0xFFFFFC60];
	s26 =	spop (v2sf)  }
0x73d: {  	v15 =	vld [tilespmem:s24+$0xFFFFFC70];
	s25 =	sshll.u32 s26, $0xC  }
0x73e: {  	v17 =	vld [tilespmem:s24+$0x0];
	s25 =	sshra.s32 s25, $0x2  }
0x73f: {  	v62 =	vld [tilespmem:s24+$0x40];
	s25 =	sadd.s32 $0x500, s25  }
0x740: {  	v2 =	vld [tilespmem:s25+$0x70]  }
0x741: {  	v4 =	vld [tilespmem:s25+$0xFFFFFF90]  }
0x742: {  	v6 =	vld [tilespmem:s25+$0xFFFFFFA0]  }
0x743: {  	v8 =	vld [tilespmem:s25+$0xFFFFFFB0]  }
0x744: {  	v10 =	vld [tilespmem:s25+$0xFFFFFFC0]  }
0x745: {  	v12 =	vld [tilespmem:s25+$0xFFFFFFD0]  }
0x746: {  	v14 =	vld [tilespmem:s25+$0xFFFFFFE0]  }
0x747: {  	v16 =	vld [tilespmem:s25+$0xFFFFFFF0]  }
0x748: {  	v61 =	vld [tilespmem:s25+$0x30];
	v1 =	vadd.f32 v2, v1  }
0x749: {  	v2 =	vld [tilespmem:s25+$0x0];
	v3 =	vadd.f32 v4, v3  }
0x74a: {  	v4 =	vld [tilespmem:s24+$0x10];
	[tilespmem:s24+$0x70] =	vst v1;
	v1 =	vadd.f32 v6, v5  }
0x74b: {  	v5 =	vld [tilespmem:s25+$0x10];
	[tilespmem:s24+$0xFFFFFC10] =	vst v3;
	v3 =	vadd.f32 v8, v7  }
0x74c: {  	v6 =	vld [tilespmem:s24+$0x20];
	[tilespmem:s24+$0xFFFFFC20] =	vst v1;
	v1 =	vadd.f32 v10, v9  }
0x74d: {  	v7 =	vld [tilespmem:s25+$0x20];
	[tilespmem:s24+$0xFFFFFC30] =	vst v3;
	v3 =	vadd.f32 v12, v11  }
0x74e: {  	v8 =	vld [tilespmem:s24+$0x30];
	v2 =	vadd.f32 v2, v17;
	[tilespmem:s24+$0xFFFFFC40] =	vst v1  }
0x74f: {  	v0 =	vld [tilespmem:s25+$0xFFFFFF80];
	v1 =	vadd.f32 v14, v13;
	[tilespmem:s24+$0xFFFFFC50] =	vst v3  }
0x750: {  	v63 =	vld [tilespmem:s25+$0x40];
	v3 =	vadd.f32 v16, v15;
	[tilespmem:s24+$0x0] =	vst v2  }
0x751: {  	v4 =	vadd.f32 v5, v4;
	[tilespmem:s24+$0xFFFFFC60] =	vst v1;
	v1 =	vld [tilespmem:s24+$0x50]  }
0x752: {  	v5 =	vadd.f32 v7, v6;
	[tilespmem:s24+$0xFFFFFC70] =	vst v3;
	v3 =	vld [tilespmem:s25+$0x50]  }
0x753: {  	v6 =	vadd.f32 v61, v8;
	v2 =	vld [tilespmem:s24+$0x60];
	[tilespmem:s24+$0x10] =	vst v4  }
0x754: {  	[tilespmem:s24+$0x20] =	vst v5;
	v5 =	vld [tilespmem:s25+$0x60]  }
0x755: {  	s28 =	sadd.s32 $0x800, s24;
	s26 =	simm.s32 $0x0;
	v4 =	vld [tilespmem:s24+$0xFFFFFC00];
	[tilespmem:s24+$0x30] =	vst v6;
	v6 =	vadd.f32 v63, v62  }
.LBB2_83:
0x756: {  	v7 =	vld [tilespmem:s28+$0x70];
	s25 =	sadd.s32 $0x100, s25  }
0x757: {  	s26 =	sadd.s32 $0x10, s26;
	v8 =	vld [tilespmem:s25+$0x70];
	[tilespmem:s24+$0x40] =	vst v6;
	v1 =	vadd.f32 v3, v1  }
0x758: {  	p0 =	slt.u32 s26, $0x30;
	v3 =	vld [tilespmem:s25+$0xFFFFFF80]  }
0x759: {  	v6 =	vld [tilespmem:s28+$0xFFFFFC10];
	[tilespmem:s24+$0x50] =	vst v1;
	v1 =	vadd.f32 v5, v2  }
0x75a: {  	v2 =	vld [tilespmem:s25+$0xFFFFFF90];
	v9 =	vadd.f32 v0, v4  }
0x75b: {  	v4 =	vld [tilespmem:s28+$0xFFFFFC20];
	[tilespmem:s24+$0x60] =	vst v1  }
0x75c: {  	v1 =	vld [tilespmem:s25+$0xFFFFFFA0];
	v5 =	vadd.f32 v8, v7;
	[tilespmem:s24+$0xFFFFFC00] =	vst v9;
	s24 =	smov.u32 s28  }
0x75d: {  	v7 =	vld [tilespmem:s28+$0xFFFFFC30];
	v0 =	vmov v3  }
0x75e: {  	v3 =	vld [tilespmem:s25+$0xFFFFFFB0];
	[tilespmem:s28+$0x70] =	vst v5  }
0x75f: {  	v2 =	vadd.f32 v2, v6;
	v5 =	vld [tilespmem:s28+$0xFFFFFC40]  }
0x760: {  	v6 =	vld [tilespmem:s25+$0xFFFFFFC0]  }
0x761: {  	[tilespmem:s28+$0xFFFFFC10] =	vst v2;
	v1 =	vadd.f32 v1, v4;
	v2 =	vld [tilespmem:s28+$0xFFFFFC50]  }
0x762: {  	v4 =	vld [tilespmem:s25+$0xFFFFFFD0]  }
0x763: {  	[tilespmem:s28+$0xFFFFFC20] =	vst v1;
	v1 =	vadd.f32 v3, v7;
	v3 =	vld [tilespmem:s28+$0xFFFFFC60]  }
0x764: {  	v7 =	vld [tilespmem:s25+$0xFFFFFFE0]  }
0x765: {  	[tilespmem:s28+$0xFFFFFC30] =	vst v1;
	v1 =	vadd.f32 v6, v5;
	v5 =	vld [tilespmem:s28+$0xFFFFFC70]  }
0x766: {  	v6 =	vld [tilespmem:s25+$0xFFFFFFF0]  }
0x767: {  	[tilespmem:s28+$0xFFFFFC40] =	vst v1;
	v1 =	vadd.f32 v4, v2;
	v2 =	vld [tilespmem:s28+$0x0]  }
0x768: {  	v4 =	vld [tilespmem:s25+$0x0]  }
0x769: {  	[tilespmem:s28+$0xFFFFFC50] =	vst v1;
	v1 =	vadd.f32 v7, v3;
	v3 =	vld [tilespmem:s28+$0x10]  }
0x76a: {  	v7 =	vld [tilespmem:s25+$0x10]  }
0x76b: {  	[tilespmem:s28+$0xFFFFFC60] =	vst v1;
	v1 =	vadd.f32 v6, v5;
	v5 =	vld [tilespmem:s28+$0x20]  }
0x76c: {  	v6 =	vld [tilespmem:s25+$0x20]  }
0x76d: {  	[tilespmem:s28+$0xFFFFFC70] =	vst v1;
	v1 =	vadd.f32 v4, v2;
	v2 =	vld [tilespmem:s28+$0x30]  }
0x76e: {  	v4 =	vld [tilespmem:s25+$0x30]  }
0x76f: {  	[tilespmem:s28+$0x0] =	vst v1;
	v1 =	vadd.f32 v7, v3;
	v7 =	vld [tilespmem:s28+$0x40]  }
0x770: {  	v8 =	vld [tilespmem:s25+$0x40]  }
.Ltmp40:
0x771: {  	[tilespmem:s28+$0x10] =	vst v1;
	v5 =	vadd.f32 v6, v5;
	v1 =	vld [tilespmem:s28+$0x50];
	(pc) =	sbr.rel @p0 .LBB2_83-.Ltmp40, $4  }
0x772: {  	v3 =	vld [tilespmem:s25+$0x50]  }
0x773: {  	[tilespmem:s28+$0x20] =	vst v5;
	v6 =	vadd.f32 v4, v2;
	v2 =	vld [tilespmem:s28+$0x60]  }
0x774: {  	v5 =	vld [tilespmem:s25+$0x60]  }
0x775: {  	s28 =	sadd.s32 $0x800, s28;
	v4 =	vld [tilespmem:s24+$0xFFFFFC00];
	[tilespmem:s24+$0x30] =	vst v6;
	v6 =	vadd.f32 v8, v7  }
0x776: {  	s23 =	sadd.s32 $0x1, s23  }
0x777: {  	p0 =	sne.s32 s23, $0x20  }
.Ltmp41:
0x778: {  	v1 =	vadd.f32 v3, v1;
	(pc) =	sbr.rel @p0 .LBB2_82-.Ltmp41, $4  }
0x779: {  	[tilespmem:s24+$0x40] =	vst v6;
	v2 =	vadd.f32 v5, v2  }
0x77a: {  	[tilespmem:s24+$0x50] =	vst v1;
	v0 =	vadd.f32 v0, v4  }
0x77b: {  	[tilespmem:s24+$0x60] =	vst v2  }
0x77c: {  	s22 =	sadd.s32 $0x400, s22;
	s21 =	sadd.s32 $0x1, s21;
	[tilespmem:s24+$0xFFFFFC00] =	vst v0  }
0x77d: {  	s22 =	sld [smem:$0x7ED];
	_ =	sdelay $0x1  }
0x77e: {  	s21 =	simm.s32 $0x0  }
0x77f: {  	[hbm4b:s22+s21] =	stream.linear.scatter [tilespmem:s11], [sflag:$0x6], $0x8000, $0x38;
	[tilespmem:$0x1C480] =	vst v63  }
0x780: {  	_ =	swait.ge [sflag:s19], $0x8000  }
0x781: {  	s28 =	sld [smem:$0x7F2]  }
0x782: {  	[sflag:s19] =	ssyncset.done $0x0  }
0x783: {  	[sflag:s19] =	ssyncadd.s32 $0xFFFF8000  }
0x784: {  	[tilespmem:s11], [sflag:$0x3] =	stream.linear.gather [hbm4b:s28+s21], $0x8000, $0x38;
	[tilespmem:$0x1C480] =	vst v63  }
0x785: {  	_ =	swait.ge [sflag:s14], $0x8000  }
0x786: {  	[sflag:s14] =	ssyncset.done $0x0  }
0x787: {  	s23 =	simm.s32 $0x0;
	s22 =	simm.s32 $0x0;
	[sflag:s14] =	ssyncadd.s32 $0xFFFF8000  }
.LBB2_86:
0x788: {  	v0 =	vld [tilespmem:s23+$0x2A0];
	_ =	sdelay $0x4  }
0x789: {  	(v2sf) =	vpush v0, $0x0;
	_ =	sdelay $0x3  }
0x78a: {  	s24 =	sshll.u32 s22, $0x2;
	s25 =	sand.u32 $0x7, s21  }
0x78b: {  	s24 =	sand.u32 $0xFFFF8000, s24;
	s25 =	sshll.u32 s25, $0x9  }
0x78c: {  	s24 =	sor.u32 s25, s24  }
0x78d: {  	s24 =	sshrl.u32 s24, $0x2  }
0x78e: {  	s24 =	sadd.s32 $0x4880, s24  }
0x78f: {  	v1 =	vld [tilespmem:s24+$0x70]  }
0x790: {  	v3 =	vld [tilespmem:s24+$0xFFFFFC10]  }
0x791: {  	v5 =	vld [tilespmem:s24+$0xFFFFFC20]  }
0x792: {  	v7 =	vld [tilespmem:s24+$0xFFFFFC30]  }
0x793: {  	v9 =	vld [tilespmem:s24+$0xFFFFFC40]  }
0x794: {  	v11 =	vld [tilespmem:s24+$0xFFFFFC50]  }
0x795: {  	v13 =	vld [tilespmem:s24+$0xFFFFFC60];
	s26 =	spop (v2sf)  }
0x796: {  	v15 =	vld [tilespmem:s24+$0xFFFFFC70];
	s25 =	sshll.u32 s26, $0xC  }
0x797: {  	v17 =	vld [tilespmem:s24+$0x0];
	s25 =	sshra.s32 s25, $0x2  }
0x798: {  	v62 =	vld [tilespmem:s24+$0x40];
	s25 =	sadd.s32 $0x500, s25  }
0x799: {  	v2 =	vld [tilespmem:s25+$0x70]  }
0x79a: {  	v4 =	vld [tilespmem:s25+$0xFFFFFF90]  }
0x79b: {  	v6 =	vld [tilespmem:s25+$0xFFFFFFA0]  }
0x79c: {  	v8 =	vld [tilespmem:s25+$0xFFFFFFB0]  }
0x79d: {  	v10 =	vld [tilespmem:s25+$0xFFFFFFC0]  }
0x79e: {  	v12 =	vld [tilespmem:s25+$0xFFFFFFD0]  }
0x79f: {  	v14 =	vld [tilespmem:s25+$0xFFFFFFE0]  }
0x7a0: {  	v16 =	vld [tilespmem:s25+$0xFFFFFFF0]  }
0x7a1: {  	v61 =	vld [tilespmem:s25+$0x30];
	v1 =	vadd.f32 v2, v1  }
0x7a2: {  	v2 =	vld [tilespmem:s25+$0x0];
	v3 =	vadd.f32 v4, v3  }
0x7a3: {  	v4 =	vld [tilespmem:s24+$0x10];
	[tilespmem:s24+$0x70] =	vst v1;
	v1 =	vadd.f32 v6, v5  }
0x7a4: {  	v5 =	vld [tilespmem:s25+$0x10];
	[tilespmem:s24+$0xFFFFFC10] =	vst v3;
	v3 =	vadd.f32 v8, v7  }
0x7a5: {  	v6 =	vld [tilespmem:s24+$0x20];
	[tilespmem:s24+$0xFFFFFC20] =	vst v1;
	v1 =	vadd.f32 v10, v9  }
0x7a6: {  	v7 =	vld [tilespmem:s25+$0x20];
	[tilespmem:s24+$0xFFFFFC30] =	vst v3;
	v3 =	vadd.f32 v12, v11  }
0x7a7: {  	v8 =	vld [tilespmem:s24+$0x30];
	v2 =	vadd.f32 v2, v17;
	[tilespmem:s24+$0xFFFFFC40] =	vst v1  }
0x7a8: {  	v0 =	vld [tilespmem:s25+$0xFFFFFF80];
	v1 =	vadd.f32 v14, v13;
	[tilespmem:s24+$0xFFFFFC50] =	vst v3  }
0x7a9: {  	v63 =	vld [tilespmem:s25+$0x40];
	v3 =	vadd.f32 v16, v15;
	[tilespmem:s24+$0x0] =	vst v2  }
0x7aa: {  	v4 =	vadd.f32 v5, v4;
	[tilespmem:s24+$0xFFFFFC60] =	vst v1;
	v1 =	vld [tilespmem:s24+$0x50]  }
0x7ab: {  	v5 =	vadd.f32 v7, v6;
	[tilespmem:s24+$0xFFFFFC70] =	vst v3;
	v3 =	vld [tilespmem:s25+$0x50]  }
0x7ac: {  	v6 =	vadd.f32 v61, v8;
	v2 =	vld [tilespmem:s24+$0x60];
	[tilespmem:s24+$0x10] =	vst v4  }
0x7ad: {  	[tilespmem:s24+$0x20] =	vst v5;
	v5 =	vld [tilespmem:s25+$0x60]  }
0x7ae: {  	s28 =	sadd.s32 $0x800, s24;
	s26 =	simm.s32 $0x0;
	v4 =	vld [tilespmem:s24+$0xFFFFFC00];
	[tilespmem:s24+$0x30] =	vst v6;
	v6 =	vadd.f32 v63, v62  }
.LBB2_87:
0x7af: {  	v7 =	vld [tilespmem:s28+$0x70];
	s25 =	sadd.s32 $0x100, s25  }
0x7b0: {  	s26 =	sadd.s32 $0x10, s26;
	v8 =	vld [tilespmem:s25+$0x70];
	[tilespmem:s24+$0x40] =	vst v6;
	v1 =	vadd.f32 v3, v1  }
0x7b1: {  	p0 =	slt.u32 s26, $0x30;
	v3 =	vld [tilespmem:s25+$0xFFFFFF80]  }
0x7b2: {  	v6 =	vld [tilespmem:s28+$0xFFFFFC10];
	[tilespmem:s24+$0x50] =	vst v1;
	v1 =	vadd.f32 v5, v2  }
0x7b3: {  	v2 =	vld [tilespmem:s25+$0xFFFFFF90];
	v9 =	vadd.f32 v0, v4  }
0x7b4: {  	v4 =	vld [tilespmem:s28+$0xFFFFFC20];
	[tilespmem:s24+$0x60] =	vst v1  }
0x7b5: {  	v1 =	vld [tilespmem:s25+$0xFFFFFFA0];
	v5 =	vadd.f32 v8, v7;
	[tilespmem:s24+$0xFFFFFC00] =	vst v9;
	s24 =	smov.u32 s28  }
0x7b6: {  	v7 =	vld [tilespmem:s28+$0xFFFFFC30];
	v0 =	vmov v3  }
0x7b7: {  	v3 =	vld [tilespmem:s25+$0xFFFFFFB0];
	[tilespmem:s28+$0x70] =	vst v5  }
0x7b8: {  	v2 =	vadd.f32 v2, v6;
	v5 =	vld [tilespmem:s28+$0xFFFFFC40]  }
0x7b9: {  	v6 =	vld [tilespmem:s25+$0xFFFFFFC0]  }
0x7ba: {  	[tilespmem:s28+$0xFFFFFC10] =	vst v2;
	v1 =	vadd.f32 v1, v4;
	v2 =	vld [tilespmem:s28+$0xFFFFFC50]  }
0x7bb: {  	v4 =	vld [tilespmem:s25+$0xFFFFFFD0]  }
0x7bc: {  	[tilespmem:s28+$0xFFFFFC20] =	vst v1;
	v1 =	vadd.f32 v3, v7;
	v3 =	vld [tilespmem:s28+$0xFFFFFC60]  }
0x7bd: {  	v7 =	vld [tilespmem:s25+$0xFFFFFFE0]  }
0x7be: {  	[tilespmem:s28+$0xFFFFFC30] =	vst v1;
	v1 =	vadd.f32 v6, v5;
	v5 =	vld [tilespmem:s28+$0xFFFFFC70]  }
0x7bf: {  	v6 =	vld [tilespmem:s25+$0xFFFFFFF0]  }
0x7c0: {  	[tilespmem:s28+$0xFFFFFC40] =	vst v1;
	v1 =	vadd.f32 v4, v2;
	v2 =	vld [tilespmem:s28+$0x0]  }
0x7c1: {  	v4 =	vld [tilespmem:s25+$0x0]  }
0x7c2: {  	[tilespmem:s28+$0xFFFFFC50] =	vst v1;
	v1 =	vadd.f32 v7, v3;
	v3 =	vld [tilespmem:s28+$0x10]  }
0x7c3: {  	v7 =	vld [tilespmem:s25+$0x10]  }
0x7c4: {  	[tilespmem:s28+$0xFFFFFC60] =	vst v1;
	v1 =	vadd.f32 v6, v5;
	v5 =	vld [tilespmem:s28+$0x20]  }
0x7c5: {  	v6 =	vld [tilespmem:s25+$0x20]  }
0x7c6: {  	[tilespmem:s28+$0xFFFFFC70] =	vst v1;
	v1 =	vadd.f32 v4, v2;
	v2 =	vld [tilespmem:s28+$0x30]  }
0x7c7: {  	v4 =	vld [tilespmem:s25+$0x30]  }
0x7c8: {  	[tilespmem:s28+$0x0] =	vst v1;
	v1 =	vadd.f32 v7, v3;
	v7 =	vld [tilespmem:s28+$0x40]  }
0x7c9: {  	v8 =	vld [tilespmem:s25+$0x40]  }
.Ltmp42:
0x7ca: {  	[tilespmem:s28+$0x10] =	vst v1;
	v5 =	vadd.f32 v6, v5;
	v1 =	vld [tilespmem:s28+$0x50];
	(pc) =	sbr.rel @p0 .LBB2_87-.Ltmp42, $4  }
0x7cb: {  	v3 =	vld [tilespmem:s25+$0x50]  }
0x7cc: {  	[tilespmem:s28+$0x20] =	vst v5;
	v6 =	vadd.f32 v4, v2;
	v2 =	vld [tilespmem:s28+$0x60]  }
0x7cd: {  	v5 =	vld [tilespmem:s25+$0x60]  }
0x7ce: {  	s28 =	sadd.s32 $0x800, s28;
	v4 =	vld [tilespmem:s24+$0xFFFFFC00];
	[tilespmem:s24+$0x30] =	vst v6;
	v6 =	vadd.f32 v8, v7  }
0x7cf: {  	s23 =	sadd.s32 $0x1, s23  }
0x7d0: {  	p0 =	sne.s32 s23, $0x20  }
.Ltmp43:
0x7d1: {  	v1 =	vadd.f32 v3, v1;
	(pc) =	sbr.rel @p0 .LBB2_86-.Ltmp43, $4  }
0x7d2: {  	[tilespmem:s24+$0x40] =	vst v6;
	v2 =	vadd.f32 v5, v2  }
0x7d3: {  	[tilespmem:s24+$0x50] =	vst v1;
	v0 =	vadd.f32 v0, v4  }
0x7d4: {  	[tilespmem:s24+$0x60] =	vst v2  }
0x7d5: {  	s22 =	sadd.s32 $0x400, s22;
	s21 =	sadd.s32 $0x1, s21;
	[tilespmem:s24+$0xFFFFFC00] =	vst v0  }
0x7d6: {  	s22 =	sld [smem:$0x7EF];
	_ =	sdelay $0x1  }
0x7d7: {  	s21 =	simm.s32 $0x0  }
0x7d8: {  	[hbm4b:s22+s21] =	stream.linear.scatter [tilespmem:s9], [sflag:$0x4], $0x8000, $0x38;
	[tilespmem:$0x1C480] =	vst v63  }
0x7d9: {  	_ =	swait.ge [sflag:s15], $0x8000  }
0x7da: {  	s28 =	sld [smem:$0x7F4]  }
0x7db: {  	[sflag:s15] =	ssyncset.done $0x0  }
0x7dc: {  	[sflag:s15] =	ssyncadd.s32 $0xFFFF8000  }
0x7dd: {  	[tilespmem:s9], [sflag:$0x1] =	stream.linear.gather [hbm4b:s28+s21], $0x8000, $0x38;
	[tilespmem:$0x1C480] =	vst v63  }
0x7de: {  	_ =	swait.ge [sflag:s16], $0x8000  }
0x7df: {  	[sflag:s16] =	ssyncset.done $0x0  }
0x7e0: {  	s23 =	simm.s32 $0x0;
	s22 =	simm.s32 $0x0;
	[sflag:s16] =	ssyncadd.s32 $0xFFFF8000  }
.LBB2_90:
0x7e1: {  	v0 =	vld [tilespmem:s23+$0x2C0];
	_ =	sdelay $0x4  }
0x7e2: {  	(v2sf) =	vpush v0, $0x0;
	_ =	sdelay $0x3  }
0x7e3: {  	s24 =	sshll.u32 s22, $0x2;
	s25 =	sand.u32 $0x7, s21  }
0x7e4: {  	s24 =	sand.u32 $0xFFFF8000, s24;
	s25 =	sshll.u32 s25, $0x9  }
0x7e5: {  	s24 =	sor.u32 s25, s24  }
0x7e6: {  	s24 =	sshrl.u32 s24, $0x2  }
0x7e7: {  	s24 =	sadd.s32 $0xC880, s24  }
0x7e8: {  	v1 =	vld [tilespmem:s24+$0x70]  }
0x7e9: {  	v3 =	vld [tilespmem:s24+$0xFFFFFC10]  }
0x7ea: {  	v5 =	vld [tilespmem:s24+$0xFFFFFC20]  }
0x7eb: {  	v7 =	vld [tilespmem:s24+$0xFFFFFC30]  }
0x7ec: {  	v9 =	vld [tilespmem:s24+$0xFFFFFC40]  }
0x7ed: {  	v11 =	vld [tilespmem:s24+$0xFFFFFC50]  }
0x7ee: {  	v13 =	vld [tilespmem:s24+$0xFFFFFC60];
	s26 =	spop (v2sf)  }
0x7ef: {  	v15 =	vld [tilespmem:s24+$0xFFFFFC70];
	s25 =	sshll.u32 s26, $0xC  }
0x7f0: {  	v17 =	vld [tilespmem:s24+$0x0];
	s25 =	sshra.s32 s25, $0x2  }
0x7f1: {  	v62 =	vld [tilespmem:s24+$0x40];
	s25 =	sadd.s32 $0x500, s25  }
0x7f2: {  	v2 =	vld [tilespmem:s25+$0x70]  }
0x7f3: {  	v4 =	vld [tilespmem:s25+$0xFFFFFF90]  }
0x7f4: {  	v6 =	vld [tilespmem:s25+$0xFFFFFFA0]  }
0x7f5: {  	v8 =	vld [tilespmem:s25+$0xFFFFFFB0]  }
0x7f6: {  	v10 =	vld [tilespmem:s25+$0xFFFFFFC0]  }
0x7f7: {  	v12 =	vld [tilespmem:s25+$0xFFFFFFD0]  }
0x7f8: {  	v14 =	vld [tilespmem:s25+$0xFFFFFFE0]  }
0x7f9: {  	v16 =	vld [tilespmem:s25+$0xFFFFFFF0]  }
0x7fa: {  	v61 =	vld [tilespmem:s25+$0x30];
	v1 =	vadd.f32 v2, v1  }
0x7fb: {  	v2 =	vld [tilespmem:s25+$0x0];
	v3 =	vadd.f32 v4, v3  }
0x7fc: {  	v4 =	vld [tilespmem:s24+$0x10];
	[tilespmem:s24+$0x70] =	vst v1;
	v1 =	vadd.f32 v6, v5  }
0x7fd: {  	v5 =	vld [tilespmem:s25+$0x10];
	[tilespmem:s24+$0xFFFFFC10] =	vst v3;
	v3 =	vadd.f32 v8, v7  }
0x7fe: {  	v6 =	vld [tilespmem:s24+$0x20];
	[tilespmem:s24+$0xFFFFFC20] =	vst v1;
	v1 =	vadd.f32 v10, v9  }
0x7ff: {  	v7 =	vld [tilespmem:s25+$0x20];
	[tilespmem:s24+$0xFFFFFC30] =	vst v3;
	v3 =	vadd.f32 v12, v11  }
0x800: {  	v8 =	vld [tilespmem:s24+$0x30];
	v2 =	vadd.f32 v2, v17;
	[tilespmem:s24+$0xFFFFFC40] =	vst v1  }
0x801: {  	v0 =	vld [tilespmem:s25+$0xFFFFFF80];
	v1 =	vadd.f32 v14, v13;
	[tilespmem:s24+$0xFFFFFC50] =	vst v3  }
0x802: {  	v63 =	vld [tilespmem:s25+$0x40];
	v3 =	vadd.f32 v16, v15;
	[tilespmem:s24+$0x0] =	vst v2  }
0x803: {  	v4 =	vadd.f32 v5, v4;
	[tilespmem:s24+$0xFFFFFC60] =	vst v1;
	v1 =	vld [tilespmem:s24+$0x50]  }
0x804: {  	v5 =	vadd.f32 v7, v6;
	[tilespmem:s24+$0xFFFFFC70] =	vst v3;
	v3 =	vld [tilespmem:s25+$0x50]  }
0x805: {  	v6 =	vadd.f32 v61, v8;
	v2 =	vld [tilespmem:s24+$0x60];
	[tilespmem:s24+$0x10] =	vst v4  }
0x806: {  	[tilespmem:s24+$0x20] =	vst v5;
	v5 =	vld [tilespmem:s25+$0x60]  }
0x807: {  	s28 =	sadd.s32 $0x800, s24;
	s26 =	simm.s32 $0x0;
	v4 =	vld [tilespmem:s24+$0xFFFFFC00];
	[tilespmem:s24+$0x30] =	vst v6;
	v6 =	vadd.f32 v63, v62  }
.LBB2_91:
0x808: {  	v7 =	vld [tilespmem:s28+$0x70];
	s25 =	sadd.s32 $0x100, s25  }
0x809: {  	s26 =	sadd.s32 $0x10, s26;
	v8 =	vld [tilespmem:s25+$0x70];
	[tilespmem:s24+$0x40] =	vst v6;
	v1 =	vadd.f32 v3, v1  }
0x80a: {  	p0 =	slt.u32 s26, $0x30;
	v3 =	vld [tilespmem:s25+$0xFFFFFF80]  }
0x80b: {  	v6 =	vld [tilespmem:s28+$0xFFFFFC10];
	[tilespmem:s24+$0x50] =	vst v1;
	v1 =	vadd.f32 v5, v2  }
0x80c: {  	v2 =	vld [tilespmem:s25+$0xFFFFFF90];
	v9 =	vadd.f32 v0, v4  }
0x80d: {  	v4 =	vld [tilespmem:s28+$0xFFFFFC20];
	[tilespmem:s24+$0x60] =	vst v1  }
0x80e: {  	v1 =	vld [tilespmem:s25+$0xFFFFFFA0];
	v5 =	vadd.f32 v8, v7;
	[tilespmem:s24+$0xFFFFFC00] =	vst v9;
	s24 =	smov.u32 s28  }
0x80f: {  	v7 =	vld [tilespmem:s28+$0xFFFFFC30];
	v0 =	vmov v3  }
0x810: {  	v3 =	vld [tilespmem:s25+$0xFFFFFFB0];
	[tilespmem:s28+$0x70] =	vst v5  }
0x811: {  	v2 =	vadd.f32 v2, v6;
	v5 =	vld [tilespmem:s28+$0xFFFFFC40]  }
0x812: {  	v6 =	vld [tilespmem:s25+$0xFFFFFFC0]  }
0x813: {  	[tilespmem:s28+$0xFFFFFC10] =	vst v2;
	v1 =	vadd.f32 v1, v4;
	v2 =	vld [tilespmem:s28+$0xFFFFFC50]  }
0x814: {  	v4 =	vld [tilespmem:s25+$0xFFFFFFD0]  }
0x815: {  	[tilespmem:s28+$0xFFFFFC20] =	vst v1;
	v1 =	vadd.f32 v3, v7;
	v3 =	vld [tilespmem:s28+$0xFFFFFC60]  }
0x816: {  	v7 =	vld [tilespmem:s25+$0xFFFFFFE0]  }
0x817: {  	[tilespmem:s28+$0xFFFFFC30] =	vst v1;
	v1 =	vadd.f32 v6, v5;
	v5 =	vld [tilespmem:s28+$0xFFFFFC70]  }
0x818: {  	v6 =	vld [tilespmem:s25+$0xFFFFFFF0]  }
0x819: {  	[tilespmem:s28+$0xFFFFFC40] =	vst v1;
	v1 =	vadd.f32 v4, v2;
	v2 =	vld [tilespmem:s28+$0x0]  }
0x81a: {  	v4 =	vld [tilespmem:s25+$0x0]  }
0x81b: {  	[tilespmem:s28+$0xFFFFFC50] =	vst v1;
	v1 =	vadd.f32 v7, v3;
	v3 =	vld [tilespmem:s28+$0x10]  }
0x81c: {  	v7 =	vld [tilespmem:s25+$0x10]  }
0x81d: {  	[tilespmem:s28+$0xFFFFFC60] =	vst v1;
	v1 =	vadd.f32 v6, v5;
	v5 =	vld [tilespmem:s28+$0x20]  }
0x81e: {  	v6 =	vld [tilespmem:s25+$0x20]  }
0x81f: {  	[tilespmem:s28+$0xFFFFFC70] =	vst v1;
	v1 =	vadd.f32 v4, v2;
	v2 =	vld [tilespmem:s28+$0x30]  }
0x820: {  	v4 =	vld [tilespmem:s25+$0x30]  }
0x821: {  	[tilespmem:s28+$0x0] =	vst v1;
	v1 =	vadd.f32 v7, v3;
	v7 =	vld [tilespmem:s28+$0x40]  }
0x822: {  	v8 =	vld [tilespmem:s25+$0x40]  }
.Ltmp44:
0x823: {  	[tilespmem:s28+$0x10] =	vst v1;
	v5 =	vadd.f32 v6, v5;
	v1 =	vld [tilespmem:s28+$0x50];
	(pc) =	sbr.rel @p0 .LBB2_91-.Ltmp44, $4  }
0x824: {  	v3 =	vld [tilespmem:s25+$0x50]  }
0x825: {  	[tilespmem:s28+$0x20] =	vst v5;
	v6 =	vadd.f32 v4, v2;
	v2 =	vld [tilespmem:s28+$0x60]  }
0x826: {  	v5 =	vld [tilespmem:s25+$0x60]  }
0x827: {  	s28 =	sadd.s32 $0x800, s28;
	v4 =	vld [tilespmem:s24+$0xFFFFFC00];
	[tilespmem:s24+$0x30] =	vst v6;
	v6 =	vadd.f32 v8, v7  }
0x828: {  	s23 =	sadd.s32 $0x1, s23  }
0x829: {  	p0 =	sne.s32 s23, $0x20  }
.Ltmp45:
0x82a: {  	v1 =	vadd.f32 v3, v1;
	(pc) =	sbr.rel @p0 .LBB2_90-.Ltmp45, $4  }
0x82b: {  	[tilespmem:s24+$0x40] =	vst v6;
	v2 =	vadd.f32 v5, v2  }
0x82c: {  	[tilespmem:s24+$0x50] =	vst v1;
	v0 =	vadd.f32 v0, v4  }
0x82d: {  	[tilespmem:s24+$0x60] =	vst v2  }
0x82e: {  	s22 =	sadd.s32 $0x400, s22;
	s21 =	sadd.s32 $0x1, s21;
	[tilespmem:s24+$0xFFFFFC00] =	vst v0  }
0x82f: {  	s22 =	sld [smem:$0x7F1];
	_ =	sdelay $0x1  }
0x830: {  	s21 =	simm.s32 $0x0  }
0x831: {  	[hbm4b:s22+s21] =	stream.linear.scatter [tilespmem:s10], [sflag:$0x5], $0x8000, $0x38;
	[tilespmem:$0x1C480] =	vst v63  }
0x832: {  	_ =	swait.ge [sflag:s17], $0x8000  }
0x833: {  	s28 =	sld [smem:$0x7F6]  }
0x834: {  	[sflag:s17] =	ssyncset.done $0x0  }
0x835: {  	[sflag:s17] =	ssyncadd.s32 $0xFFFF8000  }
0x836: {  	[tilespmem:s10], [sflag:$0x2] =	stream.linear.gather [hbm4b:s28+s21], $0x8000, $0x38;
	[tilespmem:$0x1C480] =	vst v63  }
0x837: {  	_ =	swait.ge [sflag:s18], $0x8000  }
0x838: {  	[sflag:s18] =	ssyncset.done $0x0  }
0x839: {  	s23 =	simm.s32 $0x0;
	s22 =	simm.s32 $0x0;
	[sflag:s18] =	ssyncadd.s32 $0xFFFF8000  }
.LBB2_94:
0x83a: {  	v0 =	vld [tilespmem:s23+$0x2E0];
	_ =	sdelay $0x4  }
0x83b: {  	(v2sf) =	vpush v0, $0x0;
	_ =	sdelay $0x3  }
0x83c: {  	s24 =	sshll.u32 s22, $0x2;
	s25 =	sand.u32 $0x7, s21  }
0x83d: {  	s24 =	sand.u32 $0xFFFF8000, s24;
	s25 =	sshll.u32 s25, $0x9  }
0x83e: {  	s24 =	sor.u32 s25, s24  }
0x83f: {  	s24 =	sshrl.u32 s24, $0x2  }
0x840: {  	s24 =	sadd.s32 $0x14880, s24  }
0x841: {  	v1 =	vld [tilespmem:s24+$0x70]  }
0x842: {  	v3 =	vld [tilespmem:s24+$0xFFFFFC10]  }
0x843: {  	v5 =	vld [tilespmem:s24+$0xFFFFFC20]  }
0x844: {  	v7 =	vld [tilespmem:s24+$0xFFFFFC30]  }
0x845: {  	v9 =	vld [tilespmem:s24+$0xFFFFFC40]  }
0x846: {  	v11 =	vld [tilespmem:s24+$0xFFFFFC50]  }
0x847: {  	v13 =	vld [tilespmem:s24+$0xFFFFFC60];
	s26 =	spop (v2sf)  }
0x848: {  	v15 =	vld [tilespmem:s24+$0xFFFFFC70];
	s25 =	sshll.u32 s26, $0xC  }
0x849: {  	v17 =	vld [tilespmem:s24+$0x0];
	s25 =	sshra.s32 s25, $0x2  }
0x84a: {  	v62 =	vld [tilespmem:s24+$0x40];
	s25 =	sadd.s32 $0x500, s25  }
0x84b: {  	v2 =	vld [tilespmem:s25+$0x70]  }
0x84c: {  	v4 =	vld [tilespmem:s25+$0xFFFFFF90]  }
0x84d: {  	v6 =	vld [tilespmem:s25+$0xFFFFFFA0]  }
0x84e: {  	v8 =	vld [tilespmem:s25+$0xFFFFFFB0]  }
0x84f: {  	v10 =	vld [tilespmem:s25+$0xFFFFFFC0]  }
0x850: {  	v12 =	vld [tilespmem:s25+$0xFFFFFFD0]  }
0x851: {  	v14 =	vld [tilespmem:s25+$0xFFFFFFE0]  }
0x852: {  	v16 =	vld [tilespmem:s25+$0xFFFFFFF0]  }
0x853: {  	v61 =	vld [tilespmem:s25+$0x30];
	v1 =	vadd.f32 v2, v1  }
0x854: {  	v2 =	vld [tilespmem:s25+$0x0];
	v3 =	vadd.f32 v4, v3  }
0x855: {  	v4 =	vld [tilespmem:s24+$0x10];
	[tilespmem:s24+$0x70] =	vst v1;
	v1 =	vadd.f32 v6, v5  }
0x856: {  	v5 =	vld [tilespmem:s25+$0x10];
	[tilespmem:s24+$0xFFFFFC10] =	vst v3;
	v3 =	vadd.f32 v8, v7  }
0x857: {  	v6 =	vld [tilespmem:s24+$0x20];
	[tilespmem:s24+$0xFFFFFC20] =	vst v1;
	v1 =	vadd.f32 v10, v9  }
0x858: {  	v7 =	vld [tilespmem:s25+$0x20];
	[tilespmem:s24+$0xFFFFFC30] =	vst v3;
	v3 =	vadd.f32 v12, v11  }
0x859: {  	v8 =	vld [tilespmem:s24+$0x30];
	v2 =	vadd.f32 v2, v17;
	[tilespmem:s24+$0xFFFFFC40] =	vst v1  }
0x85a: {  	v0 =	vld [tilespmem:s25+$0xFFFFFF80];
	v1 =	vadd.f32 v14, v13;
	[tilespmem:s24+$0xFFFFFC50] =	vst v3  }
0x85b: {  	v63 =	vld [tilespmem:s25+$0x40];
	v3 =	vadd.f32 v16, v15;
	[tilespmem:s24+$0x0] =	vst v2  }
0x85c: {  	v4 =	vadd.f32 v5, v4;
	[tilespmem:s24+$0xFFFFFC60] =	vst v1;
	v1 =	vld [tilespmem:s24+$0x50]  }
0x85d: {  	v5 =	vadd.f32 v7, v6;
	[tilespmem:s24+$0xFFFFFC70] =	vst v3;
	v3 =	vld [tilespmem:s25+$0x50]  }
0x85e: {  	v6 =	vadd.f32 v61, v8;
	v2 =	vld [tilespmem:s24+$0x60];
	[tilespmem:s24+$0x10] =	vst v4  }
0x85f: {  	[tilespmem:s24+$0x20] =	vst v5;
	v5 =	vld [tilespmem:s25+$0x60]  }
0x860: {  	s28 =	sadd.s32 $0x800, s24;
	s26 =	simm.s32 $0x0;
	v4 =	vld [tilespmem:s24+$0xFFFFFC00];
	[tilespmem:s24+$0x30] =	vst v6;
	v6 =	vadd.f32 v63, v62  }
.LBB2_95:
0x861: {  	v7 =	vld [tilespmem:s28+$0x70];
	s25 =	sadd.s32 $0x100, s25  }
0x862: {  	s26 =	sadd.s32 $0x10, s26;
	v8 =	vld [tilespmem:s25+$0x70];
	[tilespmem:s24+$0x40] =	vst v6;
	v1 =	vadd.f32 v3, v1  }
0x863: {  	p0 =	slt.u32 s26, $0x30;
	v3 =	vld [tilespmem:s25+$0xFFFFFF80]  }
0x864: {  	v6 =	vld [tilespmem:s28+$0xFFFFFC10];
	[tilespmem:s24+$0x50] =	vst v1;
	v1 =	vadd.f32 v5, v2  }
0x865: {  	v2 =	vld [tilespmem:s25+$0xFFFFFF90];
	v9 =	vadd.f32 v0, v4  }
0x866: {  	v4 =	vld [tilespmem:s28+$0xFFFFFC20];
	[tilespmem:s24+$0x60] =	vst v1  }
0x867: {  	v1 =	vld [tilespmem:s25+$0xFFFFFFA0];
	v5 =	vadd.f32 v8, v7;
	[tilespmem:s24+$0xFFFFFC00] =	vst v9;
	s24 =	smov.u32 s28  }
0x868: {  	v7 =	vld [tilespmem:s28+$0xFFFFFC30];
	v0 =	vmov v3  }
0x869: {  	v3 =	vld [tilespmem:s25+$0xFFFFFFB0];
	[tilespmem:s28+$0x70] =	vst v5  }
0x86a: {  	v2 =	vadd.f32 v2, v6;
	v5 =	vld [tilespmem:s28+$0xFFFFFC40]  }
0x86b: {  	v6 =	vld [tilespmem:s25+$0xFFFFFFC0]  }
0x86c: {  	[tilespmem:s28+$0xFFFFFC10] =	vst v2;
	v1 =	vadd.f32 v1, v4;
	v2 =	vld [tilespmem:s28+$0xFFFFFC50]  }
0x86d: {  	v4 =	vld [tilespmem:s25+$0xFFFFFFD0]  }
0x86e: {  	[tilespmem:s28+$0xFFFFFC20] =	vst v1;
	v1 =	vadd.f32 v3, v7;
	v3 =	vld [tilespmem:s28+$0xFFFFFC60]  }
0x86f: {  	v7 =	vld [tilespmem:s25+$0xFFFFFFE0]  }
0x870: {  	[tilespmem:s28+$0xFFFFFC30] =	vst v1;
	v1 =	vadd.f32 v6, v5;
	v5 =	vld [tilespmem:s28+$0xFFFFFC70]  }
0x871: {  	v6 =	vld [tilespmem:s25+$0xFFFFFFF0]  }
0x872: {  	[tilespmem:s28+$0xFFFFFC40] =	vst v1;
	v1 =	vadd.f32 v4, v2;
	v2 =	vld [tilespmem:s28+$0x0]  }
0x873: {  	v4 =	vld [tilespmem:s25+$0x0]  }
0x874: {  	[tilespmem:s28+$0xFFFFFC50] =	vst v1;
	v1 =	vadd.f32 v7, v3;
	v3 =	vld [tilespmem:s28+$0x10]  }
0x875: {  	v7 =	vld [tilespmem:s25+$0x10]  }
0x876: {  	[tilespmem:s28+$0xFFFFFC60] =	vst v1;
	v1 =	vadd.f32 v6, v5;
	v5 =	vld [tilespmem:s28+$0x20]  }
0x877: {  	v6 =	vld [tilespmem:s25+$0x20]  }
0x878: {  	[tilespmem:s28+$0xFFFFFC70] =	vst v1;
	v1 =	vadd.f32 v4, v2;
	v2 =	vld [tilespmem:s28+$0x30]  }
0x879: {  	v4 =	vld [tilespmem:s25+$0x30]  }
0x87a: {  	[tilespmem:s28+$0x0] =	vst v1;
	v1 =	vadd.f32 v7, v3;
	v7 =	vld [tilespmem:s28+$0x40]  }
0x87b: {  	v8 =	vld [tilespmem:s25+$0x40]  }
.Ltmp46:
0x87c: {  	[tilespmem:s28+$0x10] =	vst v1;
	v5 =	vadd.f32 v6, v5;
	v1 =	vld [tilespmem:s28+$0x50];
	(pc) =	sbr.rel @p0 .LBB2_95-.Ltmp46, $4  }
0x87d: {  	v3 =	vld [tilespmem:s25+$0x50]  }
0x87e: {  	[tilespmem:s28+$0x20] =	vst v5;
	v6 =	vadd.f32 v4, v2;
	v2 =	vld [tilespmem:s28+$0x60]  }
0x87f: {  	v5 =	vld [tilespmem:s25+$0x60]  }
0x880: {  	s28 =	sadd.s32 $0x800, s28;
	v4 =	vld [tilespmem:s24+$0xFFFFFC00];
	[tilespmem:s24+$0x30] =	vst v6;
	v6 =	vadd.f32 v8, v7  }
0x881: {  	s23 =	sadd.s32 $0x1, s23  }
0x882: {  	p0 =	sne.s32 s23, $0x20  }
.Ltmp47:
0x883: {  	v1 =	vadd.f32 v3, v1;
	(pc) =	sbr.rel @p0 .LBB2_94-.Ltmp47, $4  }
0x884: {  	[tilespmem:s24+$0x40] =	vst v6;
	v2 =	vadd.f32 v5, v2  }
0x885: {  	[tilespmem:s24+$0x50] =	vst v1;
	v0 =	vadd.f32 v0, v4  }
0x886: {  	[tilespmem:s24+$0x60] =	vst v2  }
0x887: {  	s22 =	sadd.s32 $0x400, s22;
	s21 =	sadd.s32 $0x1, s21;
	[tilespmem:s24+$0xFFFFFC00] =	vst v0  }
0x888: {  	s22 =	sld [smem:$0x7F3];
	_ =	sdelay $0x1  }
0x889: {  	s21 =	simm.s32 $0x0  }
0x88a: {  	[hbm4b:s22+s21] =	stream.linear.scatter [tilespmem:s11], [sflag:$0x6], $0x8000, $0x38;
	[tilespmem:$0x1C480] =	vst v63  }
0x88b: {  	_ =	swait.ge [sflag:s19], $0x8000  }
0x88c: {  	s28 =	sld [smem:$0x7F8]  }
0x88d: {  	[sflag:s19] =	ssyncset.done $0x0  }
0x88e: {  	[sflag:s19] =	ssyncadd.s32 $0xFFFF8000  }
0x88f: {  	[tilespmem:s11], [sflag:$0x3] =	stream.linear.gather [hbm4b:s28+s21], $0x8000, $0x38;
	[tilespmem:$0x1C480] =	vst v63  }
0x890: {  	_ =	swait.ge [sflag:s14], $0x8000  }
0x891: {  	[sflag:s14] =	ssyncset.done $0x0  }
0x892: {  	s23 =	simm.s32 $0x0;
	s22 =	simm.s32 $0x0;
	[sflag:s14] =	ssyncadd.s32 $0xFFFF8000  }
.LBB2_98:
0x893: {  	v0 =	vld [tilespmem:s23+$0x300];
	_ =	sdelay $0x4  }
0x894: {  	(v2sf) =	vpush v0, $0x0;
	_ =	sdelay $0x3  }
0x895: {  	s24 =	sshll.u32 s22, $0x2;
	s25 =	sand.u32 $0x7, s21  }
0x896: {  	s24 =	sand.u32 $0xFFFF8000, s24;
	s25 =	sshll.u32 s25, $0x9  }
0x897: {  	s24 =	sor.u32 s25, s24  }
0x898: {  	s24 =	sshrl.u32 s24, $0x2  }
0x899: {  	s24 =	sadd.s32 $0x4880, s24  }
0x89a: {  	v1 =	vld [tilespmem:s24+$0x70]  }
0x89b: {  	v3 =	vld [tilespmem:s24+$0xFFFFFC10]  }
0x89c: {  	v5 =	vld [tilespmem:s24+$0xFFFFFC20]  }
0x89d: {  	v7 =	vld [tilespmem:s24+$0xFFFFFC30]  }
0x89e: {  	v9 =	vld [tilespmem:s24+$0xFFFFFC40]  }
0x89f: {  	v11 =	vld [tilespmem:s24+$0xFFFFFC50]  }
0x8a0: {  	v13 =	vld [tilespmem:s24+$0xFFFFFC60];
	s26 =	spop (v2sf)  }
0x8a1: {  	v15 =	vld [tilespmem:s24+$0xFFFFFC70];
	s25 =	sshll.u32 s26, $0xC  }
0x8a2: {  	v17 =	vld [tilespmem:s24+$0x0];
	s25 =	sshra.s32 s25, $0x2  }
0x8a3: {  	v62 =	vld [tilespmem:s24+$0x40];
	s25 =	sadd.s32 $0x500, s25  }
0x8a4: {  	v2 =	vld [tilespmem:s25+$0x70]  }
0x8a5: {  	v4 =	vld [tilespmem:s25+$0xFFFFFF90]  }
0x8a6: {  	v6 =	vld [tilespmem:s25+$0xFFFFFFA0]  }
0x8a7: {  	v8 =	vld [tilespmem:s25+$0xFFFFFFB0]  }
0x8a8: {  	v10 =	vld [tilespmem:s25+$0xFFFFFFC0]  }
0x8a9: {  	v12 =	vld [tilespmem:s25+$0xFFFFFFD0]  }
0x8aa: {  	v14 =	vld [tilespmem:s25+$0xFFFFFFE0]  }
0x8ab: {  	v16 =	vld [tilespmem:s25+$0xFFFFFFF0]  }
0x8ac: {  	v61 =	vld [tilespmem:s25+$0x30];
	v1 =	vadd.f32 v2, v1  }
0x8ad: {  	v2 =	vld [tilespmem:s25+$0x0];
	v3 =	vadd.f32 v4, v3  }
0x8ae: {  	v4 =	vld [tilespmem:s24+$0x10];
	[tilespmem:s24+$0x70] =	vst v1;
	v1 =	vadd.f32 v6, v5  }
0x8af: {  	v5 =	vld [tilespmem:s25+$0x10];
	[tilespmem:s24+$0xFFFFFC10] =	vst v3;
	v3 =	vadd.f32 v8, v7  }
0x8b0: {  	v6 =	vld [tilespmem:s24+$0x20];
	[tilespmem:s24+$0xFFFFFC20] =	vst v1;
	v1 =	vadd.f32 v10, v9  }
0x8b1: {  	v7 =	vld [tilespmem:s25+$0x20];
	[tilespmem:s24+$0xFFFFFC30] =	vst v3;
	v3 =	vadd.f32 v12, v11  }
0x8b2: {  	v8 =	vld [tilespmem:s24+$0x30];
	v2 =	vadd.f32 v2, v17;
	[tilespmem:s24+$0xFFFFFC40] =	vst v1  }
0x8b3: {  	v0 =	vld [tilespmem:s25+$0xFFFFFF80];
	v1 =	vadd.f32 v14, v13;
	[tilespmem:s24+$0xFFFFFC50] =	vst v3  }
0x8b4: {  	v63 =	vld [tilespmem:s25+$0x40];
	v3 =	vadd.f32 v16, v15;
	[tilespmem:s24+$0x0] =	vst v2  }
0x8b5: {  	v4 =	vadd.f32 v5, v4;
	[tilespmem:s24+$0xFFFFFC60] =	vst v1;
	v1 =	vld [tilespmem:s24+$0x50]  }
0x8b6: {  	v5 =	vadd.f32 v7, v6;
	[tilespmem:s24+$0xFFFFFC70] =	vst v3;
	v3 =	vld [tilespmem:s25+$0x50]  }
0x8b7: {  	v6 =	vadd.f32 v61, v8;
	v2 =	vld [tilespmem:s24+$0x60];
	[tilespmem:s24+$0x10] =	vst v4  }
0x8b8: {  	[tilespmem:s24+$0x20] =	vst v5;
	v5 =	vld [tilespmem:s25+$0x60]  }
0x8b9: {  	s28 =	sadd.s32 $0x800, s24;
	s26 =	simm.s32 $0x0;
	v4 =	vld [tilespmem:s24+$0xFFFFFC00];
	[tilespmem:s24+$0x30] =	vst v6;
	v6 =	vadd.f32 v63, v62  }
.LBB2_99:
0x8ba: {  	v7 =	vld [tilespmem:s28+$0x70];
	s25 =	sadd.s32 $0x100, s25  }
0x8bb: {  	s26 =	sadd.s32 $0x10, s26;
	v8 =	vld [tilespmem:s25+$0x70];
	[tilespmem:s24+$0x40] =	vst v6;
	v1 =	vadd.f32 v3, v1  }
0x8bc: {  	p0 =	slt.u32 s26, $0x30;
	v3 =	vld [tilespmem:s25+$0xFFFFFF80]  }
0x8bd: {  	v6 =	vld [tilespmem:s28+$0xFFFFFC10];
	[tilespmem:s24+$0x50] =	vst v1;
	v1 =	vadd.f32 v5, v2  }
0x8be: {  	v2 =	vld [tilespmem:s25+$0xFFFFFF90];
	v9 =	vadd.f32 v0, v4  }
0x8bf: {  	v4 =	vld [tilespmem:s28+$0xFFFFFC20];
	[tilespmem:s24+$0x60] =	vst v1  }
0x8c0: {  	v1 =	vld [tilespmem:s25+$0xFFFFFFA0];
	v5 =	vadd.f32 v8, v7;
	[tilespmem:s24+$0xFFFFFC00] =	vst v9;
	s24 =	smov.u32 s28  }
0x8c1: {  	v7 =	vld [tilespmem:s28+$0xFFFFFC30];
	v0 =	vmov v3  }
0x8c2: {  	v3 =	vld [tilespmem:s25+$0xFFFFFFB0];
	[tilespmem:s28+$0x70] =	vst v5  }
0x8c3: {  	v2 =	vadd.f32 v2, v6;
	v5 =	vld [tilespmem:s28+$0xFFFFFC40]  }
0x8c4: {  	v6 =	vld [tilespmem:s25+$0xFFFFFFC0]  }
0x8c5: {  	[tilespmem:s28+$0xFFFFFC10] =	vst v2;
	v1 =	vadd.f32 v1, v4;
	v2 =	vld [tilespmem:s28+$0xFFFFFC50]  }
0x8c6: {  	v4 =	vld [tilespmem:s25+$0xFFFFFFD0]  }
0x8c7: {  	[tilespmem:s28+$0xFFFFFC20] =	vst v1;
	v1 =	vadd.f32 v3, v7;
	v3 =	vld [tilespmem:s28+$0xFFFFFC60]  }
0x8c8: {  	v7 =	vld [tilespmem:s25+$0xFFFFFFE0]  }
0x8c9: {  	[tilespmem:s28+$0xFFFFFC30] =	vst v1;
	v1 =	vadd.f32 v6, v5;
	v5 =	vld [tilespmem:s28+$0xFFFFFC70]  }
0x8ca: {  	v6 =	vld [tilespmem:s25+$0xFFFFFFF0]  }
0x8cb: {  	[tilespmem:s28+$0xFFFFFC40] =	vst v1;
	v1 =	vadd.f32 v4, v2;
	v2 =	vld [tilespmem:s28+$0x0]  }
0x8cc: {  	v4 =	vld [tilespmem:s25+$0x0]  }
0x8cd: {  	[tilespmem:s28+$0xFFFFFC50] =	vst v1;
	v1 =	vadd.f32 v7, v3;
	v3 =	vld [tilespmem:s28+$0x10]  }
0x8ce: {  	v7 =	vld [tilespmem:s25+$0x10]  }
0x8cf: {  	[tilespmem:s28+$0xFFFFFC60] =	vst v1;
	v1 =	vadd.f32 v6, v5;
	v5 =	vld [tilespmem:s28+$0x20]  }
0x8d0: {  	v6 =	vld [tilespmem:s25+$0x20]  }
0x8d1: {  	[tilespmem:s28+$0xFFFFFC70] =	vst v1;
	v1 =	vadd.f32 v4, v2;
	v2 =	vld [tilespmem:s28+$0x30]  }
0x8d2: {  	v4 =	vld [tilespmem:s25+$0x30]  }
0x8d3: {  	[tilespmem:s28+$0x0] =	vst v1;
	v1 =	vadd.f32 v7, v3;
	v7 =	vld [tilespmem:s28+$0x40]  }
0x8d4: {  	v8 =	vld [tilespmem:s25+$0x40]  }
.Ltmp48:
0x8d5: {  	[tilespmem:s28+$0x10] =	vst v1;
	v5 =	vadd.f32 v6, v5;
	v1 =	vld [tilespmem:s28+$0x50];
	(pc) =	sbr.rel @p0 .LBB2_99-.Ltmp48, $4  }
0x8d6: {  	v3 =	vld [tilespmem:s25+$0x50]  }
0x8d7: {  	[tilespmem:s28+$0x20] =	vst v5;
	v6 =	vadd.f32 v4, v2;
	v2 =	vld [tilespmem:s28+$0x60]  }
0x8d8: {  	v5 =	vld [tilespmem:s25+$0x60]  }
0x8d9: {  	s28 =	sadd.s32 $0x800, s28;
	v4 =	vld [tilespmem:s24+$0xFFFFFC00];
	[tilespmem:s24+$0x30] =	vst v6;
	v6 =	vadd.f32 v8, v7  }
0x8da: {  	s23 =	sadd.s32 $0x1, s23  }
0x8db: {  	p0 =	sne.s32 s23, $0x20  }
.Ltmp49:
0x8dc: {  	v1 =	vadd.f32 v3, v1;
	(pc) =	sbr.rel @p0 .LBB2_98-.Ltmp49, $4  }
0x8dd: {  	[tilespmem:s24+$0x40] =	vst v6;
	v2 =	vadd.f32 v5, v2  }
0x8de: {  	[tilespmem:s24+$0x50] =	vst v1;
	v0 =	vadd.f32 v0, v4  }
0x8df: {  	[tilespmem:s24+$0x60] =	vst v2  }
0x8e0: {  	s22 =	sadd.s32 $0x400, s22;
	s21 =	sadd.s32 $0x1, s21;
	[tilespmem:s24+$0xFFFFFC00] =	vst v0  }
0x8e1: {  	s22 =	sld [smem:$0x7F5];
	_ =	sdelay $0x1  }
0x8e2: {  	s21 =	simm.s32 $0x0  }
0x8e3: {  	[hbm4b:s22+s21] =	stream.linear.scatter [tilespmem:s9], [sflag:$0x4], $0x8000, $0x38;
	[tilespmem:$0x1C480] =	vst v63  }
0x8e4: {  	_ =	swait.ge [sflag:s15], $0x8000  }
0x8e5: {  	s28 =	sld [smem:$0x7FA]  }
0x8e6: {  	[sflag:s15] =	ssyncset.done $0x0  }
0x8e7: {  	[sflag:s15] =	ssyncadd.s32 $0xFFFF8000  }
0x8e8: {  	[tilespmem:s9], [sflag:$0x1] =	stream.linear.gather [hbm4b:s28+s21], $0x8000, $0x38;
	[tilespmem:$0x1C480] =	vst v63  }
0x8e9: {  	_ =	swait.ge [sflag:s16], $0x8000  }
0x8ea: {  	[sflag:s16] =	ssyncset.done $0x0  }
0x8eb: {  	s23 =	simm.s32 $0x0;
	s22 =	simm.s32 $0x0;
	[sflag:s16] =	ssyncadd.s32 $0xFFFF8000  }
.LBB2_102:
0x8ec: {  	v0 =	vld [tilespmem:s23+$0x320];
	_ =	sdelay $0x4  }
0x8ed: {  	(v2sf) =	vpush v0, $0x0;
	_ =	sdelay $0x3  }
0x8ee: {  	s24 =	sshll.u32 s22, $0x2;
	s25 =	sand.u32 $0x7, s21  }
0x8ef: {  	s24 =	sand.u32 $0xFFFF8000, s24;
	s25 =	sshll.u32 s25, $0x9  }
0x8f0: {  	s24 =	sor.u32 s25, s24  }
0x8f1: {  	s24 =	sshrl.u32 s24, $0x2  }
0x8f2: {  	s24 =	sadd.s32 $0xC880, s24  }
0x8f3: {  	v1 =	vld [tilespmem:s24+$0x70]  }
0x8f4: {  	v3 =	vld [tilespmem:s24+$0xFFFFFC10]  }
0x8f5: {  	v5 =	vld [tilespmem:s24+$0xFFFFFC20]  }
0x8f6: {  	v7 =	vld [tilespmem:s24+$0xFFFFFC30]  }
0x8f7: {  	v9 =	vld [tilespmem:s24+$0xFFFFFC40]  }
0x8f8: {  	v11 =	vld [tilespmem:s24+$0xFFFFFC50]  }
0x8f9: {  	v13 =	vld [tilespmem:s24+$0xFFFFFC60];
	s26 =	spop (v2sf)  }
0x8fa: {  	v15 =	vld [tilespmem:s24+$0xFFFFFC70];
	s25 =	sshll.u32 s26, $0xC  }
0x8fb: {  	v17 =	vld [tilespmem:s24+$0x0];
	s25 =	sshra.s32 s25, $0x2  }
0x8fc: {  	v62 =	vld [tilespmem:s24+$0x40];
	s25 =	sadd.s32 $0x500, s25  }
0x8fd: {  	v2 =	vld [tilespmem:s25+$0x70]  }
0x8fe: {  	v4 =	vld [tilespmem:s25+$0xFFFFFF90]  }
0x8ff: {  	v6 =	vld [tilespmem:s25+$0xFFFFFFA0]  }
0x900: {  	v8 =	vld [tilespmem:s25+$0xFFFFFFB0]  }
0x901: {  	v10 =	vld [tilespmem:s25+$0xFFFFFFC0]  }
0x902: {  	v12 =	vld [tilespmem:s25+$0xFFFFFFD0]  }
0x903: {  	v14 =	vld [tilespmem:s25+$0xFFFFFFE0]  }
0x904: {  	v16 =	vld [tilespmem:s25+$0xFFFFFFF0]  }
0x905: {  	v61 =	vld [tilespmem:s25+$0x30];
	v1 =	vadd.f32 v2, v1  }
0x906: {  	v2 =	vld [tilespmem:s25+$0x0];
	v3 =	vadd.f32 v4, v3  }
0x907: {  	v4 =	vld [tilespmem:s24+$0x10];
	[tilespmem:s24+$0x70] =	vst v1;
	v1 =	vadd.f32 v6, v5  }
0x908: {  	v5 =	vld [tilespmem:s25+$0x10];
	[tilespmem:s24+$0xFFFFFC10] =	vst v3;
	v3 =	vadd.f32 v8, v7  }
0x909: {  	v6 =	vld [tilespmem:s24+$0x20];
	[tilespmem:s24+$0xFFFFFC20] =	vst v1;
	v1 =	vadd.f32 v10, v9  }
0x90a: {  	v7 =	vld [tilespmem:s25+$0x20];
	[tilespmem:s24+$0xFFFFFC30] =	vst v3;
	v3 =	vadd.f32 v12, v11  }
0x90b: {  	v8 =	vld [tilespmem:s24+$0x30];
	v2 =	vadd.f32 v2, v17;
	[tilespmem:s24+$0xFFFFFC40] =	vst v1  }
0x90c: {  	v0 =	vld [tilespmem:s25+$0xFFFFFF80];
	v1 =	vadd.f32 v14, v13;
	[tilespmem:s24+$0xFFFFFC50] =	vst v3  }
0x90d: {  	v63 =	vld [tilespmem:s25+$0x40];
	v3 =	vadd.f32 v16, v15;
	[tilespmem:s24+$0x0] =	vst v2  }
0x90e: {  	v4 =	vadd.f32 v5, v4;
	[tilespmem:s24+$0xFFFFFC60] =	vst v1;
	v1 =	vld [tilespmem:s24+$0x50]  }
0x90f: {  	v5 =	vadd.f32 v7, v6;
	[tilespmem:s24+$0xFFFFFC70] =	vst v3;
	v3 =	vld [tilespmem:s25+$0x50]  }
0x910: {  	v6 =	vadd.f32 v61, v8;
	v2 =	vld [tilespmem:s24+$0x60];
	[tilespmem:s24+$0x10] =	vst v4  }
0x911: {  	[tilespmem:s24+$0x20] =	vst v5;
	v5 =	vld [tilespmem:s25+$0x60]  }
0x912: {  	s28 =	sadd.s32 $0x800, s24;
	s26 =	simm.s32 $0x0;
	v4 =	vld [tilespmem:s24+$0xFFFFFC00];
	[tilespmem:s24+$0x30] =	vst v6;
	v6 =	vadd.f32 v63, v62  }
.LBB2_103:
0x913: {  	v7 =	vld [tilespmem:s28+$0x70];
	s25 =	sadd.s32 $0x100, s25  }
0x914: {  	s26 =	sadd.s32 $0x10, s26;
	v8 =	vld [tilespmem:s25+$0x70];
	[tilespmem:s24+$0x40] =	vst v6;
	v1 =	vadd.f32 v3, v1  }
0x915: {  	p0 =	slt.u32 s26, $0x30;
	v3 =	vld [tilespmem:s25+$0xFFFFFF80]  }
0x916: {  	v6 =	vld [tilespmem:s28+$0xFFFFFC10];
	[tilespmem:s24+$0x50] =	vst v1;
	v1 =	vadd.f32 v5, v2  }
0x917: {  	v2 =	vld [tilespmem:s25+$0xFFFFFF90];
	v9 =	vadd.f32 v0, v4  }
0x918: {  	v4 =	vld [tilespmem:s28+$0xFFFFFC20];
	[tilespmem:s24+$0x60] =	vst v1  }
0x919: {  	v1 =	vld [tilespmem:s25+$0xFFFFFFA0];
	v5 =	vadd.f32 v8, v7;
	[tilespmem:s24+$0xFFFFFC00] =	vst v9;
	s24 =	smov.u32 s28  }
0x91a: {  	v7 =	vld [tilespmem:s28+$0xFFFFFC30];
	v0 =	vmov v3  }
0x91b: {  	v3 =	vld [tilespmem:s25+$0xFFFFFFB0];
	[tilespmem:s28+$0x70] =	vst v5  }
0x91c: {  	v2 =	vadd.f32 v2, v6;
	v5 =	vld [tilespmem:s28+$0xFFFFFC40]  }
0x91d: {  	v6 =	vld [tilespmem:s25+$0xFFFFFFC0]  }
0x91e: {  	[tilespmem:s28+$0xFFFFFC10] =	vst v2;
	v1 =	vadd.f32 v1, v4;
	v2 =	vld [tilespmem:s28+$0xFFFFFC50]  }
0x91f: {  	v4 =	vld [tilespmem:s25+$0xFFFFFFD0]  }
0x920: {  	[tilespmem:s28+$0xFFFFFC20] =	vst v1;
	v1 =	vadd.f32 v3, v7;
	v3 =	vld [tilespmem:s28+$0xFFFFFC60]  }
0x921: {  	v7 =	vld [tilespmem:s25+$0xFFFFFFE0]  }
0x922: {  	[tilespmem:s28+$0xFFFFFC30] =	vst v1;
	v1 =	vadd.f32 v6, v5;
	v5 =	vld [tilespmem:s28+$0xFFFFFC70]  }
0x923: {  	v6 =	vld [tilespmem:s25+$0xFFFFFFF0]  }
0x924: {  	[tilespmem:s28+$0xFFFFFC40] =	vst v1;
	v1 =	vadd.f32 v4, v2;
	v2 =	vld [tilespmem:s28+$0x0]  }
0x925: {  	v4 =	vld [tilespmem:s25+$0x0]  }
0x926: {  	[tilespmem:s28+$0xFFFFFC50] =	vst v1;
	v1 =	vadd.f32 v7, v3;
	v3 =	vld [tilespmem:s28+$0x10]  }
0x927: {  	v7 =	vld [tilespmem:s25+$0x10]  }
0x928: {  	[tilespmem:s28+$0xFFFFFC60] =	vst v1;
	v1 =	vadd.f32 v6, v5;
	v5 =	vld [tilespmem:s28+$0x20]  }
0x929: {  	v6 =	vld [tilespmem:s25+$0x20]  }
0x92a: {  	[tilespmem:s28+$0xFFFFFC70] =	vst v1;
	v1 =	vadd.f32 v4, v2;
	v2 =	vld [tilespmem:s28+$0x30]  }
0x92b: {  	v4 =	vld [tilespmem:s25+$0x30]  }
0x92c: {  	[tilespmem:s28+$0x0] =	vst v1;
	v1 =	vadd.f32 v7, v3;
	v7 =	vld [tilespmem:s28+$0x40]  }
0x92d: {  	v8 =	vld [tilespmem:s25+$0x40]  }
.Ltmp50:
0x92e: {  	[tilespmem:s28+$0x10] =	vst v1;
	v5 =	vadd.f32 v6, v5;
	v1 =	vld [tilespmem:s28+$0x50];
	(pc) =	sbr.rel @p0 .LBB2_103-.Ltmp50, $4  }
0x92f: {  	v3 =	vld [tilespmem:s25+$0x50]  }
0x930: {  	[tilespmem:s28+$0x20] =	vst v5;
	v6 =	vadd.f32 v4, v2;
	v2 =	vld [tilespmem:s28+$0x60]  }
0x931: {  	v5 =	vld [tilespmem:s25+$0x60]  }
0x932: {  	s28 =	sadd.s32 $0x800, s28;
	v4 =	vld [tilespmem:s24+$0xFFFFFC00];
	[tilespmem:s24+$0x30] =	vst v6;
	v6 =	vadd.f32 v8, v7  }
0x933: {  	s23 =	sadd.s32 $0x1, s23  }
0x934: {  	p0 =	sne.s32 s23, $0x20  }
.Ltmp51:
0x935: {  	v1 =	vadd.f32 v3, v1;
	(pc) =	sbr.rel @p0 .LBB2_102-.Ltmp51, $4  }
0x936: {  	[tilespmem:s24+$0x40] =	vst v6;
	v2 =	vadd.f32 v5, v2  }
0x937: {  	[tilespmem:s24+$0x50] =	vst v1;
	v0 =	vadd.f32 v0, v4  }
0x938: {  	[tilespmem:s24+$0x60] =	vst v2  }
0x939: {  	s22 =	sadd.s32 $0x400, s22;
	s21 =	sadd.s32 $0x1, s21;
	[tilespmem:s24+$0xFFFFFC00] =	vst v0  }
0x93a: {  	s22 =	sld [smem:$0x7F7];
	_ =	sdelay $0x1  }
0x93b: {  	s21 =	simm.s32 $0x0  }
0x93c: {  	[hbm4b:s22+s21] =	stream.linear.scatter [tilespmem:s10], [sflag:$0x5], $0x8000, $0x38;
	[tilespmem:$0x1C480] =	vst v63  }
0x93d: {  	_ =	swait.ge [sflag:s17], $0x8000  }
0x93e: {  	s28 =	sld [smem:$0x7FC]  }
0x93f: {  	[sflag:s17] =	ssyncset.done $0x0  }
0x940: {  	[sflag:s17] =	ssyncadd.s32 $0xFFFF8000  }
0x941: {  	[tilespmem:s10], [sflag:$0x2] =	stream.linear.gather [hbm4b:s28+s21], $0x8000, $0x38;
	[tilespmem:$0x1C480] =	vst v63  }
0x942: {  	_ =	swait.ge [sflag:s18], $0x8000  }
0x943: {  	[sflag:s18] =	ssyncset.done $0x0  }
0x944: {  	s23 =	simm.s32 $0x0;
	s22 =	simm.s32 $0x0;
	[sflag:s18] =	ssyncadd.s32 $0xFFFF8000  }
.LBB2_106:
0x945: {  	v0 =	vld [tilespmem:s23+$0x340];
	_ =	sdelay $0x4  }
0x946: {  	(v2sf) =	vpush v0, $0x0;
	_ =	sdelay $0x3  }
0x947: {  	s24 =	sshll.u32 s22, $0x2;
	s25 =	sand.u32 $0x7, s21  }
0x948: {  	s24 =	sand.u32 $0xFFFF8000, s24;
	s25 =	sshll.u32 s25, $0x9  }
0x949: {  	s24 =	sor.u32 s25, s24  }
0x94a: {  	s24 =	sshrl.u32 s24, $0x2  }
0x94b: {  	s24 =	sadd.s32 $0x14880, s24  }
0x94c: {  	v1 =	vld [tilespmem:s24+$0x70]  }
0x94d: {  	v3 =	vld [tilespmem:s24+$0xFFFFFC10]  }
0x94e: {  	v5 =	vld [tilespmem:s24+$0xFFFFFC20]  }
0x94f: {  	v7 =	vld [tilespmem:s24+$0xFFFFFC30]  }
0x950: {  	v9 =	vld [tilespmem:s24+$0xFFFFFC40]  }
0x951: {  	v11 =	vld [tilespmem:s24+$0xFFFFFC50]  }
0x952: {  	v13 =	vld [tilespmem:s24+$0xFFFFFC60];
	s26 =	spop (v2sf)  }
0x953: {  	v15 =	vld [tilespmem:s24+$0xFFFFFC70];
	s25 =	sshll.u32 s26, $0xC  }
0x954: {  	v17 =	vld [tilespmem:s24+$0x0];
	s25 =	sshra.s32 s25, $0x2  }
0x955: {  	v62 =	vld [tilespmem:s24+$0x40];
	s25 =	sadd.s32 $0x500, s25  }
0x956: {  	v2 =	vld [tilespmem:s25+$0x70]  }
0x957: {  	v4 =	vld [tilespmem:s25+$0xFFFFFF90]  }
0x958: {  	v6 =	vld [tilespmem:s25+$0xFFFFFFA0]  }
0x959: {  	v8 =	vld [tilespmem:s25+$0xFFFFFFB0]  }
0x95a: {  	v10 =	vld [tilespmem:s25+$0xFFFFFFC0]  }
0x95b: {  	v12 =	vld [tilespmem:s25+$0xFFFFFFD0]  }
0x95c: {  	v14 =	vld [tilespmem:s25+$0xFFFFFFE0]  }
0x95d: {  	v16 =	vld [tilespmem:s25+$0xFFFFFFF0]  }
0x95e: {  	v61 =	vld [tilespmem:s25+$0x30];
	v1 =	vadd.f32 v2, v1  }
0x95f: {  	v2 =	vld [tilespmem:s25+$0x0];
	v3 =	vadd.f32 v4, v3  }
0x960: {  	v4 =	vld [tilespmem:s24+$0x10];
	[tilespmem:s24+$0x70] =	vst v1;
	v1 =	vadd.f32 v6, v5  }
0x961: {  	v5 =	vld [tilespmem:s25+$0x10];
	[tilespmem:s24+$0xFFFFFC10] =	vst v3;
	v3 =	vadd.f32 v8, v7  }
0x962: {  	v6 =	vld [tilespmem:s24+$0x20];
	[tilespmem:s24+$0xFFFFFC20] =	vst v1;
	v1 =	vadd.f32 v10, v9  }
0x963: {  	v7 =	vld [tilespmem:s25+$0x20];
	[tilespmem:s24+$0xFFFFFC30] =	vst v3;
	v3 =	vadd.f32 v12, v11  }
0x964: {  	v8 =	vld [tilespmem:s24+$0x30];
	v2 =	vadd.f32 v2, v17;
	[tilespmem:s24+$0xFFFFFC40] =	vst v1  }
0x965: {  	v0 =	vld [tilespmem:s25+$0xFFFFFF80];
	v1 =	vadd.f32 v14, v13;
	[tilespmem:s24+$0xFFFFFC50] =	vst v3  }
0x966: {  	v63 =	vld [tilespmem:s25+$0x40];
	v3 =	vadd.f32 v16, v15;
	[tilespmem:s24+$0x0] =	vst v2  }
0x967: {  	v4 =	vadd.f32 v5, v4;
	[tilespmem:s24+$0xFFFFFC60] =	vst v1;
	v1 =	vld [tilespmem:s24+$0x50]  }
0x968: {  	v5 =	vadd.f32 v7, v6;
	[tilespmem:s24+$0xFFFFFC70] =	vst v3;
	v3 =	vld [tilespmem:s25+$0x50]  }
0x969: {  	v6 =	vadd.f32 v61, v8;
	v2 =	vld [tilespmem:s24+$0x60];
	[tilespmem:s24+$0x10] =	vst v4  }
0x96a: {  	[tilespmem:s24+$0x20] =	vst v5;
	v5 =	vld [tilespmem:s25+$0x60]  }
0x96b: {  	s28 =	sadd.s32 $0x800, s24;
	s26 =	simm.s32 $0x0;
	v4 =	vld [tilespmem:s24+$0xFFFFFC00];
	[tilespmem:s24+$0x30] =	vst v6;
	v6 =	vadd.f32 v63, v62  }
.LBB2_107:
0x96c: {  	v7 =	vld [tilespmem:s28+$0x70];
	s25 =	sadd.s32 $0x100, s25  }
0x96d: {  	s26 =	sadd.s32 $0x10, s26;
	v8 =	vld [tilespmem:s25+$0x70];
	[tilespmem:s24+$0x40] =	vst v6;
	v1 =	vadd.f32 v3, v1  }
0x96e: {  	p0 =	slt.u32 s26, $0x30;
	v3 =	vld [tilespmem:s25+$0xFFFFFF80]  }
0x96f: {  	v6 =	vld [tilespmem:s28+$0xFFFFFC10];
	[tilespmem:s24+$0x50] =	vst v1;
	v1 =	vadd.f32 v5, v2  }
0x970: {  	v2 =	vld [tilespmem:s25+$0xFFFFFF90];
	v9 =	vadd.f32 v0, v4  }
0x971: {  	v4 =	vld [tilespmem:s28+$0xFFFFFC20];
	[tilespmem:s24+$0x60] =	vst v1  }
0x972: {  	v1 =	vld [tilespmem:s25+$0xFFFFFFA0];
	v5 =	vadd.f32 v8, v7;
	[tilespmem:s24+$0xFFFFFC00] =	vst v9;
	s24 =	smov.u32 s28  }
0x973: {  	v7 =	vld [tilespmem:s28+$0xFFFFFC30];
	v0 =	vmov v3  }
0x974: {  	v3 =	vld [tilespmem:s25+$0xFFFFFFB0];
	[tilespmem:s28+$0x70] =	vst v5  }
0x975: {  	v2 =	vadd.f32 v2, v6;
	v5 =	vld [tilespmem:s28+$0xFFFFFC40]  }
0x976: {  	v6 =	vld [tilespmem:s25+$0xFFFFFFC0]  }
0x977: {  	[tilespmem:s28+$0xFFFFFC10] =	vst v2;
	v1 =	vadd.f32 v1, v4;
	v2 =	vld [tilespmem:s28+$0xFFFFFC50]  }
0x978: {  	v4 =	vld [tilespmem:s25+$0xFFFFFFD0]  }
0x979: {  	[tilespmem:s28+$0xFFFFFC20] =	vst v1;
	v1 =	vadd.f32 v3, v7;
	v3 =	vld [tilespmem:s28+$0xFFFFFC60]  }
0x97a: {  	v7 =	vld [tilespmem:s25+$0xFFFFFFE0]  }
0x97b: {  	[tilespmem:s28+$0xFFFFFC30] =	vst v1;
	v1 =	vadd.f32 v6, v5;
	v5 =	vld [tilespmem:s28+$0xFFFFFC70]  }
0x97c: {  	v6 =	vld [tilespmem:s25+$0xFFFFFFF0]  }
0x97d: {  	[tilespmem:s28+$0xFFFFFC40] =	vst v1;
	v1 =	vadd.f32 v4, v2;
	v2 =	vld [tilespmem:s28+$0x0]  }
0x97e: {  	v4 =	vld [tilespmem:s25+$0x0]  }
0x97f: {  	[tilespmem:s28+$0xFFFFFC50] =	vst v1;
	v1 =	vadd.f32 v7, v3;
	v3 =	vld [tilespmem:s28+$0x10]  }
0x980: {  	v7 =	vld [tilespmem:s25+$0x10]  }
0x981: {  	[tilespmem:s28+$0xFFFFFC60] =	vst v1;
	v1 =	vadd.f32 v6, v5;
	v5 =	vld [tilespmem:s28+$0x20]  }
0x982: {  	v6 =	vld [tilespmem:s25+$0x20]  }
0x983: {  	[tilespmem:s28+$0xFFFFFC70] =	vst v1;
	v1 =	vadd.f32 v4, v2;
	v2 =	vld [tilespmem:s28+$0x30]  }
0x984: {  	v4 =	vld [tilespmem:s25+$0x30]  }
0x985: {  	[tilespmem:s28+$0x0] =	vst v1;
	v1 =	vadd.f32 v7, v3;
	v7 =	vld [tilespmem:s28+$0x40]  }
0x986: {  	v8 =	vld [tilespmem:s25+$0x40]  }
.Ltmp52:
0x987: {  	[tilespmem:s28+$0x10] =	vst v1;
	v5 =	vadd.f32 v6, v5;
	v1 =	vld [tilespmem:s28+$0x50];
	(pc) =	sbr.rel @p0 .LBB2_107-.Ltmp52, $4  }
0x988: {  	v3 =	vld [tilespmem:s25+$0x50]  }
0x989: {  	[tilespmem:s28+$0x20] =	vst v5;
	v6 =	vadd.f32 v4, v2;
	v2 =	vld [tilespmem:s28+$0x60]  }
0x98a: {  	v5 =	vld [tilespmem:s25+$0x60]  }
0x98b: {  	s28 =	sadd.s32 $0x800, s28;
	v4 =	vld [tilespmem:s24+$0xFFFFFC00];
	[tilespmem:s24+$0x30] =	vst v6;
	v6 =	vadd.f32 v8, v7  }
0x98c: {  	s23 =	sadd.s32 $0x1, s23  }
0x98d: {  	p0 =	sne.s32 s23, $0x20  }
.Ltmp53:
0x98e: {  	v1 =	vadd.f32 v3, v1;
	(pc) =	sbr.rel @p0 .LBB2_106-.Ltmp53, $4  }
0x98f: {  	[tilespmem:s24+$0x40] =	vst v6;
	v2 =	vadd.f32 v5, v2  }
0x990: {  	[tilespmem:s24+$0x50] =	vst v1;
	v0 =	vadd.f32 v0, v4  }
0x991: {  	[tilespmem:s24+$0x60] =	vst v2  }
0x992: {  	s22 =	sadd.s32 $0x400, s22;
	s21 =	sadd.s32 $0x1, s21;
	[tilespmem:s24+$0xFFFFFC00] =	vst v0  }
0x993: {  	s22 =	sld [smem:$0x7F9];
	_ =	sdelay $0x1  }
0x994: {  	s21 =	simm.s32 $0x0  }
0x995: {  	[hbm4b:s22+s21] =	stream.linear.scatter [tilespmem:s11], [sflag:$0x6], $0x8000, $0x38;
	[tilespmem:$0x1C480] =	vst v63  }
0x996: {  	_ =	swait.ge [sflag:s19], $0x8000  }
0x997: {  	[sflag:s19] =	ssyncset.done $0x0  }
0x998: {  	[sflag:s19] =	ssyncadd.s32 $0xFFFF8000  }
0x999: {  	[tilespmem:s11], [sflag:$0x3] =	stream.linear.gather [hbm4b:s31+s21], $0x8000, $0x38;
	[tilespmem:$0x1C480] =	vst v63  }
0x99a: {  	_ =	swait.ge [sflag:s14], $0x8000  }
0x99b: {  	[sflag:s14] =	ssyncset.done $0x0  }
0x99c: {  	s23 =	simm.s32 $0x0;
	s22 =	simm.s32 $0x0;
	[sflag:s14] =	ssyncadd.s32 $0xFFFF8000  }
.LBB2_110:
0x99d: {  	v0 =	vld [tilespmem:s23+$0x360];
	_ =	sdelay $0x4  }
0x99e: {  	(v2sf) =	vpush v0, $0x0;
	_ =	sdelay $0x3  }
0x99f: {  	s24 =	sshll.u32 s22, $0x2;
	s25 =	sand.u32 $0x7, s21  }
0x9a0: {  	s24 =	sand.u32 $0xFFFF8000, s24;
	s25 =	sshll.u32 s25, $0x9  }
0x9a1: {  	s24 =	sor.u32 s25, s24  }
0x9a2: {  	s24 =	sshrl.u32 s24, $0x2  }
0x9a3: {  	s24 =	sadd.s32 $0x4880, s24  }
0x9a4: {  	v1 =	vld [tilespmem:s24+$0x70]  }
0x9a5: {  	v3 =	vld [tilespmem:s24+$0xFFFFFC10]  }
0x9a6: {  	v5 =	vld [tilespmem:s24+$0xFFFFFC20]  }
0x9a7: {  	v7 =	vld [tilespmem:s24+$0xFFFFFC30]  }
0x9a8: {  	v9 =	vld [tilespmem:s24+$0xFFFFFC40]  }
0x9a9: {  	v11 =	vld [tilespmem:s24+$0xFFFFFC50]  }
0x9aa: {  	v13 =	vld [tilespmem:s24+$0xFFFFFC60];
	s26 =	spop (v2sf)  }
0x9ab: {  	v15 =	vld [tilespmem:s24+$0xFFFFFC70];
	s25 =	sshll.u32 s26, $0xC  }
0x9ac: {  	v17 =	vld [tilespmem:s24+$0x0];
	s25 =	sshra.s32 s25, $0x2  }
0x9ad: {  	v62 =	vld [tilespmem:s24+$0x40];
	s25 =	sadd.s32 $0x500, s25  }
0x9ae: {  	v2 =	vld [tilespmem:s25+$0x70]  }
0x9af: {  	v4 =	vld [tilespmem:s25+$0xFFFFFF90]  }
0x9b0: {  	v6 =	vld [tilespmem:s25+$0xFFFFFFA0]  }
0x9b1: {  	v8 =	vld [tilespmem:s25+$0xFFFFFFB0]  }
0x9b2: {  	v10 =	vld [tilespmem:s25+$0xFFFFFFC0]  }
0x9b3: {  	v12 =	vld [tilespmem:s25+$0xFFFFFFD0]  }
0x9b4: {  	v14 =	vld [tilespmem:s25+$0xFFFFFFE0]  }
0x9b5: {  	v16 =	vld [tilespmem:s25+$0xFFFFFFF0]  }
0x9b6: {  	v61 =	vld [tilespmem:s25+$0x30];
	v1 =	vadd.f32 v2, v1  }
0x9b7: {  	v2 =	vld [tilespmem:s25+$0x0];
	v3 =	vadd.f32 v4, v3  }
0x9b8: {  	v4 =	vld [tilespmem:s24+$0x10];
	[tilespmem:s24+$0x70] =	vst v1;
	v1 =	vadd.f32 v6, v5  }
0x9b9: {  	v5 =	vld [tilespmem:s25+$0x10];
	[tilespmem:s24+$0xFFFFFC10] =	vst v3;
	v3 =	vadd.f32 v8, v7  }
0x9ba: {  	v6 =	vld [tilespmem:s24+$0x20];
	[tilespmem:s24+$0xFFFFFC20] =	vst v1;
	v1 =	vadd.f32 v10, v9  }
0x9bb: {  	v7 =	vld [tilespmem:s25+$0x20];
	[tilespmem:s24+$0xFFFFFC30] =	vst v3;
	v3 =	vadd.f32 v12, v11  }
0x9bc: {  	v8 =	vld [tilespmem:s24+$0x30];
	v2 =	vadd.f32 v2, v17;
	[tilespmem:s24+$0xFFFFFC40] =	vst v1  }
0x9bd: {  	v0 =	vld [tilespmem:s25+$0xFFFFFF80];
	v1 =	vadd.f32 v14, v13;
	[tilespmem:s24+$0xFFFFFC50] =	vst v3  }
0x9be: {  	v63 =	vld [tilespmem:s25+$0x40];
	v3 =	vadd.f32 v16, v15;
	[tilespmem:s24+$0x0] =	vst v2  }
0x9bf: {  	v4 =	vadd.f32 v5, v4;
	[tilespmem:s24+$0xFFFFFC60] =	vst v1;
	v1 =	vld [tilespmem:s24+$0x50]  }
0x9c0: {  	v5 =	vadd.f32 v7, v6;
	[tilespmem:s24+$0xFFFFFC70] =	vst v3;
	v3 =	vld [tilespmem:s25+$0x50]  }
0x9c1: {  	v6 =	vadd.f32 v61, v8;
	v2 =	vld [tilespmem:s24+$0x60];
	[tilespmem:s24+$0x10] =	vst v4  }
0x9c2: {  	[tilespmem:s24+$0x20] =	vst v5;
	v5 =	vld [tilespmem:s25+$0x60]  }
0x9c3: {  	s28 =	sadd.s32 $0x800, s24;
	s26 =	simm.s32 $0x0;
	v4 =	vld [tilespmem:s24+$0xFFFFFC00];
	[tilespmem:s24+$0x30] =	vst v6;
	v6 =	vadd.f32 v63, v62  }
.LBB2_111:
0x9c4: {  	v7 =	vld [tilespmem:s28+$0x70];
	s25 =	sadd.s32 $0x100, s25  }
0x9c5: {  	s26 =	sadd.s32 $0x10, s26;
	v8 =	vld [tilespmem:s25+$0x70];
	[tilespmem:s24+$0x40] =	vst v6;
	v1 =	vadd.f32 v3, v1  }
0x9c6: {  	p0 =	slt.u32 s26, $0x30;
	v3 =	vld [tilespmem:s25+$0xFFFFFF80]  }
0x9c7: {  	v6 =	vld [tilespmem:s28+$0xFFFFFC10];
	[tilespmem:s24+$0x50] =	vst v1;
	v1 =	vadd.f32 v5, v2  }
0x9c8: {  	v2 =	vld [tilespmem:s25+$0xFFFFFF90];
	v9 =	vadd.f32 v0, v4  }
0x9c9: {  	v4 =	vld [tilespmem:s28+$0xFFFFFC20];
	[tilespmem:s24+$0x60] =	vst v1  }
0x9ca: {  	v1 =	vld [tilespmem:s25+$0xFFFFFFA0];
	v5 =	vadd.f32 v8, v7;
	[tilespmem:s24+$0xFFFFFC00] =	vst v9;
	s24 =	smov.u32 s28  }
0x9cb: {  	v7 =	vld [tilespmem:s28+$0xFFFFFC30];
	v0 =	vmov v3  }
0x9cc: {  	v3 =	vld [tilespmem:s25+$0xFFFFFFB0];
	[tilespmem:s28+$0x70] =	vst v5  }
0x9cd: {  	v2 =	vadd.f32 v2, v6;
	v5 =	vld [tilespmem:s28+$0xFFFFFC40]  }
0x9ce: {  	v6 =	vld [tilespmem:s25+$0xFFFFFFC0]  }
0x9cf: {  	[tilespmem:s28+$0xFFFFFC10] =	vst v2;
	v1 =	vadd.f32 v1, v4;
	v2 =	vld [tilespmem:s28+$0xFFFFFC50]  }
0x9d0: {  	v4 =	vld [tilespmem:s25+$0xFFFFFFD0]  }
0x9d1: {  	[tilespmem:s28+$0xFFFFFC20] =	vst v1;
	v1 =	vadd.f32 v3, v7;
	v3 =	vld [tilespmem:s28+$0xFFFFFC60]  }
0x9d2: {  	v7 =	vld [tilespmem:s25+$0xFFFFFFE0]  }
0x9d3: {  	[tilespmem:s28+$0xFFFFFC30] =	vst v1;
	v1 =	vadd.f32 v6, v5;
	v5 =	vld [tilespmem:s28+$0xFFFFFC70]  }
0x9d4: {  	v6 =	vld [tilespmem:s25+$0xFFFFFFF0]  }
0x9d5: {  	[tilespmem:s28+$0xFFFFFC40] =	vst v1;
	v1 =	vadd.f32 v4, v2;
	v2 =	vld [tilespmem:s28+$0x0]  }
0x9d6: {  	v4 =	vld [tilespmem:s25+$0x0]  }
0x9d7: {  	[tilespmem:s28+$0xFFFFFC50] =	vst v1;
	v1 =	vadd.f32 v7, v3;
	v3 =	vld [tilespmem:s28+$0x10]  }
0x9d8: {  	v7 =	vld [tilespmem:s25+$0x10]  }
0x9d9: {  	[tilespmem:s28+$0xFFFFFC60] =	vst v1;
	v1 =	vadd.f32 v6, v5;
	v5 =	vld [tilespmem:s28+$0x20]  }
0x9da: {  	v6 =	vld [tilespmem:s25+$0x20]  }
0x9db: {  	[tilespmem:s28+$0xFFFFFC70] =	vst v1;
	v1 =	vadd.f32 v4, v2;
	v2 =	vld [tilespmem:s28+$0x30]  }
0x9dc: {  	v4 =	vld [tilespmem:s25+$0x30]  }
0x9dd: {  	[tilespmem:s28+$0x0] =	vst v1;
	v1 =	vadd.f32 v7, v3;
	v7 =	vld [tilespmem:s28+$0x40]  }
0x9de: {  	v8 =	vld [tilespmem:s25+$0x40]  }
.Ltmp54:
0x9df: {  	[tilespmem:s28+$0x10] =	vst v1;
	v5 =	vadd.f32 v6, v5;
	v1 =	vld [tilespmem:s28+$0x50];
	(pc) =	sbr.rel @p0 .LBB2_111-.Ltmp54, $4  }
0x9e0: {  	v3 =	vld [tilespmem:s25+$0x50]  }
0x9e1: {  	[tilespmem:s28+$0x20] =	vst v5;
	v6 =	vadd.f32 v4, v2;
	v2 =	vld [tilespmem:s28+$0x60]  }
0x9e2: {  	v5 =	vld [tilespmem:s25+$0x60]  }
0x9e3: {  	s28 =	sadd.s32 $0x800, s28;
	v4 =	vld [tilespmem:s24+$0xFFFFFC00];
	[tilespmem:s24+$0x30] =	vst v6;
	v6 =	vadd.f32 v8, v7  }
0x9e4: {  	s23 =	sadd.s32 $0x1, s23  }
0x9e5: {  	p0 =	sne.s32 s23, $0x20  }
.Ltmp55:
0x9e6: {  	v1 =	vadd.f32 v3, v1;
	(pc) =	sbr.rel @p0 .LBB2_110-.Ltmp55, $4  }
0x9e7: {  	[tilespmem:s24+$0x40] =	vst v6;
	v2 =	vadd.f32 v5, v2  }
0x9e8: {  	[tilespmem:s24+$0x50] =	vst v1;
	v0 =	vadd.f32 v0, v4  }
0x9e9: {  	[tilespmem:s24+$0x60] =	vst v2  }
0x9ea: {  	s22 =	sadd.s32 $0x400, s22;
	s21 =	sadd.s32 $0x1, s21;
	[tilespmem:s24+$0xFFFFFC00] =	vst v0  }
0x9eb: {  	s22 =	sld [smem:$0x7FB];
	_ =	sdelay $0x1  }
0x9ec: {  	s21 =	simm.s32 $0x0  }
0x9ed: {  	[hbm4b:s22+s21] =	stream.linear.scatter [tilespmem:s9], [sflag:$0x4], $0x8000, $0x38;
	[tilespmem:$0x1C480] =	vst v63  }
0x9ee: {  	_ =	swait.ge [sflag:s15], $0x8000  }
0x9ef: {  	[sflag:s15] =	ssyncset.done $0x0  }
0x9f0: {  	[sflag:s15] =	ssyncadd.s32 $0xFFFF8000  }
0x9f1: {  	[tilespmem:s9], [sflag:$0x1] =	stream.linear.gather [hbm4b:s0+s21], $0x8000, $0x38;
	[tilespmem:$0x1C480] =	vst v63  }
0x9f2: {  	_ =	swait.ge [sflag:s16], $0x8000  }
0x9f3: {  	[sflag:s16] =	ssyncset.done $0x0  }
0x9f4: {  	s23 =	simm.s32 $0x0;
	s22 =	simm.s32 $0x0;
	[sflag:s16] =	ssyncadd.s32 $0xFFFF8000  }
.LBB2_114:
0x9f5: {  	v0 =	vld [tilespmem:s23+$0x380];
	_ =	sdelay $0x4  }
0x9f6: {  	(v2sf) =	vpush v0, $0x0;
	_ =	sdelay $0x3  }
0x9f7: {  	s24 =	sshll.u32 s22, $0x2;
	s25 =	sand.u32 $0x7, s21  }
0x9f8: {  	s24 =	sand.u32 $0xFFFF8000, s24;
	s25 =	sshll.u32 s25, $0x9  }
0x9f9: {  	s24 =	sor.u32 s25, s24  }
0x9fa: {  	s24 =	sshrl.u32 s24, $0x2  }
0x9fb: {  	s24 =	sadd.s32 $0xC880, s24  }
0x9fc: {  	v1 =	vld [tilespmem:s24+$0x70]  }
0x9fd: {  	v3 =	vld [tilespmem:s24+$0xFFFFFC10]  }
0x9fe: {  	v5 =	vld [tilespmem:s24+$0xFFFFFC20]  }
0x9ff: {  	v7 =	vld [tilespmem:s24+$0xFFFFFC30]  }
0xa00: {  	v9 =	vld [tilespmem:s24+$0xFFFFFC40]  }
0xa01: {  	v11 =	vld [tilespmem:s24+$0xFFFFFC50]  }
0xa02: {  	v13 =	vld [tilespmem:s24+$0xFFFFFC60];
	s26 =	spop (v2sf)  }
0xa03: {  	v15 =	vld [tilespmem:s24+$0xFFFFFC70];
	s25 =	sshll.u32 s26, $0xC  }
0xa04: {  	v17 =	vld [tilespmem:s24+$0x0];
	s25 =	sshra.s32 s25, $0x2  }
0xa05: {  	v62 =	vld [tilespmem:s24+$0x40];
	s25 =	sadd.s32 $0x500, s25  }
0xa06: {  	v2 =	vld [tilespmem:s25+$0x70]  }
0xa07: {  	v4 =	vld [tilespmem:s25+$0xFFFFFF90]  }
0xa08: {  	v6 =	vld [tilespmem:s25+$0xFFFFFFA0]  }
0xa09: {  	v8 =	vld [tilespmem:s25+$0xFFFFFFB0]  }
0xa0a: {  	v10 =	vld [tilespmem:s25+$0xFFFFFFC0]  }
0xa0b: {  	v12 =	vld [tilespmem:s25+$0xFFFFFFD0]  }
0xa0c: {  	v14 =	vld [tilespmem:s25+$0xFFFFFFE0]  }
0xa0d: {  	v16 =	vld [tilespmem:s25+$0xFFFFFFF0]  }
0xa0e: {  	v61 =	vld [tilespmem:s25+$0x30];
	v1 =	vadd.f32 v2, v1  }
0xa0f: {  	v2 =	vld [tilespmem:s25+$0x0];
	v3 =	vadd.f32 v4, v3  }
0xa10: {  	v4 =	vld [tilespmem:s24+$0x10];
	[tilespmem:s24+$0x70] =	vst v1;
	v1 =	vadd.f32 v6, v5  }
0xa11: {  	v5 =	vld [tilespmem:s25+$0x10];
	[tilespmem:s24+$0xFFFFFC10] =	vst v3;
	v3 =	vadd.f32 v8, v7  }
0xa12: {  	v6 =	vld [tilespmem:s24+$0x20];
	[tilespmem:s24+$0xFFFFFC20] =	vst v1;
	v1 =	vadd.f32 v10, v9  }
0xa13: {  	v7 =	vld [tilespmem:s25+$0x20];
	[tilespmem:s24+$0xFFFFFC30] =	vst v3;
	v3 =	vadd.f32 v12, v11  }
0xa14: {  	v8 =	vld [tilespmem:s24+$0x30];
	v2 =	vadd.f32 v2, v17;
	[tilespmem:s24+$0xFFFFFC40] =	vst v1  }
0xa15: {  	v0 =	vld [tilespmem:s25+$0xFFFFFF80];
	v1 =	vadd.f32 v14, v13;
	[tilespmem:s24+$0xFFFFFC50] =	vst v3  }
0xa16: {  	v63 =	vld [tilespmem:s25+$0x40];
	v3 =	vadd.f32 v16, v15;
	[tilespmem:s24+$0x0] =	vst v2  }
0xa17: {  	v4 =	vadd.f32 v5, v4;
	[tilespmem:s24+$0xFFFFFC60] =	vst v1;
	v1 =	vld [tilespmem:s24+$0x50]  }
0xa18: {  	v5 =	vadd.f32 v7, v6;
	[tilespmem:s24+$0xFFFFFC70] =	vst v3;
	v3 =	vld [tilespmem:s25+$0x50]  }
0xa19: {  	v6 =	vadd.f32 v61, v8;
	v2 =	vld [tilespmem:s24+$0x60];
	[tilespmem:s24+$0x10] =	vst v4  }
0xa1a: {  	[tilespmem:s24+$0x20] =	vst v5;
	v5 =	vld [tilespmem:s25+$0x60]  }
0xa1b: {  	s28 =	sadd.s32 $0x800, s24;
	s26 =	simm.s32 $0x0;
	v4 =	vld [tilespmem:s24+$0xFFFFFC00];
	[tilespmem:s24+$0x30] =	vst v6;
	v6 =	vadd.f32 v63, v62  }
.LBB2_115:
0xa1c: {  	v7 =	vld [tilespmem:s28+$0x70];
	s25 =	sadd.s32 $0x100, s25  }
0xa1d: {  	s26 =	sadd.s32 $0x10, s26;
	v8 =	vld [tilespmem:s25+$0x70];
	[tilespmem:s24+$0x40] =	vst v6;
	v1 =	vadd.f32 v3, v1  }
0xa1e: {  	p0 =	slt.u32 s26, $0x30;
	v3 =	vld [tilespmem:s25+$0xFFFFFF80]  }
0xa1f: {  	v6 =	vld [tilespmem:s28+$0xFFFFFC10];
	[tilespmem:s24+$0x50] =	vst v1;
	v1 =	vadd.f32 v5, v2  }
0xa20: {  	v2 =	vld [tilespmem:s25+$0xFFFFFF90];
	v9 =	vadd.f32 v0, v4  }
0xa21: {  	v4 =	vld [tilespmem:s28+$0xFFFFFC20];
	[tilespmem:s24+$0x60] =	vst v1  }
0xa22: {  	v1 =	vld [tilespmem:s25+$0xFFFFFFA0];
	v5 =	vadd.f32 v8, v7;
	[tilespmem:s24+$0xFFFFFC00] =	vst v9;
	s24 =	smov.u32 s28  }
0xa23: {  	v7 =	vld [tilespmem:s28+$0xFFFFFC30];
	v0 =	vmov v3  }
0xa24: {  	v3 =	vld [tilespmem:s25+$0xFFFFFFB0];
	[tilespmem:s28+$0x70] =	vst v5  }
0xa25: {  	v2 =	vadd.f32 v2, v6;
	v5 =	vld [tilespmem:s28+$0xFFFFFC40]  }
0xa26: {  	v6 =	vld [tilespmem:s25+$0xFFFFFFC0]  }
0xa27: {  	[tilespmem:s28+$0xFFFFFC10] =	vst v2;
	v1 =	vadd.f32 v1, v4;
	v2 =	vld [tilespmem:s28+$0xFFFFFC50]  }
0xa28: {  	v4 =	vld [tilespmem:s25+$0xFFFFFFD0]  }
0xa29: {  	[tilespmem:s28+$0xFFFFFC20] =	vst v1;
	v1 =	vadd.f32 v3, v7;
	v3 =	vld [tilespmem:s28+$0xFFFFFC60]  }
0xa2a: {  	v7 =	vld [tilespmem:s25+$0xFFFFFFE0]  }
0xa2b: {  	[tilespmem:s28+$0xFFFFFC30] =	vst v1;
	v1 =	vadd.f32 v6, v5;
	v5 =	vld [tilespmem:s28+$0xFFFFFC70]  }
0xa2c: {  	v6 =	vld [tilespmem:s25+$0xFFFFFFF0]  }
0xa2d: {  	[tilespmem:s28+$0xFFFFFC40] =	vst v1;
	v1 =	vadd.f32 v4, v2;
	v2 =	vld [tilespmem:s28+$0x0]  }
0xa2e: {  	v4 =	vld [tilespmem:s25+$0x0]  }
0xa2f: {  	[tilespmem:s28+$0xFFFFFC50] =	vst v1;
	v1 =	vadd.f32 v7, v3;
	v3 =	vld [tilespmem:s28+$0x10]  }
0xa30: {  	v7 =	vld [tilespmem:s25+$0x10]  }
0xa31: {  	[tilespmem:s28+$0xFFFFFC60] =	vst v1;
	v1 =	vadd.f32 v6, v5;
	v5 =	vld [tilespmem:s28+$0x20]  }
0xa32: {  	v6 =	vld [tilespmem:s25+$0x20]  }
0xa33: {  	[tilespmem:s28+$0xFFFFFC70] =	vst v1;
	v1 =	vadd.f32 v4, v2;
	v2 =	vld [tilespmem:s28+$0x30]  }
0xa34: {  	v4 =	vld [tilespmem:s25+$0x30]  }
0xa35: {  	[tilespmem:s28+$0x0] =	vst v1;
	v1 =	vadd.f32 v7, v3;
	v7 =	vld [tilespmem:s28+$0x40]  }
0xa36: {  	v8 =	vld [tilespmem:s25+$0x40]  }
.Ltmp56:
0xa37: {  	[tilespmem:s28+$0x10] =	vst v1;
	v5 =	vadd.f32 v6, v5;
	v1 =	vld [tilespmem:s28+$0x50];
	(pc) =	sbr.rel @p0 .LBB2_115-.Ltmp56, $4  }
0xa38: {  	v3 =	vld [tilespmem:s25+$0x50]  }
0xa39: {  	[tilespmem:s28+$0x20] =	vst v5;
	v6 =	vadd.f32 v4, v2;
	v2 =	vld [tilespmem:s28+$0x60]  }
0xa3a: {  	v5 =	vld [tilespmem:s25+$0x60]  }
0xa3b: {  	s28 =	sadd.s32 $0x800, s28;
	v4 =	vld [tilespmem:s24+$0xFFFFFC00];
	[tilespmem:s24+$0x30] =	vst v6;
	v6 =	vadd.f32 v8, v7  }
0xa3c: {  	s23 =	sadd.s32 $0x1, s23  }
0xa3d: {  	p0 =	sne.s32 s23, $0x20  }
.Ltmp57:
0xa3e: {  	v1 =	vadd.f32 v3, v1;
	(pc) =	sbr.rel @p0 .LBB2_114-.Ltmp57, $4  }
0xa3f: {  	[tilespmem:s24+$0x40] =	vst v6;
	v2 =	vadd.f32 v5, v2  }
0xa40: {  	[tilespmem:s24+$0x50] =	vst v1;
	v0 =	vadd.f32 v0, v4  }
0xa41: {  	[tilespmem:s24+$0x60] =	vst v2  }
0xa42: {  	s22 =	sadd.s32 $0x400, s22;
	s21 =	sadd.s32 $0x1, s21;
	[tilespmem:s24+$0xFFFFFC00] =	vst v0  }
0xa43: {  	s22 =	sld [smem:$0x7FD];
	_ =	sdelay $0x1  }
0xa44: {  	s21 =	simm.s32 $0x0  }
0xa45: {  	[hbm4b:s22+s21] =	stream.linear.scatter [tilespmem:s10], [sflag:$0x5], $0x8000, $0x38;
	[tilespmem:$0x1C480] =	vst v63  }
0xa46: {  	_ =	swait.ge [sflag:s17], $0x8000  }
0xa47: {  	[sflag:s17] =	ssyncset.done $0x0  }
0xa48: {  	[sflag:s17] =	ssyncadd.s32 $0xFFFF8000  }
0xa49: {  	[tilespmem:s10], [sflag:$0x2] =	stream.linear.gather [hbm4b:s2+s21], $0x8000, $0x38;
	[tilespmem:$0x1C480] =	vst v63  }
0xa4a: {  	_ =	swait.ge [sflag:s18], $0x8000  }
0xa4b: {  	[sflag:s18] =	ssyncset.done $0x0  }
0xa4c: {  	s23 =	simm.s32 $0x0;
	s22 =	simm.s32 $0x0;
	[sflag:s18] =	ssyncadd.s32 $0xFFFF8000  }
.LBB2_118:
0xa4d: {  	v0 =	vld [tilespmem:s23+$0x3A0];
	_ =	sdelay $0x4  }
0xa4e: {  	(v2sf) =	vpush v0, $0x0;
	_ =	sdelay $0x3  }
0xa4f: {  	s24 =	sshll.u32 s22, $0x2;
	s25 =	sand.u32 $0x7, s21  }
0xa50: {  	s24 =	sand.u32 $0xFFFF8000, s24;
	s25 =	sshll.u32 s25, $0x9  }
0xa51: {  	s24 =	sor.u32 s25, s24  }
0xa52: {  	s24 =	sshrl.u32 s24, $0x2  }
0xa53: {  	s24 =	sadd.s32 $0x14880, s24  }
0xa54: {  	v1 =	vld [tilespmem:s24+$0x70]  }
0xa55: {  	v3 =	vld [tilespmem:s24+$0xFFFFFC10]  }
0xa56: {  	v5 =	vld [tilespmem:s24+$0xFFFFFC20]  }
0xa57: {  	v7 =	vld [tilespmem:s24+$0xFFFFFC30]  }
0xa58: {  	v9 =	vld [tilespmem:s24+$0xFFFFFC40]  }
0xa59: {  	v11 =	vld [tilespmem:s24+$0xFFFFFC50]  }
0xa5a: {  	v13 =	vld [tilespmem:s24+$0xFFFFFC60];
	s26 =	spop (v2sf)  }
0xa5b: {  	v15 =	vld [tilespmem:s24+$0xFFFFFC70];
	s25 =	sshll.u32 s26, $0xC  }
0xa5c: {  	v17 =	vld [tilespmem:s24+$0x0];
	s25 =	sshra.s32 s25, $0x2  }
0xa5d: {  	v62 =	vld [tilespmem:s24+$0x40];
	s25 =	sadd.s32 $0x500, s25  }
0xa5e: {  	v2 =	vld [tilespmem:s25+$0x70]  }
0xa5f: {  	v4 =	vld [tilespmem:s25+$0xFFFFFF90]  }
0xa60: {  	v6 =	vld [tilespmem:s25+$0xFFFFFFA0]  }
0xa61: {  	v8 =	vld [tilespmem:s25+$0xFFFFFFB0]  }
0xa62: {  	v10 =	vld [tilespmem:s25+$0xFFFFFFC0]  }
0xa63: {  	v12 =	vld [tilespmem:s25+$0xFFFFFFD0]  }
0xa64: {  	v14 =	vld [tilespmem:s25+$0xFFFFFFE0]  }
0xa65: {  	v16 =	vld [tilespmem:s25+$0xFFFFFFF0]  }
0xa66: {  	v61 =	vld [tilespmem:s25+$0x30];
	v1 =	vadd.f32 v2, v1  }
0xa67: {  	v2 =	vld [tilespmem:s25+$0x0];
	v3 =	vadd.f32 v4, v3  }
0xa68: {  	v4 =	vld [tilespmem:s24+$0x10];
	[tilespmem:s24+$0x70] =	vst v1;
	v1 =	vadd.f32 v6, v5  }
0xa69: {  	v5 =	vld [tilespmem:s25+$0x10];
	[tilespmem:s24+$0xFFFFFC10] =	vst v3;
	v3 =	vadd.f32 v8, v7  }
0xa6a: {  	v6 =	vld [tilespmem:s24+$0x20];
	[tilespmem:s24+$0xFFFFFC20] =	vst v1;
	v1 =	vadd.f32 v10, v9  }
0xa6b: {  	v7 =	vld [tilespmem:s25+$0x20];
	[tilespmem:s24+$0xFFFFFC30] =	vst v3;
	v3 =	vadd.f32 v12, v11  }
0xa6c: {  	v8 =	vld [tilespmem:s24+$0x30];
	v2 =	vadd.f32 v2, v17;
	[tilespmem:s24+$0xFFFFFC40] =	vst v1  }
0xa6d: {  	v0 =	vld [tilespmem:s25+$0xFFFFFF80];
	v1 =	vadd.f32 v14, v13;
	[tilespmem:s24+$0xFFFFFC50] =	vst v3  }
0xa6e: {  	v63 =	vld [tilespmem:s25+$0x40];
	v3 =	vadd.f32 v16, v15;
	[tilespmem:s24+$0x0] =	vst v2  }
0xa6f: {  	v4 =	vadd.f32 v5, v4;
	[tilespmem:s24+$0xFFFFFC60] =	vst v1;
	v1 =	vld [tilespmem:s24+$0x50]  }
0xa70: {  	v5 =	vadd.f32 v7, v6;
	[tilespmem:s24+$0xFFFFFC70] =	vst v3;
	v3 =	vld [tilespmem:s25+$0x50]  }
0xa71: {  	v6 =	vadd.f32 v61, v8;
	v2 =	vld [tilespmem:s24+$0x60];
	[tilespmem:s24+$0x10] =	vst v4  }
0xa72: {  	[tilespmem:s24+$0x20] =	vst v5;
	v5 =	vld [tilespmem:s25+$0x60]  }
0xa73: {  	s28 =	sadd.s32 $0x800, s24;
	s26 =	simm.s32 $0x0;
	v4 =	vld [tilespmem:s24+$0xFFFFFC00];
	[tilespmem:s24+$0x30] =	vst v6;
	v6 =	vadd.f32 v63, v62  }
.LBB2_119:
0xa74: {  	v7 =	vld [tilespmem:s28+$0x70];
	s25 =	sadd.s32 $0x100, s25  }
0xa75: {  	s26 =	sadd.s32 $0x10, s26;
	v8 =	vld [tilespmem:s25+$0x70];
	[tilespmem:s24+$0x40] =	vst v6;
	v1 =	vadd.f32 v3, v1  }
0xa76: {  	p0 =	slt.u32 s26, $0x30;
	v3 =	vld [tilespmem:s25+$0xFFFFFF80]  }
0xa77: {  	v6 =	vld [tilespmem:s28+$0xFFFFFC10];
	[tilespmem:s24+$0x50] =	vst v1;
	v1 =	vadd.f32 v5, v2  }
0xa78: {  	v2 =	vld [tilespmem:s25+$0xFFFFFF90];
	v9 =	vadd.f32 v0, v4  }
0xa79: {  	v4 =	vld [tilespmem:s28+$0xFFFFFC20];
	[tilespmem:s24+$0x60] =	vst v1  }
0xa7a: {  	v1 =	vld [tilespmem:s25+$0xFFFFFFA0];
	v5 =	vadd.f32 v8, v7;
	[tilespmem:s24+$0xFFFFFC00] =	vst v9;
	s24 =	smov.u32 s28  }
0xa7b: {  	v7 =	vld [tilespmem:s28+$0xFFFFFC30];
	v0 =	vmov v3  }
0xa7c: {  	v3 =	vld [tilespmem:s25+$0xFFFFFFB0];
	[tilespmem:s28+$0x70] =	vst v5  }
0xa7d: {  	v2 =	vadd.f32 v2, v6;
	v5 =	vld [tilespmem:s28+$0xFFFFFC40]  }
0xa7e: {  	v6 =	vld [tilespmem:s25+$0xFFFFFFC0]  }
0xa7f: {  	[tilespmem:s28+$0xFFFFFC10] =	vst v2;
	v1 =	vadd.f32 v1, v4;
	v2 =	vld [tilespmem:s28+$0xFFFFFC50]  }
0xa80: {  	v4 =	vld [tilespmem:s25+$0xFFFFFFD0]  }
0xa81: {  	[tilespmem:s28+$0xFFFFFC20] =	vst v1;
	v1 =	vadd.f32 v3, v7;
	v3 =	vld [tilespmem:s28+$0xFFFFFC60]  }
0xa82: {  	v7 =	vld [tilespmem:s25+$0xFFFFFFE0]  }
0xa83: {  	[tilespmem:s28+$0xFFFFFC30] =	vst v1;
	v1 =	vadd.f32 v6, v5;
	v5 =	vld [tilespmem:s28+$0xFFFFFC70]  }
0xa84: {  	v6 =	vld [tilespmem:s25+$0xFFFFFFF0]  }
0xa85: {  	[tilespmem:s28+$0xFFFFFC40] =	vst v1;
	v1 =	vadd.f32 v4, v2;
	v2 =	vld [tilespmem:s28+$0x0]  }
0xa86: {  	v4 =	vld [tilespmem:s25+$0x0]  }
0xa87: {  	[tilespmem:s28+$0xFFFFFC50] =	vst v1;
	v1 =	vadd.f32 v7, v3;
	v3 =	vld [tilespmem:s28+$0x10]  }
0xa88: {  	v7 =	vld [tilespmem:s25+$0x10]  }
0xa89: {  	[tilespmem:s28+$0xFFFFFC60] =	vst v1;
	v1 =	vadd.f32 v6, v5;
	v5 =	vld [tilespmem:s28+$0x20]  }
0xa8a: {  	v6 =	vld [tilespmem:s25+$0x20]  }
0xa8b: {  	[tilespmem:s28+$0xFFFFFC70] =	vst v1;
	v1 =	vadd.f32 v4, v2;
	v2 =	vld [tilespmem:s28+$0x30]  }
0xa8c: {  	v4 =	vld [tilespmem:s25+$0x30]  }
0xa8d: {  	[tilespmem:s28+$0x0] =	vst v1;
	v1 =	vadd.f32 v7, v3;
	v7 =	vld [tilespmem:s28+$0x40]  }
0xa8e: {  	v8 =	vld [tilespmem:s25+$0x40]  }
.Ltmp58:
0xa8f: {  	[tilespmem:s28+$0x10] =	vst v1;
	v5 =	vadd.f32 v6, v5;
	v1 =	vld [tilespmem:s28+$0x50];
	(pc) =	sbr.rel @p0 .LBB2_119-.Ltmp58, $4  }
0xa90: {  	v3 =	vld [tilespmem:s25+$0x50]  }
0xa91: {  	[tilespmem:s28+$0x20] =	vst v5;
	v6 =	vadd.f32 v4, v2;
	v2 =	vld [tilespmem:s28+$0x60]  }
0xa92: {  	v5 =	vld [tilespmem:s25+$0x60]  }
0xa93: {  	s28 =	sadd.s32 $0x800, s28;
	v4 =	vld [tilespmem:s24+$0xFFFFFC00];
	[tilespmem:s24+$0x30] =	vst v6;
	v6 =	vadd.f32 v8, v7  }
0xa94: {  	s23 =	sadd.s32 $0x1, s23  }
0xa95: {  	p0 =	sne.s32 s23, $0x20  }
.Ltmp59:
0xa96: {  	v1 =	vadd.f32 v3, v1;
	(pc) =	sbr.rel @p0 .LBB2_118-.Ltmp59, $4  }
0xa97: {  	[tilespmem:s24+$0x40] =	vst v6;
	v2 =	vadd.f32 v5, v2  }
0xa98: {  	[tilespmem:s24+$0x50] =	vst v1;
	v0 =	vadd.f32 v0, v4  }
0xa99: {  	[tilespmem:s24+$0x60] =	vst v2  }
0xa9a: {  	s22 =	sadd.s32 $0x400, s22;
	s21 =	sadd.s32 $0x1, s21;
	[tilespmem:s24+$0xFFFFFC00] =	vst v0  }
0xa9b: {  	s21 =	simm.s32 $0x0  }
0xa9c: {  	[hbm4b:s3+s21] =	stream.linear.scatter [tilespmem:s11], [sflag:$0x6], $0x8000, $0x38;
	[tilespmem:$0x1C480] =	vst v63  }
0xa9d: {  	_ =	swait.ge [sflag:s14], $0x8000  }
0xa9e: {  	[sflag:s14] =	ssyncset.done $0x0  }
0xa9f: {  	s22 =	simm.s32 $0x0;
	s23 =	simm.s32 $0x0;
	[sflag:s14] =	ssyncadd.s32 $0xFFFF8000  }
.LBB2_122:
0xaa0: {  	v0 =	vld [tilespmem:s23+$0x3C0];
	_ =	sdelay $0x4  }
0xaa1: {  	(v2sf) =	vpush v0, $0x0;
	_ =	sdelay $0x3  }
0xaa2: {  	s24 =	sshll.u32 s22, $0x2;
	s25 =	sand.u32 $0x7, s21  }
0xaa3: {  	s24 =	sand.u32 $0xFFFF8000, s24;
	s25 =	sshll.u32 s25, $0x9  }
0xaa4: {  	s24 =	sor.u32 s25, s24  }
0xaa5: {  	s24 =	sshrl.u32 s24, $0x2  }
0xaa6: {  	s24 =	sadd.s32 $0x4880, s24  }
0xaa7: {  	v1 =	vld [tilespmem:s24+$0x70]  }
0xaa8: {  	v3 =	vld [tilespmem:s24+$0xFFFFFC10]  }
0xaa9: {  	v5 =	vld [tilespmem:s24+$0xFFFFFC20]  }
0xaaa: {  	v7 =	vld [tilespmem:s24+$0xFFFFFC30]  }
0xaab: {  	v9 =	vld [tilespmem:s24+$0xFFFFFC40]  }
0xaac: {  	v11 =	vld [tilespmem:s24+$0xFFFFFC50]  }
0xaad: {  	v13 =	vld [tilespmem:s24+$0xFFFFFC60];
	s26 =	spop (v2sf)  }
0xaae: {  	v15 =	vld [tilespmem:s24+$0xFFFFFC70];
	s25 =	sshll.u32 s26, $0xC  }
0xaaf: {  	v17 =	vld [tilespmem:s24+$0x0];
	s25 =	sshra.s32 s25, $0x2  }
0xab0: {  	v62 =	vld [tilespmem:s24+$0x40];
	s25 =	sadd.s32 $0x500, s25  }
0xab1: {  	v2 =	vld [tilespmem:s25+$0x70]  }
0xab2: {  	v4 =	vld [tilespmem:s25+$0xFFFFFF90]  }
0xab3: {  	v6 =	vld [tilespmem:s25+$0xFFFFFFA0]  }
0xab4: {  	v8 =	vld [tilespmem:s25+$0xFFFFFFB0]  }
0xab5: {  	v10 =	vld [tilespmem:s25+$0xFFFFFFC0]  }
0xab6: {  	v12 =	vld [tilespmem:s25+$0xFFFFFFD0]  }
0xab7: {  	v14 =	vld [tilespmem:s25+$0xFFFFFFE0]  }
0xab8: {  	v16 =	vld [tilespmem:s25+$0xFFFFFFF0]  }
0xab9: {  	v61 =	vld [tilespmem:s25+$0x30];
	v1 =	vadd.f32 v2, v1  }
0xaba: {  	v2 =	vld [tilespmem:s25+$0x0];
	v3 =	vadd.f32 v4, v3  }
0xabb: {  	v4 =	vld [tilespmem:s24+$0x10];
	[tilespmem:s24+$0x70] =	vst v1;
	v1 =	vadd.f32 v6, v5  }
0xabc: {  	v5 =	vld [tilespmem:s25+$0x10];
	[tilespmem:s24+$0xFFFFFC10] =	vst v3;
	v3 =	vadd.f32 v8, v7  }
0xabd: {  	v6 =	vld [tilespmem:s24+$0x20];
	[tilespmem:s24+$0xFFFFFC20] =	vst v1;
	v1 =	vadd.f32 v10, v9  }
0xabe: {  	v7 =	vld [tilespmem:s25+$0x20];
	[tilespmem:s24+$0xFFFFFC30] =	vst v3;
	v3 =	vadd.f32 v12, v11  }
0xabf: {  	v8 =	vld [tilespmem:s24+$0x30];
	v2 =	vadd.f32 v2, v17;
	[tilespmem:s24+$0xFFFFFC40] =	vst v1  }
0xac0: {  	v0 =	vld [tilespmem:s25+$0xFFFFFF80];
	v1 =	vadd.f32 v14, v13;
	[tilespmem:s24+$0xFFFFFC50] =	vst v3  }
0xac1: {  	v63 =	vld [tilespmem:s25+$0x40];
	v3 =	vadd.f32 v16, v15;
	[tilespmem:s24+$0x0] =	vst v2  }
0xac2: {  	v4 =	vadd.f32 v5, v4;
	[tilespmem:s24+$0xFFFFFC60] =	vst v1;
	v1 =	vld [tilespmem:s24+$0x50]  }
0xac3: {  	v5 =	vadd.f32 v7, v6;
	[tilespmem:s24+$0xFFFFFC70] =	vst v3;
	v3 =	vld [tilespmem:s25+$0x50]  }
0xac4: {  	v6 =	vadd.f32 v61, v8;
	v2 =	vld [tilespmem:s24+$0x60];
	[tilespmem:s24+$0x10] =	vst v4  }
0xac5: {  	[tilespmem:s24+$0x20] =	vst v5;
	v5 =	vld [tilespmem:s25+$0x60]  }
0xac6: {  	s28 =	sadd.s32 $0x800, s24;
	s26 =	simm.s32 $0x0;
	v4 =	vld [tilespmem:s24+$0xFFFFFC00];
	[tilespmem:s24+$0x30] =	vst v6;
	v6 =	vadd.f32 v63, v62  }
.LBB2_123:
0xac7: {  	v7 =	vld [tilespmem:s28+$0x70];
	s25 =	sadd.s32 $0x100, s25  }
0xac8: {  	s26 =	sadd.s32 $0x10, s26;
	v8 =	vld [tilespmem:s25+$0x70];
	[tilespmem:s24+$0x40] =	vst v6;
	v1 =	vadd.f32 v3, v1  }
0xac9: {  	p0 =	slt.u32 s26, $0x30;
	v3 =	vld [tilespmem:s25+$0xFFFFFF80]  }
0xaca: {  	v6 =	vld [tilespmem:s28+$0xFFFFFC10];
	[tilespmem:s24+$0x50] =	vst v1;
	v1 =	vadd.f32 v5, v2  }
0xacb: {  	v2 =	vld [tilespmem:s25+$0xFFFFFF90];
	v9 =	vadd.f32 v0, v4  }
0xacc: {  	v4 =	vld [tilespmem:s28+$0xFFFFFC20];
	[tilespmem:s24+$0x60] =	vst v1  }
0xacd: {  	v1 =	vld [tilespmem:s25+$0xFFFFFFA0];
	v5 =	vadd.f32 v8, v7;
	[tilespmem:s24+$0xFFFFFC00] =	vst v9;
	s24 =	smov.u32 s28  }
0xace: {  	v7 =	vld [tilespmem:s28+$0xFFFFFC30];
	v0 =	vmov v3  }
0xacf: {  	v3 =	vld [tilespmem:s25+$0xFFFFFFB0];
	[tilespmem:s28+$0x70] =	vst v5  }
0xad0: {  	v2 =	vadd.f32 v2, v6;
	v5 =	vld [tilespmem:s28+$0xFFFFFC40]  }
0xad1: {  	v6 =	vld [tilespmem:s25+$0xFFFFFFC0]  }
0xad2: {  	[tilespmem:s28+$0xFFFFFC10] =	vst v2;
	v1 =	vadd.f32 v1, v4;
	v2 =	vld [tilespmem:s28+$0xFFFFFC50]  }
0xad3: {  	v4 =	vld [tilespmem:s25+$0xFFFFFFD0]  }
0xad4: {  	[tilespmem:s28+$0xFFFFFC20] =	vst v1;
	v1 =	vadd.f32 v3, v7;
	v3 =	vld [tilespmem:s28+$0xFFFFFC60]  }
0xad5: {  	v7 =	vld [tilespmem:s25+$0xFFFFFFE0]  }
0xad6: {  	[tilespmem:s28+$0xFFFFFC30] =	vst v1;
	v1 =	vadd.f32 v6, v5;
	v5 =	vld [tilespmem:s28+$0xFFFFFC70]  }
0xad7: {  	v6 =	vld [tilespmem:s25+$0xFFFFFFF0]  }
0xad8: {  	[tilespmem:s28+$0xFFFFFC40] =	vst v1;
	v1 =	vadd.f32 v4, v2;
	v2 =	vld [tilespmem:s28+$0x0]  }
0xad9: {  	v4 =	vld [tilespmem:s25+$0x0]  }
0xada: {  	[tilespmem:s28+$0xFFFFFC50] =	vst v1;
	v1 =	vadd.f32 v7, v3;
	v3 =	vld [tilespmem:s28+$0x10]  }
0xadb: {  	v7 =	vld [tilespmem:s25+$0x10]  }
0xadc: {  	[tilespmem:s28+$0xFFFFFC60] =	vst v1;
	v1 =	vadd.f32 v6, v5;
	v5 =	vld [tilespmem:s28+$0x20]  }
0xadd: {  	v6 =	vld [tilespmem:s25+$0x20]  }
0xade: {  	[tilespmem:s28+$0xFFFFFC70] =	vst v1;
	v1 =	vadd.f32 v4, v2;
	v2 =	vld [tilespmem:s28+$0x30]  }
0xadf: {  	v4 =	vld [tilespmem:s25+$0x30]  }
0xae0: {  	[tilespmem:s28+$0x0] =	vst v1;
	v1 =	vadd.f32 v7, v3;
	v7 =	vld [tilespmem:s28+$0x40]  }
0xae1: {  	v8 =	vld [tilespmem:s25+$0x40]  }
.Ltmp60:
0xae2: {  	[tilespmem:s28+$0x10] =	vst v1;
	v5 =	vadd.f32 v6, v5;
	v1 =	vld [tilespmem:s28+$0x50];
	(pc) =	sbr.rel @p0 .LBB2_123-.Ltmp60, $4  }
0xae3: {  	v3 =	vld [tilespmem:s25+$0x50]  }
0xae4: {  	[tilespmem:s28+$0x20] =	vst v5;
	v6 =	vadd.f32 v4, v2;
	v2 =	vld [tilespmem:s28+$0x60]  }
0xae5: {  	v5 =	vld [tilespmem:s25+$0x60]  }
0xae6: {  	s28 =	sadd.s32 $0x800, s28;
	v4 =	vld [tilespmem:s24+$0xFFFFFC00];
	[tilespmem:s24+$0x30] =	vst v6;
	v6 =	vadd.f32 v8, v7  }
0xae7: {  	s23 =	sadd.s32 $0x1, s23  }
0xae8: {  	p0 =	sne.s32 s23, $0x20  }
.Ltmp61:
0xae9: {  	v1 =	vadd.f32 v3, v1;
	(pc) =	sbr.rel @p0 .LBB2_122-.Ltmp61, $4  }
0xaea: {  	[tilespmem:s24+$0x40] =	vst v6;
	v2 =	vadd.f32 v5, v2  }
0xaeb: {  	[tilespmem:s24+$0x50] =	vst v1;
	v0 =	vadd.f32 v0, v4  }
0xaec: {  	[tilespmem:s24+$0x60] =	vst v2  }
0xaed: {  	s22 =	sadd.s32 $0x400, s22;
	s21 =	sadd.s32 $0x1, s21;
	[tilespmem:s24+$0xFFFFFC00] =	vst v0  }
0xaee: {  	s21 =	simm.s32 $0x0  }
0xaef: {  	[hbm4b:s4+s21] =	stream.linear.scatter [tilespmem:s9], [sflag:$0x4], $0x8000, $0x38;
	[tilespmem:$0x1C480] =	vst v63  }
0xaf0: {  	_ =	swait.ge [sflag:s16], $0x8000  }
0xaf1: {  	[sflag:s16] =	ssyncset.done $0x0  }
0xaf2: {  	s22 =	simm.s32 $0x0;
	s23 =	simm.s32 $0x0;
	[sflag:s16] =	ssyncadd.s32 $0xFFFF8000  }
.LBB2_126:
0xaf3: {  	v0 =	vld [tilespmem:s23+$0x3E0];
	_ =	sdelay $0x4  }
0xaf4: {  	(v2sf) =	vpush v0, $0x0;
	_ =	sdelay $0x3  }
0xaf5: {  	s24 =	sshll.u32 s22, $0x2;
	s25 =	sand.u32 $0x7, s21  }
0xaf6: {  	s24 =	sand.u32 $0xFFFF8000, s24;
	s25 =	sshll.u32 s25, $0x9  }
0xaf7: {  	s24 =	sor.u32 s25, s24  }
0xaf8: {  	s24 =	sshrl.u32 s24, $0x2  }
0xaf9: {  	s24 =	sadd.s32 $0xC880, s24  }
0xafa: {  	v1 =	vld [tilespmem:s24+$0x70]  }
0xafb: {  	v3 =	vld [tilespmem:s24+$0xFFFFFC10]  }
0xafc: {  	v5 =	vld [tilespmem:s24+$0xFFFFFC20]  }
0xafd: {  	v7 =	vld [tilespmem:s24+$0xFFFFFC30]  }
0xafe: {  	v9 =	vld [tilespmem:s24+$0xFFFFFC40]  }
0xaff: {  	v11 =	vld [tilespmem:s24+$0xFFFFFC50]  }
0xb00: {  	v13 =	vld [tilespmem:s24+$0xFFFFFC60];
	s26 =	spop (v2sf)  }
0xb01: {  	v15 =	vld [tilespmem:s24+$0xFFFFFC70];
	s25 =	sshll.u32 s26, $0xC  }
0xb02: {  	v17 =	vld [tilespmem:s24+$0x0];
	s25 =	sshra.s32 s25, $0x2  }
0xb03: {  	v62 =	vld [tilespmem:s24+$0x40];
	s25 =	sadd.s32 $0x500, s25  }
0xb04: {  	v2 =	vld [tilespmem:s25+$0x70]  }
0xb05: {  	v4 =	vld [tilespmem:s25+$0xFFFFFF90]  }
0xb06: {  	v6 =	vld [tilespmem:s25+$0xFFFFFFA0]  }
0xb07: {  	v8 =	vld [tilespmem:s25+$0xFFFFFFB0]  }
0xb08: {  	v10 =	vld [tilespmem:s25+$0xFFFFFFC0]  }
0xb09: {  	v12 =	vld [tilespmem:s25+$0xFFFFFFD0]  }
0xb0a: {  	v14 =	vld [tilespmem:s25+$0xFFFFFFE0]  }
0xb0b: {  	v16 =	vld [tilespmem:s25+$0xFFFFFFF0]  }
0xb0c: {  	v61 =	vld [tilespmem:s25+$0x30];
	v1 =	vadd.f32 v2, v1  }
0xb0d: {  	v2 =	vld [tilespmem:s25+$0x0];
	v3 =	vadd.f32 v4, v3  }
0xb0e: {  	v4 =	vld [tilespmem:s24+$0x10];
	[tilespmem:s24+$0x70] =	vst v1;
	v1 =	vadd.f32 v6, v5  }
0xb0f: {  	v5 =	vld [tilespmem:s25+$0x10];
	[tilespmem:s24+$0xFFFFFC10] =	vst v3;
	v3 =	vadd.f32 v8, v7  }
0xb10: {  	v6 =	vld [tilespmem:s24+$0x20];
	[tilespmem:s24+$0xFFFFFC20] =	vst v1;
	v1 =	vadd.f32 v10, v9  }
0xb11: {  	v7 =	vld [tilespmem:s25+$0x20];
	[tilespmem:s24+$0xFFFFFC30] =	vst v3;
	v3 =	vadd.f32 v12, v11  }
0xb12: {  	v8 =	vld [tilespmem:s24+$0x30];
	v2 =	vadd.f32 v2, v17;
	[tilespmem:s24+$0xFFFFFC40] =	vst v1  }
0xb13: {  	v0 =	vld [tilespmem:s25+$0xFFFFFF80];
	v1 =	vadd.f32 v14, v13;
	[tilespmem:s24+$0xFFFFFC50] =	vst v3  }
0xb14: {  	v63 =	vld [tilespmem:s25+$0x40];
	v3 =	vadd.f32 v16, v15;
	[tilespmem:s24+$0x0] =	vst v2  }
0xb15: {  	v4 =	vadd.f32 v5, v4;
	[tilespmem:s24+$0xFFFFFC60] =	vst v1;
	v1 =	vld [tilespmem:s24+$0x50]  }
0xb16: {  	v5 =	vadd.f32 v7, v6;
	[tilespmem:s24+$0xFFFFFC70] =	vst v3;
	v3 =	vld [tilespmem:s25+$0x50]  }
0xb17: {  	v6 =	vadd.f32 v61, v8;
	v2 =	vld [tilespmem:s24+$0x60];
	[tilespmem:s24+$0x10] =	vst v4  }
0xb18: {  	[tilespmem:s24+$0x20] =	vst v5;
	v5 =	vld [tilespmem:s25+$0x60]  }
0xb19: {  	s28 =	sadd.s32 $0x800, s24;
	s26 =	simm.s32 $0x0;
	v4 =	vld [tilespmem:s24+$0xFFFFFC00];
	[tilespmem:s24+$0x30] =	vst v6;
	v6 =	vadd.f32 v63, v62  }
.LBB2_127:
0xb1a: {  	v7 =	vld [tilespmem:s28+$0x70];
	s25 =	sadd.s32 $0x100, s25  }
0xb1b: {  	s26 =	sadd.s32 $0x10, s26;
	v8 =	vld [tilespmem:s25+$0x70];
	[tilespmem:s24+$0x40] =	vst v6;
	v1 =	vadd.f32 v3, v1  }
0xb1c: {  	p0 =	slt.u32 s26, $0x30;
	v3 =	vld [tilespmem:s25+$0xFFFFFF80]  }
0xb1d: {  	v6 =	vld [tilespmem:s28+$0xFFFFFC10];
	[tilespmem:s24+$0x50] =	vst v1;
	v1 =	vadd.f32 v5, v2  }
0xb1e: {  	v2 =	vld [tilespmem:s25+$0xFFFFFF90];
	v9 =	vadd.f32 v0, v4  }
0xb1f: {  	v4 =	vld [tilespmem:s28+$0xFFFFFC20];
	[tilespmem:s24+$0x60] =	vst v1  }
0xb20: {  	v1 =	vld [tilespmem:s25+$0xFFFFFFA0];
	v5 =	vadd.f32 v8, v7;
	[tilespmem:s24+$0xFFFFFC00] =	vst v9;
	s24 =	smov.u32 s28  }
0xb21: {  	v7 =	vld [tilespmem:s28+$0xFFFFFC30];
	v0 =	vmov v3  }
0xb22: {  	v3 =	vld [tilespmem:s25+$0xFFFFFFB0];
	[tilespmem:s28+$0x70] =	vst v5  }
0xb23: {  	v2 =	vadd.f32 v2, v6;
	v5 =	vld [tilespmem:s28+$0xFFFFFC40]  }
0xb24: {  	v6 =	vld [tilespmem:s25+$0xFFFFFFC0]  }
0xb25: {  	[tilespmem:s28+$0xFFFFFC10] =	vst v2;
	v1 =	vadd.f32 v1, v4;
	v2 =	vld [tilespmem:s28+$0xFFFFFC50]  }
0xb26: {  	v4 =	vld [tilespmem:s25+$0xFFFFFFD0]  }
0xb27: {  	[tilespmem:s28+$0xFFFFFC20] =	vst v1;
	v1 =	vadd.f32 v3, v7;
	v3 =	vld [tilespmem:s28+$0xFFFFFC60]  }
0xb28: {  	v7 =	vld [tilespmem:s25+$0xFFFFFFE0]  }
0xb29: {  	[tilespmem:s28+$0xFFFFFC30] =	vst v1;
	v1 =	vadd.f32 v6, v5;
	v5 =	vld [tilespmem:s28+$0xFFFFFC70]  }
0xb2a: {  	v6 =	vld [tilespmem:s25+$0xFFFFFFF0]  }
0xb2b: {  	[tilespmem:s28+$0xFFFFFC40] =	vst v1;
	v1 =	vadd.f32 v4, v2;
	v2 =	vld [tilespmem:s28+$0x0]  }
0xb2c: {  	v4 =	vld [tilespmem:s25+$0x0]  }
0xb2d: {  	[tilespmem:s28+$0xFFFFFC50] =	vst v1;
	v1 =	vadd.f32 v7, v3;
	v3 =	vld [tilespmem:s28+$0x10]  }
0xb2e: {  	v7 =	vld [tilespmem:s25+$0x10]  }
0xb2f: {  	[tilespmem:s28+$0xFFFFFC60] =	vst v1;
	v1 =	vadd.f32 v6, v5;
	v5 =	vld [tilespmem:s28+$0x20]  }
0xb30: {  	v6 =	vld [tilespmem:s25+$0x20]  }
0xb31: {  	[tilespmem:s28+$0xFFFFFC70] =	vst v1;
	v1 =	vadd.f32 v4, v2;
	v2 =	vld [tilespmem:s28+$0x30]  }
0xb32: {  	v4 =	vld [tilespmem:s25+$0x30]  }
0xb33: {  	[tilespmem:s28+$0x0] =	vst v1;
	v1 =	vadd.f32 v7, v3;
	v7 =	vld [tilespmem:s28+$0x40]  }
0xb34: {  	v8 =	vld [tilespmem:s25+$0x40]  }
.Ltmp62:
0xb35: {  	[tilespmem:s28+$0x10] =	vst v1;
	v5 =	vadd.f32 v6, v5;
	v1 =	vld [tilespmem:s28+$0x50];
	(pc) =	sbr.rel @p0 .LBB2_127-.Ltmp62, $4  }
0xb36: {  	v3 =	vld [tilespmem:s25+$0x50]  }
0xb37: {  	[tilespmem:s28+$0x20] =	vst v5;
	v6 =	vadd.f32 v4, v2;
	v2 =	vld [tilespmem:s28+$0x60]  }
0xb38: {  	v5 =	vld [tilespmem:s25+$0x60]  }
0xb39: {  	s28 =	sadd.s32 $0x800, s28;
	v4 =	vld [tilespmem:s24+$0xFFFFFC00];
	[tilespmem:s24+$0x30] =	vst v6;
	v6 =	vadd.f32 v8, v7  }
0xb3a: {  	s23 =	sadd.s32 $0x1, s23  }
0xb3b: {  	p0 =	sne.s32 s23, $0x20  }
.Ltmp63:
0xb3c: {  	v1 =	vadd.f32 v3, v1;
	(pc) =	sbr.rel @p0 .LBB2_126-.Ltmp63, $4  }
0xb3d: {  	[tilespmem:s24+$0x40] =	vst v6;
	v2 =	vadd.f32 v5, v2  }
0xb3e: {  	[tilespmem:s24+$0x50] =	vst v1;
	v0 =	vadd.f32 v0, v4  }
0xb3f: {  	[tilespmem:s24+$0x60] =	vst v2  }
0xb40: {  	s22 =	sadd.s32 $0x400, s22;
	s21 =	sadd.s32 $0x1, s21;
	[tilespmem:s24+$0xFFFFFC00] =	vst v0  }
0xb41: {  	[hbm4b:s5+s1] =	stream.linear.scatter [tilespmem:s10], [sflag:$0x5], $0x8000, $0x38;
	[tilespmem:$0x1C480] =	vst v63  }
0xb42: {  	_ =	swait.ge [sflag:s19], $0x8000  }
0xb43: {  	[sflag:s19] =	ssyncset.done $0x0  }
0xb44: {  	s20 =	sadd.s32 $0x1, s20;
	[sflag:s19] =	ssyncadd.s32 $0xFFFF8000  }
0xb45: {  	p0 =	sne.s32 s20, s8;
	_ =	swait.ge [sflag:s15], $0x8000  }
.Ltmp64:
0xb46: {  	[sflag:s15] =	ssyncset.done $0x0;
	(pc) =	sbr.rel @p0 .LBB2_1-.Ltmp64, $4  }
0xb47: {  	[sflag:s15] =	ssyncadd.s32 $0xFFFF8000  }
0xb48: {  	_ =	swait.ge [sflag:s17], $0x8000  }
0xb49: {  	[sflag:s17] =	ssyncset.done $0x0  }
0xb4a: {  	[sflag:s17] =	ssyncadd.s32 $0xFFFF8000  }
0xb4b: {  	_ =	sfence.sel $0x180000  }
0xb4c: {  	[bflag:$0x0] =	sbarrier.arrive $0xFFFF  }
0xb4d: {  	_ =	strace $0x90000047  }
0xb4e: {  	s0 =	stileid.u32;
	[bflag:$0x2] =	sbarrier.arrive $0xFFFF  }
0xb4f: {  	p0 =	sne.s32 s0, $0x0;
	s0 =	rddreg [dreg:$0x3]  }
0xb50: {  	s0 =	sadd.s32 @!p0 $0x100000, s0  }
0xb51: {  	[sflag:s0] =	ssyncadd.tile.s32 @!p0 $0x1;
	_ =	shalt  }
.Lfunc_end2:
_tile_overlayer_lowered:
.L_overlay_start_2:
0xb52: {  	(tag) =	ssettag $0x2  }
0xb53: {  	s0 =	rddreg [dreg:$0x0];
	s2 =	stileid.u32  }
0xb54: {  	s1 =	rddreg [dreg:$0x1];
	p0 =	sne.s32 s2, $0x0  }
0xb55: {  	s3 =	rddreg [dreg:$0x2];
	[bflag:$0x3] =	sbarrier.arrive $0xFFFF;
	s2 =	simm.s32 @!p0 $0x1C09  }
0xb56: {  	[timem:s3], [sflag:s2] =	dma.local @!p0 [hbm:s0], s1  }
0xb57: {  	s0 =	simm.s32 @!p0 $0x9  }
0xb58: {  	_ =	swait.ge @!p0 [sflag:s0], s1  }
0xb59: {  	s1 =	ssub.s32 @!p0 $0x0, s1;
	[sflag:s0] =	ssyncset.done @!p0 $0x0  }
0xb5a: {  	[sflag:s0] =	ssyncadd.s32 @!p0 s1  }
0xb5b: {  	[bflag:$0x3] =	sbarrier.arrive $0xFFFF  }
0xb5c: {  	_ =	shalt  }

</sc_bundles>
